<compile_context>
chip_gen: v7x
topology: tpu7x:2x2x1
jax: 0.10.2.dev20260603
libtpu: 0.0.44.dev20260713+nightly
codegen_flags: <defaults>
</compile_context>

<pallas_src>
import functools

import jax
import jax.numpy as jnp
from jax import lax
from jax.experimental import pallas as pl
from jax.experimental.pallas import tpu as pltpu
from jax.experimental.pallas import tpu_sc as plsc

N = 10000
E = 320000
D = 128
B = 16384

NC = 2
NS = 16
NW = NC * NS
SP = 632
NP = NS * SP

ECH = 128
ENCH0 = 100
ENCH1 = 57
ENCH = max(ENCH0, ENCH1)
E0 = NS * ENCH0 * ECH
EPAD = NW * ENCH * ECH

BPW = B // NW
BCH = 128
BNCH = BPW // BCH

BN = 2528


def _sc_mesh():
  return plsc.VectorSubcoreMesh(
      core_axis_name="c", subcore_axis_name="s",
      num_cores=NC, num_subcores=NS)



@functools.partial(
    pl.kernel,
    out_type=jax.ShapeDtypeStruct((NC * 2 * NP,), jnp.float32),
    mesh=_sc_mesh(),
    scratch_types=[
        pltpu.VMEM((2 * ENCH, ECH), jnp.int32),
        pltpu.VMEM((ECH,), jnp.float32),
        pltpu.VMEM((SP,), jnp.float32),
        pltpu.VMEM_SHARED((NP,), jnp.float32),
        pltpu.VMEM_SHARED((NP,), jnp.float32),
        pltpu.SemaphoreType.DMA,
        pltpu.SemaphoreType.DMA,
    ],
)
def _deg_sc(tbl_hbm, ones_hbm, zeros_hbm, out_hbm,
            tb_v, ones_v, zbuf, dego_sh, degi_sh, s_o, s_i):
  cid = lax.axis_index("c")
  sid = lax.axis_index("s")
  wid = cid * NS + sid
  ench = jnp.where(cid == 0, ENCH0, ENCH1)
  r0 = sid * SP
  pltpu.sync_copy(zeros_hbm.at[pl.ds(0, SP)], zbuf)
  pltpu.sync_copy(zbuf, dego_sh.at[pl.ds(r0, SP)])
  pltpu.sync_copy(zbuf, degi_sh.at[pl.ds(r0, SP)])
  pltpu.sync_copy(tbl_hbm.at[wid], tb_v)
  pltpu.sync_copy(ones_hbm, ones_v)
  plsc.subcore_barrier()

  def body(j, carry):
    a = pltpu.async_copy(ones_v, dego_sh.at[tb_v.at[2 * j]], s_o, add=True)
    b = pltpu.async_copy(ones_v, degi_sh.at[tb_v.at[2 * j + 1]], s_i,
                         add=True)
    a.wait()
    b.wait()
    return carry

  lax.fori_loop(0, ench, body, 0)
  plsc.subcore_barrier()
  obase = cid * 2 * NP
  pltpu.sync_copy(dego_sh.at[pl.ds(r0, SP)], zbuf)
  pltpu.sync_copy(zbuf, out_hbm.at[pl.ds(obase + r0, SP)])
  pltpu.sync_copy(degi_sh.at[pl.ds(r0, SP)], zbuf)
  pltpu.sync_copy(zbuf, out_hbm.at[pl.ds(obase + NP + r0, SP)])



@functools.partial(
    pl.kernel,
    out_type=jax.ShapeDtypeStruct((NC, NP, D), jnp.float32),
    mesh=_sc_mesh(),
    scratch_types=[
        pltpu.VMEM((2, ECH), jnp.int32),
        pltpu.VMEM((2, ECH), jnp.int32),
        pltpu.VMEM((2, ECH), jnp.int32),
        pltpu.VMEM((2, ECH), jnp.int32),
        pltpu.VMEM((ECH, D), jnp.float32),
        pltpu.VMEM((ECH, D), jnp.float32),
        pltpu.VMEM_SHARED((NP, D), jnp.float32),
        pltpu.SemaphoreType.DMA,
        pltpu.SemaphoreType.DMA,
        pltpu.SemaphoreType.DMA,
        pltpu.SemaphoreType.DMA,
        pltpu.SemaphoreType.DMA,
        pltpu.SemaphoreType.DMA,
        pltpu.SemaphoreType.DMA,
        pltpu.SemaphoreType.DMA,
    ],
)
def _agg_sc(h_hbm, tbl_hbm, zeros_hbm, out_hbm,
            i_a, i_b, d_a, d_b, r_a, r_b, agg_sh,
            s_ia, s_ib, s_ga, s_gb, s_sa, s_sb, s_da, s_db):
  cid = lax.axis_index("c")
  sid = lax.axis_index("s")
  wid = cid * NS + sid
  ench = jnp.where(cid == 0, ENCH0, ENCH1)
  r0 = sid * SP
  pltpu.sync_copy(zeros_hbm.at[pl.ds(r0, SP)], agg_sh.at[pl.ds(r0, SP)])
  plsc.subcore_barrier()

  pltpu.async_copy(tbl_hbm.at[wid, 0], i_a, s_ia).wait()
  pltpu.async_copy(h_hbm.at[i_a.at[0]], r_a, s_ga)
  pltpu.async_copy(tbl_hbm.at[wid, 0], d_a, s_da)
  pltpu.async_copy(tbl_hbm.at[wid, 1], i_b, s_ib)

  def chunk(j, ic, dc, rc, sic, sgc, ssc, sdc, io, do, ro, sio, sgo, sso,
            sdo):
    pltpu.make_async_copy(h_hbm.at[ic.at[0]], rc, sgc).wait()

    @pl.when(j + 2 < ench)
    def _():
      pltpu.async_copy(tbl_hbm.at[wid, j + 2], ic, sic)

    @pl.when(j + 1 < ench)
    def _():
      @pl.when(j >= 1)
      def _():
        pltpu.make_async_copy(ro, agg_sh.at[do.at[1]], sso).wait()

      pltpu.make_async_copy(tbl_hbm.at[wid, j + 1], io, sio).wait()
      pltpu.async_copy(h_hbm.at[io.at[0]], ro, sgo)
      pltpu.async_copy(tbl_hbm.at[wid, j + 1], do, sdo)

    pltpu.make_async_copy(tbl_hbm.at[wid, j], dc, sdc).wait()
    pltpu.async_copy(rc, agg_sh.at[dc.at[1]], ssc, add=True)

  def pair(i, carry):
    j = 2 * i
    chunk(j, i_a, d_a, r_a, s_ia, s_ga, s_sa, s_da,
          i_b, d_b, r_b, s_ib, s_gb, s_sb, s_db)
    chunk(j + 1, i_b, d_b, r_b, s_ib, s_gb, s_sb, s_db,
          i_a, d_a, r_a, s_ia, s_ga, s_sa, s_da)
    return carry

  lax.fori_loop(0, ench // 2, pair, 0)

  @pl.when(ench % 2 == 1)
  def _():
    chunk(ench - 1, i_a, d_a, r_a, s_ia, s_ga, s_sa, s_da,
          i_b, d_b, r_b, s_ib, s_gb, s_sb, s_db)

  pltpu.make_async_copy(r_a, agg_sh.at[d_a.at[1]], s_sa).wait()
  pltpu.make_async_copy(r_b, agg_sh.at[d_b.at[1]], s_sb).wait()
  plsc.subcore_barrier()
  pltpu.sync_copy(agg_sh.at[pl.ds(r0, SP)], out_hbm.at[cid, pl.ds(r0, SP)])



@functools.partial(
    pl.kernel,
    out_type=(jax.ShapeDtypeStruct((B, D), jnp.float32),
              jax.ShapeDtypeStruct((B, D), jnp.float32)),
    mesh=_sc_mesh(),
    scratch_types=[
        pltpu.VMEM((2, BCH), jnp.int32),
        pltpu.VMEM((BCH, D), jnp.float32),
        pltpu.VMEM((BCH, D), jnp.float32),
        pltpu.SemaphoreType.DMA,
        pltpu.SemaphoreType.DMA,
    ],
)
def _pair_sc(g_hbm, tidx_hbm,
             o_out, d_out, idx_v, rows_o, rows_d, sem_o, sem_d):
  cid = lax.axis_index("c")
  sid = lax.axis_index("s")
  wid = sid * NC + cid
  base = wid * BPW
  for j in range(BNCH):
    pltpu.sync_copy(tidx_hbm.at[wid, j], idx_v)
    a = pltpu.async_copy(g_hbm.at[idx_v.at[0]], rows_o, sem_o)
    b = pltpu.async_copy(g_hbm.at[idx_v.at[1]], rows_d, sem_d)
    a.wait()
    pltpu.sync_copy(rows_o, o_out.at[pl.ds(base + j * BCH, BCH)])
    b.wait()
    pltpu.sync_copy(rows_d, d_out.at[pl.ds(base + j * BCH, BCH)])



def _scale_body(x_ref, s_ref, o_ref):
  o_ref[...] = x_ref[...] * s_ref[...]


def _scale_tc(x, s):
  return pl.pallas_call(
      _scale_body,
      grid=(NP // BN,),
      in_specs=[pl.BlockSpec((BN, D), lambda i: (i, 0))] * 2,
      out_specs=pl.BlockSpec((BN, D), lambda i: (i, 0)),
      out_shape=jax.ShapeDtypeStruct((NP, D), jnp.float32),
  )(x, s)


def _layer_mid_body(ap, sin, w, b, sout, o_ref):
  t = (ap[0] + ap[1]) * sin[...]
  z = jnp.dot(t, w[...], preferred_element_type=jnp.float32) + b[...]
  o_ref[...] = jnp.maximum(z, 0.0) * sout[...]


def _layer_last_body(ap, sin, w, b, o_ref):
  t = (ap[0] + ap[1]) * sin[...]
  z = jnp.dot(t, w[...], preferred_element_type=jnp.float32) + b[...]
  o_ref[...] = jax.nn.sigmoid(z)


def _layer_tc(ap, sin, w, b, sout):
  blk = pl.BlockSpec((BN, D), lambda i: (i, 0))
  specs = [pl.BlockSpec((NC, BN, D), lambda i: (0, i, 0)), blk,
           pl.BlockSpec((D, D), lambda i: (0, 0)),
           pl.BlockSpec((1, D), lambda i: (0, 0))]
  if sout is None:
    return pl.pallas_call(
        _layer_last_body,
        grid=(NP // BN,),
        in_specs=specs,
        out_specs=blk,
        out_shape=jax.ShapeDtypeStruct((NP, D), jnp.float32),
    )(ap, sin, w, b)
  return pl.pallas_call(
      _layer_mid_body,
      grid=(NP // BN,),
      in_specs=specs + [blk],
      out_specs=blk,
      out_shape=jax.ShapeDtypeStruct((NP, D), jnp.float32),
  )(ap, sin, w, b, sout)


def _final_body(o_in, d_in, dv, w_ref, b_ref, out_ref):
  w = w_ref[...]
  z = jnp.dot(o_in[...], w[0:D, :], preferred_element_type=jnp.float32)
  z = z + jnp.dot(d_in[...], w[D:2 * D, :], preferred_element_type=jnp.float32)
  z = z + dv[...] * w[2 * D:2 * D + 1, :] + b_ref[...]
  out_ref[...] = jnp.tanh(z)


def _final_tc(o_emb, d_emb, disv, w_lin, b_lin):
  bb = 2048
  return pl.pallas_call(
      _final_body,
      grid=(B // bb,),
      in_specs=[
          pl.BlockSpec((bb, D), lambda i: (i, 0)),
          pl.BlockSpec((bb, D), lambda i: (i, 0)),
          pl.BlockSpec((bb, 1), lambda i: (i, 0)),
          pl.BlockSpec((2 * D + 1, 1), lambda i: (0, 0)),
          pl.BlockSpec((1, 1), lambda i: (0, 0)),
      ],
      out_specs=pl.BlockSpec((bb, 1), lambda i: (i, 0)),
      out_shape=jax.ShapeDtypeStruct((B, 1), jnp.float32),
  )(o_emb, d_emb, disv, w_lin, b_lin)



def kernel(x, edge_index, dis, train_idx, W_in, b_in, W_hid, b_hid,
           W_out, b_out, W_lin, b_lin):
  def mk_side(v):
    a = v[:E0].reshape(NS, ENCH0, ECH)
    a = jnp.pad(a, ((0, 0), (0, ENCH - ENCH0), (0, 0)),
                constant_values=NP - 1)
    b = jnp.pad(v[E0:], (0, NS * ENCH1 * ECH - (E - E0)),
                constant_values=NP - 1).reshape(NS, ENCH1, ECH)
    b = jnp.pad(b, ((0, 0), (0, ENCH - ENCH1), (0, 0)),
                constant_values=NP - 1)
    return jnp.concatenate([a, b], axis=0)

  tbl = jnp.stack([mk_side(edge_index[0]), mk_side(edge_index[1])],
                  axis=2)
  tidx = jnp.stack([train_idx[0].reshape(NW, BNCH, BCH),
                    train_idx[1].reshape(NW, BNCH, BCH)],
                   axis=2)

  xp = jnp.pad(x, ((0, NP - N), (0, 0)))
  zeros_nd = jnp.zeros((NP, D), jnp.float32)
  zeros_n = jnp.zeros((NP,), jnp.float32)
  ones_e = jnp.ones((ECH,), jnp.float32)

  tbl2 = tbl.reshape(NW, 2 * ENCH, ECH)
  degp = _deg_sc(tbl2, ones_e, zeros_n).reshape(NC, 2, NP)
  deg = degp[0] + degp[1]
  inv = lax.rsqrt(jnp.maximum(deg, 1.0))
  inv_out_b = jnp.broadcast_to(inv[0][:, None], (NP, D))
  inv_in_b = jnp.broadcast_to(inv[1][:, None], (NP, D))

  h = _scale_tc(xp, inv_out_b)
  for w, b, last in ((W_in, b_in, False), (W_hid, b_hid, False),
                     (W_out, b_out, True)):
    aggp = _agg_sc(h, tbl, zeros_nd)
    h = _layer_tc(aggp, inv_in_b, w, b.reshape(1, D),
                  None if last else inv_out_b)

  o_emb, d_emb = _pair_sc(h, tidx)
  disv = dis[train_idx[0], train_idx[1]]
  return _final_tc(o_emb, d_emb, disv.reshape(B, 1), W_lin,
                   b_lin.reshape(1, 1))

# --- scband reference (transcript-rebuilt; emitter-appended) ---
"""Pipeline reference for scband-one-gnn-15633680957442 (READ-ONLY COPY).

The authoritative reference and input builder live on the scoring server;
editing this copy changes nothing except your own understanding.
"""

import jax, jax.numpy as jnp
import numpy as np

N = 10000
E = 320000
D = 128
B = 16384


def setup_inputs(seed: int = 0) -> dict:
    key = jax.random.key(seed)
    ks = jax.random.split(key, 12)
    x = jax.random.normal(ks[0], (N, D), dtype=jnp.float32)
    edge_index = jax.random.randint(ks[1], (2, E), 0, N, dtype=jnp.int32)
    dis = jax.random.uniform(ks[2], (N, N), dtype=jnp.float32)
    train_idx = jax.random.randint(ks[3], (2, B), 0, N, dtype=jnp.int32)
    s = 1.0 / np.sqrt(D)
    W_in = jax.random.normal(ks[4], (D, D), dtype=jnp.float32) * s
    b_in = jnp.zeros((D,), dtype=jnp.float32)
    W_hid = jax.random.normal(ks[5], (D, D), dtype=jnp.float32) * s
    b_hid = jnp.zeros((D,), dtype=jnp.float32)
    W_out = jax.random.normal(ks[6], (D, D), dtype=jnp.float32) * s
    b_out = jnp.zeros((D,), dtype=jnp.float32)
    W_lin = jax.random.normal(ks[7], (2 * D + 1, 1), dtype=jnp.float32) * (1.0 / np.sqrt(2 * D + 1))
    b_lin = jnp.zeros((1,), dtype=jnp.float32)
    return {
        "x": x, "edge_index": edge_index, "dis": dis, "train_idx": train_idx,
        "W_in": W_in, "b_in": b_in, "W_hid": W_hid, "b_hid": b_hid,
        "W_out": W_out, "b_out": b_out, "W_lin": W_lin, "b_lin": b_lin,
    }


def graph_conv(x, W, b, src, dst, n):
    # DGL GraphConv with norm='both': D_in^{-1/2} A D_out^{-1/2} X W + b, degrees clamped to >= 1
    ones = jnp.ones((src.shape[0],), dtype=jnp.float32)
    deg_out = jnp.clip(jax.ops.segment_sum(ones, src, num_segments=n), 1.0, None)
    deg_in = jnp.clip(jax.ops.segment_sum(ones, dst, num_segments=n), 1.0, None)
    h = x * (deg_out ** -0.5)[:, None]
    msg = jnp.take(h, src, axis=0)
    agg = jax.ops.segment_sum(msg, dst, num_segments=n)
    agg = agg * (deg_in ** -0.5)[:, None]
    return agg @ W + b


def reference(x, edge_index, dis, train_idx, W_in, b_in, W_hid, b_hid, W_out, b_out, W_lin, b_lin):
    src = edge_index[0]
    dst = edge_index[1]
    n = x.shape[0]
    h = jax.nn.relu(graph_conv(x, W_in, b_in, src, dst, n))
    h = jax.nn.relu(graph_conv(h, W_hid, b_hid, src, dst, n))
    g_emb = jax.nn.sigmoid(graph_conv(h, W_out, b_out, src, dst, n))
    o_emb = jnp.take(g_emb, train_idx[0], axis=0)
    d_emb = jnp.take(g_emb, train_idx[1], axis=0)
    dis_emb = dis[train_idx[0], train_idx[1]].reshape(-1, 1)
    emb = jnp.concatenate((o_emb, d_emb, dis_emb), axis=1)
    pre = jnp.tanh(emb @ W_lin + b_lin)
    return pre

if __name__ == "__main__":
    import jax
    _d = setup_inputs()
    print(jax.jit(kernel)(*tuple(_d.values())))

</pallas_src>

<mosaic_0001>
#map = affine_map<(d0, d1) -> (0, 0, 0)>
#map1 = affine_map<(d0, d1) -> (0)>
module attributes {stable_mosaic.version = 14 : i64} {
  func.func @_deg_sc(%arg0: i32, %arg1: i32, %arg2: memref<32x200x128xi32, #tpu.memory_space<hbm>>, %arg3: memref<128xf32, #tpu.memory_space<hbm>>, %arg4: memref<10112xf32, #tpu.memory_space<hbm>>, %arg5: memref<40448xf32, #tpu.memory_space<hbm>>, %arg6: memref<200x128xi32, #tpu.memory_space<vmem>>, %arg7: memref<128xf32, #tpu.memory_space<vmem>>, %arg8: memref<632xf32, #tpu.memory_space<vmem>>, %arg9: memref<10112xf32, #tpu.memory_space<vmem_shared>>, %arg10: memref<10112xf32, #tpu.memory_space<vmem_shared>>, %arg11: memref<!tpu.dma_semaphore, #tpu.memory_space<semaphore_mem>>, %arg12: memref<!tpu.dma_semaphore, #tpu.memory_space<semaphore_mem>>) attributes {dimension_semantics = [#tpu.dimension_semantics<core_parallel>, #tpu.dimension_semantics<subcore_parallel>], iteration_bounds = array<i64: 2, 16>, scalar_prefetch = 0 : i64, scratch_operands = 7 : i64, tpu.core_type = #tpu.core_type<sc_vector_subcore>, window_params = [{transform_indices = #map}, {transform_indices = #map1}, {transform_indices = #map1}, {transform_indices = #map1}]} {
    %mul3A = arith.constant 16 : i32
    %mul3A_0 = arith.muli %arg0, %mul3A : i32
    %add3A = arith.addi %mul3A_0, %arg1 : i32
    %eq3A = arith.constant 0 : i32
    %eq3A_1 = arith.cmpi eq, %arg0, %eq3A : i32
    %jit3A = arith.constant 100 : i32
    %jit3A_2 = arith.constant 57 : i32
    %select_n3A = arith.select %eq3A_1, %jit3A, %jit3A_2 : i32
    %mul3A_3 = arith.constant 632 : i32
    %mul3A_4 = arith.muli %arg1, %mul3A_3 : i32
    "tpu.region"() ({
      %run_scoped3A = tpu.sem_alloc : memref<!tpu.dma_semaphore, #tpu.memory_space<semaphore_mem>>
      %dma_start3A = arith.constant 0 : i32
      %dma_start3A_23 = tpu.memref_slice %arg4[%dma_start3A] : memref<10112xf32, #tpu.memory_space<hbm>> -> memref<632xf32, #tpu.memory_space<hbm>>
      %dma_start3A_24 = arith.constant 0 : i32
      %dma_start3A_25 = tpu.memref_slice %arg4[%dma_start3A_24] : memref<10112xf32, #tpu.memory_space<hbm>> -> memref<632xf32, #tpu.memory_space<hbm>>
      tpu.enqueue_dma source(%dma_start3A_25 : memref<632xf32, #tpu.memory_space<hbm>>) target(%arg8 : memref<632xf32, #tpu.memory_space<vmem>>) target_semaphore(%run_scoped3A : memref<!tpu.dma_semaphore, #tpu.memory_space<semaphore_mem>>)
      %dma_wait3A = arith.constant 0 : i32
      %dma_wait3A_26 = tpu.memref_slice %arg4[%dma_wait3A] : memref<10112xf32, #tpu.memory_space<hbm>> -> memref<632xf32, #tpu.memory_space<hbm>>
      %dma_wait3A_27 = arith.constant 0 : i32
      %dma_wait3A_28 = tpu.memref_slice %arg4[%dma_wait3A_27] : memref<10112xf32, #tpu.memory_space<hbm>> -> memref<632xf32, #tpu.memory_space<hbm>>
      tpu.wait_dma2 semaphore(%run_scoped3A : memref<!tpu.dma_semaphore, #tpu.memory_space<semaphore_mem>>) src(%dma_wait3A_28 : memref<632xf32, #tpu.memory_space<hbm>>) dst(%arg8 : memref<632xf32, #tpu.memory_space<vmem>>)
      tpu.yield
    }) : () -> ()
    "tpu.region"() ({
      %run_scoped3A = tpu.sem_alloc : memref<!tpu.dma_semaphore, #tpu.memory_space<semaphore_mem>>
      %dma_start3A = tpu.memref_slice %arg9[%mul3A_4] : memref<10112xf32, #tpu.memory_space<vmem_shared>> -> memref<632xf32, #tpu.memory_space<vmem_shared>>
      %dma_start3A_23 = tpu.memref_slice %arg9[%mul3A_4] : memref<10112xf32, #tpu.memory_space<vmem_shared>> -> memref<632xf32, #tpu.memory_space<vmem_shared>>
      tpu.enqueue_dma source(%arg8 : memref<632xf32, #tpu.memory_space<vmem>>) target(%dma_start3A_23 : memref<632xf32, #tpu.memory_space<vmem_shared>>) target_semaphore(%run_scoped3A : memref<!tpu.dma_semaphore, #tpu.memory_space<semaphore_mem>>)
      %dma_wait3A = tpu.memref_slice %arg9[%mul3A_4] : memref<10112xf32, #tpu.memory_space<vmem_shared>> -> memref<632xf32, #tpu.memory_space<vmem_shared>>
      %dma_wait3A_24 = tpu.memref_slice %arg9[%mul3A_4] : memref<10112xf32, #tpu.memory_space<vmem_shared>> -> memref<632xf32, #tpu.memory_space<vmem_shared>>
      tpu.wait_dma2 semaphore(%run_scoped3A : memref<!tpu.dma_semaphore, #tpu.memory_space<semaphore_mem>>) src(%arg8 : memref<632xf32, #tpu.memory_space<vmem>>) dst(%dma_wait3A_24 : memref<632xf32, #tpu.memory_space<vmem_shared>>)
      tpu.yield
    }) : () -> ()
    "tpu.region"() ({
      %run_scoped3A = tpu.sem_alloc : memref<!tpu.dma_semaphore, #tpu.memory_space<semaphore_mem>>
      %dma_start3A = tpu.memref_slice %arg10[%mul3A_4] : memref<10112xf32, #tpu.memory_space<vmem_shared>> -> memref<632xf32, #tpu.memory_space<vmem_shared>>
      %dma_start3A_23 = tpu.memref_slice %arg10[%mul3A_4] : memref<10112xf32, #tpu.memory_space<vmem_shared>> -> memref<632xf32, #tpu.memory_space<vmem_shared>>
      tpu.enqueue_dma source(%arg8 : memref<632xf32, #tpu.memory_space<vmem>>) target(%dma_start3A_23 : memref<632xf32, #tpu.memory_space<vmem_shared>>) target_semaphore(%run_scoped3A : memref<!tpu.dma_semaphore, #tpu.memory_space<semaphore_mem>>)
      %dma_wait3A = tpu.memref_slice %arg10[%mul3A_4] : memref<10112xf32, #tpu.memory_space<vmem_shared>> -> memref<632xf32, #tpu.memory_space<vmem_shared>>
      %dma_wait3A_24 = tpu.memref_slice %arg10[%mul3A_4] : memref<10112xf32, #tpu.memory_space<vmem_shared>> -> memref<632xf32, #tpu.memory_space<vmem_shared>>
      tpu.wait_dma2 semaphore(%run_scoped3A : memref<!tpu.dma_semaphore, #tpu.memory_space<semaphore_mem>>) src(%arg8 : memref<632xf32, #tpu.memory_space<vmem>>) dst(%dma_wait3A_24 : memref<632xf32, #tpu.memory_space<vmem_shared>>)
      tpu.yield
    }) : () -> ()
    "tpu.region"() ({
      %run_scoped3A = tpu.sem_alloc : memref<!tpu.dma_semaphore, #tpu.memory_space<semaphore_mem>>
      %dma_start3A = arith.constant 0 : i32
      %dma_start3A_23 = arith.constant 0 : i32
      %dma_start3A_24 = tpu.memref_slice %arg2[%add3A, %dma_start3A, %dma_start3A_23] : memref<32x200x128xi32, #tpu.memory_space<hbm>> -> memref<1x200x128xi32, #tpu.memory_space<hbm>>
      %dma_start3A_25 = tpu.memref_squeeze %dma_start3A_24 : memref<1x200x128xi32, #tpu.memory_space<hbm>> -> memref<200x128xi32, #tpu.memory_space<hbm>>
      %dma_start3A_26 = arith.constant 0 : i32
      %dma_start3A_27 = arith.constant 0 : i32
      %dma_start3A_28 = tpu.memref_slice %arg2[%add3A, %dma_start3A_26, %dma_start3A_27] : memref<32x200x128xi32, #tpu.memory_space<hbm>> -> memref<1x200x128xi32, #tpu.memory_space<hbm>>
      %dma_start3A_29 = tpu.memref_squeeze %dma_start3A_28 : memref<1x200x128xi32, #tpu.memory_space<hbm>> -> memref<200x128xi32, #tpu.memory_space<hbm>>
      tpu.enqueue_dma source(%dma_start3A_29 : memref<200x128xi32, #tpu.memory_space<hbm>>) target(%arg6 : memref<200x128xi32, #tpu.memory_space<vmem>>) target_semaphore(%run_scoped3A : memref<!tpu.dma_semaphore, #tpu.memory_space<semaphore_mem>>)
      %dma_wait3A = arith.constant 0 : i32
      %dma_wait3A_30 = arith.constant 0 : i32
      %dma_wait3A_31 = tpu.memref_slice %arg2[%add3A, %dma_wait3A, %dma_wait3A_30] : memref<32x200x128xi32, #tpu.memory_space<hbm>> -> memref<1x200x128xi32, #tpu.memory_space<hbm>>
      %dma_wait3A_32 = tpu.memref_squeeze %dma_wait3A_31 : memref<1x200x128xi32, #tpu.memory_space<hbm>> -> memref<200x128xi32, #tpu.memory_space<hbm>>
      %dma_wait3A_33 = arith.constant 0 : i32
      %dma_wait3A_34 = arith.constant 0 : i32
      %dma_wait3A_35 = tpu.memref_slice %arg2[%add3A, %dma_wait3A_33, %dma_wait3A_34] : memref<32x200x128xi32, #tpu.memory_space<hbm>> -> memref<1x200x128xi32, #tpu.memory_space<hbm>>
      %dma_wait3A_36 = tpu.memref_squeeze %dma_wait3A_35 : memref<1x200x128xi32, #tpu.memory_space<hbm>> -> memref<200x128xi32, #tpu.memory_space<hbm>>
      tpu.wait_dma2 semaphore(%run_scoped3A : memref<!tpu.dma_semaphore, #tpu.memory_space<semaphore_mem>>) src(%dma_wait3A_36 : memref<200x128xi32, #tpu.memory_space<hbm>>) dst(%arg6 : memref<200x128xi32, #tpu.memory_space<vmem>>)
      tpu.yield
    }) : () -> ()
    "tpu.region"() ({
      %run_scoped3A = tpu.sem_alloc : memref<!tpu.dma_semaphore, #tpu.memory_space<semaphore_mem>>
      tpu.enqueue_dma source(%arg3 : memref<128xf32, #tpu.memory_space<hbm>>) target(%arg7 : memref<128xf32, #tpu.memory_space<vmem>>) target_semaphore(%run_scoped3A : memref<!tpu.dma_semaphore, #tpu.memory_space<semaphore_mem>>)
      tpu.wait_dma2 semaphore(%run_scoped3A : memref<!tpu.dma_semaphore, #tpu.memory_space<semaphore_mem>>) src(%arg3 : memref<128xf32, #tpu.memory_space<hbm>>) dst(%arg7 : memref<128xf32, #tpu.memory_space<vmem>>)
      tpu.yield
    }) : () -> ()
    %barrier3A = arith.constant 0 : index
    tpu.barrier barrier_id(%barrier3A)
    %while3A = arith.constant 0 : i32
    %while3A_5 = arith.constant 0 : i32
    %while3A_6 = arith.subi %select_n3A, %while3A_5 : i32
    %while3A_7 = arith.addi %while3A_5, %while3A_6 : i32
    %while3A_8 = arith.constant 1 : i32
    %while3A_9 = arith.divsi %while3A_6, %while3A_8 : i32
    %while3A_10 = arith.muli %while3A_9, %while3A_8 : i32
    %while3A_11 = arith.addi %while3A_5, %while3A_10 : i32
    %while3A_12 = arith.constant 1 : i32
    scf.for %while3A_23 = %while3A_5 to %while3A_11 step %while3A_12  : i32 {
      %mul3A_24 = arith.constant 2 : i32
      %mul3A_25 = arith.muli %mul3A_24, %while3A_23 : i32
      %dma_start3A = arith.constant 0 : i32
      %dma_start3A_26 = tpu.memref_slice %arg6[%mul3A_25, %dma_start3A] : memref<200x128xi32, #tpu.memory_space<vmem>> -> memref<1x128xi32, #tpu.memory_space<vmem>>
      %dma_start3A_27 = tpu.memref_squeeze %dma_start3A_26 : memref<1x128xi32, #tpu.memory_space<vmem>> -> memref<128xi32, #tpu.memory_space<vmem>>
      %dma_start3A_28 = arith.constant 0 : i32
      %dma_start3A_29 = tpu.memref_slice %arg9[%dma_start3A_28] : memref<10112xf32, #tpu.memory_space<vmem_shared>> -> memref<10112xf32, #tpu.memory_space<vmem_shared>>
      tpu.enqueue_indirect_dma source(%arg7 : memref<128xf32, #tpu.memory_space<vmem>>) target(%dma_start3A_29 : memref<10112xf32, #tpu.memory_space<vmem_shared>>) offsets(%dma_start3A_27 : memref<128xi32, #tpu.memory_space<vmem>>) semaphore(%arg11 : memref<!tpu.dma_semaphore, #tpu.memory_space<semaphore_mem>>) {add = true}
      %mul3A_30 = arith.constant 2 : i32
      %mul3A_31 = arith.muli %mul3A_30, %while3A_23 : i32
      %add3A_32 = arith.constant 1 : i32
      %add3A_33 = arith.addi %mul3A_31, %add3A_32 : i32
      %dma_start3A_34 = arith.constant 0 : i32
      %dma_start3A_35 = tpu.memref_slice %arg6[%add3A_33, %dma_start3A_34] : memref<200x128xi32, #tpu.memory_space<vmem>> -> memref<1x128xi32, #tpu.memory_space<vmem>>
      %dma_start3A_36 = tpu.memref_squeeze %dma_start3A_35 : memref<1x128xi32, #tpu.memory_space<vmem>> -> memref<128xi32, #tpu.memory_space<vmem>>
      %dma_start3A_37 = arith.constant 0 : i32
      %dma_start3A_38 = tpu.memref_slice %arg10[%dma_start3A_37] : memref<10112xf32, #tpu.memory_space<vmem_shared>> -> memref<10112xf32, #tpu.memory_space<vmem_shared>>
      tpu.enqueue_indirect_dma source(%arg7 : memref<128xf32, #tpu.memory_space<vmem>>) target(%dma_start3A_38 : memref<10112xf32, #tpu.memory_space<vmem_shared>>) offsets(%dma_start3A_36 : memref<128xi32, #tpu.memory_space<vmem>>) semaphore(%arg12 : memref<!tpu.dma_semaphore, #tpu.memory_space<semaphore_mem>>) {add = true}
      %dma_wait3A = arith.constant 0 : i32
      %dma_wait3A_39 = tpu.memref_slice %arg6[%mul3A_25, %dma_wait3A] : memref<200x128xi32, #tpu.memory_space<vmem>> -> memref<1x128xi32, #tpu.memory_space<vmem>>
      %dma_wait3A_40 = tpu.memref_squeeze %dma_wait3A_39 : memref<1x128xi32, #tpu.memory_space<vmem>> -> memref<128xi32, #tpu.memory_space<vmem>>
      %dma_wait3A_41 = arith.constant 0 : i32
      %dma_wait3A_42 = tpu.memref_slice %arg9[%dma_wait3A_41] : memref<10112xf32, #tpu.memory_space<vmem_shared>> -> memref<10112xf32, #tpu.memory_space<vmem_shared>>
      tpu.wait_indirect_dma semaphore(%arg11 : memref<!tpu.dma_semaphore, #tpu.memory_space<semaphore_mem>>) src(%arg7 : memref<128xf32, #tpu.memory_space<vmem>>) dst(%dma_wait3A_42 : memref<10112xf32, #tpu.memory_space<vmem_shared>>)
      %dma_wait3A_43 = arith.constant 0 : i32
      %dma_wait3A_44 = tpu.memref_slice %arg6[%add3A_33, %dma_wait3A_43] : memref<200x128xi32, #tpu.memory_space<vmem>> -> memref<1x128xi32, #tpu.memory_space<vmem>>
      %dma_wait3A_45 = tpu.memref_squeeze %dma_wait3A_44 : memref<1x128xi32, #tpu.memory_space<vmem>> -> memref<128xi32, #tpu.memory_space<vmem>>
      %dma_wait3A_46 = arith.constant 0 : i32
      %dma_wait3A_47 = tpu.memref_slice %arg10[%dma_wait3A_46] : memref<10112xf32, #tpu.memory_space<vmem_shared>> -> memref<10112xf32, #tpu.memory_space<vmem_shared>>
      tpu.wait_indirect_dma semaphore(%arg12 : memref<!tpu.dma_semaphore, #tpu.memory_space<semaphore_mem>>) src(%arg7 : memref<128xf32, #tpu.memory_space<vmem>>) dst(%dma_wait3A_47 : memref<10112xf32, #tpu.memory_space<vmem_shared>>)
    }
    %while3A_13 = arith.constant 1 : i32
    scf.for %while3A_23 = %while3A_11 to %while3A_7 step %while3A_13  : i32 {
      %mul3A_24 = arith.constant 2 : i32
      %mul3A_25 = arith.muli %mul3A_24, %while3A_23 : i32
      %dma_start3A = arith.constant 0 : i32
      %dma_start3A_26 = tpu.memref_slice %arg6[%mul3A_25, %dma_start3A] : memref<200x128xi32, #tpu.memory_space<vmem>> -> memref<1x128xi32, #tpu.memory_space<vmem>>
      %dma_start3A_27 = tpu.memref_squeeze %dma_start3A_26 : memref<1x128xi32, #tpu.memory_space<vmem>> -> memref<128xi32, #tpu.memory_space<vmem>>
      %dma_start3A_28 = arith.constant 0 : i32
      %dma_start3A_29 = tpu.memref_slice %arg9[%dma_start3A_28] : memref<10112xf32, #tpu.memory_space<vmem_shared>> -> memref<10112xf32, #tpu.memory_space<vmem_shared>>
      tpu.enqueue_indirect_dma source(%arg7 : memref<128xf32, #tpu.memory_space<vmem>>) target(%dma_start3A_29 : memref<10112xf32, #tpu.memory_space<vmem_shared>>) offsets(%dma_start3A_27 : memref<128xi32, #tpu.memory_space<vmem>>) semaphore(%arg11 : memref<!tpu.dma_semaphore, #tpu.memory_space<semaphore_mem>>) {add = true}
      %mul3A_30 = arith.constant 2 : i32
      %mul3A_31 = arith.muli %mul3A_30, %while3A_23 : i32
      %add3A_32 = arith.constant 1 : i32
      %add3A_33 = arith.addi %mul3A_31, %add3A_32 : i32
      %dma_start3A_34 = arith.constant 0 : i32
      %dma_start3A_35 = tpu.memref_slice %arg6[%add3A_33, %dma_start3A_34] : memref<200x128xi32, #tpu.memory_space<vmem>> -> memref<1x128xi32, #tpu.memory_space<vmem>>
      %dma_start3A_36 = tpu.memref_squeeze %dma_start3A_35 : memref<1x128xi32, #tpu.memory_space<vmem>> -> memref<128xi32, #tpu.memory_space<vmem>>
      %dma_start3A_37 = arith.constant 0 : i32
      %dma_start3A_38 = tpu.memref_slice %arg10[%dma_start3A_37] : memref<10112xf32, #tpu.memory_space<vmem_shared>> -> memref<10112xf32, #tpu.memory_space<vmem_shared>>
      tpu.enqueue_indirect_dma source(%arg7 : memref<128xf32, #tpu.memory_space<vmem>>) target(%dma_start3A_38 : memref<10112xf32, #tpu.memory_space<vmem_shared>>) offsets(%dma_start3A_36 : memref<128xi32, #tpu.memory_space<vmem>>) semaphore(%arg12 : memref<!tpu.dma_semaphore, #tpu.memory_space<semaphore_mem>>) {add = true}
      %dma_wait3A = arith.constant 0 : i32
      %dma_wait3A_39 = tpu.memref_slice %arg6[%mul3A_25, %dma_wait3A] : memref<200x128xi32, #tpu.memory_space<vmem>> -> memref<1x128xi32, #tpu.memory_space<vmem>>
      %dma_wait3A_40 = tpu.memref_squeeze %dma_wait3A_39 : memref<1x128xi32, #tpu.memory_space<vmem>> -> memref<128xi32, #tpu.memory_space<vmem>>
      %dma_wait3A_41 = arith.constant 0 : i32
      %dma_wait3A_42 = tpu.memref_slice %arg9[%dma_wait3A_41] : memref<10112xf32, #tpu.memory_space<vmem_shared>> -> memref<10112xf32, #tpu.memory_space<vmem_shared>>
      tpu.wait_indirect_dma semaphore(%arg11 : memref<!tpu.dma_semaphore, #tpu.memory_space<semaphore_mem>>) src(%arg7 : memref<128xf32, #tpu.memory_space<vmem>>) dst(%dma_wait3A_42 : memref<10112xf32, #tpu.memory_space<vmem_shared>>)
      %dma_wait3A_43 = arith.constant 0 : i32
      %dma_wait3A_44 = tpu.memref_slice %arg6[%add3A_33, %dma_wait3A_43] : memref<200x128xi32, #tpu.memory_space<vmem>> -> memref<1x128xi32, #tpu.memory_space<vmem>>
      %dma_wait3A_45 = tpu.memref_squeeze %dma_wait3A_44 : memref<1x128xi32, #tpu.memory_space<vmem>> -> memref<128xi32, #tpu.memory_space<vmem>>
      %dma_wait3A_46 = arith.constant 0 : i32
      %dma_wait3A_47 = tpu.memref_slice %arg10[%dma_wait3A_46] : memref<10112xf32, #tpu.memory_space<vmem_shared>> -> memref<10112xf32, #tpu.memory_space<vmem_shared>>
      tpu.wait_indirect_dma semaphore(%arg12 : memref<!tpu.dma_semaphore, #tpu.memory_space<semaphore_mem>>) src(%arg7 : memref<128xf32, #tpu.memory_space<vmem>>) dst(%dma_wait3A_47 : memref<10112xf32, #tpu.memory_space<vmem_shared>>)
    }
    %barrier3A_14 = arith.constant 0 : index
    tpu.barrier barrier_id(%barrier3A_14)
    %mul3A_15 = arith.constant 2 : i32
    %mul3A_16 = arith.muli %arg0, %mul3A_15 : i32
    %mul3A_17 = arith.constant 10112 : i32
    %mul3A_18 = arith.muli %mul3A_16, %mul3A_17 : i32
    "tpu.region"() ({
      %run_scoped3A = tpu.sem_alloc : memref<!tpu.dma_semaphore, #tpu.memory_space<semaphore_mem>>
      %dma_start3A = tpu.memref_slice %arg9[%mul3A_4] : memref<10112xf32, #tpu.memory_space<vmem_shared>> -> memref<632xf32, #tpu.memory_space<vmem_shared>>
      %dma_start3A_23 = tpu.memref_slice %arg9[%mul3A_4] : memref<10112xf32, #tpu.memory_space<vmem_shared>> -> memref<632xf32, #tpu.memory_space<vmem_shared>>
      tpu.enqueue_dma source(%dma_start3A_23 : memref<632xf32, #tpu.memory_space<vmem_shared>>) target(%arg8 : memref<632xf32, #tpu.memory_space<vmem>>) target_semaphore(%run_scoped3A : memref<!tpu.dma_semaphore, #tpu.memory_space<semaphore_mem>>)
      %dma_wait3A = tpu.memref_slice %arg9[%mul3A_4] : memref<10112xf32, #tpu.memory_space<vmem_shared>> -> memref<632xf32, #tpu.memory_space<vmem_shared>>
      %dma_wait3A_24 = tpu.memref_slice %arg9[%mul3A_4] : memref<10112xf32, #tpu.memory_space<vmem_shared>> -> memref<632xf32, #tpu.memory_space<vmem_shared>>
      tpu.wait_dma2 semaphore(%run_scoped3A : memref<!tpu.dma_semaphore, #tpu.memory_space<semaphore_mem>>) src(%dma_wait3A_24 : memref<632xf32, #tpu.memory_space<vmem_shared>>) dst(%arg8 : memref<632xf32, #tpu.memory_space<vmem>>)
      tpu.yield
    }) : () -> ()
    %add3A_19 = arith.addi %mul3A_18, %mul3A_4 : i32
    "tpu.region"() ({
      %run_scoped3A = tpu.sem_alloc : memref<!tpu.dma_semaphore, #tpu.memory_space<semaphore_mem>>
      %dma_start3A = tpu.memref_slice %arg5[%add3A_19] : memref<40448xf32, #tpu.memory_space<hbm>> -> memref<632xf32, #tpu.memory_space<hbm>>
      %dma_start3A_23 = tpu.memref_slice %arg5[%add3A_19] : memref<40448xf32, #tpu.memory_space<hbm>> -> memref<632xf32, #tpu.memory_space<hbm>>
      tpu.enqueue_dma source(%arg8 : memref<632xf32, #tpu.memory_space<vmem>>) target(%dma_start3A_23 : memref<632xf32, #tpu.memory_space<hbm>>) target_semaphore(%run_scoped3A : memref<!tpu.dma_semaphore, #tpu.memory_space<semaphore_mem>>)
      %dma_wait3A = tpu.memref_slice %arg5[%add3A_19] : memref<40448xf32, #tpu.memory_space<hbm>> -> memref<632xf32, #tpu.memory_space<hbm>>
      %dma_wait3A_24 = tpu.memref_slice %arg5[%add3A_19] : memref<40448xf32, #tpu.memory_space<hbm>> -> memref<632xf32, #tpu.memory_space<hbm>>
      tpu.wait_dma2 semaphore(%run_scoped3A : memref<!tpu.dma_semaphore, #tpu.memory_space<semaphore_mem>>) src(%arg8 : memref<632xf32, #tpu.memory_space<vmem>>) dst(%dma_wait3A_24 : memref<632xf32, #tpu.memory_space<hbm>>)
      tpu.yield
    }) : () -> ()
    "tpu.region"() ({
      %run_scoped3A = tpu.sem_alloc : memref<!tpu.dma_semaphore, #tpu.memory_space<semaphore_mem>>
      %dma_start3A = tpu.memref_slice %arg10[%mul3A_4] : memref<10112xf32, #tpu.memory_space<vmem_shared>> -> memref<632xf32, #tpu.memory_space<vmem_shared>>
      %dma_start3A_23 = tpu.memref_slice %arg10[%mul3A_4] : memref<10112xf32, #tpu.memory_space<vmem_shared>> -> memref<632xf32, #tpu.memory_space<vmem_shared>>
      tpu.enqueue_dma source(%dma_start3A_23 : memref<632xf32, #tpu.memory_space<vmem_shared>>) target(%arg8 : memref<632xf32, #tpu.memory_space<vmem>>) target_semaphore(%run_scoped3A : memref<!tpu.dma_semaphore, #tpu.memory_space<semaphore_mem>>)
      %dma_wait3A = tpu.memref_slice %arg10[%mul3A_4] : memref<10112xf32, #tpu.memory_space<vmem_shared>> -> memref<632xf32, #tpu.memory_space<vmem_shared>>
      %dma_wait3A_24 = tpu.memref_slice %arg10[%mul3A_4] : memref<10112xf32, #tpu.memory_space<vmem_shared>> -> memref<632xf32, #tpu.memory_space<vmem_shared>>
      tpu.wait_dma2 semaphore(%run_scoped3A : memref<!tpu.dma_semaphore, #tpu.memory_space<semaphore_mem>>) src(%dma_wait3A_24 : memref<632xf32, #tpu.memory_space<vmem_shared>>) dst(%arg8 : memref<632xf32, #tpu.memory_space<vmem>>)
      tpu.yield
    }) : () -> ()
    %add3A_20 = arith.constant 10112 : i32
    %add3A_21 = arith.addi %mul3A_18, %add3A_20 : i32
    %add3A_22 = arith.addi %add3A_21, %mul3A_4 : i32
    "tpu.region"() ({
      %run_scoped3A = tpu.sem_alloc : memref<!tpu.dma_semaphore, #tpu.memory_space<semaphore_mem>>
      %dma_start3A = tpu.memref_slice %arg5[%add3A_22] : memref<40448xf32, #tpu.memory_space<hbm>> -> memref<632xf32, #tpu.memory_space<hbm>>
      %dma_start3A_23 = tpu.memref_slice %arg5[%add3A_22] : memref<40448xf32, #tpu.memory_space<hbm>> -> memref<632xf32, #tpu.memory_space<hbm>>
      tpu.enqueue_dma source(%arg8 : memref<632xf32, #tpu.memory_space<vmem>>) target(%dma_start3A_23 : memref<632xf32, #tpu.memory_space<hbm>>) target_semaphore(%run_scoped3A : memref<!tpu.dma_semaphore, #tpu.memory_space<semaphore_mem>>)
      %dma_wait3A = tpu.memref_slice %arg5[%add3A_22] : memref<40448xf32, #tpu.memory_space<hbm>> -> memref<632xf32, #tpu.memory_space<hbm>>
      %dma_wait3A_24 = tpu.memref_slice %arg5[%add3A_22] : memref<40448xf32, #tpu.memory_space<hbm>> -> memref<632xf32, #tpu.memory_space<hbm>>
      tpu.wait_dma2 semaphore(%run_scoped3A : memref<!tpu.dma_semaphore, #tpu.memory_space<semaphore_mem>>) src(%arg8 : memref<632xf32, #tpu.memory_space<vmem>>) dst(%dma_wait3A_24 : memref<632xf32, #tpu.memory_space<hbm>>)
      tpu.yield
    }) : () -> ()
    return
  }
}

#map = affine_map<(d0, d1) -> (0, 0)>
#map1 = affine_map<(d0, d1) -> (0, 0, 0, 0)>
#map2 = affine_map<(d0, d1) -> (0, 0, 0)>
module attributes {stable_mosaic.version = 14 : i64} {
  func.func @_agg_sc(%arg0: i32, %arg1: i32, %arg2: memref<10112x128xf32, #tpu.memory_space<hbm>>, %arg3: memref<32x100x2x128xi32, #tpu.memory_space<hbm>>, %arg4: memref<10112x128xf32, #tpu.memory_space<hbm>>, %arg5: memref<2x10112x128xf32, #tpu.memory_space<hbm>>, %arg6: memref<2x128xi32, #tpu.memory_space<vmem>>, %arg7: memref<2x128xi32, #tpu.memory_space<vmem>>, %arg8: memref<2x128xi32, #tpu.memory_space<vmem>>, %arg9: memref<2x128xi32, #tpu.memory_space<vmem>>, %arg10: memref<128x128xf32, #tpu.memory_space<vmem>>, %arg11: memref<128x128xf32, #tpu.memory_space<vmem>>, %arg12: memref<10112x128xf32, #tpu.memory_space<vmem_shared>>, %arg13: memref<!tpu.dma_semaphore, #tpu.memory_space<semaphore_mem>>, %arg14: memref<!tpu.dma_semaphore, #tpu.memory_space<semaphore_mem>>, %arg15: memref<!tpu.dma_semaphore, #tpu.memory_space<semaphore_mem>>, %arg16: memref<!tpu.dma_semaphore, #tpu.memory_space<semaphore_mem>>, %arg17: memref<!tpu.dma_semaphore, #tpu.memory_space<semaphore_mem>>, %arg18: memref<!tpu.dma_semaphore, #tpu.memory_space<semaphore_mem>>, %arg19: memref<!tpu.dma_semaphore, #tpu.memory_space<semaphore_mem>>, %arg20: memref<!tpu.dma_semaphore, #tpu.memory_space<semaphore_mem>>) attributes {dimension_semantics = [#tpu.dimension_semantics<core_parallel>, #tpu.dimension_semantics<subcore_parallel>], iteration_bounds = array<i64: 2, 16>, scalar_prefetch = 0 : i64, scratch_operands = 15 : i64, tpu.core_type = #tpu.core_type<sc_vector_subcore>, window_params = [{transform_indices = #map}, {transform_indices = #map1}, {transform_indices = #map}, {transform_indices = #map2}]} {
    %mul3A = arith.constant 16 : i32
    %mul3A_0 = arith.muli %arg0, %mul3A : i32
    %add3A = arith.addi %mul3A_0, %arg1 : i32
    %eq3A = arith.constant 0 : i32
    %eq3A_1 = arith.cmpi eq, %arg0, %eq3A : i32
    %jit3A = arith.constant 100 : i32
    %jit3A_2 = arith.constant 57 : i32
    %select_n3A = arith.select %eq3A_1, %jit3A, %jit3A_2 : i32
    %mul3A_3 = arith.constant 632 : i32
    %mul3A_4 = arith.muli %arg1, %mul3A_3 : i32
    "tpu.region"() ({
      %run_scoped3A = tpu.sem_alloc : memref<!tpu.dma_semaphore, #tpu.memory_space<semaphore_mem>>
      %dma_start3A_106 = arith.constant 0 : i32
      %dma_start3A_107 = tpu.memref_slice %arg12[%mul3A_4, %dma_start3A_106] : memref<10112x128xf32, #tpu.memory_space<vmem_shared>> -> memref<632x128xf32, #tpu.memory_space<vmem_shared>>
      %dma_start3A_108 = arith.constant 0 : i32
      %dma_start3A_109 = tpu.memref_slice %arg4[%mul3A_4, %dma_start3A_108] : memref<10112x128xf32, #tpu.memory_space<hbm>> -> memref<632x128xf32, #tpu.memory_space<hbm>>
      tpu.enqueue_dma source(%dma_start3A_109 : memref<632x128xf32, #tpu.memory_space<hbm>>) target(%dma_start3A_107 : memref<632x128xf32, #tpu.memory_space<vmem_shared>>) target_semaphore(%run_scoped3A : memref<!tpu.dma_semaphore, #tpu.memory_space<semaphore_mem>>)
      %dma_wait3A_110 = arith.constant 0 : i32
      %dma_wait3A_111 = tpu.memref_slice %arg12[%mul3A_4, %dma_wait3A_110] : memref<10112x128xf32, #tpu.memory_space<vmem_shared>> -> memref<632x128xf32, #tpu.memory_space<vmem_shared>>
      %dma_wait3A_112 = arith.constant 0 : i32
      %dma_wait3A_113 = tpu.memref_slice %arg4[%mul3A_4, %dma_wait3A_112] : memref<10112x128xf32, #tpu.memory_space<hbm>> -> memref<632x128xf32, #tpu.memory_space<hbm>>
      tpu.wait_dma2 semaphore(%run_scoped3A : memref<!tpu.dma_semaphore, #tpu.memory_space<semaphore_mem>>) src(%dma_wait3A_113 : memref<632x128xf32, #tpu.memory_space<hbm>>) dst(%dma_wait3A_111 : memref<632x128xf32, #tpu.memory_space<vmem_shared>>)
      tpu.yield
    }) : () -> ()
    %barrier3A = arith.constant 0 : index
    tpu.barrier barrier_id(%barrier3A)
    %dma_start3A = arith.constant 0 : i32
    %dma_start3A_5 = arith.constant 0 : i32
    %dma_start3A_6 = arith.constant 0 : i32
    %dma_start3A_7 = tpu.memref_slice %arg3[%add3A, %dma_start3A, %dma_start3A_5, %dma_start3A_6] : memref<32x100x2x128xi32, #tpu.memory_space<hbm>> -> memref<1x1x2x128xi32, #tpu.memory_space<hbm>>
    %dma_start3A_8 = tpu.memref_squeeze %dma_start3A_7 : memref<1x1x2x128xi32, #tpu.memory_space<hbm>> -> memref<2x128xi32, #tpu.memory_space<hbm>>
    %dma_start3A_9 = arith.constant 0 : i32
    %dma_start3A_10 = arith.constant 0 : i32
    %dma_start3A_11 = tpu.memref_slice %arg3[%add3A, %dma_start3A, %dma_start3A_9, %dma_start3A_10] : memref<32x100x2x128xi32, #tpu.memory_space<hbm>> -> memref<1x1x2x128xi32, #tpu.memory_space<hbm>>
    %dma_start3A_12 = tpu.memref_squeeze %dma_start3A_11 : memref<1x1x2x128xi32, #tpu.memory_space<hbm>> -> memref<2x128xi32, #tpu.memory_space<hbm>>
    tpu.enqueue_dma source(%dma_start3A_12 : memref<2x128xi32, #tpu.memory_space<hbm>>) target(%arg6 : memref<2x128xi32, #tpu.memory_space<vmem>>) target_semaphore(%arg13 : memref<!tpu.dma_semaphore, #tpu.memory_space<semaphore_mem>>)
    %dma_wait3A = arith.constant 0 : i32
    %dma_wait3A_13 = arith.constant 0 : i32
    %dma_wait3A_14 = arith.constant 0 : i32
    %dma_wait3A_15 = tpu.memref_slice %arg3[%add3A, %dma_wait3A, %dma_wait3A_13, %dma_wait3A_14] : memref<32x100x2x128xi32, #tpu.memory_space<hbm>> -> memref<1x1x2x128xi32, #tpu.memory_space<hbm>>
    %dma_wait3A_16 = tpu.memref_squeeze %dma_wait3A_15 : memref<1x1x2x128xi32, #tpu.memory_space<hbm>> -> memref<2x128xi32, #tpu.memory_space<hbm>>
    %dma_wait3A_17 = arith.constant 0 : i32
    %dma_wait3A_18 = arith.constant 0 : i32
    %dma_wait3A_19 = tpu.memref_slice %arg3[%add3A, %dma_wait3A, %dma_wait3A_17, %dma_wait3A_18] : memref<32x100x2x128xi32, #tpu.memory_space<hbm>> -> memref<1x1x2x128xi32, #tpu.memory_space<hbm>>
    %dma_wait3A_20 = tpu.memref_squeeze %dma_wait3A_19 : memref<1x1x2x128xi32, #tpu.memory_space<hbm>> -> memref<2x128xi32, #tpu.memory_space<hbm>>
    tpu.wait_dma2 semaphore(%arg13 : memref<!tpu.dma_semaphore, #tpu.memory_space<semaphore_mem>>) src(%dma_wait3A_20 : memref<2x128xi32, #tpu.memory_space<hbm>>) dst(%arg6 : memref<2x128xi32, #tpu.memory_space<vmem>>)
    %dma_start3A_21 = arith.constant 0 : i32
    %dma_start3A_22 = arith.constant 0 : i32
    %dma_start3A_23 = tpu.memref_slice %arg6[%dma_start3A_21, %dma_start3A_22] : memref<2x128xi32, #tpu.memory_space<vmem>> -> memref<1x128xi32, #tpu.memory_space<vmem>>
    %dma_start3A_24 = tpu.memref_squeeze %dma_start3A_23 : memref<1x128xi32, #tpu.memory_space<vmem>> -> memref<128xi32, #tpu.memory_space<vmem>>
    %dma_start3A_25 = arith.constant 0 : i32
    %dma_start3A_26 = arith.constant 0 : i32
    %dma_start3A_27 = tpu.memref_slice %arg2[%dma_start3A_25, %dma_start3A_26] : memref<10112x128xf32, #tpu.memory_space<hbm>> -> memref<10112x128xf32, #tpu.memory_space<hbm>>
    tpu.enqueue_indirect_dma source(%dma_start3A_27 : memref<10112x128xf32, #tpu.memory_space<hbm>>) target(%arg10 : memref<128x128xf32, #tpu.memory_space<vmem>>) offsets(%dma_start3A_24 : memref<128xi32, #tpu.memory_space<vmem>>) semaphore(%arg15 : memref<!tpu.dma_semaphore, #tpu.memory_space<semaphore_mem>>)
    %dma_start3A_28 = arith.constant 0 : i32
    %dma_start3A_29 = arith.constant 0 : i32
    %dma_start3A_30 = arith.constant 0 : i32
    %dma_start3A_31 = tpu.memref_slice %arg3[%add3A, %dma_start3A_28, %dma_start3A_29, %dma_start3A_30] : memref<32x100x2x128xi32, #tpu.memory_space<hbm>> -> memref<1x1x2x128xi32, #tpu.memory_space<hbm>>
    %dma_start3A_32 = tpu.memref_squeeze %dma_start3A_31 : memref<1x1x2x128xi32, #tpu.memory_space<hbm>> -> memref<2x128xi32, #tpu.memory_space<hbm>>
    %dma_start3A_33 = arith.constant 0 : i32
    %dma_start3A_34 = arith.constant 0 : i32
    %dma_start3A_35 = tpu.memref_slice %arg3[%add3A, %dma_start3A_28, %dma_start3A_33, %dma_start3A_34] : memref<32x100x2x128xi32, #tpu.memory_space<hbm>> -> memref<1x1x2x128xi32, #tpu.memory_space<hbm>>
    %dma_start3A_36 = tpu.memref_squeeze %dma_start3A_35 : memref<1x1x2x128xi32, #tpu.memory_space<hbm>> -> memref<2x128xi32, #tpu.memory_space<hbm>>
    tpu.enqueue_dma source(%dma_start3A_36 : memref<2x128xi32, #tpu.memory_space<hbm>>) target(%arg8 : memref<2x128xi32, #tpu.memory_space<vmem>>) target_semaphore(%arg19 : memref<!tpu.dma_semaphore, #tpu.memory_space<semaphore_mem>>)
    %dma_start3A_37 = arith.constant 1 : i32
    %dma_start3A_38 = arith.constant 0 : i32
    %dma_start3A_39 = arith.constant 0 : i32
    %dma_start3A_40 = tpu.memref_slice %arg3[%add3A, %dma_start3A_37, %dma_start3A_38, %dma_start3A_39] : memref<32x100x2x128xi32, #tpu.memory_space<hbm>> -> memref<1x1x2x128xi32, #tpu.memory_space<hbm>>
    %dma_start3A_41 = tpu.memref_squeeze %dma_start3A_40 : memref<1x1x2x128xi32, #tpu.memory_space<hbm>> -> memref<2x128xi32, #tpu.memory_space<hbm>>
    %dma_start3A_42 = arith.constant 0 : i32
    %dma_start3A_43 = arith.constant 0 : i32
    %dma_start3A_44 = tpu.memref_slice %arg3[%add3A, %dma_start3A_37, %dma_start3A_42, %dma_start3A_43] : memref<32x100x2x128xi32, #tpu.memory_space<hbm>> -> memref<1x1x2x128xi32, #tpu.memory_space<hbm>>
    %dma_start3A_45 = tpu.memref_squeeze %dma_start3A_44 : memref<1x1x2x128xi32, #tpu.memory_space<hbm>> -> memref<2x128xi32, #tpu.memory_space<hbm>>
    tpu.enqueue_dma source(%dma_start3A_45 : memref<2x128xi32, #tpu.memory_space<hbm>>) target(%arg7 : memref<2x128xi32, #tpu.memory_space<vmem>>) target_semaphore(%arg14 : memref<!tpu.dma_semaphore, #tpu.memory_space<semaphore_mem>>)
    %jit3A_46 = arith.constant 2 : i32
    %div3A = arith.divsi %select_n3A, %jit3A_46 : i32
    %sign3A = arith.constant 0 : i32
    %sign3A_47 = arith.cmpi sgt, %select_n3A, %sign3A : i32
    %sign3A_48 = arith.extui %sign3A_47 : i1 to i32
    %sign3A_49 = arith.constant 0 : i32
    %sign3A_50 = arith.cmpi slt, %select_n3A, %sign3A_49 : i32
    %sign3A_51 = arith.extui %sign3A_50 : i1 to i32
    %sign3A_52 = arith.subi %sign3A_48, %sign3A_51 : i32
    %sign3A_53 = arith.constant 0 : i32
    %sign3A_54 = arith.cmpi sgt, %jit3A_46, %sign3A_53 : i32
    %sign3A_55 = arith.extui %sign3A_54 : i1 to i32
    %sign3A_56 = arith.constant 0 : i32
    %sign3A_57 = arith.cmpi slt, %jit3A_46, %sign3A_56 : i32
    %sign3A_58 = arith.extui %sign3A_57 : i1 to i32
    %sign3A_59 = arith.subi %sign3A_55, %sign3A_58 : i32
    %ne3A = arith.cmpi ne, %sign3A_52, %sign3A_59 : i32
    %rem3A = arith.remsi %select_n3A, %jit3A_46 : i32
    %ne3A_60 = arith.constant 0 : i32
    %ne3A_61 = arith.cmpi ne, %rem3A, %ne3A_60 : i32
    %and3A = arith.andi %ne3A, %ne3A_61 : i1
    %sub3A = arith.constant 1 : i32
    %sub3A_62 = arith.subi %div3A, %sub3A : i32
    %select_n3A_63 = arith.select %and3A, %sub3A_62, %div3A : i32
    %while3A = arith.constant 0 : i32
    %while3A_64 = arith.constant 0 : i32
    %while3A_65 = arith.subi %select_n3A_63, %while3A_64 : i32
    %while3A_66 = arith.addi %while3A_64, %while3A_65 : i32
    %while3A_67 = arith.constant 1 : i32
    %while3A_68 = arith.divsi %while3A_65, %while3A_67 : i32
    %while3A_69 = arith.muli %while3A_68, %while3A_67 : i32
    %while3A_70 = arith.addi %while3A_64, %while3A_69 : i32
    %while3A_71 = arith.constant 1 : i32
    scf.for %while3A_106 = %while3A_64 to %while3A_70 step %while3A_71  : i32 {
      %mul3A_107 = arith.constant 2 : i32
      %mul3A_108 = arith.muli %mul3A_107, %while3A_106 : i32
      %dma_wait3A_109 = arith.constant 0 : i32
      %dma_wait3A_110 = arith.constant 0 : i32
      %dma_wait3A_111 = tpu.memref_slice %arg6[%dma_wait3A_109, %dma_wait3A_110] : memref<2x128xi32, #tpu.memory_space<vmem>> -> memref<1x128xi32, #tpu.memory_space<vmem>>
      %dma_wait3A_112 = tpu.memref_squeeze %dma_wait3A_111 : memref<1x128xi32, #tpu.memory_space<vmem>> -> memref<128xi32, #tpu.memory_space<vmem>>
      %dma_wait3A_113 = arith.constant 0 : i32
      %dma_wait3A_114 = arith.constant 0 : i32
      %dma_wait3A_115 = tpu.memref_slice %arg2[%dma_wait3A_113, %dma_wait3A_114] : memref<10112x128xf32, #tpu.memory_space<hbm>> -> memref<10112x128xf32, #tpu.memory_space<hbm>>
      tpu.wait_indirect_dma semaphore(%arg15 : memref<!tpu.dma_semaphore, #tpu.memory_space<semaphore_mem>>) src(%dma_wait3A_115 : memref<10112x128xf32, #tpu.memory_space<hbm>>) dst(%arg10 : memref<128x128xf32, #tpu.memory_space<vmem>>)
      %add3A_116 = arith.constant 2 : i32
      %add3A_117 = arith.addi %mul3A_108, %add3A_116 : i32
      %lt3A_118 = arith.cmpi slt, %add3A_117, %select_n3A : i32
      %convert_element_type3A_119 = arith.extui %lt3A_118 : i1 to i32
      %cond3A_120 = arith.constant 0 : i32
      %cond3A_121 = arith.cmpi ne, %convert_element_type3A_119, %cond3A_120 : i32
      scf.if %cond3A_121 {
        %add3A_179 = arith.constant 2 : i32
        %add3A_180 = arith.addi %mul3A_108, %add3A_179 : i32
        %dma_start3A_181 = arith.constant 0 : i32
        %dma_start3A_182 = arith.constant 0 : i32
        %dma_start3A_183 = tpu.memref_slice %arg3[%add3A, %add3A_180, %dma_start3A_181, %dma_start3A_182] : memref<32x100x2x128xi32, #tpu.memory_space<hbm>> -> memref<1x1x2x128xi32, #tpu.memory_space<hbm>>
        %dma_start3A_184 = tpu.memref_squeeze %dma_start3A_183 : memref<1x1x2x128xi32, #tpu.memory_space<hbm>> -> memref<2x128xi32, #tpu.memory_space<hbm>>
        %dma_start3A_185 = arith.constant 0 : i32
        %dma_start3A_186 = arith.constant 0 : i32
        %dma_start3A_187 = tpu.memref_slice %arg3[%add3A, %add3A_180, %dma_start3A_185, %dma_start3A_186] : memref<32x100x2x128xi32, #tpu.memory_space<hbm>> -> memref<1x1x2x128xi32, #tpu.memory_space<hbm>>
        %dma_start3A_188 = tpu.memref_squeeze %dma_start3A_187 : memref<1x1x2x128xi32, #tpu.memory_space<hbm>> -> memref<2x128xi32, #tpu.memory_space<hbm>>
        tpu.enqueue_dma source(%dma_start3A_188 : memref<2x128xi32, #tpu.memory_space<hbm>>) target(%arg6 : memref<2x128xi32, #tpu.memory_space<vmem>>) target_semaphore(%arg13 : memref<!tpu.dma_semaphore, #tpu.memory_space<semaphore_mem>>)
      } else {
      }
      %add3A_122 = arith.constant 1 : i32
      %add3A_123 = arith.addi %mul3A_108, %add3A_122 : i32
      %lt3A_124 = arith.cmpi slt, %add3A_123, %select_n3A : i32
      %convert_element_type3A_125 = arith.extui %lt3A_124 : i1 to i32
      %cond3A_126 = arith.constant 0 : i32
      %cond3A_127 = arith.cmpi ne, %convert_element_type3A_125, %cond3A_126 : i32
      scf.if %cond3A_127 {
        %ge3A = arith.constant 1 : i32
        %ge3A_179 = arith.cmpi sge, %mul3A_108, %ge3A : i32
        %convert_element_type3A_180 = arith.extui %ge3A_179 : i1 to i32
        %cond3A_181 = arith.constant 0 : i32
        %cond3A_182 = arith.cmpi ne, %convert_element_type3A_180, %cond3A_181 : i32
        scf.if %cond3A_182 {
          %dma_wait3A_210 = arith.constant 1 : i32
          %dma_wait3A_211 = arith.constant 0 : i32
          %dma_wait3A_212 = tpu.memref_slice %arg9[%dma_wait3A_210, %dma_wait3A_211] : memref<2x128xi32, #tpu.memory_space<vmem>> -> memref<1x128xi32, #tpu.memory_space<vmem>>
          %dma_wait3A_213 = tpu.memref_squeeze %dma_wait3A_212 : memref<1x128xi32, #tpu.memory_space<vmem>> -> memref<128xi32, #tpu.memory_space<vmem>>
          %dma_wait3A_214 = arith.constant 0 : i32
          %dma_wait3A_215 = arith.constant 0 : i32
          %dma_wait3A_216 = tpu.memref_slice %arg12[%dma_wait3A_214, %dma_wait3A_215] : memref<10112x128xf32, #tpu.memory_space<vmem_shared>> -> memref<10112x128xf32, #tpu.memory_space<vmem_shared>>
          tpu.wait_indirect_dma semaphore(%arg18 : memref<!tpu.dma_semaphore, #tpu.memory_space<semaphore_mem>>) src(%arg11 : memref<128x128xf32, #tpu.memory_space<vmem>>) dst(%dma_wait3A_216 : memref<10112x128xf32, #tpu.memory_space<vmem_shared>>)
        } else {
        }
        %add3A_183 = arith.constant 1 : i32
        %add3A_184 = arith.addi %mul3A_108, %add3A_183 : i32
        %dma_wait3A_185 = arith.constant 0 : i32
        %dma_wait3A_186 = arith.constant 0 : i32
        %dma_wait3A_187 = tpu.memref_slice %arg3[%add3A, %add3A_184, %dma_wait3A_185, %dma_wait3A_186] : memref<32x100x2x128xi32, #tpu.memory_space<hbm>> -> memref<1x1x2x128xi32, #tpu.memory_space<hbm>>
        %dma_wait3A_188 = tpu.memref_squeeze %dma_wait3A_187 : memref<1x1x2x128xi32, #tpu.memory_space<hbm>> -> memref<2x128xi32, #tpu.memory_space<hbm>>
        %dma_wait3A_189 = arith.constant 0 : i32
        %dma_wait3A_190 = arith.constant 0 : i32
        %dma_wait3A_191 = tpu.memref_slice %arg3[%add3A, %add3A_184, %dma_wait3A_189, %dma_wait3A_190] : memref<32x100x2x128xi32, #tpu.memory_space<hbm>> -> memref<1x1x2x128xi32, #tpu.memory_space<hbm>>
        %dma_wait3A_192 = tpu.memref_squeeze %dma_wait3A_191 : memref<1x1x2x128xi32, #tpu.memory_space<hbm>> -> memref<2x128xi32, #tpu.memory_space<hbm>>
        tpu.wait_dma2 semaphore(%arg14 : memref<!tpu.dma_semaphore, #tpu.memory_space<semaphore_mem>>) src(%dma_wait3A_192 : memref<2x128xi32, #tpu.memory_space<hbm>>) dst(%arg7 : memref<2x128xi32, #tpu.memory_space<vmem>>)
        %dma_start3A_193 = arith.constant 0 : i32
        %dma_start3A_194 = arith.constant 0 : i32
        %dma_start3A_195 = tpu.memref_slice %arg7[%dma_start3A_193, %dma_start3A_194] : memref<2x128xi32, #tpu.memory_space<vmem>> -> memref<1x128xi32, #tpu.memory_space<vmem>>
        %dma_start3A_196 = tpu.memref_squeeze %dma_start3A_195 : memref<1x128xi32, #tpu.memory_space<vmem>> -> memref<128xi32, #tpu.memory_space<vmem>>
        %dma_start3A_197 = arith.constant 0 : i32
        %dma_start3A_198 = arith.constant 0 : i32
        %dma_start3A_199 = tpu.memref_slice %arg2[%dma_start3A_197, %dma_start3A_198] : memref<10112x128xf32, #tpu.memory_space<hbm>> -> memref<10112x128xf32, #tpu.memory_space<hbm>>
        tpu.enqueue_indirect_dma source(%dma_start3A_199 : memref<10112x128xf32, #tpu.memory_space<hbm>>) target(%arg11 : memref<128x128xf32, #tpu.memory_space<vmem>>) offsets(%dma_start3A_196 : memref<128xi32, #tpu.memory_space<vmem>>) semaphore(%arg16 : memref<!tpu.dma_semaphore, #tpu.memory_space<semaphore_mem>>)
        %add3A_200 = arith.constant 1 : i32
        %add3A_201 = arith.addi %mul3A_108, %add3A_200 : i32
        %dma_start3A_202 = arith.constant 0 : i32
        %dma_start3A_203 = arith.constant 0 : i32
        %dma_start3A_204 = tpu.memref_slice %arg3[%add3A, %add3A_201, %dma_start3A_202, %dma_start3A_203] : memref<32x100x2x128xi32, #tpu.memory_space<hbm>> -> memref<1x1x2x128xi32, #tpu.memory_space<hbm>>
        %dma_start3A_205 = tpu.memref_squeeze %dma_start3A_204 : memref<1x1x2x128xi32, #tpu.memory_space<hbm>> -> memref<2x128xi32, #tpu.memory_space<hbm>>
        %dma_start3A_206 = arith.constant 0 : i32
        %dma_start3A_207 = arith.constant 0 : i32
        %dma_start3A_208 = tpu.memref_slice %arg3[%add3A, %add3A_201, %dma_start3A_206, %dma_start3A_207] : memref<32x100x2x128xi32, #tpu.memory_space<hbm>> -> memref<1x1x2x128xi32, #tpu.memory_space<hbm>>
        %dma_start3A_209 = tpu.memref_squeeze %dma_start3A_208 : memref<1x1x2x128xi32, #tpu.memory_space<hbm>> -> memref<2x128xi32, #tpu.memory_space<hbm>>
        tpu.enqueue_dma source(%dma_start3A_209 : memref<2x128xi32, #tpu.memory_space<hbm>>) target(%arg9 : memref<2x128xi32, #tpu.memory_space<vmem>>) target_semaphore(%arg20 : memref<!tpu.dma_semaphore, #tpu.memory_space<semaphore_mem>>)
      } else {
      }
      %dma_wait3A_128 = arith.constant 0 : i32
      %dma_wait3A_129 = arith.constant 0 : i32
      %dma_wait3A_130 = tpu.memref_slice %arg3[%add3A, %mul3A_108, %dma_wait3A_128, %dma_wait3A_129] : memref<32x100x2x128xi32, #tpu.memory_space<hbm>> -> memref<1x1x2x128xi32, #tpu.memory_space<hbm>>
      %dma_wait3A_131 = tpu.memref_squeeze %dma_wait3A_130 : memref<1x1x2x128xi32, #tpu.memory_space<hbm>> -> memref<2x128xi32, #tpu.memory_space<hbm>>
      %dma_wait3A_132 = arith.constant 0 : i32
      %dma_wait3A_133 = arith.constant 0 : i32
      %dma_wait3A_134 = tpu.memref_slice %arg3[%add3A, %mul3A_108, %dma_wait3A_132, %dma_wait3A_133] : memref<32x100x2x128xi32, #tpu.memory_space<hbm>> -> memref<1x1x2x128xi32, #tpu.memory_space<hbm>>
      %dma_wait3A_135 = tpu.memref_squeeze %dma_wait3A_134 : memref<1x1x2x128xi32, #tpu.memory_space<hbm>> -> memref<2x128xi32, #tpu.memory_space<hbm>>
      tpu.wait_dma2 semaphore(%arg19 : memref<!tpu.dma_semaphore, #tpu.memory_space<semaphore_mem>>) src(%dma_wait3A_135 : memref<2x128xi32, #tpu.memory_space<hbm>>) dst(%arg8 : memref<2x128xi32, #tpu.memory_space<vmem>>)
      %dma_start3A_136 = arith.constant 1 : i32
      %dma_start3A_137 = arith.constant 0 : i32
      %dma_start3A_138 = tpu.memref_slice %arg8[%dma_start3A_136, %dma_start3A_137] : memref<2x128xi32, #tpu.memory_space<vmem>> -> memref<1x128xi32, #tpu.memory_space<vmem>>
      %dma_start3A_139 = tpu.memref_squeeze %dma_start3A_138 : memref<1x128xi32, #tpu.memory_space<vmem>> -> memref<128xi32, #tpu.memory_space<vmem>>
      %dma_start3A_140 = arith.constant 0 : i32
      %dma_start3A_141 = arith.constant 0 : i32
      %dma_start3A_142 = tpu.memref_slice %arg12[%dma_start3A_140, %dma_start3A_141] : memref<10112x128xf32, #tpu.memory_space<vmem_shared>> -> memref<10112x128xf32, #tpu.memory_space<vmem_shared>>
      tpu.enqueue_indirect_dma source(%arg10 : memref<128x128xf32, #tpu.memory_space<vmem>>) target(%dma_start3A_142 : memref<10112x128xf32, #tpu.memory_space<vmem_shared>>) offsets(%dma_start3A_139 : memref<128xi32, #tpu.memory_space<vmem>>) semaphore(%arg17 : memref<!tpu.dma_semaphore, #tpu.memory_space<semaphore_mem>>) {add = true}
      %add3A_143 = arith.constant 1 : i32
      %add3A_144 = arith.addi %mul3A_108, %add3A_143 : i32
      %dma_wait3A_145 = arith.constant 0 : i32
      %dma_wait3A_146 = arith.constant 0 : i32
      %dma_wait3A_147 = tpu.memref_slice %arg7[%dma_wait3A_145, %dma_wait3A_146] : memref<2x128xi32, #tpu.memory_space<vmem>> -> memref<1x128xi32, #tpu.memory_space<vmem>>
      %dma_wait3A_148 = tpu.memref_squeeze %dma_wait3A_147 : memref<1x128xi32, #tpu.memory_space<vmem>> -> memref<128xi32, #tpu.memory_space<vmem>>
      %dma_wait3A_149 = arith.constant 0 : i32
      %dma_wait3A_150 = arith.constant 0 : i32
      %dma_wait3A_151 = tpu.memref_slice %arg2[%dma_wait3A_149, %dma_wait3A_150] : memref<10112x128xf32, #tpu.memory_space<hbm>> -> memref<10112x128xf32, #tpu.memory_space<hbm>>
      tpu.wait_indirect_dma semaphore(%arg16 : memref<!tpu.dma_semaphore, #tpu.memory_space<semaphore_mem>>) src(%dma_wait3A_151 : memref<10112x128xf32, #tpu.memory_space<hbm>>) dst(%arg11 : memref<128x128xf32, #tpu.memory_space<vmem>>)
      %add3A_152 = arith.constant 2 : i32
      %add3A_153 = arith.addi %add3A_144, %add3A_152 : i32
      %lt3A_154 = arith.cmpi slt, %add3A_153, %select_n3A : i32
      %convert_element_type3A_155 = arith.extui %lt3A_154 : i1 to i32
      %cond3A_156 = arith.constant 0 : i32
      %cond3A_157 = arith.cmpi ne, %convert_element_type3A_155, %cond3A_156 : i32
      scf.if %cond3A_157 {
        %add3A_179 = arith.constant 2 : i32
        %add3A_180 = arith.addi %add3A_144, %add3A_179 : i32
        %dma_start3A_181 = arith.constant 0 : i32
        %dma_start3A_182 = arith.constant 0 : i32
        %dma_start3A_183 = tpu.memref_slice %arg3[%add3A, %add3A_180, %dma_start3A_181, %dma_start3A_182] : memref<32x100x2x128xi32, #tpu.memory_space<hbm>> -> memref<1x1x2x128xi32, #tpu.memory_space<hbm>>
        %dma_start3A_184 = tpu.memref_squeeze %dma_start3A_183 : memref<1x1x2x128xi32, #tpu.memory_space<hbm>> -> memref<2x128xi32, #tpu.memory_space<hbm>>
        %dma_start3A_185 = arith.constant 0 : i32
        %dma_start3A_186 = arith.constant 0 : i32
        %dma_start3A_187 = tpu.memref_slice %arg3[%add3A, %add3A_180, %dma_start3A_185, %dma_start3A_186] : memref<32x100x2x128xi32, #tpu.memory_space<hbm>> -> memref<1x1x2x128xi32, #tpu.memory_space<hbm>>
        %dma_start3A_188 = tpu.memref_squeeze %dma_start3A_187 : memref<1x1x2x128xi32, #tpu.memory_space<hbm>> -> memref<2x128xi32, #tpu.memory_space<hbm>>
        tpu.enqueue_dma source(%dma_start3A_188 : memref<2x128xi32, #tpu.memory_space<hbm>>) target(%arg7 : memref<2x128xi32, #tpu.memory_space<vmem>>) target_semaphore(%arg14 : memref<!tpu.dma_semaphore, #tpu.memory_space<semaphore_mem>>)
      } else {
      }
      %add3A_158 = arith.constant 1 : i32
      %add3A_159 = arith.addi %add3A_144, %add3A_158 : i32
      %lt3A_160 = arith.cmpi slt, %add3A_159, %select_n3A : i32
      %convert_element_type3A_161 = arith.extui %lt3A_160 : i1 to i32
      %cond3A_162 = arith.constant 0 : i32
      %cond3A_163 = arith.cmpi ne, %convert_element_type3A_161, %cond3A_162 : i32
      scf.if %cond3A_163 {
        %ge3A = arith.constant 1 : i32
        %ge3A_179 = arith.cmpi sge, %add3A_144, %ge3A : i32
        %convert_element_type3A_180 = arith.extui %ge3A_179 : i1 to i32
        %cond3A_181 = arith.constant 0 : i32
        %cond3A_182 = arith.cmpi ne, %convert_element_type3A_180, %cond3A_181 : i32
        scf.if %cond3A_182 {
          %dma_wait3A_210 = arith.constant 1 : i32
          %dma_wait3A_211 = arith.constant 0 : i32
          %dma_wait3A_212 = tpu.memref_slice %arg8[%dma_wait3A_210, %dma_wait3A_211] : memref<2x128xi32, #tpu.memory_space<vmem>> -> memref<1x128xi32, #tpu.memory_space<vmem>>
          %dma_wait3A_213 = tpu.memref_squeeze %dma_wait3A_212 : memref<1x128xi32, #tpu.memory_space<vmem>> -> memref<128xi32, #tpu.memory_space<vmem>>
          %dma_wait3A_214 = arith.constant 0 : i32
          %dma_wait3A_215 = arith.constant 0 : i32
          %dma_wait3A_216 = tpu.memref_slice %arg12[%dma_wait3A_214, %dma_wait3A_215] : memref<10112x128xf32, #tpu.memory_space<vmem_shared>> -> memref<10112x128xf32, #tpu.memory_space<vmem_shared>>
          tpu.wait_indirect_dma semaphore(%arg17 : memref<!tpu.dma_semaphore, #tpu.memory_space<semaphore_mem>>) src(%arg10 : memref<128x128xf32, #tpu.memory_space<vmem>>) dst(%dma_wait3A_216 : memref<10112x128xf32, #tpu.memory_space<vmem_shared>>)
        } else {
        }
        %add3A_183 = arith.constant 1 : i32
        %add3A_184 = arith.addi %add3A_144, %add3A_183 : i32
        %dma_wait3A_185 = arith.constant 0 : i32
        %dma_wait3A_186 = arith.constant 0 : i32
        %dma_wait3A_187 = tpu.memref_slice %arg3[%add3A, %add3A_184, %dma_wait3A_185, %dma_wait3A_186] : memref<32x100x2x128xi32, #tpu.memory_space<hbm>> -> memref<1x1x2x128xi32, #tpu.memory_space<hbm>>
        %dma_wait3A_188 = tpu.memref_squeeze %dma_wait3A_187 : memref<1x1x2x128xi32, #tpu.memory_space<hbm>> -> memref<2x128xi32, #tpu.memory_space<hbm>>
        %dma_wait3A_189 = arith.constant 0 : i32
        %dma_wait3A_190 = arith.constant 0 : i32
        %dma_wait3A_191 = tpu.memref_slice %arg3[%add3A, %add3A_184, %dma_wait3A_189, %dma_wait3A_190] : memref<32x100x2x128xi32, #tpu.memory_space<hbm>> -> memref<1x1x2x128xi32, #tpu.memory_space<hbm>>
        %dma_wait3A_192 = tpu.memref_squeeze %dma_wait3A_191 : memref<1x1x2x128xi32, #tpu.memory_space<hbm>> -> memref<2x128xi32, #tpu.memory_space<hbm>>
        tpu.wait_dma2 semaphore(%arg13 : memref<!tpu.dma_semaphore, #tpu.memory_space<semaphore_mem>>) src(%dma_wait3A_192 : memref<2x128xi32, #tpu.memory_space<hbm>>) dst(%arg6 : memref<2x128xi32, #tpu.memory_space<vmem>>)
        %dma_start3A_193 = arith.constant 0 : i32
        %dma_start3A_194 = arith.constant 0 : i32
        %dma_start3A_195 = tpu.memref_slice %arg6[%dma_start3A_193, %dma_start3A_194] : memref<2x128xi32, #tpu.memory_space<vmem>> -> memref<1x128xi32, #tpu.memory_space<vmem>>
        %dma_start3A_196 = tpu.memref_squeeze %dma_start3A_195 : memref<1x128xi32, #tpu.memory_space<vmem>> -> memref<128xi32, #tpu.memory_space<vmem>>
        %dma_start3A_197 = arith.constant 0 : i32
        %dma_start3A_198 = arith.constant 0 : i32
        %dma_start3A_199 = tpu.memref_slice %arg2[%dma_start3A_197, %dma_start3A_198] : memref<10112x128xf32, #tpu.memory_space<hbm>> -> memref<10112x128xf32, #tpu.memory_space<hbm>>
        tpu.enqueue_indirect_dma source(%dma_start3A_199 : memref<10112x128xf32, #tpu.memory_space<hbm>>) target(%arg10 : memref<128x128xf32, #tpu.memory_space<vmem>>) offsets(%dma_start3A_196 : memref<128xi32, #tpu.memory_space<vmem>>) semaphore(%arg15 : memref<!tpu.dma_semaphore, #tpu.memory_space<semaphore_mem>>)
        %add3A_200 = arith.constant 1 : i32
        %add3A_201 = arith.addi %add3A_144, %add3A_200 : i32
        %dma_start3A_202 = arith.constant 0 : i32
        %dma_start3A_203 = arith.constant 0 : i32
        %dma_start3A_204 = tpu.memref_slice %arg3[%add3A, %add3A_201, %dma_start3A_202, %dma_start3A_203] : memref<32x100x2x128xi32, #tpu.memory_space<hbm>> -> memref<1x1x2x128xi32, #tpu.memory_space<hbm>>
        %dma_start3A_205 = tpu.memref_squeeze %dma_start3A_204 : memref<1x1x2x128xi32, #tpu.memory_space<hbm>> -> memref<2x128xi32, #tpu.memory_space<hbm>>
        %dma_start3A_206 = arith.constant 0 : i32
        %dma_start3A_207 = arith.constant 0 : i32
        %dma_start3A_208 = tpu.memref_slice %arg3[%add3A, %add3A_201, %dma_start3A_206, %dma_start3A_207] : memref<32x100x2x128xi32, #tpu.memory_space<hbm>> -> memref<1x1x2x128xi32, #tpu.memory_space<hbm>>
        %dma_start3A_209 = tpu.memref_squeeze %dma_start3A_208 : memref<1x1x2x128xi32, #tpu.memory_space<hbm>> -> memref<2x128xi32, #tpu.memory_space<hbm>>
        tpu.enqueue_dma source(%dma_start3A_209 : memref<2x128xi32, #tpu.memory_space<hbm>>) target(%arg8 : memref<2x128xi32, #tpu.memory_space<vmem>>) target_semaphore(%arg19 : memref<!tpu.dma_semaphore, #tpu.memory_space<semaphore_mem>>)
      } else {
      }
      %dma_wait3A_164 = arith.constant 0 : i32
      %dma_wait3A_165 = arith.constant 0 : i32
      %dma_wait3A_166 = tpu.memref_slice %arg3[%add3A, %add3A_144, %dma_wait3A_164, %dma_wait3A_165] : memref<32x100x2x128xi32, #tpu.memory_space<hbm>> -> memref<1x1x2x128xi32, #tpu.memory_space<hbm>>
      %dma_wait3A_167 = tpu.memref_squeeze %dma_wait3A_166 : memref<1x1x2x128xi32, #tpu.memory_space<hbm>> -> memref<2x128xi32, #tpu.memory_space<hbm>>
      %dma_wait3A_168 = arith.constant 0 : i32
      %dma_wait3A_169 = arith.constant 0 : i32
      %dma_wait3A_170 = tpu.memref_slice %arg3[%add3A, %add3A_144, %dma_wait3A_168, %dma_wait3A_169] : memref<32x100x2x128xi32, #tpu.memory_space<hbm>> -> memref<1x1x2x128xi32, #tpu.memory_space<hbm>>
      %dma_wait3A_171 = tpu.memref_squeeze %dma_wait3A_170 : memref<1x1x2x128xi32, #tpu.memory_space<hbm>> -> memref<2x128xi32, #tpu.memory_space<hbm>>
      tpu.wait_dma2 semaphore(%arg20 : memref<!tpu.dma_semaphore, #tpu.memory_space<semaphore_mem>>) src(%dma_wait3A_171 : memref<2x128xi32, #tpu.memory_space<hbm>>) dst(%arg9 : memref<2x128xi32, #tpu.memory_space<vmem>>)
      %dma_start3A_172 = arith.constant 1 : i32
      %dma_start3A_173 = arith.constant 0 : i32
      %dma_start3A_174 = tpu.memref_slice %arg9[%dma_start3A_172, %dma_start3A_173] : memref<2x128xi32, #tpu.memory_space<vmem>> -> memref<1x128xi32, #tpu.memory_space<vmem>>
      %dma_start3A_175 = tpu.memref_squeeze %dma_start3A_174 : memref<1x128xi32, #tpu.memory_space<vmem>> -> memref<128xi32, #tpu.memory_space<vmem>>
      %dma_start3A_176 = arith.constant 0 : i32
      %dma_start3A_177 = arith.constant 0 : i32
      %dma_start3A_178 = tpu.memref_slice %arg12[%dma_start3A_176, %dma_start3A_177] : memref<10112x128xf32, #tpu.memory_space<vmem_shared>> -> memref<10112x128xf32, #tpu.memory_space<vmem_shared>>
      tpu.enqueue_indirect_dma source(%arg11 : memref<128x128xf32, #tpu.memory_space<vmem>>) target(%dma_start3A_178 : memref<10112x128xf32, #tpu.memory_space<vmem_shared>>) offsets(%dma_start3A_175 : memref<128xi32, #tpu.memory_space<vmem>>) semaphore(%arg18 : memref<!tpu.dma_semaphore, #tpu.memory_space<semaphore_mem>>) {add = true}
    }
    %while3A_72 = arith.constant 1 : i32
    scf.for %while3A_106 = %while3A_70 to %while3A_66 step %while3A_72  : i32 {
      %mul3A_107 = arith.constant 2 : i32
      %mul3A_108 = arith.muli %mul3A_107, %while3A_106 : i32
      %dma_wait3A_109 = arith.constant 0 : i32
      %dma_wait3A_110 = arith.constant 0 : i32
      %dma_wait3A_111 = tpu.memref_slice %arg6[%dma_wait3A_109, %dma_wait3A_110] : memref<2x128xi32, #tpu.memory_space<vmem>> -> memref<1x128xi32, #tpu.memory_space<vmem>>
      %dma_wait3A_112 = tpu.memref_squeeze %dma_wait3A_111 : memref<1x128xi32, #tpu.memory_space<vmem>> -> memref<128xi32, #tpu.memory_space<vmem>>
      %dma_wait3A_113 = arith.constant 0 : i32
      %dma_wait3A_114 = arith.constant 0 : i32
      %dma_wait3A_115 = tpu.memref_slice %arg2[%dma_wait3A_113, %dma_wait3A_114] : memref<10112x128xf32, #tpu.memory_space<hbm>> -> memref<10112x128xf32, #tpu.memory_space<hbm>>
      tpu.wait_indirect_dma semaphore(%arg15 : memref<!tpu.dma_semaphore, #tpu.memory_space<semaphore_mem>>) src(%dma_wait3A_115 : memref<10112x128xf32, #tpu.memory_space<hbm>>) dst(%arg10 : memref<128x128xf32, #tpu.memory_space<vmem>>)
      %add3A_116 = arith.constant 2 : i32
      %add3A_117 = arith.addi %mul3A_108, %add3A_116 : i32
      %lt3A_118 = arith.cmpi slt, %add3A_117, %select_n3A : i32
      %convert_element_type3A_119 = arith.extui %lt3A_118 : i1 to i32
      %cond3A_120 = arith.constant 0 : i32
      %cond3A_121 = arith.cmpi ne, %convert_element_type3A_119, %cond3A_120 : i32
      scf.if %cond3A_121 {
        %add3A_179 = arith.constant 2 : i32
        %add3A_180 = arith.addi %mul3A_108, %add3A_179 : i32
        %dma_start3A_181 = arith.constant 0 : i32
        %dma_start3A_182 = arith.constant 0 : i32
        %dma_start3A_183 = tpu.memref_slice %arg3[%add3A, %add3A_180, %dma_start3A_181, %dma_start3A_182] : memref<32x100x2x128xi32, #tpu.memory_space<hbm>> -> memref<1x1x2x128xi32, #tpu.memory_space<hbm>>
        %dma_start3A_184 = tpu.memref_squeeze %dma_start3A_183 : memref<1x1x2x128xi32, #tpu.memory_space<hbm>> -> memref<2x128xi32, #tpu.memory_space<hbm>>
        %dma_start3A_185 = arith.constant 0 : i32
        %dma_start3A_186 = arith.constant 0 : i32
        %dma_start3A_187 = tpu.memref_slice %arg3[%add3A, %add3A_180, %dma_start3A_185, %dma_start3A_186] : memref<32x100x2x128xi32, #tpu.memory_space<hbm>> -> memref<1x1x2x128xi32, #tpu.memory_space<hbm>>
        %dma_start3A_188 = tpu.memref_squeeze %dma_start3A_187 : memref<1x1x2x128xi32, #tpu.memory_space<hbm>> -> memref<2x128xi32, #tpu.memory_space<hbm>>
        tpu.enqueue_dma source(%dma_start3A_188 : memref<2x128xi32, #tpu.memory_space<hbm>>) target(%arg6 : memref<2x128xi32, #tpu.memory_space<vmem>>) target_semaphore(%arg13 : memref<!tpu.dma_semaphore, #tpu.memory_space<semaphore_mem>>)
      } else {
      }
      %add3A_122 = arith.constant 1 : i32
      %add3A_123 = arith.addi %mul3A_108, %add3A_122 : i32
      %lt3A_124 = arith.cmpi slt, %add3A_123, %select_n3A : i32
      %convert_element_type3A_125 = arith.extui %lt3A_124 : i1 to i32
      %cond3A_126 = arith.constant 0 : i32
      %cond3A_127 = arith.cmpi ne, %convert_element_type3A_125, %cond3A_126 : i32
      scf.if %cond3A_127 {
        %ge3A = arith.constant 1 : i32
        %ge3A_179 = arith.cmpi sge, %mul3A_108, %ge3A : i32
        %convert_element_type3A_180 = arith.extui %ge3A_179 : i1 to i32
        %cond3A_181 = arith.constant 0 : i32
        %cond3A_182 = arith.cmpi ne, %convert_element_type3A_180, %cond3A_181 : i32
        scf.if %cond3A_182 {
          %dma_wait3A_210 = arith.constant 1 : i32
          %dma_wait3A_211 = arith.constant 0 : i32
          %dma_wait3A_212 = tpu.memref_slice %arg9[%dma_wait3A_210, %dma_wait3A_211] : memref<2x128xi32, #tpu.memory_space<vmem>> -> memref<1x128xi32, #tpu.memory_space<vmem>>
          %dma_wait3A_213 = tpu.memref_squeeze %dma_wait3A_212 : memref<1x128xi32, #tpu.memory_space<vmem>> -> memref<128xi32, #tpu.memory_space<vmem>>
          %dma_wait3A_214 = arith.constant 0 : i32
          %dma_wait3A_215 = arith.constant 0 : i32
          %dma_wait3A_216 = tpu.memref_slice %arg12[%dma_wait3A_214, %dma_wait3A_215] : memref<10112x128xf32, #tpu.memory_space<vmem_shared>> -> memref<10112x128xf32, #tpu.memory_space<vmem_shared>>
          tpu.wait_indirect_dma semaphore(%arg18 : memref<!tpu.dma_semaphore, #tpu.memory_space<semaphore_mem>>) src(%arg11 : memref<128x128xf32, #tpu.memory_space<vmem>>) dst(%dma_wait3A_216 : memref<10112x128xf32, #tpu.memory_space<vmem_shared>>)
        } else {
        }
        %add3A_183 = arith.constant 1 : i32
        %add3A_184 = arith.addi %mul3A_108, %add3A_183 : i32
        %dma_wait3A_185 = arith.constant 0 : i32
        %dma_wait3A_186 = arith.constant 0 : i32
        %dma_wait3A_187 = tpu.memref_slice %arg3[%add3A, %add3A_184, %dma_wait3A_185, %dma_wait3A_186] : memref<32x100x2x128xi32, #tpu.memory_space<hbm>> -> memref<1x1x2x128xi32, #tpu.memory_space<hbm>>
        %dma_wait3A_188 = tpu.memref_squeeze %dma_wait3A_187 : memref<1x1x2x128xi32, #tpu.memory_space<hbm>> -> memref<2x128xi32, #tpu.memory_space<hbm>>
        %dma_wait3A_189 = arith.constant 0 : i32
        %dma_wait3A_190 = arith.constant 0 : i32
        %dma_wait3A_191 = tpu.memref_slice %arg3[%add3A, %add3A_184, %dma_wait3A_189, %dma_wait3A_190] : memref<32x100x2x128xi32, #tpu.memory_space<hbm>> -> memref<1x1x2x128xi32, #tpu.memory_space<hbm>>
        %dma_wait3A_192 = tpu.memref_squeeze %dma_wait3A_191 : memref<1x1x2x128xi32, #tpu.memory_space<hbm>> -> memref<2x128xi32, #tpu.memory_space<hbm>>
        tpu.wait_dma2 semaphore(%arg14 : memref<!tpu.dma_semaphore, #tpu.memory_space<semaphore_mem>>) src(%dma_wait3A_192 : memref<2x128xi32, #tpu.memory_space<hbm>>) dst(%arg7 : memref<2x128xi32, #tpu.memory_space<vmem>>)
        %dma_start3A_193 = arith.constant 0 : i32
        %dma_start3A_194 = arith.constant 0 : i32
        %dma_start3A_195 = tpu.memref_slice %arg7[%dma_start3A_193, %dma_start3A_194] : memref<2x128xi32, #tpu.memory_space<vmem>> -> memref<1x128xi32, #tpu.memory_space<vmem>>
        %dma_start3A_196 = tpu.memref_squeeze %dma_start3A_195 : memref<1x128xi32, #tpu.memory_space<vmem>> -> memref<128xi32, #tpu.memory_space<vmem>>
        %dma_start3A_197 = arith.constant 0 : i32
        %dma_start3A_198 = arith.constant 0 : i32
        %dma_start3A_199 = tpu.memref_slice %arg2[%dma_start3A_197, %dma_start3A_198] : memref<10112x128xf32, #tpu.memory_space<hbm>> -> memref<10112x128xf32, #tpu.memory_space<hbm>>
        tpu.enqueue_indirect_dma source(%dma_start3A_199 : memref<10112x128xf32, #tpu.memory_space<hbm>>) target(%arg11 : memref<128x128xf32, #tpu.memory_space<vmem>>) offsets(%dma_start3A_196 : memref<128xi32, #tpu.memory_space<vmem>>) semaphore(%arg16 : memref<!tpu.dma_semaphore, #tpu.memory_space<semaphore_mem>>)
        %add3A_200 = arith.constant 1 : i32
        %add3A_201 = arith.addi %mul3A_108, %add3A_200 : i32
        %dma_start3A_202 = arith.constant 0 : i32
        %dma_start3A_203 = arith.constant 0 : i32
        %dma_start3A_204 = tpu.memref_slice %arg3[%add3A, %add3A_201, %dma_start3A_202, %dma_start3A_203] : memref<32x100x2x128xi32, #tpu.memory_space<hbm>> -> memref<1x1x2x128xi32, #tpu.memory_space<hbm>>
        %dma_start3A_205 = tpu.memref_squeeze %dma_start3A_204 : memref<1x1x2x128xi32, #tpu.memory_space<hbm>> -> memref<2x128xi32, #tpu.memory_space<hbm>>
        %dma_start3A_206 = arith.constant 0 : i32
        %dma_start3A_207 = arith.constant 0 : i32
        %dma_start3A_208 = tpu.memref_slice %arg3[%add3A, %add3A_201, %dma_start3A_206, %dma_start3A_207] : memref<32x100x2x128xi32, #tpu.memory_space<hbm>> -> memref<1x1x2x128xi32, #tpu.memory_space<hbm>>
        %dma_start3A_209 = tpu.memref_squeeze %dma_start3A_208 : memref<1x1x2x128xi32, #tpu.memory_space<hbm>> -> memref<2x128xi32, #tpu.memory_space<hbm>>
        tpu.enqueue_dma source(%dma_start3A_209 : memref<2x128xi32, #tpu.memory_space<hbm>>) target(%arg9 : memref<2x128xi32, #tpu.memory_space<vmem>>) target_semaphore(%arg20 : memref<!tpu.dma_semaphore, #tpu.memory_space<semaphore_mem>>)
      } else {
      }
      %dma_wait3A_128 = arith.constant 0 : i32
      %dma_wait3A_129 = arith.constant 0 : i32
      %dma_wait3A_130 = tpu.memref_slice %arg3[%add3A, %mul3A_108, %dma_wait3A_128, %dma_wait3A_129] : memref<32x100x2x128xi32, #tpu.memory_space<hbm>> -> memref<1x1x2x128xi32, #tpu.memory_space<hbm>>
      %dma_wait3A_131 = tpu.memref_squeeze %dma_wait3A_130 : memref<1x1x2x128xi32, #tpu.memory_space<hbm>> -> memref<2x128xi32, #tpu.memory_space<hbm>>
      %dma_wait3A_132 = arith.constant 0 : i32
      %dma_wait3A_133 = arith.constant 0 : i32
      %dma_wait3A_134 = tpu.memref_slice %arg3[%add3A, %mul3A_108, %dma_wait3A_132, %dma_wait3A_133] : memref<32x100x2x128xi32, #tpu.memory_space<hbm>> -> memref<1x1x2x128xi32, #tpu.memory_space<hbm>>
      %dma_wait3A_135 = tpu.memref_squeeze %dma_wait3A_134 : memref<1x1x2x128xi32, #tpu.memory_space<hbm>> -> memref<2x128xi32, #tpu.memory_space<hbm>>
      tpu.wait_dma2 semaphore(%arg19 : memref<!tpu.dma_semaphore, #tpu.memory_space<semaphore_mem>>) src(%dma_wait3A_135 : memref<2x128xi32, #tpu.memory_space<hbm>>) dst(%arg8 : memref<2x128xi32, #tpu.memory_space<vmem>>)
      %dma_start3A_136 = arith.constant 1 : i32
      %dma_start3A_137 = arith.constant 0 : i32
      %dma_start3A_138 = tpu.memref_slice %arg8[%dma_start3A_136, %dma_start3A_137] : memref<2x128xi32, #tpu.memory_space<vmem>> -> memref<1x128xi32, #tpu.memory_space<vmem>>
      %dma_start3A_139 = tpu.memref_squeeze %dma_start3A_138 : memref<1x128xi32, #tpu.memory_space<vmem>> -> memref<128xi32, #tpu.memory_space<vmem>>
      %dma_start3A_140 = arith.constant 0 : i32
      %dma_start3A_141 = arith.constant 0 : i32
      %dma_start3A_142 = tpu.memref_slice %arg12[%dma_start3A_140, %dma_start3A_141] : memref<10112x128xf32, #tpu.memory_space<vmem_shared>> -> memref<10112x128xf32, #tpu.memory_space<vmem_shared>>
      tpu.enqueue_indirect_dma source(%arg10 : memref<128x128xf32, #tpu.memory_space<vmem>>) target(%dma_start3A_142 : memref<10112x128xf32, #tpu.memory_space<vmem_shared>>) offsets(%dma_start3A_139 : memref<128xi32, #tpu.memory_space<vmem>>) semaphore(%arg17 : memref<!tpu.dma_semaphore, #tpu.memory_space<semaphore_mem>>) {add = true}
      %add3A_143 = arith.constant 1 : i32
      %add3A_144 = arith.addi %mul3A_108, %add3A_143 : i32
      %dma_wait3A_145 = arith.constant 0 : i32
      %dma_wait3A_146 = arith.constant 0 : i32
      %dma_wait3A_147 = tpu.memref_slice %arg7[%dma_wait3A_145, %dma_wait3A_146] : memref<2x128xi32, #tpu.memory_space<vmem>> -> memref<1x128xi32, #tpu.memory_space<vmem>>
      %dma_wait3A_148 = tpu.memref_squeeze %dma_wait3A_147 : memref<1x128xi32, #tpu.memory_space<vmem>> -> memref<128xi32, #tpu.memory_space<vmem>>
      %dma_wait3A_149 = arith.constant 0 : i32
      %dma_wait3A_150 = arith.constant 0 : i32
      %dma_wait3A_151 = tpu.memref_slice %arg2[%dma_wait3A_149, %dma_wait3A_150] : memref<10112x128xf32, #tpu.memory_space<hbm>> -> memref<10112x128xf32, #tpu.memory_space<hbm>>
      tpu.wait_indirect_dma semaphore(%arg16 : memref<!tpu.dma_semaphore, #tpu.memory_space<semaphore_mem>>) src(%dma_wait3A_151 : memref<10112x128xf32, #tpu.memory_space<hbm>>) dst(%arg11 : memref<128x128xf32, #tpu.memory_space<vmem>>)
      %add3A_152 = arith.constant 2 : i32
      %add3A_153 = arith.addi %add3A_144, %add3A_152 : i32
      %lt3A_154 = arith.cmpi slt, %add3A_153, %select_n3A : i32
      %convert_element_type3A_155 = arith.extui %lt3A_154 : i1 to i32
      %cond3A_156 = arith.constant 0 : i32
      %cond3A_157 = arith.cmpi ne, %convert_element_type3A_155, %cond3A_156 : i32
      scf.if %cond3A_157 {
        %add3A_179 = arith.constant 2 : i32
        %add3A_180 = arith.addi %add3A_144, %add3A_179 : i32
        %dma_start3A_181 = arith.constant 0 : i32
        %dma_start3A_182 = arith.constant 0 : i32
        %dma_start3A_183 = tpu.memref_slice %arg3[%add3A, %add3A_180, %dma_start3A_181, %dma_start3A_182] : memref<32x100x2x128xi32, #tpu.memory_space<hbm>> -> memref<1x1x2x128xi32, #tpu.memory_space<hbm>>
        %dma_start3A_184 = tpu.memref_squeeze %dma_start3A_183 : memref<1x1x2x128xi32, #tpu.memory_space<hbm>> -> memref<2x128xi32, #tpu.memory_space<hbm>>
        %dma_start3A_185 = arith.constant 0 : i32
        %dma_start3A_186 = arith.constant 0 : i32
        %dma_start3A_187 = tpu.memref_slice %arg3[%add3A, %add3A_180, %dma_start3A_185, %dma_start3A_186] : memref<32x100x2x128xi32, #tpu.memory_space<hbm>> -> memref<1x1x2x128xi32, #tpu.memory_space<hbm>>
        %dma_start3A_188 = tpu.memref_squeeze %dma_start3A_187 : memref<1x1x2x128xi32, #tpu.memory_space<hbm>> -> memref<2x128xi32, #tpu.memory_space<hbm>>
        tpu.enqueue_dma source(%dma_start3A_188 : memref<2x128xi32, #tpu.memory_space<hbm>>) target(%arg7 : memref<2x128xi32, #tpu.memory_space<vmem>>) target_semaphore(%arg14 : memref<!tpu.dma_semaphore, #tpu.memory_space<semaphore_mem>>)
      } else {
      }
      %add3A_158 = arith.constant 1 : i32
      %add3A_159 = arith.addi %add3A_144, %add3A_158 : i32
      %lt3A_160 = arith.cmpi slt, %add3A_159, %select_n3A : i32
      %convert_element_type3A_161 = arith.extui %lt3A_160 : i1 to i32
      %cond3A_162 = arith.constant 0 : i32
      %cond3A_163 = arith.cmpi ne, %convert_element_type3A_161, %cond3A_162 : i32
      scf.if %cond3A_163 {
        %ge3A = arith.constant 1 : i32
        %ge3A_179 = arith.cmpi sge, %add3A_144, %ge3A : i32
        %convert_element_type3A_180 = arith.extui %ge3A_179 : i1 to i32
        %cond3A_181 = arith.constant 0 : i32
        %cond3A_182 = arith.cmpi ne, %convert_element_type3A_180, %cond3A_181 : i32
        scf.if %cond3A_182 {
          %dma_wait3A_210 = arith.constant 1 : i32
          %dma_wait3A_211 = arith.constant 0 : i32
          %dma_wait3A_212 = tpu.memref_slice %arg8[%dma_wait3A_210, %dma_wait3A_211] : memref<2x128xi32, #tpu.memory_space<vmem>> -> memref<1x128xi32, #tpu.memory_space<vmem>>
          %dma_wait3A_213 = tpu.memref_squeeze %dma_wait3A_212 : memref<1x128xi32, #tpu.memory_space<vmem>> -> memref<128xi32, #tpu.memory_space<vmem>>
          %dma_wait3A_214 = arith.constant 0 : i32
          %dma_wait3A_215 = arith.constant 0 : i32
          %dma_wait3A_216 = tpu.memref_slice %arg12[%dma_wait3A_214, %dma_wait3A_215] : memref<10112x128xf32, #tpu.memory_space<vmem_shared>> -> memref<10112x128xf32, #tpu.memory_space<vmem_shared>>
          tpu.wait_indirect_dma semaphore(%arg17 : memref<!tpu.dma_semaphore, #tpu.memory_space<semaphore_mem>>) src(%arg10 : memref<128x128xf32, #tpu.memory_space<vmem>>) dst(%dma_wait3A_216 : memref<10112x128xf32, #tpu.memory_space<vmem_shared>>)
        } else {
        }
        %add3A_183 = arith.constant 1 : i32
        %add3A_184 = arith.addi %add3A_144, %add3A_183 : i32
        %dma_wait3A_185 = arith.constant 0 : i32
        %dma_wait3A_186 = arith.constant 0 : i32
        %dma_wait3A_187 = tpu.memref_slice %arg3[%add3A, %add3A_184, %dma_wait3A_185, %dma_wait3A_186] : memref<32x100x2x128xi32, #tpu.memory_space<hbm>> -> memref<1x1x2x128xi32, #tpu.memory_space<hbm>>
        %dma_wait3A_188 = tpu.memref_squeeze %dma_wait3A_187 : memref<1x1x2x128xi32, #tpu.memory_space<hbm>> -> memref<2x128xi32, #tpu.memory_space<hbm>>
        %dma_wait3A_189 = arith.constant 0 : i32
        %dma_wait3A_190 = arith.constant 0 : i32
        %dma_wait3A_191 = tpu.memref_slice %arg3[%add3A, %add3A_184, %dma_wait3A_189, %dma_wait3A_190] : memref<32x100x2x128xi32, #tpu.memory_space<hbm>> -> memref<1x1x2x128xi32, #tpu.memory_space<hbm>>
        %dma_wait3A_192 = tpu.memref_squeeze %dma_wait3A_191 : memref<1x1x2x128xi32, #tpu.memory_space<hbm>> -> memref<2x128xi32, #tpu.memory_space<hbm>>
        tpu.wait_dma2 semaphore(%arg13 : memref<!tpu.dma_semaphore, #tpu.memory_space<semaphore_mem>>) src(%dma_wait3A_192 : memref<2x128xi32, #tpu.memory_space<hbm>>) dst(%arg6 : memref<2x128xi32, #tpu.memory_space<vmem>>)
        %dma_start3A_193 = arith.constant 0 : i32
        %dma_start3A_194 = arith.constant 0 : i32
        %dma_start3A_195 = tpu.memref_slice %arg6[%dma_start3A_193, %dma_start3A_194] : memref<2x128xi32, #tpu.memory_space<vmem>> -> memref<1x128xi32, #tpu.memory_space<vmem>>
        %dma_start3A_196 = tpu.memref_squeeze %dma_start3A_195 : memref<1x128xi32, #tpu.memory_space<vmem>> -> memref<128xi32, #tpu.memory_space<vmem>>
        %dma_start3A_197 = arith.constant 0 : i32
        %dma_start3A_198 = arith.constant 0 : i32
        %dma_start3A_199 = tpu.memref_slice %arg2[%dma_start3A_197, %dma_start3A_198] : memref<10112x128xf32, #tpu.memory_space<hbm>> -> memref<10112x128xf32, #tpu.memory_space<hbm>>
        tpu.enqueue_indirect_dma source(%dma_start3A_199 : memref<10112x128xf32, #tpu.memory_space<hbm>>) target(%arg10 : memref<128x128xf32, #tpu.memory_space<vmem>>) offsets(%dma_start3A_196 : memref<128xi32, #tpu.memory_space<vmem>>) semaphore(%arg15 : memref<!tpu.dma_semaphore, #tpu.memory_space<semaphore_mem>>)
        %add3A_200 = arith.constant 1 : i32
        %add3A_201 = arith.addi %add3A_144, %add3A_200 : i32
        %dma_start3A_202 = arith.constant 0 : i32
        %dma_start3A_203 = arith.constant 0 : i32
        %dma_start3A_204 = tpu.memref_slice %arg3[%add3A, %add3A_201, %dma_start3A_202, %dma_start3A_203] : memref<32x100x2x128xi32, #tpu.memory_space<hbm>> -> memref<1x1x2x128xi32, #tpu.memory_space<hbm>>
        %dma_start3A_205 = tpu.memref_squeeze %dma_start3A_204 : memref<1x1x2x128xi32, #tpu.memory_space<hbm>> -> memref<2x128xi32, #tpu.memory_space<hbm>>
        %dma_start3A_206 = arith.constant 0 : i32
        %dma_start3A_207 = arith.constant 0 : i32
        %dma_start3A_208 = tpu.memref_slice %arg3[%add3A, %add3A_201, %dma_start3A_206, %dma_start3A_207] : memref<32x100x2x128xi32, #tpu.memory_space<hbm>> -> memref<1x1x2x128xi32, #tpu.memory_space<hbm>>
        %dma_start3A_209 = tpu.memref_squeeze %dma_start3A_208 : memref<1x1x2x128xi32, #tpu.memory_space<hbm>> -> memref<2x128xi32, #tpu.memory_space<hbm>>
        tpu.enqueue_dma source(%dma_start3A_209 : memref<2x128xi32, #tpu.memory_space<hbm>>) target(%arg8 : memref<2x128xi32, #tpu.memory_space<vmem>>) target_semaphore(%arg19 : memref<!tpu.dma_semaphore, #tpu.memory_space<semaphore_mem>>)
      } else {
      }
      %dma_wait3A_164 = arith.constant 0 : i32
      %dma_wait3A_165 = arith.constant 0 : i32
      %dma_wait3A_166 = tpu.memref_slice %arg3[%add3A, %add3A_144, %dma_wait3A_164, %dma_wait3A_165] : memref<32x100x2x128xi32, #tpu.memory_space<hbm>> -> memref<1x1x2x128xi32, #tpu.memory_space<hbm>>
      %dma_wait3A_167 = tpu.memref_squeeze %dma_wait3A_166 : memref<1x1x2x128xi32, #tpu.memory_space<hbm>> -> memref<2x128xi32, #tpu.memory_space<hbm>>
      %dma_wait3A_168 = arith.constant 0 : i32
      %dma_wait3A_169 = arith.constant 0 : i32
      %dma_wait3A_170 = tpu.memref_slice %arg3[%add3A, %add3A_144, %dma_wait3A_168, %dma_wait3A_169] : memref<32x100x2x128xi32, #tpu.memory_space<hbm>> -> memref<1x1x2x128xi32, #tpu.memory_space<hbm>>
      %dma_wait3A_171 = tpu.memref_squeeze %dma_wait3A_170 : memref<1x1x2x128xi32, #tpu.memory_space<hbm>> -> memref<2x128xi32, #tpu.memory_space<hbm>>
      tpu.wait_dma2 semaphore(%arg20 : memref<!tpu.dma_semaphore, #tpu.memory_space<semaphore_mem>>) src(%dma_wait3A_171 : memref<2x128xi32, #tpu.memory_space<hbm>>) dst(%arg9 : memref<2x128xi32, #tpu.memory_space<vmem>>)
      %dma_start3A_172 = arith.constant 1 : i32
      %dma_start3A_173 = arith.constant 0 : i32
      %dma_start3A_174 = tpu.memref_slice %arg9[%dma_start3A_172, %dma_start3A_173] : memref<2x128xi32, #tpu.memory_space<vmem>> -> memref<1x128xi32, #tpu.memory_space<vmem>>
      %dma_start3A_175 = tpu.memref_squeeze %dma_start3A_174 : memref<1x128xi32, #tpu.memory_space<vmem>> -> memref<128xi32, #tpu.memory_space<vmem>>
      %dma_start3A_176 = arith.constant 0 : i32
      %dma_start3A_177 = arith.constant 0 : i32
      %dma_start3A_178 = tpu.memref_slice %arg12[%dma_start3A_176, %dma_start3A_177] : memref<10112x128xf32, #tpu.memory_space<vmem_shared>> -> memref<10112x128xf32, #tpu.memory_space<vmem_shared>>
      tpu.enqueue_indirect_dma source(%arg11 : memref<128x128xf32, #tpu.memory_space<vmem>>) target(%dma_start3A_178 : memref<10112x128xf32, #tpu.memory_space<vmem_shared>>) offsets(%dma_start3A_175 : memref<128xi32, #tpu.memory_space<vmem>>) semaphore(%arg18 : memref<!tpu.dma_semaphore, #tpu.memory_space<semaphore_mem>>) {add = true}
    }
    %jit3A_73 = arith.constant 2 : i32
    %eq3A_74 = arith.constant 0 : i32
    %eq3A_75 = arith.cmpi eq, %jit3A_73, %eq3A_74 : i32
    %jit3A_76 = arith.constant 1 : i32
    %select_n3A_77 = arith.select %eq3A_75, %jit3A_76, %jit3A_73 : i32
    %rem3A_78 = arith.remsi %select_n3A, %select_n3A_77 : i32
    %ne3A_79 = arith.constant 0 : i32
    %ne3A_80 = arith.cmpi ne, %rem3A_78, %ne3A_79 : i32
    %lt3A = arith.constant 0 : i32
    %lt3A_81 = arith.cmpi slt, %rem3A_78, %lt3A : i32
    %lt3A_82 = arith.constant 0 : i32
    %lt3A_83 = arith.cmpi slt, %select_n3A_77, %lt3A_82 : i32
    %ne3A_84 = arith.xori %lt3A_81, %lt3A_83 : i1
    %and3A_85 = arith.andi %ne3A_84, %ne3A_80 : i1
    %add3A_86 = arith.addi %rem3A_78, %select_n3A_77 : i32
    %select_n3A_87 = arith.select %and3A_85, %add3A_86, %rem3A_78 : i32
    %eq3A_88 = arith.constant 1 : i32
    %eq3A_89 = arith.cmpi eq, %select_n3A_87, %eq3A_88 : i32
    %convert_element_type3A = arith.extui %eq3A_89 : i1 to i32
    %cond3A = arith.constant 0 : i32
    %cond3A_90 = arith.cmpi ne, %convert_element_type3A, %cond3A : i32
    scf.if %cond3A_90 {
      %sub3A_106 = arith.constant 1 : i32
      %sub3A_107 = arith.subi %select_n3A, %sub3A_106 : i32
      %dma_wait3A_108 = arith.constant 0 : i32
      %dma_wait3A_109 = arith.constant 0 : i32
      %dma_wait3A_110 = tpu.memref_slice %arg6[%dma_wait3A_108, %dma_wait3A_109] : memref<2x128xi32, #tpu.memory_space<vmem>> -> memref<1x128xi32, #tpu.memory_space<vmem>>
      %dma_wait3A_111 = tpu.memref_squeeze %dma_wait3A_110 : memref<1x128xi32, #tpu.memory_space<vmem>> -> memref<128xi32, #tpu.memory_space<vmem>>
      %dma_wait3A_112 = arith.constant 0 : i32
      %dma_wait3A_113 = arith.constant 0 : i32
      %dma_wait3A_114 = tpu.memref_slice %arg2[%dma_wait3A_112, %dma_wait3A_113] : memref<10112x128xf32, #tpu.memory_space<hbm>> -> memref<10112x128xf32, #tpu.memory_space<hbm>>
      tpu.wait_indirect_dma semaphore(%arg15 : memref<!tpu.dma_semaphore, #tpu.memory_space<semaphore_mem>>) src(%dma_wait3A_114 : memref<10112x128xf32, #tpu.memory_space<hbm>>) dst(%arg10 : memref<128x128xf32, #tpu.memory_space<vmem>>)
      %add3A_115 = arith.constant 2 : i32
      %add3A_116 = arith.addi %sub3A_107, %add3A_115 : i32
      %lt3A_117 = arith.cmpi slt, %add3A_116, %select_n3A : i32
      %convert_element_type3A_118 = arith.extui %lt3A_117 : i1 to i32
      %cond3A_119 = arith.constant 0 : i32
      %cond3A_120 = arith.cmpi ne, %convert_element_type3A_118, %cond3A_119 : i32
      scf.if %cond3A_120 {
        %add3A_142 = arith.constant 2 : i32
        %add3A_143 = arith.addi %sub3A_107, %add3A_142 : i32
        %dma_start3A_144 = arith.constant 0 : i32
        %dma_start3A_145 = arith.constant 0 : i32
        %dma_start3A_146 = tpu.memref_slice %arg3[%add3A, %add3A_143, %dma_start3A_144, %dma_start3A_145] : memref<32x100x2x128xi32, #tpu.memory_space<hbm>> -> memref<1x1x2x128xi32, #tpu.memory_space<hbm>>
        %dma_start3A_147 = tpu.memref_squeeze %dma_start3A_146 : memref<1x1x2x128xi32, #tpu.memory_space<hbm>> -> memref<2x128xi32, #tpu.memory_space<hbm>>
        %dma_start3A_148 = arith.constant 0 : i32
        %dma_start3A_149 = arith.constant 0 : i32
        %dma_start3A_150 = tpu.memref_slice %arg3[%add3A, %add3A_143, %dma_start3A_148, %dma_start3A_149] : memref<32x100x2x128xi32, #tpu.memory_space<hbm>> -> memref<1x1x2x128xi32, #tpu.memory_space<hbm>>
        %dma_start3A_151 = tpu.memref_squeeze %dma_start3A_150 : memref<1x1x2x128xi32, #tpu.memory_space<hbm>> -> memref<2x128xi32, #tpu.memory_space<hbm>>
        tpu.enqueue_dma source(%dma_start3A_151 : memref<2x128xi32, #tpu.memory_space<hbm>>) target(%arg6 : memref<2x128xi32, #tpu.memory_space<vmem>>) target_semaphore(%arg13 : memref<!tpu.dma_semaphore, #tpu.memory_space<semaphore_mem>>)
      } else {
      }
      %add3A_121 = arith.constant 1 : i32
      %add3A_122 = arith.addi %sub3A_107, %add3A_121 : i32
      %lt3A_123 = arith.cmpi slt, %add3A_122, %select_n3A : i32
      %convert_element_type3A_124 = arith.extui %lt3A_123 : i1 to i32
      %cond3A_125 = arith.constant 0 : i32
      %cond3A_126 = arith.cmpi ne, %convert_element_type3A_124, %cond3A_125 : i32
      scf.if %cond3A_126 {
        %ge3A = arith.constant 1 : i32
        %ge3A_142 = arith.cmpi sge, %sub3A_107, %ge3A : i32
        %convert_element_type3A_143 = arith.extui %ge3A_142 : i1 to i32
        %cond3A_144 = arith.constant 0 : i32
        %cond3A_145 = arith.cmpi ne, %convert_element_type3A_143, %cond3A_144 : i32
        scf.if %cond3A_145 {
          %dma_wait3A_173 = arith.constant 1 : i32
          %dma_wait3A_174 = arith.constant 0 : i32
          %dma_wait3A_175 = tpu.memref_slice %arg9[%dma_wait3A_173, %dma_wait3A_174] : memref<2x128xi32, #tpu.memory_space<vmem>> -> memref<1x128xi32, #tpu.memory_space<vmem>>
          %dma_wait3A_176 = tpu.memref_squeeze %dma_wait3A_175 : memref<1x128xi32, #tpu.memory_space<vmem>> -> memref<128xi32, #tpu.memory_space<vmem>>
          %dma_wait3A_177 = arith.constant 0 : i32
          %dma_wait3A_178 = arith.constant 0 : i32
          %dma_wait3A_179 = tpu.memref_slice %arg12[%dma_wait3A_177, %dma_wait3A_178] : memref<10112x128xf32, #tpu.memory_space<vmem_shared>> -> memref<10112x128xf32, #tpu.memory_space<vmem_shared>>
          tpu.wait_indirect_dma semaphore(%arg18 : memref<!tpu.dma_semaphore, #tpu.memory_space<semaphore_mem>>) src(%arg11 : memref<128x128xf32, #tpu.memory_space<vmem>>) dst(%dma_wait3A_179 : memref<10112x128xf32, #tpu.memory_space<vmem_shared>>)
        } else {
        }
        %add3A_146 = arith.constant 1 : i32
        %add3A_147 = arith.addi %sub3A_107, %add3A_146 : i32
        %dma_wait3A_148 = arith.constant 0 : i32
        %dma_wait3A_149 = arith.constant 0 : i32
        %dma_wait3A_150 = tpu.memref_slice %arg3[%add3A, %add3A_147, %dma_wait3A_148, %dma_wait3A_149] : memref<32x100x2x128xi32, #tpu.memory_space<hbm>> -> memref<1x1x2x128xi32, #tpu.memory_space<hbm>>
        %dma_wait3A_151 = tpu.memref_squeeze %dma_wait3A_150 : memref<1x1x2x128xi32, #tpu.memory_space<hbm>> -> memref<2x128xi32, #tpu.memory_space<hbm>>
        %dma_wait3A_152 = arith.constant 0 : i32
        %dma_wait3A_153 = arith.constant 0 : i32
        %dma_wait3A_154 = tpu.memref_slice %arg3[%add3A, %add3A_147, %dma_wait3A_152, %dma_wait3A_153] : memref<32x100x2x128xi32, #tpu.memory_space<hbm>> -> memref<1x1x2x128xi32, #tpu.memory_space<hbm>>
        %dma_wait3A_155 = tpu.memref_squeeze %dma_wait3A_154 : memref<1x1x2x128xi32, #tpu.memory_space<hbm>> -> memref<2x128xi32, #tpu.memory_space<hbm>>
        tpu.wait_dma2 semaphore(%arg14 : memref<!tpu.dma_semaphore, #tpu.memory_space<semaphore_mem>>) src(%dma_wait3A_155 : memref<2x128xi32, #tpu.memory_space<hbm>>) dst(%arg7 : memref<2x128xi32, #tpu.memory_space<vmem>>)
        %dma_start3A_156 = arith.constant 0 : i32
        %dma_start3A_157 = arith.constant 0 : i32
        %dma_start3A_158 = tpu.memref_slice %arg7[%dma_start3A_156, %dma_start3A_157] : memref<2x128xi32, #tpu.memory_space<vmem>> -> memref<1x128xi32, #tpu.memory_space<vmem>>
        %dma_start3A_159 = tpu.memref_squeeze %dma_start3A_158 : memref<1x128xi32, #tpu.memory_space<vmem>> -> memref<128xi32, #tpu.memory_space<vmem>>
        %dma_start3A_160 = arith.constant 0 : i32
        %dma_start3A_161 = arith.constant 0 : i32
        %dma_start3A_162 = tpu.memref_slice %arg2[%dma_start3A_160, %dma_start3A_161] : memref<10112x128xf32, #tpu.memory_space<hbm>> -> memref<10112x128xf32, #tpu.memory_space<hbm>>
        tpu.enqueue_indirect_dma source(%dma_start3A_162 : memref<10112x128xf32, #tpu.memory_space<hbm>>) target(%arg11 : memref<128x128xf32, #tpu.memory_space<vmem>>) offsets(%dma_start3A_159 : memref<128xi32, #tpu.memory_space<vmem>>) semaphore(%arg16 : memref<!tpu.dma_semaphore, #tpu.memory_space<semaphore_mem>>)
        %add3A_163 = arith.constant 1 : i32
        %add3A_164 = arith.addi %sub3A_107, %add3A_163 : i32
        %dma_start3A_165 = arith.constant 0 : i32
        %dma_start3A_166 = arith.constant 0 : i32
        %dma_start3A_167 = tpu.memref_slice %arg3[%add3A, %add3A_164, %dma_start3A_165, %dma_start3A_166] : memref<32x100x2x128xi32, #tpu.memory_space<hbm>> -> memref<1x1x2x128xi32, #tpu.memory_space<hbm>>
        %dma_start3A_168 = tpu.memref_squeeze %dma_start3A_167 : memref<1x1x2x128xi32, #tpu.memory_space<hbm>> -> memref<2x128xi32, #tpu.memory_space<hbm>>
        %dma_start3A_169 = arith.constant 0 : i32
        %dma_start3A_170 = arith.constant 0 : i32
        %dma_start3A_171 = tpu.memref_slice %arg3[%add3A, %add3A_164, %dma_start3A_169, %dma_start3A_170] : memref<32x100x2x128xi32, #tpu.memory_space<hbm>> -> memref<1x1x2x128xi32, #tpu.memory_space<hbm>>
        %dma_start3A_172 = tpu.memref_squeeze %dma_start3A_171 : memref<1x1x2x128xi32, #tpu.memory_space<hbm>> -> memref<2x128xi32, #tpu.memory_space<hbm>>
        tpu.enqueue_dma source(%dma_start3A_172 : memref<2x128xi32, #tpu.memory_space<hbm>>) target(%arg9 : memref<2x128xi32, #tpu.memory_space<vmem>>) target_semaphore(%arg20 : memref<!tpu.dma_semaphore, #tpu.memory_space<semaphore_mem>>)
      } else {
      }
      %dma_wait3A_127 = arith.constant 0 : i32
      %dma_wait3A_128 = arith.constant 0 : i32
      %dma_wait3A_129 = tpu.memref_slice %arg3[%add3A, %sub3A_107, %dma_wait3A_127, %dma_wait3A_128] : memref<32x100x2x128xi32, #tpu.memory_space<hbm>> -> memref<1x1x2x128xi32, #tpu.memory_space<hbm>>
      %dma_wait3A_130 = tpu.memref_squeeze %dma_wait3A_129 : memref<1x1x2x128xi32, #tpu.memory_space<hbm>> -> memref<2x128xi32, #tpu.memory_space<hbm>>
      %dma_wait3A_131 = arith.constant 0 : i32
      %dma_wait3A_132 = arith.constant 0 : i32
      %dma_wait3A_133 = tpu.memref_slice %arg3[%add3A, %sub3A_107, %dma_wait3A_131, %dma_wait3A_132] : memref<32x100x2x128xi32, #tpu.memory_space<hbm>> -> memref<1x1x2x128xi32, #tpu.memory_space<hbm>>
      %dma_wait3A_134 = tpu.memref_squeeze %dma_wait3A_133 : memref<1x1x2x128xi32, #tpu.memory_space<hbm>> -> memref<2x128xi32, #tpu.memory_space<hbm>>
      tpu.wait_dma2 semaphore(%arg19 : memref<!tpu.dma_semaphore, #tpu.memory_space<semaphore_mem>>) src(%dma_wait3A_134 : memref<2x128xi32, #tpu.memory_space<hbm>>) dst(%arg8 : memref<2x128xi32, #tpu.memory_space<vmem>>)
      %dma_start3A_135 = arith.constant 1 : i32
      %dma_start3A_136 = arith.constant 0 : i32
      %dma_start3A_137 = tpu.memref_slice %arg8[%dma_start3A_135, %dma_start3A_136] : memref<2x128xi32, #tpu.memory_space<vmem>> -> memref<1x128xi32, #tpu.memory_space<vmem>>
      %dma_start3A_138 = tpu.memref_squeeze %dma_start3A_137 : memref<1x128xi32, #tpu.memory_space<vmem>> -> memref<128xi32, #tpu.memory_space<vmem>>
      %dma_start3A_139 = arith.constant 0 : i32
      %dma_start3A_140 = arith.constant 0 : i32
      %dma_start3A_141 = tpu.memref_slice %arg12[%dma_start3A_139, %dma_start3A_140] : memref<10112x128xf32, #tpu.memory_space<vmem_shared>> -> memref<10112x128xf32, #tpu.memory_space<vmem_shared>>
      tpu.enqueue_indirect_dma source(%arg10 : memref<128x128xf32, #tpu.memory_space<vmem>>) target(%dma_start3A_141 : memref<10112x128xf32, #tpu.memory_space<vmem_shared>>) offsets(%dma_start3A_138 : memref<128xi32, #tpu.memory_space<vmem>>) semaphore(%arg17 : memref<!tpu.dma_semaphore, #tpu.memory_space<semaphore_mem>>) {add = true}
    } else {
    }
    %dma_wait3A_91 = arith.constant 1 : i32
    %dma_wait3A_92 = arith.constant 0 : i32
    %dma_wait3A_93 = tpu.memref_slice %arg8[%dma_wait3A_91, %dma_wait3A_92] : memref<2x128xi32, #tpu.memory_space<vmem>> -> memref<1x128xi32, #tpu.memory_space<vmem>>
    %dma_wait3A_94 = tpu.memref_squeeze %dma_wait3A_93 : memref<1x128xi32, #tpu.memory_space<vmem>> -> memref<128xi32, #tpu.memory_space<vmem>>
    %dma_wait3A_95 = arith.constant 0 : i32
    %dma_wait3A_96 = arith.constant 0 : i32
    %dma_wait3A_97 = tpu.memref_slice %arg12[%dma_wait3A_95, %dma_wait3A_96] : memref<10112x128xf32, #tpu.memory_space<vmem_shared>> -> memref<10112x128xf32, #tpu.memory_space<vmem_shared>>
    tpu.wait_indirect_dma semaphore(%arg17 : memref<!tpu.dma_semaphore, #tpu.memory_space<semaphore_mem>>) src(%arg10 : memref<128x128xf32, #tpu.memory_space<vmem>>) dst(%dma_wait3A_97 : memref<10112x128xf32, #tpu.memory_space<vmem_shared>>)
    %dma_wait3A_98 = arith.constant 1 : i32
    %dma_wait3A_99 = arith.constant 0 : i32
    %dma_wait3A_100 = tpu.memref_slice %arg9[%dma_wait3A_98, %dma_wait3A_99] : memref<2x128xi32, #tpu.memory_space<vmem>> -> memref<1x128xi32, #tpu.memory_space<vmem>>
    %dma_wait3A_101 = tpu.memref_squeeze %dma_wait3A_100 : memref<1x128xi32, #tpu.memory_space<vmem>> -> memref<128xi32, #tpu.memory_space<vmem>>
    %dma_wait3A_102 = arith.constant 0 : i32
    %dma_wait3A_103 = arith.constant 0 : i32
    %dma_wait3A_104 = tpu.memref_slice %arg12[%dma_wait3A_102, %dma_wait3A_103] : memref<10112x128xf32, #tpu.memory_space<vmem_shared>> -> memref<10112x128xf32, #tpu.memory_space<vmem_shared>>
    tpu.wait_indirect_dma semaphore(%arg18 : memref<!tpu.dma_semaphore, #tpu.memory_space<semaphore_mem>>) src(%arg11 : memref<128x128xf32, #tpu.memory_space<vmem>>) dst(%dma_wait3A_104 : memref<10112x128xf32, #tpu.memory_space<vmem_shared>>)
    %barrier3A_105 = arith.constant 0 : index
    tpu.barrier barrier_id(%barrier3A_105)
    "tpu.region"() ({
      %run_scoped3A = tpu.sem_alloc : memref<!tpu.dma_semaphore, #tpu.memory_space<semaphore_mem>>
      %dma_start3A_106 = arith.constant 0 : i32
      %dma_start3A_107 = tpu.memref_slice %arg5[%arg0, %mul3A_4, %dma_start3A_106] : memref<2x10112x128xf32, #tpu.memory_space<hbm>> -> memref<1x632x128xf32, #tpu.memory_space<hbm>>
      %dma_start3A_108 = tpu.memref_squeeze %dma_start3A_107 : memref<1x632x128xf32, #tpu.memory_space<hbm>> -> memref<632x128xf32, #tpu.memory_space<hbm>>
      %dma_start3A_109 = arith.constant 0 : i32
      %dma_start3A_110 = tpu.memref_slice %arg12[%mul3A_4, %dma_start3A_109] : memref<10112x128xf32, #tpu.memory_space<vmem_shared>> -> memref<632x128xf32, #tpu.memory_space<vmem_shared>>
      tpu.enqueue_dma source(%dma_start3A_110 : memref<632x128xf32, #tpu.memory_space<vmem_shared>>) target(%dma_start3A_108 : memref<632x128xf32, #tpu.memory_space<hbm>>) target_semaphore(%run_scoped3A : memref<!tpu.dma_semaphore, #tpu.memory_space<semaphore_mem>>)
      %dma_wait3A_111 = arith.constant 0 : i32
      %dma_wait3A_112 = tpu.memref_slice %arg5[%arg0, %mul3A_4, %dma_wait3A_111] : memref<2x10112x128xf32, #tpu.memory_space<hbm>> -> memref<1x632x128xf32, #tpu.memory_space<hbm>>
      %dma_wait3A_113 = tpu.memref_squeeze %dma_wait3A_112 : memref<1x632x128xf32, #tpu.memory_space<hbm>> -> memref<632x128xf32, #tpu.memory_space<hbm>>
      %dma_wait3A_114 = arith.constant 0 : i32
      %dma_wait3A_115 = tpu.memref_slice %arg12[%mul3A_4, %dma_wait3A_114] : memref<10112x128xf32, #tpu.memory_space<vmem_shared>> -> memref<632x128xf32, #tpu.memory_space<vmem_shared>>
      tpu.wait_dma2 semaphore(%run_scoped3A : memref<!tpu.dma_semaphore, #tpu.memory_space<semaphore_mem>>) src(%dma_wait3A_115 : memref<632x128xf32, #tpu.memory_space<vmem_shared>>) dst(%dma_wait3A_113 : memref<632x128xf32, #tpu.memory_space<hbm>>)
      tpu.yield
    }) : () -> ()
    return
  }
}

#map = affine_map<(d0, d1) -> (0, 0)>
#map1 = affine_map<(d0, d1) -> (0, 0, 0, 0)>
#map2 = affine_map<(d0, d1) -> (0, 0, 0)>
module attributes {stable_mosaic.version = 14 : i64} {
  func.func @_agg_sc(%arg0: i32, %arg1: i32, %arg2: memref<10112x128xf32, #tpu.memory_space<hbm>>, %arg3: memref<32x100x2x128xi32, #tpu.memory_space<hbm>>, %arg4: memref<10112x128xf32, #tpu.memory_space<hbm>>, %arg5: memref<2x10112x128xf32, #tpu.memory_space<hbm>>, %arg6: memref<2x128xi32, #tpu.memory_space<vmem>>, %arg7: memref<2x128xi32, #tpu.memory_space<vmem>>, %arg8: memref<2x128xi32, #tpu.memory_space<vmem>>, %arg9: memref<2x128xi32, #tpu.memory_space<vmem>>, %arg10: memref<128x128xf32, #tpu.memory_space<vmem>>, %arg11: memref<128x128xf32, #tpu.memory_space<vmem>>, %arg12: memref<10112x128xf32, #tpu.memory_space<vmem_shared>>, %arg13: memref<!tpu.dma_semaphore, #tpu.memory_space<semaphore_mem>>, %arg14: memref<!tpu.dma_semaphore, #tpu.memory_space<semaphore_mem>>, %arg15: memref<!tpu.dma_semaphore, #tpu.memory_space<semaphore_mem>>, %arg16: memref<!tpu.dma_semaphore, #tpu.memory_space<semaphore_mem>>, %arg17: memref<!tpu.dma_semaphore, #tpu.memory_space<semaphore_mem>>, %arg18: memref<!tpu.dma_semaphore, #tpu.memory_space<semaphore_mem>>, %arg19: memref<!tpu.dma_semaphore, #tpu.memory_space<semaphore_mem>>, %arg20: memref<!tpu.dma_semaphore, #tpu.memory_space<semaphore_mem>>) attributes {dimension_semantics = [#tpu.dimension_semantics<core_parallel>, #tpu.dimension_semantics<subcore_parallel>], iteration_bounds = array<i64: 2, 16>, scalar_prefetch = 0 : i64, scratch_operands = 15 : i64, tpu.core_type = #tpu.core_type<sc_vector_subcore>, window_params = [{transform_indices = #map}, {transform_indices = #map1}, {transform_indices = #map}, {transform_indices = #map2}]} {
    %mul3A = arith.constant 16 : i32
    %mul3A_0 = arith.muli %arg0, %mul3A : i32
    %add3A = arith.addi %mul3A_0, %arg1 : i32
    %eq3A = arith.constant 0 : i32
    %eq3A_1 = arith.cmpi eq, %arg0, %eq3A : i32
    %jit3A = arith.constant 100 : i32
    %jit3A_2 = arith.constant 57 : i32
    %select_n3A = arith.select %eq3A_1, %jit3A, %jit3A_2 : i32
    %mul3A_3 = arith.constant 632 : i32
    %mul3A_4 = arith.muli %arg1, %mul3A_3 : i32
    "tpu.region"() ({
      %run_scoped3A = tpu.sem_alloc : memref<!tpu.dma_semaphore, #tpu.memory_space<semaphore_mem>>
      %dma_start3A_106 = arith.constant 0 : i32
      %dma_start3A_107 = tpu.memref_slice %arg12[%mul3A_4, %dma_start3A_106] : memref<10112x128xf32, #tpu.memory_space<vmem_shared>> -> memref<632x128xf32, #tpu.memory_space<vmem_shared>>
      %dma_start3A_108 = arith.constant 0 : i32
      %dma_start3A_109 = tpu.memref_slice %arg4[%mul3A_4, %dma_start3A_108] : memref<10112x128xf32, #tpu.memory_space<hbm>> -> memref<632x128xf32, #tpu.memory_space<hbm>>
      tpu.enqueue_dma source(%dma_start3A_109 : memref<632x128xf32, #tpu.memory_space<hbm>>) target(%dma_start3A_107 : memref<632x128xf32, #tpu.memory_space<vmem_shared>>) target_semaphore(%run_scoped3A : memref<!tpu.dma_semaphore, #tpu.memory_space<semaphore_mem>>)
      %dma_wait3A_110 = arith.constant 0 : i32
      %dma_wait3A_111 = tpu.memref_slice %arg12[%mul3A_4, %dma_wait3A_110] : memref<10112x128xf32, #tpu.memory_space<vmem_shared>> -> memref<632x128xf32, #tpu.memory_space<vmem_shared>>
      %dma_wait3A_112 = arith.constant 0 : i32
      %dma_wait3A_113 = tpu.memref_slice %arg4[%mul3A_4, %dma_wait3A_112] : memref<10112x128xf32, #tpu.memory_space<hbm>> -> memref<632x128xf32, #tpu.memory_space<hbm>>
      tpu.wait_dma2 semaphore(%run_scoped3A : memref<!tpu.dma_semaphore, #tpu.memory_space<semaphore_mem>>) src(%dma_wait3A_113 : memref<632x128xf32, #tpu.memory_space<hbm>>) dst(%dma_wait3A_111 : memref<632x128xf32, #tpu.memory_space<vmem_shared>>)
      tpu.yield
    }) : () -> ()
    %barrier3A = arith.constant 0 : index
    tpu.barrier barrier_id(%barrier3A)
    %dma_start3A = arith.constant 0 : i32
    %dma_start3A_5 = arith.constant 0 : i32
    %dma_start3A_6 = arith.constant 0 : i32
    %dma_start3A_7 = tpu.memref_slice %arg3[%add3A, %dma_start3A, %dma_start3A_5, %dma_start3A_6] : memref<32x100x2x128xi32, #tpu.memory_space<hbm>> -> memref<1x1x2x128xi32, #tpu.memory_space<hbm>>
    %dma_start3A_8 = tpu.memref_squeeze %dma_start3A_7 : memref<1x1x2x128xi32, #tpu.memory_space<hbm>> -> memref<2x128xi32, #tpu.memory_space<hbm>>
    %dma_start3A_9 = arith.constant 0 : i32
    %dma_start3A_10 = arith.constant 0 : i32
    %dma_start3A_11 = tpu.memref_slice %arg3[%add3A, %dma_start3A, %dma_start3A_9, %dma_start3A_10] : memref<32x100x2x128xi32, #tpu.memory_space<hbm>> -> memref<1x1x2x128xi32, #tpu.memory_space<hbm>>
    %dma_start3A_12 = tpu.memref_squeeze %dma_start3A_11 : memref<1x1x2x128xi32, #tpu.memory_space<hbm>> -> memref<2x128xi32, #tpu.memory_space<hbm>>
    tpu.enqueue_dma source(%dma_start3A_12 : memref<2x128xi32, #tpu.memory_space<hbm>>) target(%arg6 : memref<2x128xi32, #tpu.memory_space<vmem>>) target_semaphore(%arg13 : memref<!tpu.dma_semaphore, #tpu.memory_space<semaphore_mem>>)
    %dma_wait3A = arith.constant 0 : i32
    %dma_wait3A_13 = arith.constant 0 : i32
    %dma_wait3A_14 = arith.constant 0 : i32
    %dma_wait3A_15 = tpu.memref_slice %arg3[%add3A, %dma_wait3A, %dma_wait3A_13, %dma_wait3A_14] : memref<32x100x2x128xi32, #tpu.memory_space<hbm>> -> memref<1x1x2x128xi32, #tpu.memory_space<hbm>>
    %dma_wait3A_16 = tpu.memref_squeeze %dma_wait3A_15 : memref<1x1x2x128xi32, #tpu.memory_space<hbm>> -> memref<2x128xi32, #tpu.memory_space<hbm>>
    %dma_wait3A_17 = arith.constant 0 : i32
    %dma_wait3A_18 = arith.constant 0 : i32
    %dma_wait3A_19 = tpu.memref_slice %arg3[%add3A, %dma_wait3A, %dma_wait3A_17, %dma_wait3A_18] : memref<32x100x2x128xi32, #tpu.memory_space<hbm>> -> memref<1x1x2x128xi32, #tpu.memory_space<hbm>>
    %dma_wait3A_20 = tpu.memref_squeeze %dma_wait3A_19 : memref<1x1x2x128xi32, #tpu.memory_space<hbm>> -> memref<2x128xi32, #tpu.memory_space<hbm>>
    tpu.wait_dma2 semaphore(%arg13 : memref<!tpu.dma_semaphore, #tpu.memory_space<semaphore_mem>>) src(%dma_wait3A_20 : memref<2x128xi32, #tpu.memory_space<hbm>>) dst(%arg6 : memref<2x128xi32, #tpu.memory_space<vmem>>)
    %dma_start3A_21 = arith.constant 0 : i32
    %dma_start3A_22 = arith.constant 0 : i32
    %dma_start3A_23 = tpu.memref_slice %arg6[%dma_start3A_21, %dma_start3A_22] : memref<2x128xi32, #tpu.memory_space<vmem>> -> memref<1x128xi32, #tpu.memory_space<vmem>>
    %dma_start3A_24 = tpu.memref_squeeze %dma_start3A_23 : memref<1x128xi32, #tpu.memory_space<vmem>> -> memref<128xi32, #tpu.memory_space<vmem>>
    %dma_start3A_25 = arith.constant 0 : i32
    %dma_start3A_26 = arith.constant 0 : i32
    %dma_start3A_27 = tpu.memref_slice %arg2[%dma_start3A_25, %dma_start3A_26] : memref<10112x128xf32, #tpu.memory_space<hbm>> -> memref<10112x128xf32, #tpu.memory_space<hbm>>
    tpu.enqueue_indirect_dma source(%dma_start3A_27 : memref<10112x128xf32, #tpu.memory_space<hbm>>) target(%arg10 : memref<128x128xf32, #tpu.memory_space<vmem>>) offsets(%dma_start3A_24 : memref<128xi32, #tpu.memory_space<vmem>>) semaphore(%arg15 : memref<!tpu.dma_semaphore, #tpu.memory_space<semaphore_mem>>)
    %dma_start3A_28 = arith.constant 0 : i32
    %dma_start3A_29 = arith.constant 0 : i32
    %dma_start3A_30 = arith.constant 0 : i32
    %dma_start3A_31 = tpu.memref_slice %arg3[%add3A, %dma_start3A_28, %dma_start3A_29, %dma_start3A_30] : memref<32x100x2x128xi32, #tpu.memory_space<hbm>> -> memref<1x1x2x128xi32, #tpu.memory_space<hbm>>
    %dma_start3A_32 = tpu.memref_squeeze %dma_start3A_31 : memref<1x1x2x128xi32, #tpu.memory_space<hbm>> -> memref<2x128xi32, #tpu.memory_space<hbm>>
    %dma_start3A_33 = arith.constant 0 : i32
    %dma_start3A_34 = arith.constant 0 : i32
    %dma_start3A_35 = tpu.memref_slice %arg3[%add3A, %dma_start3A_28, %dma_start3A_33, %dma_start3A_34] : memref<32x100x2x128xi32, #tpu.memory_space<hbm>> -> memref<1x1x2x128xi32, #tpu.memory_space<hbm>>
    %dma_start3A_36 = tpu.memref_squeeze %dma_start3A_35 : memref<1x1x2x128xi32, #tpu.memory_space<hbm>> -> memref<2x128xi32, #tpu.memory_space<hbm>>
    tpu.enqueue_dma source(%dma_start3A_36 : memref<2x128xi32, #tpu.memory_space<hbm>>) target(%arg8 : memref<2x128xi32, #tpu.memory_space<vmem>>) target_semaphore(%arg19 : memref<!tpu.dma_semaphore, #tpu.memory_space<semaphore_mem>>)
    %dma_start3A_37 = arith.constant 1 : i32
    %dma_start3A_38 = arith.constant 0 : i32
    %dma_start3A_39 = arith.constant 0 : i32
    %dma_start3A_40 = tpu.memref_slice %arg3[%add3A, %dma_start3A_37, %dma_start3A_38, %dma_start3A_39] : memref<32x100x2x128xi32, #tpu.memory_space<hbm>> -> memref<1x1x2x128xi32, #tpu.memory_space<hbm>>
    %dma_start3A_41 = tpu.memref_squeeze %dma_start3A_40 : memref<1x1x2x128xi32, #tpu.memory_space<hbm>> -> memref<2x128xi32, #tpu.memory_space<hbm>>
    %dma_start3A_42 = arith.constant 0 : i32
    %dma_start3A_43 = arith.constant 0 : i32
    %dma_start3A_44 = tpu.memref_slice %arg3[%add3A, %dma_start3A_37, %dma_start3A_42, %dma_start3A_43] : memref<32x100x2x128xi32, #tpu.memory_space<hbm>> -> memref<1x1x2x128xi32, #tpu.memory_space<hbm>>
    %dma_start3A_45 = tpu.memref_squeeze %dma_start3A_44 : memref<1x1x2x128xi32, #tpu.memory_space<hbm>> -> memref<2x128xi32, #tpu.memory_space<hbm>>
    tpu.enqueue_dma source(%dma_start3A_45 : memref<2x128xi32, #tpu.memory_space<hbm>>) target(%arg7 : memref<2x128xi32, #tpu.memory_space<vmem>>) target_semaphore(%arg14 : memref<!tpu.dma_semaphore, #tpu.memory_space<semaphore_mem>>)
    %jit3A_46 = arith.constant 2 : i32
    %div3A = arith.divsi %select_n3A, %jit3A_46 : i32
    %sign3A = arith.constant 0 : i32
    %sign3A_47 = arith.cmpi sgt, %select_n3A, %sign3A : i32
    %sign3A_48 = arith.extui %sign3A_47 : i1 to i32
    %sign3A_49 = arith.constant 0 : i32
    %sign3A_50 = arith.cmpi slt, %select_n3A, %sign3A_49 : i32
    %sign3A_51 = arith.extui %sign3A_50 : i1 to i32
    %sign3A_52 = arith.subi %sign3A_48, %sign3A_51 : i32
    %sign3A_53 = arith.constant 0 : i32
    %sign3A_54 = arith.cmpi sgt, %jit3A_46, %sign3A_53 : i32
    %sign3A_55 = arith.extui %sign3A_54 : i1 to i32
    %sign3A_56 = arith.constant 0 : i32
    %sign3A_57 = arith.cmpi slt, %jit3A_46, %sign3A_56 : i32
    %sign3A_58 = arith.extui %sign3A_57 : i1 to i32
    %sign3A_59 = arith.subi %sign3A_55, %sign3A_58 : i32
    %ne3A = arith.cmpi ne, %sign3A_52, %sign3A_59 : i32
    %rem3A = arith.remsi %select_n3A, %jit3A_46 : i32
    %ne3A_60 = arith.constant 0 : i32
    %ne3A_61 = arith.cmpi ne, %rem3A, %ne3A_60 : i32
    %and3A = arith.andi %ne3A, %ne3A_61 : i1
    %sub3A = arith.constant 1 : i32
    %sub3A_62 = arith.subi %div3A, %sub3A : i32
    %select_n3A_63 = arith.select %and3A, %sub3A_62, %div3A : i32
    %while3A = arith.constant 0 : i32
    %while3A_64 = arith.constant 0 : i32
    %while3A_65 = arith.subi %select_n3A_63, %while3A_64 : i32
    %while3A_66 = arith.addi %while3A_64, %while3A_65 : i32
    %while3A_67 = arith.constant 1 : i32
    %while3A_68 = arith.divsi %while3A_65, %while3A_67 : i32
    %while3A_69 = arith.muli %while3A_68, %while3A_67 : i32
    %while3A_70 = arith.addi %while3A_64, %while3A_69 : i32
    %while3A_71 = arith.constant 1 : i32
    scf.for %while3A_106 = %while3A_64 to %while3A_70 step %while3A_71  : i32 {
      %mul3A_107 = arith.constant 2 : i32
      %mul3A_108 = arith.muli %mul3A_107, %while3A_106 : i32
      %dma_wait3A_109 = arith.constant 0 : i32
      %dma_wait3A_110 = arith.constant 0 : i32
      %dma_wait3A_111 = tpu.memref_slice %arg6[%dma_wait3A_109, %dma_wait3A_110] : memref<2x128xi32, #tpu.memory_space<vmem>> -> memref<1x128xi32, #tpu.memory_space<vmem>>
      %dma_wait3A_112 = tpu.memref_squeeze %dma_wait3A_111 : memref<1x128xi32, #tpu.memory_space<vmem>> -> memref<128xi32, #tpu.memory_space<vmem>>
      %dma_wait3A_113 = arith.constant 0 : i32
      %dma_wait3A_114 = arith.constant 0 : i32
      %dma_wait3A_115 = tpu.memref_slice %arg2[%dma_wait3A_113, %dma_wait3A_114] : memref<10112x128xf32, #tpu.memory_space<hbm>> -> memref<10112x128xf32, #tpu.memory_space<hbm>>
      tpu.wait_indirect_dma semaphore(%arg15 : memref<!tpu.dma_semaphore, #tpu.memory_space<semaphore_mem>>) src(%dma_wait3A_115 : memref<10112x128xf32, #tpu.memory_space<hbm>>) dst(%arg10 : memref<128x128xf32, #tpu.memory_space<vmem>>)
      %add3A_116 = arith.constant 2 : i32
      %add3A_117 = arith.addi %mul3A_108, %add3A_116 : i32
      %lt3A_118 = arith.cmpi slt, %add3A_117, %select_n3A : i32
      %convert_element_type3A_119 = arith.extui %lt3A_118 : i1 to i32
      %cond3A_120 = arith.constant 0 : i32
      %cond3A_121 = arith.cmpi ne, %convert_element_type3A_119, %cond3A_120 : i32
      scf.if %cond3A_121 {
        %add3A_179 = arith.constant 2 : i32
        %add3A_180 = arith.addi %mul3A_108, %add3A_179 : i32
        %dma_start3A_181 = arith.constant 0 : i32
        %dma_start3A_182 = arith.constant 0 : i32
        %dma_start3A_183 = tpu.memref_slice %arg3[%add3A, %add3A_180, %dma_start3A_181, %dma_start3A_182] : memref<32x100x2x128xi32, #tpu.memory_space<hbm>> -> memref<1x1x2x128xi32, #tpu.memory_space<hbm>>
        %dma_start3A_184 = tpu.memref_squeeze %dma_start3A_183 : memref<1x1x2x128xi32, #tpu.memory_space<hbm>> -> memref<2x128xi32, #tpu.memory_space<hbm>>
        %dma_start3A_185 = arith.constant 0 : i32
        %dma_start3A_186 = arith.constant 0 : i32
        %dma_start3A_187 = tpu.memref_slice %arg3[%add3A, %add3A_180, %dma_start3A_185, %dma_start3A_186] : memref<32x100x2x128xi32, #tpu.memory_space<hbm>> -> memref<1x1x2x128xi32, #tpu.memory_space<hbm>>
        %dma_start3A_188 = tpu.memref_squeeze %dma_start3A_187 : memref<1x1x2x128xi32, #tpu.memory_space<hbm>> -> memref<2x128xi32, #tpu.memory_space<hbm>>
        tpu.enqueue_dma source(%dma_start3A_188 : memref<2x128xi32, #tpu.memory_space<hbm>>) target(%arg6 : memref<2x128xi32, #tpu.memory_space<vmem>>) target_semaphore(%arg13 : memref<!tpu.dma_semaphore, #tpu.memory_space<semaphore_mem>>)
      } else {
      }
      %add3A_122 = arith.constant 1 : i32
      %add3A_123 = arith.addi %mul3A_108, %add3A_122 : i32
      %lt3A_124 = arith.cmpi slt, %add3A_123, %select_n3A : i32
      %convert_element_type3A_125 = arith.extui %lt3A_124 : i1 to i32
      %cond3A_126 = arith.constant 0 : i32
      %cond3A_127 = arith.cmpi ne, %convert_element_type3A_125, %cond3A_126 : i32
      scf.if %cond3A_127 {
        %ge3A = arith.constant 1 : i32
        %ge3A_179 = arith.cmpi sge, %mul3A_108, %ge3A : i32
        %convert_element_type3A_180 = arith.extui %ge3A_179 : i1 to i32
        %cond3A_181 = arith.constant 0 : i32
        %cond3A_182 = arith.cmpi ne, %convert_element_type3A_180, %cond3A_181 : i32
        scf.if %cond3A_182 {
          %dma_wait3A_210 = arith.constant 1 : i32
          %dma_wait3A_211 = arith.constant 0 : i32
          %dma_wait3A_212 = tpu.memref_slice %arg9[%dma_wait3A_210, %dma_wait3A_211] : memref<2x128xi32, #tpu.memory_space<vmem>> -> memref<1x128xi32, #tpu.memory_space<vmem>>
          %dma_wait3A_213 = tpu.memref_squeeze %dma_wait3A_212 : memref<1x128xi32, #tpu.memory_space<vmem>> -> memref<128xi32, #tpu.memory_space<vmem>>
          %dma_wait3A_214 = arith.constant 0 : i32
          %dma_wait3A_215 = arith.constant 0 : i32
          %dma_wait3A_216 = tpu.memref_slice %arg12[%dma_wait3A_214, %dma_wait3A_215] : memref<10112x128xf32, #tpu.memory_space<vmem_shared>> -> memref<10112x128xf32, #tpu.memory_space<vmem_shared>>
          tpu.wait_indirect_dma semaphore(%arg18 : memref<!tpu.dma_semaphore, #tpu.memory_space<semaphore_mem>>) src(%arg11 : memref<128x128xf32, #tpu.memory_space<vmem>>) dst(%dma_wait3A_216 : memref<10112x128xf32, #tpu.memory_space<vmem_shared>>)
        } else {
        }
        %add3A_183 = arith.constant 1 : i32
        %add3A_184 = arith.addi %mul3A_108, %add3A_183 : i32
        %dma_wait3A_185 = arith.constant 0 : i32
        %dma_wait3A_186 = arith.constant 0 : i32
        %dma_wait3A_187 = tpu.memref_slice %arg3[%add3A, %add3A_184, %dma_wait3A_185, %dma_wait3A_186] : memref<32x100x2x128xi32, #tpu.memory_space<hbm>> -> memref<1x1x2x128xi32, #tpu.memory_space<hbm>>
        %dma_wait3A_188 = tpu.memref_squeeze %dma_wait3A_187 : memref<1x1x2x128xi32, #tpu.memory_space<hbm>> -> memref<2x128xi32, #tpu.memory_space<hbm>>
        %dma_wait3A_189 = arith.constant 0 : i32
        %dma_wait3A_190 = arith.constant 0 : i32
        %dma_wait3A_191 = tpu.memref_slice %arg3[%add3A, %add3A_184, %dma_wait3A_189, %dma_wait3A_190] : memref<32x100x2x128xi32, #tpu.memory_space<hbm>> -> memref<1x1x2x128xi32, #tpu.memory_space<hbm>>
        %dma_wait3A_192 = tpu.memref_squeeze %dma_wait3A_191 : memref<1x1x2x128xi32, #tpu.memory_space<hbm>> -> memref<2x128xi32, #tpu.memory_space<hbm>>
        tpu.wait_dma2 semaphore(%arg14 : memref<!tpu.dma_semaphore, #tpu.memory_space<semaphore_mem>>) src(%dma_wait3A_192 : memref<2x128xi32, #tpu.memory_space<hbm>>) dst(%arg7 : memref<2x128xi32, #tpu.memory_space<vmem>>)
        %dma_start3A_193 = arith.constant 0 : i32
        %dma_start3A_194 = arith.constant 0 : i32
        %dma_start3A_195 = tpu.memref_slice %arg7[%dma_start3A_193, %dma_start3A_194] : memref<2x128xi32, #tpu.memory_space<vmem>> -> memref<1x128xi32, #tpu.memory_space<vmem>>
        %dma_start3A_196 = tpu.memref_squeeze %dma_start3A_195 : memref<1x128xi32, #tpu.memory_space<vmem>> -> memref<128xi32, #tpu.memory_space<vmem>>
        %dma_start3A_197 = arith.constant 0 : i32
        %dma_start3A_198 = arith.constant 0 : i32
        %dma_start3A_199 = tpu.memref_slice %arg2[%dma_start3A_197, %dma_start3A_198] : memref<10112x128xf32, #tpu.memory_space<hbm>> -> memref<10112x128xf32, #tpu.memory_space<hbm>>
        tpu.enqueue_indirect_dma source(%dma_start3A_199 : memref<10112x128xf32, #tpu.memory_space<hbm>>) target(%arg11 : memref<128x128xf32, #tpu.memory_space<vmem>>) offsets(%dma_start3A_196 : memref<128xi32, #tpu.memory_space<vmem>>) semaphore(%arg16 : memref<!tpu.dma_semaphore, #tpu.memory_space<semaphore_mem>>)
        %add3A_200 = arith.constant 1 : i32
        %add3A_201 = arith.addi %mul3A_108, %add3A_200 : i32
        %dma_start3A_202 = arith.constant 0 : i32
        %dma_start3A_203 = arith.constant 0 : i32
        %dma_start3A_204 = tpu.memref_slice %arg3[%add3A, %add3A_201, %dma_start3A_202, %dma_start3A_203] : memref<32x100x2x128xi32, #tpu.memory_space<hbm>> -> memref<1x1x2x128xi32, #tpu.memory_space<hbm>>
        %dma_start3A_205 = tpu.memref_squeeze %dma_start3A_204 : memref<1x1x2x128xi32, #tpu.memory_space<hbm>> -> memref<2x128xi32, #tpu.memory_space<hbm>>
        %dma_start3A_206 = arith.constant 0 : i32
        %dma_start3A_207 = arith.constant 0 : i32
        %dma_start3A_208 = tpu.memref_slice %arg3[%add3A, %add3A_201, %dma_start3A_206, %dma_start3A_207] : memref<32x100x2x128xi32, #tpu.memory_space<hbm>> -> memref<1x1x2x128xi32, #tpu.memory_space<hbm>>
        %dma_start3A_209 = tpu.memref_squeeze %dma_start3A_208 : memref<1x1x2x128xi32, #tpu.memory_space<hbm>> -> memref<2x128xi32, #tpu.memory_space<hbm>>
        tpu.enqueue_dma source(%dma_start3A_209 : memref<2x128xi32, #tpu.memory_space<hbm>>) target(%arg9 : memref<2x128xi32, #tpu.memory_space<vmem>>) target_semaphore(%arg20 : memref<!tpu.dma_semaphore, #tpu.memory_space<semaphore_mem>>)
      } else {
      }
      %dma_wait3A_128 = arith.constant 0 : i32
      %dma_wait3A_129 = arith.constant 0 : i32
      %dma_wait3A_130 = tpu.memref_slice %arg3[%add3A, %mul3A_108, %dma_wait3A_128, %dma_wait3A_129] : memref<32x100x2x128xi32, #tpu.memory_space<hbm>> -> memref<1x1x2x128xi32, #tpu.memory_space<hbm>>
      %dma_wait3A_131 = tpu.memref_squeeze %dma_wait3A_130 : memref<1x1x2x128xi32, #tpu.memory_space<hbm>> -> memref<2x128xi32, #tpu.memory_space<hbm>>
      %dma_wait3A_132 = arith.constant 0 : i32
      %dma_wait3A_133 = arith.constant 0 : i32
      %dma_wait3A_134 = tpu.memref_slice %arg3[%add3A, %mul3A_108, %dma_wait3A_132, %dma_wait3A_133] : memref<32x100x2x128xi32, #tpu.memory_space<hbm>> -> memref<1x1x2x128xi32, #tpu.memory_space<hbm>>
      %dma_wait3A_135 = tpu.memref_squeeze %dma_wait3A_134 : memref<1x1x2x128xi32, #tpu.memory_space<hbm>> -> memref<2x128xi32, #tpu.memory_space<hbm>>
      tpu.wait_dma2 semaphore(%arg19 : memref<!tpu.dma_semaphore, #tpu.memory_space<semaphore_mem>>) src(%dma_wait3A_135 : memref<2x128xi32, #tpu.memory_space<hbm>>) dst(%arg8 : memref<2x128xi32, #tpu.memory_space<vmem>>)
      %dma_start3A_136 = arith.constant 1 : i32
      %dma_start3A_137 = arith.constant 0 : i32
      %dma_start3A_138 = tpu.memref_slice %arg8[%dma_start3A_136, %dma_start3A_137] : memref<2x128xi32, #tpu.memory_space<vmem>> -> memref<1x128xi32, #tpu.memory_space<vmem>>
      %dma_start3A_139 = tpu.memref_squeeze %dma_start3A_138 : memref<1x128xi32, #tpu.memory_space<vmem>> -> memref<128xi32, #tpu.memory_space<vmem>>
      %dma_start3A_140 = arith.constant 0 : i32
      %dma_start3A_141 = arith.constant 0 : i32
      %dma_start3A_142 = tpu.memref_slice %arg12[%dma_start3A_140, %dma_start3A_141] : memref<10112x128xf32, #tpu.memory_space<vmem_shared>> -> memref<10112x128xf32, #tpu.memory_space<vmem_shared>>
      tpu.enqueue_indirect_dma source(%arg10 : memref<128x128xf32, #tpu.memory_space<vmem>>) target(%dma_start3A_142 : memref<10112x128xf32, #tpu.memory_space<vmem_shared>>) offsets(%dma_start3A_139 : memref<128xi32, #tpu.memory_space<vmem>>) semaphore(%arg17 : memref<!tpu.dma_semaphore, #tpu.memory_space<semaphore_mem>>) {add = true}
      %add3A_143 = arith.constant 1 : i32
      %add3A_144 = arith.addi %mul3A_108, %add3A_143 : i32
      %dma_wait3A_145 = arith.constant 0 : i32
      %dma_wait3A_146 = arith.constant 0 : i32
      %dma_wait3A_147 = tpu.memref_slice %arg7[%dma_wait3A_145, %dma_wait3A_146] : memref<2x128xi32, #tpu.memory_space<vmem>> -> memref<1x128xi32, #tpu.memory_space<vmem>>
      %dma_wait3A_148 = tpu.memref_squeeze %dma_wait3A_147 : memref<1x128xi32, #tpu.memory_space<vmem>> -> memref<128xi32, #tpu.memory_space<vmem>>
      %dma_wait3A_149 = arith.constant 0 : i32
      %dma_wait3A_150 = arith.constant 0 : i32
      %dma_wait3A_151 = tpu.memref_slice %arg2[%dma_wait3A_149, %dma_wait3A_150] : memref<10112x128xf32, #tpu.memory_space<hbm>> -> memref<10112x128xf32, #tpu.memory_space<hbm>>
      tpu.wait_indirect_dma semaphore(%arg16 : memref<!tpu.dma_semaphore, #tpu.memory_space<semaphore_mem>>) src(%dma_wait3A_151 : memref<10112x128xf32, #tpu.memory_space<hbm>>) dst(%arg11 : memref<128x128xf32, #tpu.memory_space<vmem>>)
      %add3A_152 = arith.constant 2 : i32
      %add3A_153 = arith.addi %add3A_144, %add3A_152 : i32
      %lt3A_154 = arith.cmpi slt, %add3A_153, %select_n3A : i32
      %convert_element_type3A_155 = arith.extui %lt3A_154 : i1 to i32
      %cond3A_156 = arith.constant 0 : i32
      %cond3A_157 = arith.cmpi ne, %convert_element_type3A_155, %cond3A_156 : i32
      scf.if %cond3A_157 {
        %add3A_179 = arith.constant 2 : i32
        %add3A_180 = arith.addi %add3A_144, %add3A_179 : i32
        %dma_start3A_181 = arith.constant 0 : i32
        %dma_start3A_182 = arith.constant 0 : i32
        %dma_start3A_183 = tpu.memref_slice %arg3[%add3A, %add3A_180, %dma_start3A_181, %dma_start3A_182] : memref<32x100x2x128xi32, #tpu.memory_space<hbm>> -> memref<1x1x2x128xi32, #tpu.memory_space<hbm>>
        %dma_start3A_184 = tpu.memref_squeeze %dma_start3A_183 : memref<1x1x2x128xi32, #tpu.memory_space<hbm>> -> memref<2x128xi32, #tpu.memory_space<hbm>>
        %dma_start3A_185 = arith.constant 0 : i32
        %dma_start3A_186 = arith.constant 0 : i32
        %dma_start3A_187 = tpu.memref_slice %arg3[%add3A, %add3A_180, %dma_start3A_185, %dma_start3A_186] : memref<32x100x2x128xi32, #tpu.memory_space<hbm>> -> memref<1x1x2x128xi32, #tpu.memory_space<hbm>>
        %dma_start3A_188 = tpu.memref_squeeze %dma_start3A_187 : memref<1x1x2x128xi32, #tpu.memory_space<hbm>> -> memref<2x128xi32, #tpu.memory_space<hbm>>
        tpu.enqueue_dma source(%dma_start3A_188 : memref<2x128xi32, #tpu.memory_space<hbm>>) target(%arg7 : memref<2x128xi32, #tpu.memory_space<vmem>>) target_semaphore(%arg14 : memref<!tpu.dma_semaphore, #tpu.memory_space<semaphore_mem>>)
      } else {
      }
      %add3A_158 = arith.constant 1 : i32
      %add3A_159 = arith.addi %add3A_144, %add3A_158 : i32
      %lt3A_160 = arith.cmpi slt, %add3A_159, %select_n3A : i32
      %convert_element_type3A_161 = arith.extui %lt3A_160 : i1 to i32
      %cond3A_162 = arith.constant 0 : i32
      %cond3A_163 = arith.cmpi ne, %convert_element_type3A_161, %cond3A_162 : i32
      scf.if %cond3A_163 {
        %ge3A = arith.constant 1 : i32
        %ge3A_179 = arith.cmpi sge, %add3A_144, %ge3A : i32
        %convert_element_type3A_180 = arith.extui %ge3A_179 : i1 to i32
        %cond3A_181 = arith.constant 0 : i32
        %cond3A_182 = arith.cmpi ne, %convert_element_type3A_180, %cond3A_181 : i32
        scf.if %cond3A_182 {
          %dma_wait3A_210 = arith.constant 1 : i32
          %dma_wait3A_211 = arith.constant 0 : i32
          %dma_wait3A_212 = tpu.memref_slice %arg8[%dma_wait3A_210, %dma_wait3A_211] : memref<2x128xi32, #tpu.memory_space<vmem>> -> memref<1x128xi32, #tpu.memory_space<vmem>>
          %dma_wait3A_213 = tpu.memref_squeeze %dma_wait3A_212 : memref<1x128xi32, #tpu.memory_space<vmem>> -> memref<128xi32, #tpu.memory_space<vmem>>
          %dma_wait3A_214 = arith.constant 0 : i32
          %dma_wait3A_215 = arith.constant 0 : i32
          %dma_wait3A_216 = tpu.memref_slice %arg12[%dma_wait3A_214, %dma_wait3A_215] : memref<10112x128xf32, #tpu.memory_space<vmem_shared>> -> memref<10112x128xf32, #tpu.memory_space<vmem_shared>>
          tpu.wait_indirect_dma semaphore(%arg17 : memref<!tpu.dma_semaphore, #tpu.memory_space<semaphore_mem>>) src(%arg10 : memref<128x128xf32, #tpu.memory_space<vmem>>) dst(%dma_wait3A_216 : memref<10112x128xf32, #tpu.memory_space<vmem_shared>>)
        } else {
        }
        %add3A_183 = arith.constant 1 : i32
        %add3A_184 = arith.addi %add3A_144, %add3A_183 : i32
        %dma_wait3A_185 = arith.constant 0 : i32
        %dma_wait3A_186 = arith.constant 0 : i32
        %dma_wait3A_187 = tpu.memref_slice %arg3[%add3A, %add3A_184, %dma_wait3A_185, %dma_wait3A_186] : memref<32x100x2x128xi32, #tpu.memory_space<hbm>> -> memref<1x1x2x128xi32, #tpu.memory_space<hbm>>
        %dma_wait3A_188 = tpu.memref_squeeze %dma_wait3A_187 : memref<1x1x2x128xi32, #tpu.memory_space<hbm>> -> memref<2x128xi32, #tpu.memory_space<hbm>>
        %dma_wait3A_189 = arith.constant 0 : i32
        %dma_wait3A_190 = arith.constant 0 : i32
        %dma_wait3A_191 = tpu.memref_slice %arg3[%add3A, %add3A_184, %dma_wait3A_189, %dma_wait3A_190] : memref<32x100x2x128xi32, #tpu.memory_space<hbm>> -> memref<1x1x2x128xi32, #tpu.memory_space<hbm>>
        %dma_wait3A_192 = tpu.memref_squeeze %dma_wait3A_191 : memref<1x1x2x128xi32, #tpu.memory_space<hbm>> -> memref<2x128xi32, #tpu.memory_space<hbm>>
        tpu.wait_dma2 semaphore(%arg13 : memref<!tpu.dma_semaphore, #tpu.memory_space<semaphore_mem>>) src(%dma_wait3A_192 : memref<2x128xi32, #tpu.memory_space<hbm>>) dst(%arg6 : memref<2x128xi32, #tpu.memory_space<vmem>>)
        %dma_start3A_193 = arith.constant 0 : i32
        %dma_start3A_194 = arith.constant 0 : i32
        %dma_start3A_195 = tpu.memref_slice %arg6[%dma_start3A_193, %dma_start3A_194] : memref<2x128xi32, #tpu.memory_space<vmem>> -> memref<1x128xi32, #tpu.memory_space<vmem>>
        %dma_start3A_196 = tpu.memref_squeeze %dma_start3A_195 : memref<1x128xi32, #tpu.memory_space<vmem>> -> memref<128xi32, #tpu.memory_space<vmem>>
        %dma_start3A_197 = arith.constant 0 : i32
        %dma_start3A_198 = arith.constant 0 : i32
        %dma_start3A_199 = tpu.memref_slice %arg2[%dma_start3A_197, %dma_start3A_198] : memref<10112x128xf32, #tpu.memory_space<hbm>> -> memref<10112x128xf32, #tpu.memory_space<hbm>>
        tpu.enqueue_indirect_dma source(%dma_start3A_199 : memref<10112x128xf32, #tpu.memory_space<hbm>>) target(%arg10 : memref<128x128xf32, #tpu.memory_space<vmem>>) offsets(%dma_start3A_196 : memref<128xi32, #tpu.memory_space<vmem>>) semaphore(%arg15 : memref<!tpu.dma_semaphore, #tpu.memory_space<semaphore_mem>>)
        %add3A_200 = arith.constant 1 : i32
        %add3A_201 = arith.addi %add3A_144, %add3A_200 : i32
        %dma_start3A_202 = arith.constant 0 : i32
        %dma_start3A_203 = arith.constant 0 : i32
        %dma_start3A_204 = tpu.memref_slice %arg3[%add3A, %add3A_201, %dma_start3A_202, %dma_start3A_203] : memref<32x100x2x128xi32, #tpu.memory_space<hbm>> -> memref<1x1x2x128xi32, #tpu.memory_space<hbm>>
        %dma_start3A_205 = tpu.memref_squeeze %dma_start3A_204 : memref<1x1x2x128xi32, #tpu.memory_space<hbm>> -> memref<2x128xi32, #tpu.memory_space<hbm>>
        %dma_start3A_206 = arith.constant 0 : i32
        %dma_start3A_207 = arith.constant 0 : i32
        %dma_start3A_208 = tpu.memref_slice %arg3[%add3A, %add3A_201, %dma_start3A_206, %dma_start3A_207] : memref<32x100x2x128xi32, #tpu.memory_space<hbm>> -> memref<1x1x2x128xi32, #tpu.memory_space<hbm>>
        %dma_start3A_209 = tpu.memref_squeeze %dma_start3A_208 : memref<1x1x2x128xi32, #tpu.memory_space<hbm>> -> memref<2x128xi32, #tpu.memory_space<hbm>>
        tpu.enqueue_dma source(%dma_start3A_209 : memref<2x128xi32, #tpu.memory_space<hbm>>) target(%arg8 : memref<2x128xi32, #tpu.memory_space<vmem>>) target_semaphore(%arg19 : memref<!tpu.dma_semaphore, #tpu.memory_space<semaphore_mem>>)
      } else {
      }
      %dma_wait3A_164 = arith.constant 0 : i32
      %dma_wait3A_165 = arith.constant 0 : i32
      %dma_wait3A_166 = tpu.memref_slice %arg3[%add3A, %add3A_144, %dma_wait3A_164, %dma_wait3A_165] : memref<32x100x2x128xi32, #tpu.memory_space<hbm>> -> memref<1x1x2x128xi32, #tpu.memory_space<hbm>>
      %dma_wait3A_167 = tpu.memref_squeeze %dma_wait3A_166 : memref<1x1x2x128xi32, #tpu.memory_space<hbm>> -> memref<2x128xi32, #tpu.memory_space<hbm>>
      %dma_wait3A_168 = arith.constant 0 : i32
      %dma_wait3A_169 = arith.constant 0 : i32
      %dma_wait3A_170 = tpu.memref_slice %arg3[%add3A, %add3A_144, %dma_wait3A_168, %dma_wait3A_169] : memref<32x100x2x128xi32, #tpu.memory_space<hbm>> -> memref<1x1x2x128xi32, #tpu.memory_space<hbm>>
      %dma_wait3A_171 = tpu.memref_squeeze %dma_wait3A_170 : memref<1x1x2x128xi32, #tpu.memory_space<hbm>> -> memref<2x128xi32, #tpu.memory_space<hbm>>
      tpu.wait_dma2 semaphore(%arg20 : memref<!tpu.dma_semaphore, #tpu.memory_space<semaphore_mem>>) src(%dma_wait3A_171 : memref<2x128xi32, #tpu.memory_space<hbm>>) dst(%arg9 : memref<2x128xi32, #tpu.memory_space<vmem>>)
      %dma_start3A_172 = arith.constant 1 : i32
      %dma_start3A_173 = arith.constant 0 : i32
      %dma_start3A_174 = tpu.memref_slice %arg9[%dma_start3A_172, %dma_start3A_173] : memref<2x128xi32, #tpu.memory_space<vmem>> -> memref<1x128xi32, #tpu.memory_space<vmem>>
      %dma_start3A_175 = tpu.memref_squeeze %dma_start3A_174 : memref<1x128xi32, #tpu.memory_space<vmem>> -> memref<128xi32, #tpu.memory_space<vmem>>
      %dma_start3A_176 = arith.constant 0 : i32
      %dma_start3A_177 = arith.constant 0 : i32
      %dma_start3A_178 = tpu.memref_slice %arg12[%dma_start3A_176, %dma_start3A_177] : memref<10112x128xf32, #tpu.memory_space<vmem_shared>> -> memref<10112x128xf32, #tpu.memory_space<vmem_shared>>
      tpu.enqueue_indirect_dma source(%arg11 : memref<128x128xf32, #tpu.memory_space<vmem>>) target(%dma_start3A_178 : memref<10112x128xf32, #tpu.memory_space<vmem_shared>>) offsets(%dma_start3A_175 : memref<128xi32, #tpu.memory_space<vmem>>) semaphore(%arg18 : memref<!tpu.dma_semaphore, #tpu.memory_space<semaphore_mem>>) {add = true}
    }
    %while3A_72 = arith.constant 1 : i32
    scf.for %while3A_106 = %while3A_70 to %while3A_66 step %while3A_72  : i32 {
      %mul3A_107 = arith.constant 2 : i32
      %mul3A_108 = arith.muli %mul3A_107, %while3A_106 : i32
      %dma_wait3A_109 = arith.constant 0 : i32
      %dma_wait3A_110 = arith.constant 0 : i32
      %dma_wait3A_111 = tpu.memref_slice %arg6[%dma_wait3A_109, %dma_wait3A_110] : memref<2x128xi32, #tpu.memory_space<vmem>> -> memref<1x128xi32, #tpu.memory_space<vmem>>
      %dma_wait3A_112 = tpu.memref_squeeze %dma_wait3A_111 : memref<1x128xi32, #tpu.memory_space<vmem>> -> memref<128xi32, #tpu.memory_space<vmem>>
      %dma_wait3A_113 = arith.constant 0 : i32
      %dma_wait3A_114 = arith.constant 0 : i32
      %dma_wait3A_115 = tpu.memref_slice %arg2[%dma_wait3A_113, %dma_wait3A_114] : memref<10112x128xf32, #tpu.memory_space<hbm>> -> memref<10112x128xf32, #tpu.memory_space<hbm>>
      tpu.wait_indirect_dma semaphore(%arg15 : memref<!tpu.dma_semaphore, #tpu.memory_space<semaphore_mem>>) src(%dma_wait3A_115 : memref<10112x128xf32, #tpu.memory_space<hbm>>) dst(%arg10 : memref<128x128xf32, #tpu.memory_space<vmem>>)
      %add3A_116 = arith.constant 2 : i32
      %add3A_117 = arith.addi %mul3A_108, %add3A_116 : i32
      %lt3A_118 = arith.cmpi slt, %add3A_117, %select_n3A : i32
      %convert_element_type3A_119 = arith.extui %lt3A_118 : i1 to i32
      %cond3A_120 = arith.constant 0 : i32
      %cond3A_121 = arith.cmpi ne, %convert_element_type3A_119, %cond3A_120 : i32
      scf.if %cond3A_121 {
        %add3A_179 = arith.constant 2 : i32
        %add3A_180 = arith.addi %mul3A_108, %add3A_179 : i32
        %dma_start3A_181 = arith.constant 0 : i32
        %dma_start3A_182 = arith.constant 0 : i32
        %dma_start3A_183 = tpu.memref_slice %arg3[%add3A, %add3A_180, %dma_start3A_181, %dma_start3A_182] : memref<32x100x2x128xi32, #tpu.memory_space<hbm>> -> memref<1x1x2x128xi32, #tpu.memory_space<hbm>>
        %dma_start3A_184 = tpu.memref_squeeze %dma_start3A_183 : memref<1x1x2x128xi32, #tpu.memory_space<hbm>> -> memref<2x128xi32, #tpu.memory_space<hbm>>
        %dma_start3A_185 = arith.constant 0 : i32
        %dma_start3A_186 = arith.constant 0 : i32
        %dma_start3A_187 = tpu.memref_slice %arg3[%add3A, %add3A_180, %dma_start3A_185, %dma_start3A_186] : memref<32x100x2x128xi32, #tpu.memory_space<hbm>> -> memref<1x1x2x128xi32, #tpu.memory_space<hbm>>
        %dma_start3A_188 = tpu.memref_squeeze %dma_start3A_187 : memref<1x1x2x128xi32, #tpu.memory_space<hbm>> -> memref<2x128xi32, #tpu.memory_space<hbm>>
        tpu.enqueue_dma source(%dma_start3A_188 : memref<2x128xi32, #tpu.memory_space<hbm>>) target(%arg6 : memref<2x128xi32, #tpu.memory_space<vmem>>) target_semaphore(%arg13 : memref<!tpu.dma_semaphore, #tpu.memory_space<semaphore_mem>>)
      } else {
      }
      %add3A_122 = arith.constant 1 : i32
      %add3A_123 = arith.addi %mul3A_108, %add3A_122 : i32
      %lt3A_124 = arith.cmpi slt, %add3A_123, %select_n3A : i32
      %convert_element_type3A_125 = arith.extui %lt3A_124 : i1 to i32
      %cond3A_126 = arith.constant 0 : i32
      %cond3A_127 = arith.cmpi ne, %convert_element_type3A_125, %cond3A_126 : i32
      scf.if %cond3A_127 {
        %ge3A = arith.constant 1 : i32
        %ge3A_179 = arith.cmpi sge, %mul3A_108, %ge3A : i32
        %convert_element_type3A_180 = arith.extui %ge3A_179 : i1 to i32
        %cond3A_181 = arith.constant 0 : i32
        %cond3A_182 = arith.cmpi ne, %convert_element_type3A_180, %cond3A_181 : i32
        scf.if %cond3A_182 {
          %dma_wait3A_210 = arith.constant 1 : i32
          %dma_wait3A_211 = arith.constant 0 : i32
          %dma_wait3A_212 = tpu.memref_slice %arg9[%dma_wait3A_210, %dma_wait3A_211] : memref<2x128xi32, #tpu.memory_space<vmem>> -> memref<1x128xi32, #tpu.memory_space<vmem>>
          %dma_wait3A_213 = tpu.memref_squeeze %dma_wait3A_212 : memref<1x128xi32, #tpu.memory_space<vmem>> -> memref<128xi32, #tpu.memory_space<vmem>>
          %dma_wait3A_214 = arith.constant 0 : i32
          %dma_wait3A_215 = arith.constant 0 : i32
          %dma_wait3A_216 = tpu.memref_slice %arg12[%dma_wait3A_214, %dma_wait3A_215] : memref<10112x128xf32, #tpu.memory_space<vmem_shared>> -> memref<10112x128xf32, #tpu.memory_space<vmem_shared>>
          tpu.wait_indirect_dma semaphore(%arg18 : memref<!tpu.dma_semaphore, #tpu.memory_space<semaphore_mem>>) src(%arg11 : memref<128x128xf32, #tpu.memory_space<vmem>>) dst(%dma_wait3A_216 : memref<10112x128xf32, #tpu.memory_space<vmem_shared>>)
        } else {
        }
        %add3A_183 = arith.constant 1 : i32
        %add3A_184 = arith.addi %mul3A_108, %add3A_183 : i32
        %dma_wait3A_185 = arith.constant 0 : i32
        %dma_wait3A_186 = arith.constant 0 : i32
        %dma_wait3A_187 = tpu.memref_slice %arg3[%add3A, %add3A_184, %dma_wait3A_185, %dma_wait3A_186] : memref<32x100x2x128xi32, #tpu.memory_space<hbm>> -> memref<1x1x2x128xi32, #tpu.memory_space<hbm>>
        %dma_wait3A_188 = tpu.memref_squeeze %dma_wait3A_187 : memref<1x1x2x128xi32, #tpu.memory_space<hbm>> -> memref<2x128xi32, #tpu.memory_space<hbm>>
        %dma_wait3A_189 = arith.constant 0 : i32
        %dma_wait3A_190 = arith.constant 0 : i32
        %dma_wait3A_191 = tpu.memref_slice %arg3[%add3A, %add3A_184, %dma_wait3A_189, %dma_wait3A_190] : memref<32x100x2x128xi32, #tpu.memory_space<hbm>> -> memref<1x1x2x128xi32, #tpu.memory_space<hbm>>
        %dma_wait3A_192 = tpu.memref_squeeze %dma_wait3A_191 : memref<1x1x2x128xi32, #tpu.memory_space<hbm>> -> memref<2x128xi32, #tpu.memory_space<hbm>>
        tpu.wait_dma2 semaphore(%arg14 : memref<!tpu.dma_semaphore, #tpu.memory_space<semaphore_mem>>) src(%dma_wait3A_192 : memref<2x128xi32, #tpu.memory_space<hbm>>) dst(%arg7 : memref<2x128xi32, #tpu.memory_space<vmem>>)
        %dma_start3A_193 = arith.constant 0 : i32
        %dma_start3A_194 = arith.constant 0 : i32
        %dma_start3A_195 = tpu.memref_slice %arg7[%dma_start3A_193, %dma_start3A_194] : memref<2x128xi32, #tpu.memory_space<vmem>> -> memref<1x128xi32, #tpu.memory_space<vmem>>
        %dma_start3A_196 = tpu.memref_squeeze %dma_start3A_195 : memref<1x128xi32, #tpu.memory_space<vmem>> -> memref<128xi32, #tpu.memory_space<vmem>>
        %dma_start3A_197 = arith.constant 0 : i32
        %dma_start3A_198 = arith.constant 0 : i32
        %dma_start3A_199 = tpu.memref_slice %arg2[%dma_start3A_197, %dma_start3A_198] : memref<10112x128xf32, #tpu.memory_space<hbm>> -> memref<10112x128xf32, #tpu.memory_space<hbm>>
        tpu.enqueue_indirect_dma source(%dma_start3A_199 : memref<10112x128xf32, #tpu.memory_space<hbm>>) target(%arg11 : memref<128x128xf32, #tpu.memory_space<vmem>>) offsets(%dma_start3A_196 : memref<128xi32, #tpu.memory_space<vmem>>) semaphore(%arg16 : memref<!tpu.dma_semaphore, #tpu.memory_space<semaphore_mem>>)
        %add3A_200 = arith.constant 1 : i32
        %add3A_201 = arith.addi %mul3A_108, %add3A_200 : i32
        %dma_start3A_202 = arith.constant 0 : i32
        %dma_start3A_203 = arith.constant 0 : i32
        %dma_start3A_204 = tpu.memref_slice %arg3[%add3A, %add3A_201, %dma_start3A_202, %dma_start3A_203] : memref<32x100x2x128xi32, #tpu.memory_space<hbm>> -> memref<1x1x2x128xi32, #tpu.memory_space<hbm>>
        %dma_start3A_205 = tpu.memref_squeeze %dma_start3A_204 : memref<1x1x2x128xi32, #tpu.memory_space<hbm>> -> memref<2x128xi32, #tpu.memory_space<hbm>>
        %dma_start3A_206 = arith.constant 0 : i32
        %dma_start3A_207 = arith.constant 0 : i32
        %dma_start3A_208 = tpu.memref_slice %arg3[%add3A, %add3A_201, %dma_start3A_206, %dma_start3A_207] : memref<32x100x2x128xi32, #tpu.memory_space<hbm>> -> memref<1x1x2x128xi32, #tpu.memory_space<hbm>>
        %dma_start3A_209 = tpu.memref_squeeze %dma_start3A_208 : memref<1x1x2x128xi32, #tpu.memory_space<hbm>> -> memref<2x128xi32, #tpu.memory_space<hbm>>
        tpu.enqueue_dma source(%dma_start3A_209 : memref<2x128xi32, #tpu.memory_space<hbm>>) target(%arg9 : memref<2x128xi32, #tpu.memory_space<vmem>>) target_semaphore(%arg20 : memref<!tpu.dma_semaphore, #tpu.memory_space<semaphore_mem>>)
      } else {
      }
      %dma_wait3A_128 = arith.constant 0 : i32
      %dma_wait3A_129 = arith.constant 0 : i32
      %dma_wait3A_130 = tpu.memref_slice %arg3[%add3A, %mul3A_108, %dma_wait3A_128, %dma_wait3A_129] : memref<32x100x2x128xi32, #tpu.memory_space<hbm>> -> memref<1x1x2x128xi32, #tpu.memory_space<hbm>>
      %dma_wait3A_131 = tpu.memref_squeeze %dma_wait3A_130 : memref<1x1x2x128xi32, #tpu.memory_space<hbm>> -> memref<2x128xi32, #tpu.memory_space<hbm>>
      %dma_wait3A_132 = arith.constant 0 : i32
      %dma_wait3A_133 = arith.constant 0 : i32
      %dma_wait3A_134 = tpu.memref_slice %arg3[%add3A, %mul3A_108, %dma_wait3A_132, %dma_wait3A_133] : memref<32x100x2x128xi32, #tpu.memory_space<hbm>> -> memref<1x1x2x128xi32, #tpu.memory_space<hbm>>
      %dma_wait3A_135 = tpu.memref_squeeze %dma_wait3A_134 : memref<1x1x2x128xi32, #tpu.memory_space<hbm>> -> memref<2x128xi32, #tpu.memory_space<hbm>>
      tpu.wait_dma2 semaphore(%arg19 : memref<!tpu.dma_semaphore, #tpu.memory_space<semaphore_mem>>) src(%dma_wait3A_135 : memref<2x128xi32, #tpu.memory_space<hbm>>) dst(%arg8 : memref<2x128xi32, #tpu.memory_space<vmem>>)
      %dma_start3A_136 = arith.constant 1 : i32
      %dma_start3A_137 = arith.constant 0 : i32
      %dma_start3A_138 = tpu.memref_slice %arg8[%dma_start3A_136, %dma_start3A_137] : memref<2x128xi32, #tpu.memory_space<vmem>> -> memref<1x128xi32, #tpu.memory_space<vmem>>
      %dma_start3A_139 = tpu.memref_squeeze %dma_start3A_138 : memref<1x128xi32, #tpu.memory_space<vmem>> -> memref<128xi32, #tpu.memory_space<vmem>>
      %dma_start3A_140 = arith.constant 0 : i32
      %dma_start3A_141 = arith.constant 0 : i32
      %dma_start3A_142 = tpu.memref_slice %arg12[%dma_start3A_140, %dma_start3A_141] : memref<10112x128xf32, #tpu.memory_space<vmem_shared>> -> memref<10112x128xf32, #tpu.memory_space<vmem_shared>>
      tpu.enqueue_indirect_dma source(%arg10 : memref<128x128xf32, #tpu.memory_space<vmem>>) target(%dma_start3A_142 : memref<10112x128xf32, #tpu.memory_space<vmem_shared>>) offsets(%dma_start3A_139 : memref<128xi32, #tpu.memory_space<vmem>>) semaphore(%arg17 : memref<!tpu.dma_semaphore, #tpu.memory_space<semaphore_mem>>) {add = true}
      %add3A_143 = arith.constant 1 : i32
      %add3A_144 = arith.addi %mul3A_108, %add3A_143 : i32
      %dma_wait3A_145 = arith.constant 0 : i32
      %dma_wait3A_146 = arith.constant 0 : i32
      %dma_wait3A_147 = tpu.memref_slice %arg7[%dma_wait3A_145, %dma_wait3A_146] : memref<2x128xi32, #tpu.memory_space<vmem>> -> memref<1x128xi32, #tpu.memory_space<vmem>>
      %dma_wait3A_148 = tpu.memref_squeeze %dma_wait3A_147 : memref<1x128xi32, #tpu.memory_space<vmem>> -> memref<128xi32, #tpu.memory_space<vmem>>
      %dma_wait3A_149 = arith.constant 0 : i32
      %dma_wait3A_150 = arith.constant 0 : i32
      %dma_wait3A_151 = tpu.memref_slice %arg2[%dma_wait3A_149, %dma_wait3A_150] : memref<10112x128xf32, #tpu.memory_space<hbm>> -> memref<10112x128xf32, #tpu.memory_space<hbm>>
      tpu.wait_indirect_dma semaphore(%arg16 : memref<!tpu.dma_semaphore, #tpu.memory_space<semaphore_mem>>) src(%dma_wait3A_151 : memref<10112x128xf32, #tpu.memory_space<hbm>>) dst(%arg11 : memref<128x128xf32, #tpu.memory_space<vmem>>)
      %add3A_152 = arith.constant 2 : i32
      %add3A_153 = arith.addi %add3A_144, %add3A_152 : i32
      %lt3A_154 = arith.cmpi slt, %add3A_153, %select_n3A : i32
      %convert_element_type3A_155 = arith.extui %lt3A_154 : i1 to i32
      %cond3A_156 = arith.constant 0 : i32
      %cond3A_157 = arith.cmpi ne, %convert_element_type3A_155, %cond3A_156 : i32
      scf.if %cond3A_157 {
        %add3A_179 = arith.constant 2 : i32
        %add3A_180 = arith.addi %add3A_144, %add3A_179 : i32
        %dma_start3A_181 = arith.constant 0 : i32
        %dma_start3A_182 = arith.constant 0 : i32
        %dma_start3A_183 = tpu.memref_slice %arg3[%add3A, %add3A_180, %dma_start3A_181, %dma_start3A_182] : memref<32x100x2x128xi32, #tpu.memory_space<hbm>> -> memref<1x1x2x128xi32, #tpu.memory_space<hbm>>
        %dma_start3A_184 = tpu.memref_squeeze %dma_start3A_183 : memref<1x1x2x128xi32, #tpu.memory_space<hbm>> -> memref<2x128xi32, #tpu.memory_space<hbm>>
        %dma_start3A_185 = arith.constant 0 : i32
        %dma_start3A_186 = arith.constant 0 : i32
        %dma_start3A_187 = tpu.memref_slice %arg3[%add3A, %add3A_180, %dma_start3A_185, %dma_start3A_186] : memref<32x100x2x128xi32, #tpu.memory_space<hbm>> -> memref<1x1x2x128xi32, #tpu.memory_space<hbm>>
        %dma_start3A_188 = tpu.memref_squeeze %dma_start3A_187 : memref<1x1x2x128xi32, #tpu.memory_space<hbm>> -> memref<2x128xi32, #tpu.memory_space<hbm>>
        tpu.enqueue_dma source(%dma_start3A_188 : memref<2x128xi32, #tpu.memory_space<hbm>>) target(%arg7 : memref<2x128xi32, #tpu.memory_space<vmem>>) target_semaphore(%arg14 : memref<!tpu.dma_semaphore, #tpu.memory_space<semaphore_mem>>)
      } else {
      }
      %add3A_158 = arith.constant 1 : i32
      %add3A_159 = arith.addi %add3A_144, %add3A_158 : i32
      %lt3A_160 = arith.cmpi slt, %add3A_159, %select_n3A : i32
      %convert_element_type3A_161 = arith.extui %lt3A_160 : i1 to i32
      %cond3A_162 = arith.constant 0 : i32
      %cond3A_163 = arith.cmpi ne, %convert_element_type3A_161, %cond3A_162 : i32
      scf.if %cond3A_163 {
        %ge3A = arith.constant 1 : i32
        %ge3A_179 = arith.cmpi sge, %add3A_144, %ge3A : i32
        %convert_element_type3A_180 = arith.extui %ge3A_179 : i1 to i32
        %cond3A_181 = arith.constant 0 : i32
        %cond3A_182 = arith.cmpi ne, %convert_element_type3A_180, %cond3A_181 : i32
        scf.if %cond3A_182 {
          %dma_wait3A_210 = arith.constant 1 : i32
          %dma_wait3A_211 = arith.constant 0 : i32
          %dma_wait3A_212 = tpu.memref_slice %arg8[%dma_wait3A_210, %dma_wait3A_211] : memref<2x128xi32, #tpu.memory_space<vmem>> -> memref<1x128xi32, #tpu.memory_space<vmem>>
          %dma_wait3A_213 = tpu.memref_squeeze %dma_wait3A_212 : memref<1x128xi32, #tpu.memory_space<vmem>> -> memref<128xi32, #tpu.memory_space<vmem>>
          %dma_wait3A_214 = arith.constant 0 : i32
          %dma_wait3A_215 = arith.constant 0 : i32
          %dma_wait3A_216 = tpu.memref_slice %arg12[%dma_wait3A_214, %dma_wait3A_215] : memref<10112x128xf32, #tpu.memory_space<vmem_shared>> -> memref<10112x128xf32, #tpu.memory_space<vmem_shared>>
          tpu.wait_indirect_dma semaphore(%arg17 : memref<!tpu.dma_semaphore, #tpu.memory_space<semaphore_mem>>) src(%arg10 : memref<128x128xf32, #tpu.memory_space<vmem>>) dst(%dma_wait3A_216 : memref<10112x128xf32, #tpu.memory_space<vmem_shared>>)
        } else {
        }
        %add3A_183 = arith.constant 1 : i32
        %add3A_184 = arith.addi %add3A_144, %add3A_183 : i32
        %dma_wait3A_185 = arith.constant 0 : i32
        %dma_wait3A_186 = arith.constant 0 : i32
        %dma_wait3A_187 = tpu.memref_slice %arg3[%add3A, %add3A_184, %dma_wait3A_185, %dma_wait3A_186] : memref<32x100x2x128xi32, #tpu.memory_space<hbm>> -> memref<1x1x2x128xi32, #tpu.memory_space<hbm>>
        %dma_wait3A_188 = tpu.memref_squeeze %dma_wait3A_187 : memref<1x1x2x128xi32, #tpu.memory_space<hbm>> -> memref<2x128xi32, #tpu.memory_space<hbm>>
        %dma_wait3A_189 = arith.constant 0 : i32
        %dma_wait3A_190 = arith.constant 0 : i32
        %dma_wait3A_191 = tpu.memref_slice %arg3[%add3A, %add3A_184, %dma_wait3A_189, %dma_wait3A_190] : memref<32x100x2x128xi32, #tpu.memory_space<hbm>> -> memref<1x1x2x128xi32, #tpu.memory_space<hbm>>
        %dma_wait3A_192 = tpu.memref_squeeze %dma_wait3A_191 : memref<1x1x2x128xi32, #tpu.memory_space<hbm>> -> memref<2x128xi32, #tpu.memory_space<hbm>>
        tpu.wait_dma2 semaphore(%arg13 : memref<!tpu.dma_semaphore, #tpu.memory_space<semaphore_mem>>) src(%dma_wait3A_192 : memref<2x128xi32, #tpu.memory_space<hbm>>) dst(%arg6 : memref<2x128xi32, #tpu.memory_space<vmem>>)
        %dma_start3A_193 = arith.constant 0 : i32
        %dma_start3A_194 = arith.constant 0 : i32
        %dma_start3A_195 = tpu.memref_slice %arg6[%dma_start3A_193, %dma_start3A_194] : memref<2x128xi32, #tpu.memory_space<vmem>> -> memref<1x128xi32, #tpu.memory_space<vmem>>
        %dma_start3A_196 = tpu.memref_squeeze %dma_start3A_195 : memref<1x128xi32, #tpu.memory_space<vmem>> -> memref<128xi32, #tpu.memory_space<vmem>>
        %dma_start3A_197 = arith.constant 0 : i32
        %dma_start3A_198 = arith.constant 0 : i32
        %dma_start3A_199 = tpu.memref_slice %arg2[%dma_start3A_197, %dma_start3A_198] : memref<10112x128xf32, #tpu.memory_space<hbm>> -> memref<10112x128xf32, #tpu.memory_space<hbm>>
        tpu.enqueue_indirect_dma source(%dma_start3A_199 : memref<10112x128xf32, #tpu.memory_space<hbm>>) target(%arg10 : memref<128x128xf32, #tpu.memory_space<vmem>>) offsets(%dma_start3A_196 : memref<128xi32, #tpu.memory_space<vmem>>) semaphore(%arg15 : memref<!tpu.dma_semaphore, #tpu.memory_space<semaphore_mem>>)
        %add3A_200 = arith.constant 1 : i32
        %add3A_201 = arith.addi %add3A_144, %add3A_200 : i32
        %dma_start3A_202 = arith.constant 0 : i32
        %dma_start3A_203 = arith.constant 0 : i32
        %dma_start3A_204 = tpu.memref_slice %arg3[%add3A, %add3A_201, %dma_start3A_202, %dma_start3A_203] : memref<32x100x2x128xi32, #tpu.memory_space<hbm>> -> memref<1x1x2x128xi32, #tpu.memory_space<hbm>>
        %dma_start3A_205 = tpu.memref_squeeze %dma_start3A_204 : memref<1x1x2x128xi32, #tpu.memory_space<hbm>> -> memref<2x128xi32, #tpu.memory_space<hbm>>
        %dma_start3A_206 = arith.constant 0 : i32
        %dma_start3A_207 = arith.constant 0 : i32
        %dma_start3A_208 = tpu.memref_slice %arg3[%add3A, %add3A_201, %dma_start3A_206, %dma_start3A_207] : memref<32x100x2x128xi32, #tpu.memory_space<hbm>> -> memref<1x1x2x128xi32, #tpu.memory_space<hbm>>
        %dma_start3A_209 = tpu.memref_squeeze %dma_start3A_208 : memref<1x1x2x128xi32, #tpu.memory_space<hbm>> -> memref<2x128xi32, #tpu.memory_space<hbm>>
        tpu.enqueue_dma source(%dma_start3A_209 : memref<2x128xi32, #tpu.memory_space<hbm>>) target(%arg8 : memref<2x128xi32, #tpu.memory_space<vmem>>) target_semaphore(%arg19 : memref<!tpu.dma_semaphore, #tpu.memory_space<semaphore_mem>>)
      } else {
      }
      %dma_wait3A_164 = arith.constant 0 : i32
      %dma_wait3A_165 = arith.constant 0 : i32
      %dma_wait3A_166 = tpu.memref_slice %arg3[%add3A, %add3A_144, %dma_wait3A_164, %dma_wait3A_165] : memref<32x100x2x128xi32, #tpu.memory_space<hbm>> -> memref<1x1x2x128xi32, #tpu.memory_space<hbm>>
      %dma_wait3A_167 = tpu.memref_squeeze %dma_wait3A_166 : memref<1x1x2x128xi32, #tpu.memory_space<hbm>> -> memref<2x128xi32, #tpu.memory_space<hbm>>
      %dma_wait3A_168 = arith.constant 0 : i32
      %dma_wait3A_169 = arith.constant 0 : i32
      %dma_wait3A_170 = tpu.memref_slice %arg3[%add3A, %add3A_144, %dma_wait3A_168, %dma_wait3A_169] : memref<32x100x2x128xi32, #tpu.memory_space<hbm>> -> memref<1x1x2x128xi32, #tpu.memory_space<hbm>>
      %dma_wait3A_171 = tpu.memref_squeeze %dma_wait3A_170 : memref<1x1x2x128xi32, #tpu.memory_space<hbm>> -> memref<2x128xi32, #tpu.memory_space<hbm>>
      tpu.wait_dma2 semaphore(%arg20 : memref<!tpu.dma_semaphore, #tpu.memory_space<semaphore_mem>>) src(%dma_wait3A_171 : memref<2x128xi32, #tpu.memory_space<hbm>>) dst(%arg9 : memref<2x128xi32, #tpu.memory_space<vmem>>)
      %dma_start3A_172 = arith.constant 1 : i32
      %dma_start3A_173 = arith.constant 0 : i32
      %dma_start3A_174 = tpu.memref_slice %arg9[%dma_start3A_172, %dma_start3A_173] : memref<2x128xi32, #tpu.memory_space<vmem>> -> memref<1x128xi32, #tpu.memory_space<vmem>>
      %dma_start3A_175 = tpu.memref_squeeze %dma_start3A_174 : memref<1x128xi32, #tpu.memory_space<vmem>> -> memref<128xi32, #tpu.memory_space<vmem>>
      %dma_start3A_176 = arith.constant 0 : i32
      %dma_start3A_177 = arith.constant 0 : i32
      %dma_start3A_178 = tpu.memref_slice %arg12[%dma_start3A_176, %dma_start3A_177] : memref<10112x128xf32, #tpu.memory_space<vmem_shared>> -> memref<10112x128xf32, #tpu.memory_space<vmem_shared>>
      tpu.enqueue_indirect_dma source(%arg11 : memref<128x128xf32, #tpu.memory_space<vmem>>) target(%dma_start3A_178 : memref<10112x128xf32, #tpu.memory_space<vmem_shared>>) offsets(%dma_start3A_175 : memref<128xi32, #tpu.memory_space<vmem>>) semaphore(%arg18 : memref<!tpu.dma_semaphore, #tpu.memory_space<semaphore_mem>>) {add = true}
    }
    %jit3A_73 = arith.constant 2 : i32
    %eq3A_74 = arith.constant 0 : i32
    %eq3A_75 = arith.cmpi eq, %jit3A_73, %eq3A_74 : i32
    %jit3A_76 = arith.constant 1 : i32
    %select_n3A_77 = arith.select %eq3A_75, %jit3A_76, %jit3A_73 : i32
    %rem3A_78 = arith.remsi %select_n3A, %select_n3A_77 : i32
    %ne3A_79 = arith.constant 0 : i32
    %ne3A_80 = arith.cmpi ne, %rem3A_78, %ne3A_79 : i32
    %lt3A = arith.constant 0 : i32
    %lt3A_81 = arith.cmpi slt, %rem3A_78, %lt3A : i32
    %lt3A_82 = arith.constant 0 : i32
    %lt3A_83 = arith.cmpi slt, %select_n3A_77, %lt3A_82 : i32
    %ne3A_84 = arith.xori %lt3A_81, %lt3A_83 : i1
    %and3A_85 = arith.andi %ne3A_84, %ne3A_80 : i1
    %add3A_86 = arith.addi %rem3A_78, %select_n3A_77 : i32
    %select_n3A_87 = arith.select %and3A_85, %add3A_86, %rem3A_78 : i32
    %eq3A_88 = arith.constant 1 : i32
    %eq3A_89 = arith.cmpi eq, %select_n3A_87, %eq3A_88 : i32
    %convert_element_type3A = arith.extui %eq3A_89 : i1 to i32
    %cond3A = arith.constant 0 : i32
    %cond3A_90 = arith.cmpi ne, %convert_element_type3A, %cond3A : i32
    scf.if %cond3A_90 {
      %sub3A_106 = arith.constant 1 : i32
      %sub3A_107 = arith.subi %select_n3A, %sub3A_106 : i32
      %dma_wait3A_108 = arith.constant 0 : i32
      %dma_wait3A_109 = arith.constant 0 : i32
      %dma_wait3A_110 = tpu.memref_slice %arg6[%dma_wait3A_108, %dma_wait3A_109] : memref<2x128xi32, #tpu.memory_space<vmem>> -> memref<1x128xi32, #tpu.memory_space<vmem>>
      %dma_wait3A_111 = tpu.memref_squeeze %dma_wait3A_110 : memref<1x128xi32, #tpu.memory_space<vmem>> -> memref<128xi32, #tpu.memory_space<vmem>>
      %dma_wait3A_112 = arith.constant 0 : i32
      %dma_wait3A_113 = arith.constant 0 : i32
      %dma_wait3A_114 = tpu.memref_slice %arg2[%dma_wait3A_112, %dma_wait3A_113] : memref<10112x128xf32, #tpu.memory_space<hbm>> -> memref<10112x128xf32, #tpu.memory_space<hbm>>
      tpu.wait_indirect_dma semaphore(%arg15 : memref<!tpu.dma_semaphore, #tpu.memory_space<semaphore_mem>>) src(%dma_wait3A_114 : memref<10112x128xf32, #tpu.memory_space<hbm>>) dst(%arg10 : memref<128x128xf32, #tpu.memory_space<vmem>>)
      %add3A_115 = arith.constant 2 : i32
      %add3A_116 = arith.addi %sub3A_107, %add3A_115 : i32
      %lt3A_117 = arith.cmpi slt, %add3A_116, %select_n3A : i32
      %convert_element_type3A_118 = arith.extui %lt3A_117 : i1 to i32
      %cond3A_119 = arith.constant 0 : i32
      %cond3A_120 = arith.cmpi ne, %convert_element_type3A_118, %cond3A_119 : i32
      scf.if %cond3A_120 {
        %add3A_142 = arith.constant 2 : i32
        %add3A_143 = arith.addi %sub3A_107, %add3A_142 : i32
        %dma_start3A_144 = arith.constant 0 : i32
        %dma_start3A_145 = arith.constant 0 : i32
        %dma_start3A_146 = tpu.memref_slice %arg3[%add3A, %add3A_143, %dma_start3A_144, %dma_start3A_145] : memref<32x100x2x128xi32, #tpu.memory_space<hbm>> -> memref<1x1x2x128xi32, #tpu.memory_space<hbm>>
        %dma_start3A_147 = tpu.memref_squeeze %dma_start3A_146 : memref<1x1x2x128xi32, #tpu.memory_space<hbm>> -> memref<2x128xi32, #tpu.memory_space<hbm>>
        %dma_start3A_148 = arith.constant 0 : i32
        %dma_start3A_149 = arith.constant 0 : i32
        %dma_start3A_150 = tpu.memref_slice %arg3[%add3A, %add3A_143, %dma_start3A_148, %dma_start3A_149] : memref<32x100x2x128xi32, #tpu.memory_space<hbm>> -> memref<1x1x2x128xi32, #tpu.memory_space<hbm>>
        %dma_start3A_151 = tpu.memref_squeeze %dma_start3A_150 : memref<1x1x2x128xi32, #tpu.memory_space<hbm>> -> memref<2x128xi32, #tpu.memory_space<hbm>>
        tpu.enqueue_dma source(%dma_start3A_151 : memref<2x128xi32, #tpu.memory_space<hbm>>) target(%arg6 : memref<2x128xi32, #tpu.memory_space<vmem>>) target_semaphore(%arg13 : memref<!tpu.dma_semaphore, #tpu.memory_space<semaphore_mem>>)
      } else {
      }
      %add3A_121 = arith.constant 1 : i32
      %add3A_122 = arith.addi %sub3A_107, %add3A_121 : i32
      %lt3A_123 = arith.cmpi slt, %add3A_122, %select_n3A : i32
      %convert_element_type3A_124 = arith.extui %lt3A_123 : i1 to i32
      %cond3A_125 = arith.constant 0 : i32
      %cond3A_126 = arith.cmpi ne, %convert_element_type3A_124, %cond3A_125 : i32
      scf.if %cond3A_126 {
        %ge3A = arith.constant 1 : i32
        %ge3A_142 = arith.cmpi sge, %sub3A_107, %ge3A : i32
        %convert_element_type3A_143 = arith.extui %ge3A_142 : i1 to i32
        %cond3A_144 = arith.constant 0 : i32
        %cond3A_145 = arith.cmpi ne, %convert_element_type3A_143, %cond3A_144 : i32
        scf.if %cond3A_145 {
          %dma_wait3A_173 = arith.constant 1 : i32
          %dma_wait3A_174 = arith.constant 0 : i32
          %dma_wait3A_175 = tpu.memref_slice %arg9[%dma_wait3A_173, %dma_wait3A_174] : memref<2x128xi32, #tpu.memory_space<vmem>> -> memref<1x128xi32, #tpu.memory_space<vmem>>
          %dma_wait3A_176 = tpu.memref_squeeze %dma_wait3A_175 : memref<1x128xi32, #tpu.memory_space<vmem>> -> memref<128xi32, #tpu.memory_space<vmem>>
          %dma_wait3A_177 = arith.constant 0 : i32
          %dma_wait3A_178 = arith.constant 0 : i32
          %dma_wait3A_179 = tpu.memref_slice %arg12[%dma_wait3A_177, %dma_wait3A_178] : memref<10112x128xf32, #tpu.memory_space<vmem_shared>> -> memref<10112x128xf32, #tpu.memory_space<vmem_shared>>
          tpu.wait_indirect_dma semaphore(%arg18 : memref<!tpu.dma_semaphore, #tpu.memory_space<semaphore_mem>>) src(%arg11 : memref<128x128xf32, #tpu.memory_space<vmem>>) dst(%dma_wait3A_179 : memref<10112x128xf32, #tpu.memory_space<vmem_shared>>)
        } else {
        }
        %add3A_146 = arith.constant 1 : i32
        %add3A_147 = arith.addi %sub3A_107, %add3A_146 : i32
        %dma_wait3A_148 = arith.constant 0 : i32
        %dma_wait3A_149 = arith.constant 0 : i32
        %dma_wait3A_150 = tpu.memref_slice %arg3[%add3A, %add3A_147, %dma_wait3A_148, %dma_wait3A_149] : memref<32x100x2x128xi32, #tpu.memory_space<hbm>> -> memref<1x1x2x128xi32, #tpu.memory_space<hbm>>
        %dma_wait3A_151 = tpu.memref_squeeze %dma_wait3A_150 : memref<1x1x2x128xi32, #tpu.memory_space<hbm>> -> memref<2x128xi32, #tpu.memory_space<hbm>>
        %dma_wait3A_152 = arith.constant 0 : i32
        %dma_wait3A_153 = arith.constant 0 : i32
        %dma_wait3A_154 = tpu.memref_slice %arg3[%add3A, %add3A_147, %dma_wait3A_152, %dma_wait3A_153] : memref<32x100x2x128xi32, #tpu.memory_space<hbm>> -> memref<1x1x2x128xi32, #tpu.memory_space<hbm>>
        %dma_wait3A_155 = tpu.memref_squeeze %dma_wait3A_154 : memref<1x1x2x128xi32, #tpu.memory_space<hbm>> -> memref<2x128xi32, #tpu.memory_space<hbm>>
        tpu.wait_dma2 semaphore(%arg14 : memref<!tpu.dma_semaphore, #tpu.memory_space<semaphore_mem>>) src(%dma_wait3A_155 : memref<2x128xi32, #tpu.memory_space<hbm>>) dst(%arg7 : memref<2x128xi32, #tpu.memory_space<vmem>>)
        %dma_start3A_156 = arith.constant 0 : i32
        %dma_start3A_157 = arith.constant 0 : i32
        %dma_start3A_158 = tpu.memref_slice %arg7[%dma_start3A_156, %dma_start3A_157] : memref<2x128xi32, #tpu.memory_space<vmem>> -> memref<1x128xi32, #tpu.memory_space<vmem>>
        %dma_start3A_159 = tpu.memref_squeeze %dma_start3A_158 : memref<1x128xi32, #tpu.memory_space<vmem>> -> memref<128xi32, #tpu.memory_space<vmem>>
        %dma_start3A_160 = arith.constant 0 : i32
        %dma_start3A_161 = arith.constant 0 : i32
        %dma_start3A_162 = tpu.memref_slice %arg2[%dma_start3A_160, %dma_start3A_161] : memref<10112x128xf32, #tpu.memory_space<hbm>> -> memref<10112x128xf32, #tpu.memory_space<hbm>>
        tpu.enqueue_indirect_dma source(%dma_start3A_162 : memref<10112x128xf32, #tpu.memory_space<hbm>>) target(%arg11 : memref<128x128xf32, #tpu.memory_space<vmem>>) offsets(%dma_start3A_159 : memref<128xi32, #tpu.memory_space<vmem>>) semaphore(%arg16 : memref<!tpu.dma_semaphore, #tpu.memory_space<semaphore_mem>>)
        %add3A_163 = arith.constant 1 : i32
        %add3A_164 = arith.addi %sub3A_107, %add3A_163 : i32
        %dma_start3A_165 = arith.constant 0 : i32
        %dma_start3A_166 = arith.constant 0 : i32
        %dma_start3A_167 = tpu.memref_slice %arg3[%add3A, %add3A_164, %dma_start3A_165, %dma_start3A_166] : memref<32x100x2x128xi32, #tpu.memory_space<hbm>> -> memref<1x1x2x128xi32, #tpu.memory_space<hbm>>
        %dma_start3A_168 = tpu.memref_squeeze %dma_start3A_167 : memref<1x1x2x128xi32, #tpu.memory_space<hbm>> -> memref<2x128xi32, #tpu.memory_space<hbm>>
        %dma_start3A_169 = arith.constant 0 : i32
        %dma_start3A_170 = arith.constant 0 : i32
        %dma_start3A_171 = tpu.memref_slice %arg3[%add3A, %add3A_164, %dma_start3A_169, %dma_start3A_170] : memref<32x100x2x128xi32, #tpu.memory_space<hbm>> -> memref<1x1x2x128xi32, #tpu.memory_space<hbm>>
        %dma_start3A_172 = tpu.memref_squeeze %dma_start3A_171 : memref<1x1x2x128xi32, #tpu.memory_space<hbm>> -> memref<2x128xi32, #tpu.memory_space<hbm>>
        tpu.enqueue_dma source(%dma_start3A_172 : memref<2x128xi32, #tpu.memory_space<hbm>>) target(%arg9 : memref<2x128xi32, #tpu.memory_space<vmem>>) target_semaphore(%arg20 : memref<!tpu.dma_semaphore, #tpu.memory_space<semaphore_mem>>)
      } else {
      }
      %dma_wait3A_127 = arith.constant 0 : i32
      %dma_wait3A_128 = arith.constant 0 : i32
      %dma_wait3A_129 = tpu.memref_slice %arg3[%add3A, %sub3A_107, %dma_wait3A_127, %dma_wait3A_128] : memref<32x100x2x128xi32, #tpu.memory_space<hbm>> -> memref<1x1x2x128xi32, #tpu.memory_space<hbm>>
      %dma_wait3A_130 = tpu.memref_squeeze %dma_wait3A_129 : memref<1x1x2x128xi32, #tpu.memory_space<hbm>> -> memref<2x128xi32, #tpu.memory_space<hbm>>
      %dma_wait3A_131 = arith.constant 0 : i32
      %dma_wait3A_132 = arith.constant 0 : i32
      %dma_wait3A_133 = tpu.memref_slice %arg3[%add3A, %sub3A_107, %dma_wait3A_131, %dma_wait3A_132] : memref<32x100x2x128xi32, #tpu.memory_space<hbm>> -> memref<1x1x2x128xi32, #tpu.memory_space<hbm>>
      %dma_wait3A_134 = tpu.memref_squeeze %dma_wait3A_133 : memref<1x1x2x128xi32, #tpu.memory_space<hbm>> -> memref<2x128xi32, #tpu.memory_space<hbm>>
      tpu.wait_dma2 semaphore(%arg19 : memref<!tpu.dma_semaphore, #tpu.memory_space<semaphore_mem>>) src(%dma_wait3A_134 : memref<2x128xi32, #tpu.memory_space<hbm>>) dst(%arg8 : memref<2x128xi32, #tpu.memory_space<vmem>>)
      %dma_start3A_135 = arith.constant 1 : i32
      %dma_start3A_136 = arith.constant 0 : i32
      %dma_start3A_137 = tpu.memref_slice %arg8[%dma_start3A_135, %dma_start3A_136] : memref<2x128xi32, #tpu.memory_space<vmem>> -> memref<1x128xi32, #tpu.memory_space<vmem>>
      %dma_start3A_138 = tpu.memref_squeeze %dma_start3A_137 : memref<1x128xi32, #tpu.memory_space<vmem>> -> memref<128xi32, #tpu.memory_space<vmem>>
      %dma_start3A_139 = arith.constant 0 : i32
      %dma_start3A_140 = arith.constant 0 : i32
      %dma_start3A_141 = tpu.memref_slice %arg12[%dma_start3A_139, %dma_start3A_140] : memref<10112x128xf32, #tpu.memory_space<vmem_shared>> -> memref<10112x128xf32, #tpu.memory_space<vmem_shared>>
      tpu.enqueue_indirect_dma source(%arg10 : memref<128x128xf32, #tpu.memory_space<vmem>>) target(%dma_start3A_141 : memref<10112x128xf32, #tpu.memory_space<vmem_shared>>) offsets(%dma_start3A_138 : memref<128xi32, #tpu.memory_space<vmem>>) semaphore(%arg17 : memref<!tpu.dma_semaphore, #tpu.memory_space<semaphore_mem>>) {add = true}
    } else {
    }
    %dma_wait3A_91 = arith.constant 1 : i32
    %dma_wait3A_92 = arith.constant 0 : i32
    %dma_wait3A_93 = tpu.memref_slice %arg8[%dma_wait3A_91, %dma_wait3A_92] : memref<2x128xi32, #tpu.memory_space<vmem>> -> memref<1x128xi32, #tpu.memory_space<vmem>>
    %dma_wait3A_94 = tpu.memref_squeeze %dma_wait3A_93 : memref<1x128xi32, #tpu.memory_space<vmem>> -> memref<128xi32, #tpu.memory_space<vmem>>
    %dma_wait3A_95 = arith.constant 0 : i32
    %dma_wait3A_96 = arith.constant 0 : i32
    %dma_wait3A_97 = tpu.memref_slice %arg12[%dma_wait3A_95, %dma_wait3A_96] : memref<10112x128xf32, #tpu.memory_space<vmem_shared>> -> memref<10112x128xf32, #tpu.memory_space<vmem_shared>>
    tpu.wait_indirect_dma semaphore(%arg17 : memref<!tpu.dma_semaphore, #tpu.memory_space<semaphore_mem>>) src(%arg10 : memref<128x128xf32, #tpu.memory_space<vmem>>) dst(%dma_wait3A_97 : memref<10112x128xf32, #tpu.memory_space<vmem_shared>>)
    %dma_wait3A_98 = arith.constant 1 : i32
    %dma_wait3A_99 = arith.constant 0 : i32
    %dma_wait3A_100 = tpu.memref_slice %arg9[%dma_wait3A_98, %dma_wait3A_99] : memref<2x128xi32, #tpu.memory_space<vmem>> -> memref<1x128xi32, #tpu.memory_space<vmem>>
    %dma_wait3A_101 = tpu.memref_squeeze %dma_wait3A_100 : memref<1x128xi32, #tpu.memory_space<vmem>> -> memref<128xi32, #tpu.memory_space<vmem>>
    %dma_wait3A_102 = arith.constant 0 : i32
    %dma_wait3A_103 = arith.constant 0 : i32
    %dma_wait3A_104 = tpu.memref_slice %arg12[%dma_wait3A_102, %dma_wait3A_103] : memref<10112x128xf32, #tpu.memory_space<vmem_shared>> -> memref<10112x128xf32, #tpu.memory_space<vmem_shared>>
    tpu.wait_indirect_dma semaphore(%arg18 : memref<!tpu.dma_semaphore, #tpu.memory_space<semaphore_mem>>) src(%arg11 : memref<128x128xf32, #tpu.memory_space<vmem>>) dst(%dma_wait3A_104 : memref<10112x128xf32, #tpu.memory_space<vmem_shared>>)
    %barrier3A_105 = arith.constant 0 : index
    tpu.barrier barrier_id(%barrier3A_105)
    "tpu.region"() ({
      %run_scoped3A = tpu.sem_alloc : memref<!tpu.dma_semaphore, #tpu.memory_space<semaphore_mem>>
      %dma_start3A_106 = arith.constant 0 : i32
      %dma_start3A_107 = tpu.memref_slice %arg5[%arg0, %mul3A_4, %dma_start3A_106] : memref<2x10112x128xf32, #tpu.memory_space<hbm>> -> memref<1x632x128xf32, #tpu.memory_space<hbm>>
      %dma_start3A_108 = tpu.memref_squeeze %dma_start3A_107 : memref<1x632x128xf32, #tpu.memory_space<hbm>> -> memref<632x128xf32, #tpu.memory_space<hbm>>
      %dma_start3A_109 = arith.constant 0 : i32
      %dma_start3A_110 = tpu.memref_slice %arg12[%mul3A_4, %dma_start3A_109] : memref<10112x128xf32, #tpu.memory_space<vmem_shared>> -> memref<632x128xf32, #tpu.memory_space<vmem_shared>>
      tpu.enqueue_dma source(%dma_start3A_110 : memref<632x128xf32, #tpu.memory_space<vmem_shared>>) target(%dma_start3A_108 : memref<632x128xf32, #tpu.memory_space<hbm>>) target_semaphore(%run_scoped3A : memref<!tpu.dma_semaphore, #tpu.memory_space<semaphore_mem>>)
      %dma_wait3A_111 = arith.constant 0 : i32
      %dma_wait3A_112 = tpu.memref_slice %arg5[%arg0, %mul3A_4, %dma_wait3A_111] : memref<2x10112x128xf32, #tpu.memory_space<hbm>> -> memref<1x632x128xf32, #tpu.memory_space<hbm>>
      %dma_wait3A_113 = tpu.memref_squeeze %dma_wait3A_112 : memref<1x632x128xf32, #tpu.memory_space<hbm>> -> memref<632x128xf32, #tpu.memory_space<hbm>>
      %dma_wait3A_114 = arith.constant 0 : i32
      %dma_wait3A_115 = tpu.memref_slice %arg12[%mul3A_4, %dma_wait3A_114] : memref<10112x128xf32, #tpu.memory_space<vmem_shared>> -> memref<632x128xf32, #tpu.memory_space<vmem_shared>>
      tpu.wait_dma2 semaphore(%run_scoped3A : memref<!tpu.dma_semaphore, #tpu.memory_space<semaphore_mem>>) src(%dma_wait3A_115 : memref<632x128xf32, #tpu.memory_space<vmem_shared>>) dst(%dma_wait3A_113 : memref<632x128xf32, #tpu.memory_space<hbm>>)
      tpu.yield
    }) : () -> ()
    return
  }
}

#map = affine_map<(d0, d1) -> (0, 0)>
#map1 = affine_map<(d0, d1) -> (0, 0, 0, 0)>
#map2 = affine_map<(d0, d1) -> (0, 0, 0)>
module attributes {stable_mosaic.version = 14 : i64} {
  func.func @_agg_sc(%arg0: i32, %arg1: i32, %arg2: memref<10112x128xf32, #tpu.memory_space<hbm>>, %arg3: memref<32x100x2x128xi32, #tpu.memory_space<hbm>>, %arg4: memref<10112x128xf32, #tpu.memory_space<hbm>>, %arg5: memref<2x10112x128xf32, #tpu.memory_space<hbm>>, %arg6: memref<2x128xi32, #tpu.memory_space<vmem>>, %arg7: memref<2x128xi32, #tpu.memory_space<vmem>>, %arg8: memref<2x128xi32, #tpu.memory_space<vmem>>, %arg9: memref<2x128xi32, #tpu.memory_space<vmem>>, %arg10: memref<128x128xf32, #tpu.memory_space<vmem>>, %arg11: memref<128x128xf32, #tpu.memory_space<vmem>>, %arg12: memref<10112x128xf32, #tpu.memory_space<vmem_shared>>, %arg13: memref<!tpu.dma_semaphore, #tpu.memory_space<semaphore_mem>>, %arg14: memref<!tpu.dma_semaphore, #tpu.memory_space<semaphore_mem>>, %arg15: memref<!tpu.dma_semaphore, #tpu.memory_space<semaphore_mem>>, %arg16: memref<!tpu.dma_semaphore, #tpu.memory_space<semaphore_mem>>, %arg17: memref<!tpu.dma_semaphore, #tpu.memory_space<semaphore_mem>>, %arg18: memref<!tpu.dma_semaphore, #tpu.memory_space<semaphore_mem>>, %arg19: memref<!tpu.dma_semaphore, #tpu.memory_space<semaphore_mem>>, %arg20: memref<!tpu.dma_semaphore, #tpu.memory_space<semaphore_mem>>) attributes {dimension_semantics = [#tpu.dimension_semantics<core_parallel>, #tpu.dimension_semantics<subcore_parallel>], iteration_bounds = array<i64: 2, 16>, scalar_prefetch = 0 : i64, scratch_operands = 15 : i64, tpu.core_type = #tpu.core_type<sc_vector_subcore>, window_params = [{transform_indices = #map}, {transform_indices = #map1}, {transform_indices = #map}, {transform_indices = #map2}]} {
    %mul3A = arith.constant 16 : i32
    %mul3A_0 = arith.muli %arg0, %mul3A : i32
    %add3A = arith.addi %mul3A_0, %arg1 : i32
    %eq3A = arith.constant 0 : i32
    %eq3A_1 = arith.cmpi eq, %arg0, %eq3A : i32
    %jit3A = arith.constant 100 : i32
    %jit3A_2 = arith.constant 57 : i32
    %select_n3A = arith.select %eq3A_1, %jit3A, %jit3A_2 : i32
    %mul3A_3 = arith.constant 632 : i32
    %mul3A_4 = arith.muli %arg1, %mul3A_3 : i32
    "tpu.region"() ({
      %run_scoped3A = tpu.sem_alloc : memref<!tpu.dma_semaphore, #tpu.memory_space<semaphore_mem>>
      %dma_start3A_106 = arith.constant 0 : i32
      %dma_start3A_107 = tpu.memref_slice %arg12[%mul3A_4, %dma_start3A_106] : memref<10112x128xf32, #tpu.memory_space<vmem_shared>> -> memref<632x128xf32, #tpu.memory_space<vmem_shared>>
      %dma_start3A_108 = arith.constant 0 : i32
      %dma_start3A_109 = tpu.memref_slice %arg4[%mul3A_4, %dma_start3A_108] : memref<10112x128xf32, #tpu.memory_space<hbm>> -> memref<632x128xf32, #tpu.memory_space<hbm>>
      tpu.enqueue_dma source(%dma_start3A_109 : memref<632x128xf32, #tpu.memory_space<hbm>>) target(%dma_start3A_107 : memref<632x128xf32, #tpu.memory_space<vmem_shared>>) target_semaphore(%run_scoped3A : memref<!tpu.dma_semaphore, #tpu.memory_space<semaphore_mem>>)
      %dma_wait3A_110 = arith.constant 0 : i32
      %dma_wait3A_111 = tpu.memref_slice %arg12[%mul3A_4, %dma_wait3A_110] : memref<10112x128xf32, #tpu.memory_space<vmem_shared>> -> memref<632x128xf32, #tpu.memory_space<vmem_shared>>
      %dma_wait3A_112 = arith.constant 0 : i32
      %dma_wait3A_113 = tpu.memref_slice %arg4[%mul3A_4, %dma_wait3A_112] : memref<10112x128xf32, #tpu.memory_space<hbm>> -> memref<632x128xf32, #tpu.memory_space<hbm>>
      tpu.wait_dma2 semaphore(%run_scoped3A : memref<!tpu.dma_semaphore, #tpu.memory_space<semaphore_mem>>) src(%dma_wait3A_113 : memref<632x128xf32, #tpu.memory_space<hbm>>) dst(%dma_wait3A_111 : memref<632x128xf32, #tpu.memory_space<vmem_shared>>)
      tpu.yield
    }) : () -> ()
    %barrier3A = arith.constant 0 : index
    tpu.barrier barrier_id(%barrier3A)
    %dma_start3A = arith.constant 0 : i32
    %dma_start3A_5 = arith.constant 0 : i32
    %dma_start3A_6 = arith.constant 0 : i32
    %dma_start3A_7 = tpu.memref_slice %arg3[%add3A, %dma_start3A, %dma_start3A_5, %dma_start3A_6] : memref<32x100x2x128xi32, #tpu.memory_space<hbm>> -> memref<1x1x2x128xi32, #tpu.memory_space<hbm>>
    %dma_start3A_8 = tpu.memref_squeeze %dma_start3A_7 : memref<1x1x2x128xi32, #tpu.memory_space<hbm>> -> memref<2x128xi32, #tpu.memory_space<hbm>>
    %dma_start3A_9 = arith.constant 0 : i32
    %dma_start3A_10 = arith.constant 0 : i32
    %dma_start3A_11 = tpu.memref_slice %arg3[%add3A, %dma_start3A, %dma_start3A_9, %dma_start3A_10] : memref<32x100x2x128xi32, #tpu.memory_space<hbm>> -> memref<1x1x2x128xi32, #tpu.memory_space<hbm>>
    %dma_start3A_12 = tpu.memref_squeeze %dma_start3A_11 : memref<1x1x2x128xi32, #tpu.memory_space<hbm>> -> memref<2x128xi32, #tpu.memory_space<hbm>>
    tpu.enqueue_dma source(%dma_start3A_12 : memref<2x128xi32, #tpu.memory_space<hbm>>) target(%arg6 : memref<2x128xi32, #tpu.memory_space<vmem>>) target_semaphore(%arg13 : memref<!tpu.dma_semaphore, #tpu.memory_space<semaphore_mem>>)
    %dma_wait3A = arith.constant 0 : i32
    %dma_wait3A_13 = arith.constant 0 : i32
    %dma_wait3A_14 = arith.constant 0 : i32
    %dma_wait3A_15 = tpu.memref_slice %arg3[%add3A, %dma_wait3A, %dma_wait3A_13, %dma_wait3A_14] : memref<32x100x2x128xi32, #tpu.memory_space<hbm>> -> memref<1x1x2x128xi32, #tpu.memory_space<hbm>>
    %dma_wait3A_16 = tpu.memref_squeeze %dma_wait3A_15 : memref<1x1x2x128xi32, #tpu.memory_space<hbm>> -> memref<2x128xi32, #tpu.memory_space<hbm>>
    %dma_wait3A_17 = arith.constant 0 : i32
    %dma_wait3A_18 = arith.constant 0 : i32
    %dma_wait3A_19 = tpu.memref_slice %arg3[%add3A, %dma_wait3A, %dma_wait3A_17, %dma_wait3A_18] : memref<32x100x2x128xi32, #tpu.memory_space<hbm>> -> memref<1x1x2x128xi32, #tpu.memory_space<hbm>>
    %dma_wait3A_20 = tpu.memref_squeeze %dma_wait3A_19 : memref<1x1x2x128xi32, #tpu.memory_space<hbm>> -> memref<2x128xi32, #tpu.memory_space<hbm>>
    tpu.wait_dma2 semaphore(%arg13 : memref<!tpu.dma_semaphore, #tpu.memory_space<semaphore_mem>>) src(%dma_wait3A_20 : memref<2x128xi32, #tpu.memory_space<hbm>>) dst(%arg6 : memref<2x128xi32, #tpu.memory_space<vmem>>)
    %dma_start3A_21 = arith.constant 0 : i32
    %dma_start3A_22 = arith.constant 0 : i32
    %dma_start3A_23 = tpu.memref_slice %arg6[%dma_start3A_21, %dma_start3A_22] : memref<2x128xi32, #tpu.memory_space<vmem>> -> memref<1x128xi32, #tpu.memory_space<vmem>>
    %dma_start3A_24 = tpu.memref_squeeze %dma_start3A_23 : memref<1x128xi32, #tpu.memory_space<vmem>> -> memref<128xi32, #tpu.memory_space<vmem>>
    %dma_start3A_25 = arith.constant 0 : i32
    %dma_start3A_26 = arith.constant 0 : i32
    %dma_start3A_27 = tpu.memref_slice %arg2[%dma_start3A_25, %dma_start3A_26] : memref<10112x128xf32, #tpu.memory_space<hbm>> -> memref<10112x128xf32, #tpu.memory_space<hbm>>
    tpu.enqueue_indirect_dma source(%dma_start3A_27 : memref<10112x128xf32, #tpu.memory_space<hbm>>) target(%arg10 : memref<128x128xf32, #tpu.memory_space<vmem>>) offsets(%dma_start3A_24 : memref<128xi32, #tpu.memory_space<vmem>>) semaphore(%arg15 : memref<!tpu.dma_semaphore, #tpu.memory_space<semaphore_mem>>)
    %dma_start3A_28 = arith.constant 0 : i32
    %dma_start3A_29 = arith.constant 0 : i32
    %dma_start3A_30 = arith.constant 0 : i32
    %dma_start3A_31 = tpu.memref_slice %arg3[%add3A, %dma_start3A_28, %dma_start3A_29, %dma_start3A_30] : memref<32x100x2x128xi32, #tpu.memory_space<hbm>> -> memref<1x1x2x128xi32, #tpu.memory_space<hbm>>
    %dma_start3A_32 = tpu.memref_squeeze %dma_start3A_31 : memref<1x1x2x128xi32, #tpu.memory_space<hbm>> -> memref<2x128xi32, #tpu.memory_space<hbm>>
    %dma_start3A_33 = arith.constant 0 : i32
    %dma_start3A_34 = arith.constant 0 : i32
    %dma_start3A_35 = tpu.memref_slice %arg3[%add3A, %dma_start3A_28, %dma_start3A_33, %dma_start3A_34] : memref<32x100x2x128xi32, #tpu.memory_space<hbm>> -> memref<1x1x2x128xi32, #tpu.memory_space<hbm>>
    %dma_start3A_36 = tpu.memref_squeeze %dma_start3A_35 : memref<1x1x2x128xi32, #tpu.memory_space<hbm>> -> memref<2x128xi32, #tpu.memory_space<hbm>>
    tpu.enqueue_dma source(%dma_start3A_36 : memref<2x128xi32, #tpu.memory_space<hbm>>) target(%arg8 : memref<2x128xi32, #tpu.memory_space<vmem>>) target_semaphore(%arg19 : memref<!tpu.dma_semaphore, #tpu.memory_space<semaphore_mem>>)
    %dma_start3A_37 = arith.constant 1 : i32
    %dma_start3A_38 = arith.constant 0 : i32
    %dma_start3A_39 = arith.constant 0 : i32
    %dma_start3A_40 = tpu.memref_slice %arg3[%add3A, %dma_start3A_37, %dma_start3A_38, %dma_start3A_39] : memref<32x100x2x128xi32, #tpu.memory_space<hbm>> -> memref<1x1x2x128xi32, #tpu.memory_space<hbm>>
    %dma_start3A_41 = tpu.memref_squeeze %dma_start3A_40 : memref<1x1x2x128xi32, #tpu.memory_space<hbm>> -> memref<2x128xi32, #tpu.memory_space<hbm>>
    %dma_start3A_42 = arith.constant 0 : i32
    %dma_start3A_43 = arith.constant 0 : i32
    %dma_start3A_44 = tpu.memref_slice %arg3[%add3A, %dma_start3A_37, %dma_start3A_42, %dma_start3A_43] : memref<32x100x2x128xi32, #tpu.memory_space<hbm>> -> memref<1x1x2x128xi32, #tpu.memory_space<hbm>>
    %dma_start3A_45 = tpu.memref_squeeze %dma_start3A_44 : memref<1x1x2x128xi32, #tpu.memory_space<hbm>> -> memref<2x128xi32, #tpu.memory_space<hbm>>
    tpu.enqueue_dma source(%dma_start3A_45 : memref<2x128xi32, #tpu.memory_space<hbm>>) target(%arg7 : memref<2x128xi32, #tpu.memory_space<vmem>>) target_semaphore(%arg14 : memref<!tpu.dma_semaphore, #tpu.memory_space<semaphore_mem>>)
    %jit3A_46 = arith.constant 2 : i32
    %div3A = arith.divsi %select_n3A, %jit3A_46 : i32
    %sign3A = arith.constant 0 : i32
    %sign3A_47 = arith.cmpi sgt, %select_n3A, %sign3A : i32
    %sign3A_48 = arith.extui %sign3A_47 : i1 to i32
    %sign3A_49 = arith.constant 0 : i32
    %sign3A_50 = arith.cmpi slt, %select_n3A, %sign3A_49 : i32
    %sign3A_51 = arith.extui %sign3A_50 : i1 to i32
    %sign3A_52 = arith.subi %sign3A_48, %sign3A_51 : i32
    %sign3A_53 = arith.constant 0 : i32
    %sign3A_54 = arith.cmpi sgt, %jit3A_46, %sign3A_53 : i32
    %sign3A_55 = arith.extui %sign3A_54 : i1 to i32
    %sign3A_56 = arith.constant 0 : i32
    %sign3A_57 = arith.cmpi slt, %jit3A_46, %sign3A_56 : i32
    %sign3A_58 = arith.extui %sign3A_57 : i1 to i32
    %sign3A_59 = arith.subi %sign3A_55, %sign3A_58 : i32
    %ne3A = arith.cmpi ne, %sign3A_52, %sign3A_59 : i32
    %rem3A = arith.remsi %select_n3A, %jit3A_46 : i32
    %ne3A_60 = arith.constant 0 : i32
    %ne3A_61 = arith.cmpi ne, %rem3A, %ne3A_60 : i32
    %and3A = arith.andi %ne3A, %ne3A_61 : i1
    %sub3A = arith.constant 1 : i32
    %sub3A_62 = arith.subi %div3A, %sub3A : i32
    %select_n3A_63 = arith.select %and3A, %sub3A_62, %div3A : i32
    %while3A = arith.constant 0 : i32
    %while3A_64 = arith.constant 0 : i32
    %while3A_65 = arith.subi %select_n3A_63, %while3A_64 : i32
    %while3A_66 = arith.addi %while3A_64, %while3A_65 : i32
    %while3A_67 = arith.constant 1 : i32
    %while3A_68 = arith.divsi %while3A_65, %while3A_67 : i32
    %while3A_69 = arith.muli %while3A_68, %while3A_67 : i32
    %while3A_70 = arith.addi %while3A_64, %while3A_69 : i32
    %while3A_71 = arith.constant 1 : i32
    scf.for %while3A_106 = %while3A_64 to %while3A_70 step %while3A_71  : i32 {
      %mul3A_107 = arith.constant 2 : i32
      %mul3A_108 = arith.muli %mul3A_107, %while3A_106 : i32
      %dma_wait3A_109 = arith.constant 0 : i32
      %dma_wait3A_110 = arith.constant 0 : i32
      %dma_wait3A_111 = tpu.memref_slice %arg6[%dma_wait3A_109, %dma_wait3A_110] : memref<2x128xi32, #tpu.memory_space<vmem>> -> memref<1x128xi32, #tpu.memory_space<vmem>>
      %dma_wait3A_112 = tpu.memref_squeeze %dma_wait3A_111 : memref<1x128xi32, #tpu.memory_space<vmem>> -> memref<128xi32, #tpu.memory_space<vmem>>
      %dma_wait3A_113 = arith.constant 0 : i32
      %dma_wait3A_114 = arith.constant 0 : i32
      %dma_wait3A_115 = tpu.memref_slice %arg2[%dma_wait3A_113, %dma_wait3A_114] : memref<10112x128xf32, #tpu.memory_space<hbm>> -> memref<10112x128xf32, #tpu.memory_space<hbm>>
      tpu.wait_indirect_dma semaphore(%arg15 : memref<!tpu.dma_semaphore, #tpu.memory_space<semaphore_mem>>) src(%dma_wait3A_115 : memref<10112x128xf32, #tpu.memory_space<hbm>>) dst(%arg10 : memref<128x128xf32, #tpu.memory_space<vmem>>)
      %add3A_116 = arith.constant 2 : i32
      %add3A_117 = arith.addi %mul3A_108, %add3A_116 : i32
      %lt3A_118 = arith.cmpi slt, %add3A_117, %select_n3A : i32
      %convert_element_type3A_119 = arith.extui %lt3A_118 : i1 to i32
      %cond3A_120 = arith.constant 0 : i32
      %cond3A_121 = arith.cmpi ne, %convert_element_type3A_119, %cond3A_120 : i32
      scf.if %cond3A_121 {
        %add3A_179 = arith.constant 2 : i32
        %add3A_180 = arith.addi %mul3A_108, %add3A_179 : i32
        %dma_start3A_181 = arith.constant 0 : i32
        %dma_start3A_182 = arith.constant 0 : i32
        %dma_start3A_183 = tpu.memref_slice %arg3[%add3A, %add3A_180, %dma_start3A_181, %dma_start3A_182] : memref<32x100x2x128xi32, #tpu.memory_space<hbm>> -> memref<1x1x2x128xi32, #tpu.memory_space<hbm>>
        %dma_start3A_184 = tpu.memref_squeeze %dma_start3A_183 : memref<1x1x2x128xi32, #tpu.memory_space<hbm>> -> memref<2x128xi32, #tpu.memory_space<hbm>>
        %dma_start3A_185 = arith.constant 0 : i32
        %dma_start3A_186 = arith.constant 0 : i32
        %dma_start3A_187 = tpu.memref_slice %arg3[%add3A, %add3A_180, %dma_start3A_185, %dma_start3A_186] : memref<32x100x2x128xi32, #tpu.memory_space<hbm>> -> memref<1x1x2x128xi32, #tpu.memory_space<hbm>>
        %dma_start3A_188 = tpu.memref_squeeze %dma_start3A_187 : memref<1x1x2x128xi32, #tpu.memory_space<hbm>> -> memref<2x128xi32, #tpu.memory_space<hbm>>
        tpu.enqueue_dma source(%dma_start3A_188 : memref<2x128xi32, #tpu.memory_space<hbm>>) target(%arg6 : memref<2x128xi32, #tpu.memory_space<vmem>>) target_semaphore(%arg13 : memref<!tpu.dma_semaphore, #tpu.memory_space<semaphore_mem>>)
      } else {
      }
      %add3A_122 = arith.constant 1 : i32
      %add3A_123 = arith.addi %mul3A_108, %add3A_122 : i32
      %lt3A_124 = arith.cmpi slt, %add3A_123, %select_n3A : i32
      %convert_element_type3A_125 = arith.extui %lt3A_124 : i1 to i32
      %cond3A_126 = arith.constant 0 : i32
      %cond3A_127 = arith.cmpi ne, %convert_element_type3A_125, %cond3A_126 : i32
      scf.if %cond3A_127 {
        %ge3A = arith.constant 1 : i32
        %ge3A_179 = arith.cmpi sge, %mul3A_108, %ge3A : i32
        %convert_element_type3A_180 = arith.extui %ge3A_179 : i1 to i32
        %cond3A_181 = arith.constant 0 : i32
        %cond3A_182 = arith.cmpi ne, %convert_element_type3A_180, %cond3A_181 : i32
        scf.if %cond3A_182 {
          %dma_wait3A_210 = arith.constant 1 : i32
          %dma_wait3A_211 = arith.constant 0 : i32
          %dma_wait3A_212 = tpu.memref_slice %arg9[%dma_wait3A_210, %dma_wait3A_211] : memref<2x128xi32, #tpu.memory_space<vmem>> -> memref<1x128xi32, #tpu.memory_space<vmem>>
          %dma_wait3A_213 = tpu.memref_squeeze %dma_wait3A_212 : memref<1x128xi32, #tpu.memory_space<vmem>> -> memref<128xi32, #tpu.memory_space<vmem>>
          %dma_wait3A_214 = arith.constant 0 : i32
          %dma_wait3A_215 = arith.constant 0 : i32
          %dma_wait3A_216 = tpu.memref_slice %arg12[%dma_wait3A_214, %dma_wait3A_215] : memref<10112x128xf32, #tpu.memory_space<vmem_shared>> -> memref<10112x128xf32, #tpu.memory_space<vmem_shared>>
          tpu.wait_indirect_dma semaphore(%arg18 : memref<!tpu.dma_semaphore, #tpu.memory_space<semaphore_mem>>) src(%arg11 : memref<128x128xf32, #tpu.memory_space<vmem>>) dst(%dma_wait3A_216 : memref<10112x128xf32, #tpu.memory_space<vmem_shared>>)
        } else {
        }
        %add3A_183 = arith.constant 1 : i32
        %add3A_184 = arith.addi %mul3A_108, %add3A_183 : i32
        %dma_wait3A_185 = arith.constant 0 : i32
        %dma_wait3A_186 = arith.constant 0 : i32
        %dma_wait3A_187 = tpu.memref_slice %arg3[%add3A, %add3A_184, %dma_wait3A_185, %dma_wait3A_186] : memref<32x100x2x128xi32, #tpu.memory_space<hbm>> -> memref<1x1x2x128xi32, #tpu.memory_space<hbm>>
        %dma_wait3A_188 = tpu.memref_squeeze %dma_wait3A_187 : memref<1x1x2x128xi32, #tpu.memory_space<hbm>> -> memref<2x128xi32, #tpu.memory_space<hbm>>
        %dma_wait3A_189 = arith.constant 0 : i32
        %dma_wait3A_190 = arith.constant 0 : i32
        %dma_wait3A_191 = tpu.memref_slice %arg3[%add3A, %add3A_184, %dma_wait3A_189, %dma_wait3A_190] : memref<32x100x2x128xi32, #tpu.memory_space<hbm>> -> memref<1x1x2x128xi32, #tpu.memory_space<hbm>>
        %dma_wait3A_192 = tpu.memref_squeeze %dma_wait3A_191 : memref<1x1x2x128xi32, #tpu.memory_space<hbm>> -> memref<2x128xi32, #tpu.memory_space<hbm>>
        tpu.wait_dma2 semaphore(%arg14 : memref<!tpu.dma_semaphore, #tpu.memory_space<semaphore_mem>>) src(%dma_wait3A_192 : memref<2x128xi32, #tpu.memory_space<hbm>>) dst(%arg7 : memref<2x128xi32, #tpu.memory_space<vmem>>)
        %dma_start3A_193 = arith.constant 0 : i32
        %dma_start3A_194 = arith.constant 0 : i32
        %dma_start3A_195 = tpu.memref_slice %arg7[%dma_start3A_193, %dma_start3A_194] : memref<2x128xi32, #tpu.memory_space<vmem>> -> memref<1x128xi32, #tpu.memory_space<vmem>>
        %dma_start3A_196 = tpu.memref_squeeze %dma_start3A_195 : memref<1x128xi32, #tpu.memory_space<vmem>> -> memref<128xi32, #tpu.memory_space<vmem>>
        %dma_start3A_197 = arith.constant 0 : i32
        %dma_start3A_198 = arith.constant 0 : i32
        %dma_start3A_199 = tpu.memref_slice %arg2[%dma_start3A_197, %dma_start3A_198] : memref<10112x128xf32, #tpu.memory_space<hbm>> -> memref<10112x128xf32, #tpu.memory_space<hbm>>
        tpu.enqueue_indirect_dma source(%dma_start3A_199 : memref<10112x128xf32, #tpu.memory_space<hbm>>) target(%arg11 : memref<128x128xf32, #tpu.memory_space<vmem>>) offsets(%dma_start3A_196 : memref<128xi32, #tpu.memory_space<vmem>>) semaphore(%arg16 : memref<!tpu.dma_semaphore, #tpu.memory_space<semaphore_mem>>)
        %add3A_200 = arith.constant 1 : i32
        %add3A_201 = arith.addi %mul3A_108, %add3A_200 : i32
        %dma_start3A_202 = arith.constant 0 : i32
        %dma_start3A_203 = arith.constant 0 : i32
        %dma_start3A_204 = tpu.memref_slice %arg3[%add3A, %add3A_201, %dma_start3A_202, %dma_start3A_203] : memref<32x100x2x128xi32, #tpu.memory_space<hbm>> -> memref<1x1x2x128xi32, #tpu.memory_space<hbm>>
        %dma_start3A_205 = tpu.memref_squeeze %dma_start3A_204 : memref<1x1x2x128xi32, #tpu.memory_space<hbm>> -> memref<2x128xi32, #tpu.memory_space<hbm>>
        %dma_start3A_206 = arith.constant 0 : i32
        %dma_start3A_207 = arith.constant 0 : i32
        %dma_start3A_208 = tpu.memref_slice %arg3[%add3A, %add3A_201, %dma_start3A_206, %dma_start3A_207] : memref<32x100x2x128xi32, #tpu.memory_space<hbm>> -> memref<1x1x2x128xi32, #tpu.memory_space<hbm>>
        %dma_start3A_209 = tpu.memref_squeeze %dma_start3A_208 : memref<1x1x2x128xi32, #tpu.memory_space<hbm>> -> memref<2x128xi32, #tpu.memory_space<hbm>>
        tpu.enqueue_dma source(%dma_start3A_209 : memref<2x128xi32, #tpu.memory_space<hbm>>) target(%arg9 : memref<2x128xi32, #tpu.memory_space<vmem>>) target_semaphore(%arg20 : memref<!tpu.dma_semaphore, #tpu.memory_space<semaphore_mem>>)
      } else {
      }
      %dma_wait3A_128 = arith.constant 0 : i32
      %dma_wait3A_129 = arith.constant 0 : i32
      %dma_wait3A_130 = tpu.memref_slice %arg3[%add3A, %mul3A_108, %dma_wait3A_128, %dma_wait3A_129] : memref<32x100x2x128xi32, #tpu.memory_space<hbm>> -> memref<1x1x2x128xi32, #tpu.memory_space<hbm>>
      %dma_wait3A_131 = tpu.memref_squeeze %dma_wait3A_130 : memref<1x1x2x128xi32, #tpu.memory_space<hbm>> -> memref<2x128xi32, #tpu.memory_space<hbm>>
      %dma_wait3A_132 = arith.constant 0 : i32
      %dma_wait3A_133 = arith.constant 0 : i32
      %dma_wait3A_134 = tpu.memref_slice %arg3[%add3A, %mul3A_108, %dma_wait3A_132, %dma_wait3A_133] : memref<32x100x2x128xi32, #tpu.memory_space<hbm>> -> memref<1x1x2x128xi32, #tpu.memory_space<hbm>>
      %dma_wait3A_135 = tpu.memref_squeeze %dma_wait3A_134 : memref<1x1x2x128xi32, #tpu.memory_space<hbm>> -> memref<2x128xi32, #tpu.memory_space<hbm>>
      tpu.wait_dma2 semaphore(%arg19 : memref<!tpu.dma_semaphore, #tpu.memory_space<semaphore_mem>>) src(%dma_wait3A_135 : memref<2x128xi32, #tpu.memory_space<hbm>>) dst(%arg8 : memref<2x128xi32, #tpu.memory_space<vmem>>)
      %dma_start3A_136 = arith.constant 1 : i32
      %dma_start3A_137 = arith.constant 0 : i32
      %dma_start3A_138 = tpu.memref_slice %arg8[%dma_start3A_136, %dma_start3A_137] : memref<2x128xi32, #tpu.memory_space<vmem>> -> memref<1x128xi32, #tpu.memory_space<vmem>>
      %dma_start3A_139 = tpu.memref_squeeze %dma_start3A_138 : memref<1x128xi32, #tpu.memory_space<vmem>> -> memref<128xi32, #tpu.memory_space<vmem>>
      %dma_start3A_140 = arith.constant 0 : i32
      %dma_start3A_141 = arith.constant 0 : i32
      %dma_start3A_142 = tpu.memref_slice %arg12[%dma_start3A_140, %dma_start3A_141] : memref<10112x128xf32, #tpu.memory_space<vmem_shared>> -> memref<10112x128xf32, #tpu.memory_space<vmem_shared>>
      tpu.enqueue_indirect_dma source(%arg10 : memref<128x128xf32, #tpu.memory_space<vmem>>) target(%dma_start3A_142 : memref<10112x128xf32, #tpu.memory_space<vmem_shared>>) offsets(%dma_start3A_139 : memref<128xi32, #tpu.memory_space<vmem>>) semaphore(%arg17 : memref<!tpu.dma_semaphore, #tpu.memory_space<semaphore_mem>>) {add = true}
      %add3A_143 = arith.constant 1 : i32
      %add3A_144 = arith.addi %mul3A_108, %add3A_143 : i32
      %dma_wait3A_145 = arith.constant 0 : i32
      %dma_wait3A_146 = arith.constant 0 : i32
      %dma_wait3A_147 = tpu.memref_slice %arg7[%dma_wait3A_145, %dma_wait3A_146] : memref<2x128xi32, #tpu.memory_space<vmem>> -> memref<1x128xi32, #tpu.memory_space<vmem>>
      %dma_wait3A_148 = tpu.memref_squeeze %dma_wait3A_147 : memref<1x128xi32, #tpu.memory_space<vmem>> -> memref<128xi32, #tpu.memory_space<vmem>>
      %dma_wait3A_149 = arith.constant 0 : i32
      %dma_wait3A_150 = arith.constant 0 : i32
      %dma_wait3A_151 = tpu.memref_slice %arg2[%dma_wait3A_149, %dma_wait3A_150] : memref<10112x128xf32, #tpu.memory_space<hbm>> -> memref<10112x128xf32, #tpu.memory_space<hbm>>
      tpu.wait_indirect_dma semaphore(%arg16 : memref<!tpu.dma_semaphore, #tpu.memory_space<semaphore_mem>>) src(%dma_wait3A_151 : memref<10112x128xf32, #tpu.memory_space<hbm>>) dst(%arg11 : memref<128x128xf32, #tpu.memory_space<vmem>>)
      %add3A_152 = arith.constant 2 : i32
      %add3A_153 = arith.addi %add3A_144, %add3A_152 : i32
      %lt3A_154 = arith.cmpi slt, %add3A_153, %select_n3A : i32
      %convert_element_type3A_155 = arith.extui %lt3A_154 : i1 to i32
      %cond3A_156 = arith.constant 0 : i32
      %cond3A_157 = arith.cmpi ne, %convert_element_type3A_155, %cond3A_156 : i32
      scf.if %cond3A_157 {
        %add3A_179 = arith.constant 2 : i32
        %add3A_180 = arith.addi %add3A_144, %add3A_179 : i32
        %dma_start3A_181 = arith.constant 0 : i32
        %dma_start3A_182 = arith.constant 0 : i32
        %dma_start3A_183 = tpu.memref_slice %arg3[%add3A, %add3A_180, %dma_start3A_181, %dma_start3A_182] : memref<32x100x2x128xi32, #tpu.memory_space<hbm>> -> memref<1x1x2x128xi32, #tpu.memory_space<hbm>>
        %dma_start3A_184 = tpu.memref_squeeze %dma_start3A_183 : memref<1x1x2x128xi32, #tpu.memory_space<hbm>> -> memref<2x128xi32, #tpu.memory_space<hbm>>
        %dma_start3A_185 = arith.constant 0 : i32
        %dma_start3A_186 = arith.constant 0 : i32
        %dma_start3A_187 = tpu.memref_slice %arg3[%add3A, %add3A_180, %dma_start3A_185, %dma_start3A_186] : memref<32x100x2x128xi32, #tpu.memory_space<hbm>> -> memref<1x1x2x128xi32, #tpu.memory_space<hbm>>
        %dma_start3A_188 = tpu.memref_squeeze %dma_start3A_187 : memref<1x1x2x128xi32, #tpu.memory_space<hbm>> -> memref<2x128xi32, #tpu.memory_space<hbm>>
        tpu.enqueue_dma source(%dma_start3A_188 : memref<2x128xi32, #tpu.memory_space<hbm>>) target(%arg7 : memref<2x128xi32, #tpu.memory_space<vmem>>) target_semaphore(%arg14 : memref<!tpu.dma_semaphore, #tpu.memory_space<semaphore_mem>>)
      } else {
      }
      %add3A_158 = arith.constant 1 : i32
      %add3A_159 = arith.addi %add3A_144, %add3A_158 : i32
      %lt3A_160 = arith.cmpi slt, %add3A_159, %select_n3A : i32
      %convert_element_type3A_161 = arith.extui %lt3A_160 : i1 to i32
      %cond3A_162 = arith.constant 0 : i32
      %cond3A_163 = arith.cmpi ne, %convert_element_type3A_161, %cond3A_162 : i32
      scf.if %cond3A_163 {
        %ge3A = arith.constant 1 : i32
        %ge3A_179 = arith.cmpi sge, %add3A_144, %ge3A : i32
        %convert_element_type3A_180 = arith.extui %ge3A_179 : i1 to i32
        %cond3A_181 = arith.constant 0 : i32
        %cond3A_182 = arith.cmpi ne, %convert_element_type3A_180, %cond3A_181 : i32
        scf.if %cond3A_182 {
          %dma_wait3A_210 = arith.constant 1 : i32
          %dma_wait3A_211 = arith.constant 0 : i32
          %dma_wait3A_212 = tpu.memref_slice %arg8[%dma_wait3A_210, %dma_wait3A_211] : memref<2x128xi32, #tpu.memory_space<vmem>> -> memref<1x128xi32, #tpu.memory_space<vmem>>
          %dma_wait3A_213 = tpu.memref_squeeze %dma_wait3A_212 : memref<1x128xi32, #tpu.memory_space<vmem>> -> memref<128xi32, #tpu.memory_space<vmem>>
          %dma_wait3A_214 = arith.constant 0 : i32
          %dma_wait3A_215 = arith.constant 0 : i32
          %dma_wait3A_216 = tpu.memref_slice %arg12[%dma_wait3A_214, %dma_wait3A_215] : memref<10112x128xf32, #tpu.memory_space<vmem_shared>> -> memref<10112x128xf32, #tpu.memory_space<vmem_shared>>
          tpu.wait_indirect_dma semaphore(%arg17 : memref<!tpu.dma_semaphore, #tpu.memory_space<semaphore_mem>>) src(%arg10 : memref<128x128xf32, #tpu.memory_space<vmem>>) dst(%dma_wait3A_216 : memref<10112x128xf32, #tpu.memory_space<vmem_shared>>)
        } else {
        }
        %add3A_183 = arith.constant 1 : i32
        %add3A_184 = arith.addi %add3A_144, %add3A_183 : i32
        %dma_wait3A_185 = arith.constant 0 : i32
        %dma_wait3A_186 = arith.constant 0 : i32
        %dma_wait3A_187 = tpu.memref_slice %arg3[%add3A, %add3A_184, %dma_wait3A_185, %dma_wait3A_186] : memref<32x100x2x128xi32, #tpu.memory_space<hbm>> -> memref<1x1x2x128xi32, #tpu.memory_space<hbm>>
        %dma_wait3A_188 = tpu.memref_squeeze %dma_wait3A_187 : memref<1x1x2x128xi32, #tpu.memory_space<hbm>> -> memref<2x128xi32, #tpu.memory_space<hbm>>
        %dma_wait3A_189 = arith.constant 0 : i32
        %dma_wait3A_190 = arith.constant 0 : i32
        %dma_wait3A_191 = tpu.memref_slice %arg3[%add3A, %add3A_184, %dma_wait3A_189, %dma_wait3A_190] : memref<32x100x2x128xi32, #tpu.memory_space<hbm>> -> memref<1x1x2x128xi32, #tpu.memory_space<hbm>>
        %dma_wait3A_192 = tpu.memref_squeeze %dma_wait3A_191 : memref<1x1x2x128xi32, #tpu.memory_space<hbm>> -> memref<2x128xi32, #tpu.memory_space<hbm>>
        tpu.wait_dma2 semaphore(%arg13 : memref<!tpu.dma_semaphore, #tpu.memory_space<semaphore_mem>>) src(%dma_wait3A_192 : memref<2x128xi32, #tpu.memory_space<hbm>>) dst(%arg6 : memref<2x128xi32, #tpu.memory_space<vmem>>)
        %dma_start3A_193 = arith.constant 0 : i32
        %dma_start3A_194 = arith.constant 0 : i32
        %dma_start3A_195 = tpu.memref_slice %arg6[%dma_start3A_193, %dma_start3A_194] : memref<2x128xi32, #tpu.memory_space<vmem>> -> memref<1x128xi32, #tpu.memory_space<vmem>>
        %dma_start3A_196 = tpu.memref_squeeze %dma_start3A_195 : memref<1x128xi32, #tpu.memory_space<vmem>> -> memref<128xi32, #tpu.memory_space<vmem>>
        %dma_start3A_197 = arith.constant 0 : i32
        %dma_start3A_198 = arith.constant 0 : i32
        %dma_start3A_199 = tpu.memref_slice %arg2[%dma_start3A_197, %dma_start3A_198] : memref<10112x128xf32, #tpu.memory_space<hbm>> -> memref<10112x128xf32, #tpu.memory_space<hbm>>
        tpu.enqueue_indirect_dma source(%dma_start3A_199 : memref<10112x128xf32, #tpu.memory_space<hbm>>) target(%arg10 : memref<128x128xf32, #tpu.memory_space<vmem>>) offsets(%dma_start3A_196 : memref<128xi32, #tpu.memory_space<vmem>>) semaphore(%arg15 : memref<!tpu.dma_semaphore, #tpu.memory_space<semaphore_mem>>)
        %add3A_200 = arith.constant 1 : i32
        %add3A_201 = arith.addi %add3A_144, %add3A_200 : i32
        %dma_start3A_202 = arith.constant 0 : i32
        %dma_start3A_203 = arith.constant 0 : i32
        %dma_start3A_204 = tpu.memref_slice %arg3[%add3A, %add3A_201, %dma_start3A_202, %dma_start3A_203] : memref<32x100x2x128xi32, #tpu.memory_space<hbm>> -> memref<1x1x2x128xi32, #tpu.memory_space<hbm>>
        %dma_start3A_205 = tpu.memref_squeeze %dma_start3A_204 : memref<1x1x2x128xi32, #tpu.memory_space<hbm>> -> memref<2x128xi32, #tpu.memory_space<hbm>>
        %dma_start3A_206 = arith.constant 0 : i32
        %dma_start3A_207 = arith.constant 0 : i32
        %dma_start3A_208 = tpu.memref_slice %arg3[%add3A, %add3A_201, %dma_start3A_206, %dma_start3A_207] : memref<32x100x2x128xi32, #tpu.memory_space<hbm>> -> memref<1x1x2x128xi32, #tpu.memory_space<hbm>>
        %dma_start3A_209 = tpu.memref_squeeze %dma_start3A_208 : memref<1x1x2x128xi32, #tpu.memory_space<hbm>> -> memref<2x128xi32, #tpu.memory_space<hbm>>
        tpu.enqueue_dma source(%dma_start3A_209 : memref<2x128xi32, #tpu.memory_space<hbm>>) target(%arg8 : memref<2x128xi32, #tpu.memory_space<vmem>>) target_semaphore(%arg19 : memref<!tpu.dma_semaphore, #tpu.memory_space<semaphore_mem>>)
      } else {
      }
      %dma_wait3A_164 = arith.constant 0 : i32
      %dma_wait3A_165 = arith.constant 0 : i32
      %dma_wait3A_166 = tpu.memref_slice %arg3[%add3A, %add3A_144, %dma_wait3A_164, %dma_wait3A_165] : memref<32x100x2x128xi32, #tpu.memory_space<hbm>> -> memref<1x1x2x128xi32, #tpu.memory_space<hbm>>
      %dma_wait3A_167 = tpu.memref_squeeze %dma_wait3A_166 : memref<1x1x2x128xi32, #tpu.memory_space<hbm>> -> memref<2x128xi32, #tpu.memory_space<hbm>>
      %dma_wait3A_168 = arith.constant 0 : i32
      %dma_wait3A_169 = arith.constant 0 : i32
      %dma_wait3A_170 = tpu.memref_slice %arg3[%add3A, %add3A_144, %dma_wait3A_168, %dma_wait3A_169] : memref<32x100x2x128xi32, #tpu.memory_space<hbm>> -> memref<1x1x2x128xi32, #tpu.memory_space<hbm>>
      %dma_wait3A_171 = tpu.memref_squeeze %dma_wait3A_170 : memref<1x1x2x128xi32, #tpu.memory_space<hbm>> -> memref<2x128xi32, #tpu.memory_space<hbm>>
      tpu.wait_dma2 semaphore(%arg20 : memref<!tpu.dma_semaphore, #tpu.memory_space<semaphore_mem>>) src(%dma_wait3A_171 : memref<2x128xi32, #tpu.memory_space<hbm>>) dst(%arg9 : memref<2x128xi32, #tpu.memory_space<vmem>>)
      %dma_start3A_172 = arith.constant 1 : i32
      %dma_start3A_173 = arith.constant 0 : i32
      %dma_start3A_174 = tpu.memref_slice %arg9[%dma_start3A_172, %dma_start3A_173] : memref<2x128xi32, #tpu.memory_space<vmem>> -> memref<1x128xi32, #tpu.memory_space<vmem>>
      %dma_start3A_175 = tpu.memref_squeeze %dma_start3A_174 : memref<1x128xi32, #tpu.memory_space<vmem>> -> memref<128xi32, #tpu.memory_space<vmem>>
      %dma_start3A_176 = arith.constant 0 : i32
      %dma_start3A_177 = arith.constant 0 : i32
      %dma_start3A_178 = tpu.memref_slice %arg12[%dma_start3A_176, %dma_start3A_177] : memref<10112x128xf32, #tpu.memory_space<vmem_shared>> -> memref<10112x128xf32, #tpu.memory_space<vmem_shared>>
      tpu.enqueue_indirect_dma source(%arg11 : memref<128x128xf32, #tpu.memory_space<vmem>>) target(%dma_start3A_178 : memref<10112x128xf32, #tpu.memory_space<vmem_shared>>) offsets(%dma_start3A_175 : memref<128xi32, #tpu.memory_space<vmem>>) semaphore(%arg18 : memref<!tpu.dma_semaphore, #tpu.memory_space<semaphore_mem>>) {add = true}
    }
    %while3A_72 = arith.constant 1 : i32
    scf.for %while3A_106 = %while3A_70 to %while3A_66 step %while3A_72  : i32 {
      %mul3A_107 = arith.constant 2 : i32
      %mul3A_108 = arith.muli %mul3A_107, %while3A_106 : i32
      %dma_wait3A_109 = arith.constant 0 : i32
      %dma_wait3A_110 = arith.constant 0 : i32
      %dma_wait3A_111 = tpu.memref_slice %arg6[%dma_wait3A_109, %dma_wait3A_110] : memref<2x128xi32, #tpu.memory_space<vmem>> -> memref<1x128xi32, #tpu.memory_space<vmem>>
      %dma_wait3A_112 = tpu.memref_squeeze %dma_wait3A_111 : memref<1x128xi32, #tpu.memory_space<vmem>> -> memref<128xi32, #tpu.memory_space<vmem>>
      %dma_wait3A_113 = arith.constant 0 : i32
      %dma_wait3A_114 = arith.constant 0 : i32
      %dma_wait3A_115 = tpu.memref_slice %arg2[%dma_wait3A_113, %dma_wait3A_114] : memref<10112x128xf32, #tpu.memory_space<hbm>> -> memref<10112x128xf32, #tpu.memory_space<hbm>>
      tpu.wait_indirect_dma semaphore(%arg15 : memref<!tpu.dma_semaphore, #tpu.memory_space<semaphore_mem>>) src(%dma_wait3A_115 : memref<10112x128xf32, #tpu.memory_space<hbm>>) dst(%arg10 : memref<128x128xf32, #tpu.memory_space<vmem>>)
      %add3A_116 = arith.constant 2 : i32
      %add3A_117 = arith.addi %mul3A_108, %add3A_116 : i32
      %lt3A_118 = arith.cmpi slt, %add3A_117, %select_n3A : i32
      %convert_element_type3A_119 = arith.extui %lt3A_118 : i1 to i32
      %cond3A_120 = arith.constant 0 : i32
      %cond3A_121 = arith.cmpi ne, %convert_element_type3A_119, %cond3A_120 : i32
      scf.if %cond3A_121 {
        %add3A_179 = arith.constant 2 : i32
        %add3A_180 = arith.addi %mul3A_108, %add3A_179 : i32
        %dma_start3A_181 = arith.constant 0 : i32
        %dma_start3A_182 = arith.constant 0 : i32
        %dma_start3A_183 = tpu.memref_slice %arg3[%add3A, %add3A_180, %dma_start3A_181, %dma_start3A_182] : memref<32x100x2x128xi32, #tpu.memory_space<hbm>> -> memref<1x1x2x128xi32, #tpu.memory_space<hbm>>
        %dma_start3A_184 = tpu.memref_squeeze %dma_start3A_183 : memref<1x1x2x128xi32, #tpu.memory_space<hbm>> -> memref<2x128xi32, #tpu.memory_space<hbm>>
        %dma_start3A_185 = arith.constant 0 : i32
        %dma_start3A_186 = arith.constant 0 : i32
        %dma_start3A_187 = tpu.memref_slice %arg3[%add3A, %add3A_180, %dma_start3A_185, %dma_start3A_186] : memref<32x100x2x128xi32, #tpu.memory_space<hbm>> -> memref<1x1x2x128xi32, #tpu.memory_space<hbm>>
        %dma_start3A_188 = tpu.memref_squeeze %dma_start3A_187 : memref<1x1x2x128xi32, #tpu.memory_space<hbm>> -> memref<2x128xi32, #tpu.memory_space<hbm>>
        tpu.enqueue_dma source(%dma_start3A_188 : memref<2x128xi32, #tpu.memory_space<hbm>>) target(%arg6 : memref<2x128xi32, #tpu.memory_space<vmem>>) target_semaphore(%arg13 : memref<!tpu.dma_semaphore, #tpu.memory_space<semaphore_mem>>)
      } else {
      }
      %add3A_122 = arith.constant 1 : i32
      %add3A_123 = arith.addi %mul3A_108, %add3A_122 : i32
      %lt3A_124 = arith.cmpi slt, %add3A_123, %select_n3A : i32
      %convert_element_type3A_125 = arith.extui %lt3A_124 : i1 to i32
      %cond3A_126 = arith.constant 0 : i32
      %cond3A_127 = arith.cmpi ne, %convert_element_type3A_125, %cond3A_126 : i32
      scf.if %cond3A_127 {
        %ge3A = arith.constant 1 : i32
        %ge3A_179 = arith.cmpi sge, %mul3A_108, %ge3A : i32
        %convert_element_type3A_180 = arith.extui %ge3A_179 : i1 to i32
        %cond3A_181 = arith.constant 0 : i32
        %cond3A_182 = arith.cmpi ne, %convert_element_type3A_180, %cond3A_181 : i32
        scf.if %cond3A_182 {
          %dma_wait3A_210 = arith.constant 1 : i32
          %dma_wait3A_211 = arith.constant 0 : i32
          %dma_wait3A_212 = tpu.memref_slice %arg9[%dma_wait3A_210, %dma_wait3A_211] : memref<2x128xi32, #tpu.memory_space<vmem>> -> memref<1x128xi32, #tpu.memory_space<vmem>>
          %dma_wait3A_213 = tpu.memref_squeeze %dma_wait3A_212 : memref<1x128xi32, #tpu.memory_space<vmem>> -> memref<128xi32, #tpu.memory_space<vmem>>
          %dma_wait3A_214 = arith.constant 0 : i32
          %dma_wait3A_215 = arith.constant 0 : i32
          %dma_wait3A_216 = tpu.memref_slice %arg12[%dma_wait3A_214, %dma_wait3A_215] : memref<10112x128xf32, #tpu.memory_space<vmem_shared>> -> memref<10112x128xf32, #tpu.memory_space<vmem_shared>>
          tpu.wait_indirect_dma semaphore(%arg18 : memref<!tpu.dma_semaphore, #tpu.memory_space<semaphore_mem>>) src(%arg11 : memref<128x128xf32, #tpu.memory_space<vmem>>) dst(%dma_wait3A_216 : memref<10112x128xf32, #tpu.memory_space<vmem_shared>>)
        } else {
        }
        %add3A_183 = arith.constant 1 : i32
        %add3A_184 = arith.addi %mul3A_108, %add3A_183 : i32
        %dma_wait3A_185 = arith.constant 0 : i32
        %dma_wait3A_186 = arith.constant 0 : i32
        %dma_wait3A_187 = tpu.memref_slice %arg3[%add3A, %add3A_184, %dma_wait3A_185, %dma_wait3A_186] : memref<32x100x2x128xi32, #tpu.memory_space<hbm>> -> memref<1x1x2x128xi32, #tpu.memory_space<hbm>>
        %dma_wait3A_188 = tpu.memref_squeeze %dma_wait3A_187 : memref<1x1x2x128xi32, #tpu.memory_space<hbm>> -> memref<2x128xi32, #tpu.memory_space<hbm>>
        %dma_wait3A_189 = arith.constant 0 : i32
        %dma_wait3A_190 = arith.constant 0 : i32
        %dma_wait3A_191 = tpu.memref_slice %arg3[%add3A, %add3A_184, %dma_wait3A_189, %dma_wait3A_190] : memref<32x100x2x128xi32, #tpu.memory_space<hbm>> -> memref<1x1x2x128xi32, #tpu.memory_space<hbm>>
        %dma_wait3A_192 = tpu.memref_squeeze %dma_wait3A_191 : memref<1x1x2x128xi32, #tpu.memory_space<hbm>> -> memref<2x128xi32, #tpu.memory_space<hbm>>
        tpu.wait_dma2 semaphore(%arg14 : memref<!tpu.dma_semaphore, #tpu.memory_space<semaphore_mem>>) src(%dma_wait3A_192 : memref<2x128xi32, #tpu.memory_space<hbm>>) dst(%arg7 : memref<2x128xi32, #tpu.memory_space<vmem>>)
        %dma_start3A_193 = arith.constant 0 : i32
        %dma_start3A_194 = arith.constant 0 : i32
        %dma_start3A_195 = tpu.memref_slice %arg7[%dma_start3A_193, %dma_start3A_194] : memref<2x128xi32, #tpu.memory_space<vmem>> -> memref<1x128xi32, #tpu.memory_space<vmem>>
        %dma_start3A_196 = tpu.memref_squeeze %dma_start3A_195 : memref<1x128xi32, #tpu.memory_space<vmem>> -> memref<128xi32, #tpu.memory_space<vmem>>
        %dma_start3A_197 = arith.constant 0 : i32
        %dma_start3A_198 = arith.constant 0 : i32
        %dma_start3A_199 = tpu.memref_slice %arg2[%dma_start3A_197, %dma_start3A_198] : memref<10112x128xf32, #tpu.memory_space<hbm>> -> memref<10112x128xf32, #tpu.memory_space<hbm>>
        tpu.enqueue_indirect_dma source(%dma_start3A_199 : memref<10112x128xf32, #tpu.memory_space<hbm>>) target(%arg11 : memref<128x128xf32, #tpu.memory_space<vmem>>) offsets(%dma_start3A_196 : memref<128xi32, #tpu.memory_space<vmem>>) semaphore(%arg16 : memref<!tpu.dma_semaphore, #tpu.memory_space<semaphore_mem>>)
        %add3A_200 = arith.constant 1 : i32
        %add3A_201 = arith.addi %mul3A_108, %add3A_200 : i32
        %dma_start3A_202 = arith.constant 0 : i32
        %dma_start3A_203 = arith.constant 0 : i32
        %dma_start3A_204 = tpu.memref_slice %arg3[%add3A, %add3A_201, %dma_start3A_202, %dma_start3A_203] : memref<32x100x2x128xi32, #tpu.memory_space<hbm>> -> memref<1x1x2x128xi32, #tpu.memory_space<hbm>>
        %dma_start3A_205 = tpu.memref_squeeze %dma_start3A_204 : memref<1x1x2x128xi32, #tpu.memory_space<hbm>> -> memref<2x128xi32, #tpu.memory_space<hbm>>
        %dma_start3A_206 = arith.constant 0 : i32
        %dma_start3A_207 = arith.constant 0 : i32
        %dma_start3A_208 = tpu.memref_slice %arg3[%add3A, %add3A_201, %dma_start3A_206, %dma_start3A_207] : memref<32x100x2x128xi32, #tpu.memory_space<hbm>> -> memref<1x1x2x128xi32, #tpu.memory_space<hbm>>
        %dma_start3A_209 = tpu.memref_squeeze %dma_start3A_208 : memref<1x1x2x128xi32, #tpu.memory_space<hbm>> -> memref<2x128xi32, #tpu.memory_space<hbm>>
        tpu.enqueue_dma source(%dma_start3A_209 : memref<2x128xi32, #tpu.memory_space<hbm>>) target(%arg9 : memref<2x128xi32, #tpu.memory_space<vmem>>) target_semaphore(%arg20 : memref<!tpu.dma_semaphore, #tpu.memory_space<semaphore_mem>>)
      } else {
      }
      %dma_wait3A_128 = arith.constant 0 : i32
      %dma_wait3A_129 = arith.constant 0 : i32
      %dma_wait3A_130 = tpu.memref_slice %arg3[%add3A, %mul3A_108, %dma_wait3A_128, %dma_wait3A_129] : memref<32x100x2x128xi32, #tpu.memory_space<hbm>> -> memref<1x1x2x128xi32, #tpu.memory_space<hbm>>
      %dma_wait3A_131 = tpu.memref_squeeze %dma_wait3A_130 : memref<1x1x2x128xi32, #tpu.memory_space<hbm>> -> memref<2x128xi32, #tpu.memory_space<hbm>>
      %dma_wait3A_132 = arith.constant 0 : i32
      %dma_wait3A_133 = arith.constant 0 : i32
      %dma_wait3A_134 = tpu.memref_slice %arg3[%add3A, %mul3A_108, %dma_wait3A_132, %dma_wait3A_133] : memref<32x100x2x128xi32, #tpu.memory_space<hbm>> -> memref<1x1x2x128xi32, #tpu.memory_space<hbm>>
      %dma_wait3A_135 = tpu.memref_squeeze %dma_wait3A_134 : memref<1x1x2x128xi32, #tpu.memory_space<hbm>> -> memref<2x128xi32, #tpu.memory_space<hbm>>
      tpu.wait_dma2 semaphore(%arg19 : memref<!tpu.dma_semaphore, #tpu.memory_space<semaphore_mem>>) src(%dma_wait3A_135 : memref<2x128xi32, #tpu.memory_space<hbm>>) dst(%arg8 : memref<2x128xi32, #tpu.memory_space<vmem>>)
      %dma_start3A_136 = arith.constant 1 : i32
      %dma_start3A_137 = arith.constant 0 : i32
      %dma_start3A_138 = tpu.memref_slice %arg8[%dma_start3A_136, %dma_start3A_137] : memref<2x128xi32, #tpu.memory_space<vmem>> -> memref<1x128xi32, #tpu.memory_space<vmem>>
      %dma_start3A_139 = tpu.memref_squeeze %dma_start3A_138 : memref<1x128xi32, #tpu.memory_space<vmem>> -> memref<128xi32, #tpu.memory_space<vmem>>
      %dma_start3A_140 = arith.constant 0 : i32
      %dma_start3A_141 = arith.constant 0 : i32
      %dma_start3A_142 = tpu.memref_slice %arg12[%dma_start3A_140, %dma_start3A_141] : memref<10112x128xf32, #tpu.memory_space<vmem_shared>> -> memref<10112x128xf32, #tpu.memory_space<vmem_shared>>
      tpu.enqueue_indirect_dma source(%arg10 : memref<128x128xf32, #tpu.memory_space<vmem>>) target(%dma_start3A_142 : memref<10112x128xf32, #tpu.memory_space<vmem_shared>>) offsets(%dma_start3A_139 : memref<128xi32, #tpu.memory_space<vmem>>) semaphore(%arg17 : memref<!tpu.dma_semaphore, #tpu.memory_space<semaphore_mem>>) {add = true}
      %add3A_143 = arith.constant 1 : i32
      %add3A_144 = arith.addi %mul3A_108, %add3A_143 : i32
      %dma_wait3A_145 = arith.constant 0 : i32
      %dma_wait3A_146 = arith.constant 0 : i32
      %dma_wait3A_147 = tpu.memref_slice %arg7[%dma_wait3A_145, %dma_wait3A_146] : memref<2x128xi32, #tpu.memory_space<vmem>> -> memref<1x128xi32, #tpu.memory_space<vmem>>
      %dma_wait3A_148 = tpu.memref_squeeze %dma_wait3A_147 : memref<1x128xi32, #tpu.memory_space<vmem>> -> memref<128xi32, #tpu.memory_space<vmem>>
      %dma_wait3A_149 = arith.constant 0 : i32
      %dma_wait3A_150 = arith.constant 0 : i32
      %dma_wait3A_151 = tpu.memref_slice %arg2[%dma_wait3A_149, %dma_wait3A_150] : memref<10112x128xf32, #tpu.memory_space<hbm>> -> memref<10112x128xf32, #tpu.memory_space<hbm>>
      tpu.wait_indirect_dma semaphore(%arg16 : memref<!tpu.dma_semaphore, #tpu.memory_space<semaphore_mem>>) src(%dma_wait3A_151 : memref<10112x128xf32, #tpu.memory_space<hbm>>) dst(%arg11 : memref<128x128xf32, #tpu.memory_space<vmem>>)
      %add3A_152 = arith.constant 2 : i32
      %add3A_153 = arith.addi %add3A_144, %add3A_152 : i32
      %lt3A_154 = arith.cmpi slt, %add3A_153, %select_n3A : i32
      %convert_element_type3A_155 = arith.extui %lt3A_154 : i1 to i32
      %cond3A_156 = arith.constant 0 : i32
      %cond3A_157 = arith.cmpi ne, %convert_element_type3A_155, %cond3A_156 : i32
      scf.if %cond3A_157 {
        %add3A_179 = arith.constant 2 : i32
        %add3A_180 = arith.addi %add3A_144, %add3A_179 : i32
        %dma_start3A_181 = arith.constant 0 : i32
        %dma_start3A_182 = arith.constant 0 : i32
        %dma_start3A_183 = tpu.memref_slice %arg3[%add3A, %add3A_180, %dma_start3A_181, %dma_start3A_182] : memref<32x100x2x128xi32, #tpu.memory_space<hbm>> -> memref<1x1x2x128xi32, #tpu.memory_space<hbm>>
        %dma_start3A_184 = tpu.memref_squeeze %dma_start3A_183 : memref<1x1x2x128xi32, #tpu.memory_space<hbm>> -> memref<2x128xi32, #tpu.memory_space<hbm>>
        %dma_start3A_185 = arith.constant 0 : i32
        %dma_start3A_186 = arith.constant 0 : i32
        %dma_start3A_187 = tpu.memref_slice %arg3[%add3A, %add3A_180, %dma_start3A_185, %dma_start3A_186] : memref<32x100x2x128xi32, #tpu.memory_space<hbm>> -> memref<1x1x2x128xi32, #tpu.memory_space<hbm>>
        %dma_start3A_188 = tpu.memref_squeeze %dma_start3A_187 : memref<1x1x2x128xi32, #tpu.memory_space<hbm>> -> memref<2x128xi32, #tpu.memory_space<hbm>>
        tpu.enqueue_dma source(%dma_start3A_188 : memref<2x128xi32, #tpu.memory_space<hbm>>) target(%arg7 : memref<2x128xi32, #tpu.memory_space<vmem>>) target_semaphore(%arg14 : memref<!tpu.dma_semaphore, #tpu.memory_space<semaphore_mem>>)
      } else {
      }
      %add3A_158 = arith.constant 1 : i32
      %add3A_159 = arith.addi %add3A_144, %add3A_158 : i32
      %lt3A_160 = arith.cmpi slt, %add3A_159, %select_n3A : i32
      %convert_element_type3A_161 = arith.extui %lt3A_160 : i1 to i32
      %cond3A_162 = arith.constant 0 : i32
      %cond3A_163 = arith.cmpi ne, %convert_element_type3A_161, %cond3A_162 : i32
      scf.if %cond3A_163 {
        %ge3A = arith.constant 1 : i32
        %ge3A_179 = arith.cmpi sge, %add3A_144, %ge3A : i32
        %convert_element_type3A_180 = arith.extui %ge3A_179 : i1 to i32
        %cond3A_181 = arith.constant 0 : i32
        %cond3A_182 = arith.cmpi ne, %convert_element_type3A_180, %cond3A_181 : i32
        scf.if %cond3A_182 {
          %dma_wait3A_210 = arith.constant 1 : i32
          %dma_wait3A_211 = arith.constant 0 : i32
          %dma_wait3A_212 = tpu.memref_slice %arg8[%dma_wait3A_210, %dma_wait3A_211] : memref<2x128xi32, #tpu.memory_space<vmem>> -> memref<1x128xi32, #tpu.memory_space<vmem>>
          %dma_wait3A_213 = tpu.memref_squeeze %dma_wait3A_212 : memref<1x128xi32, #tpu.memory_space<vmem>> -> memref<128xi32, #tpu.memory_space<vmem>>
          %dma_wait3A_214 = arith.constant 0 : i32
          %dma_wait3A_215 = arith.constant 0 : i32
          %dma_wait3A_216 = tpu.memref_slice %arg12[%dma_wait3A_214, %dma_wait3A_215] : memref<10112x128xf32, #tpu.memory_space<vmem_shared>> -> memref<10112x128xf32, #tpu.memory_space<vmem_shared>>
          tpu.wait_indirect_dma semaphore(%arg17 : memref<!tpu.dma_semaphore, #tpu.memory_space<semaphore_mem>>) src(%arg10 : memref<128x128xf32, #tpu.memory_space<vmem>>) dst(%dma_wait3A_216 : memref<10112x128xf32, #tpu.memory_space<vmem_shared>>)
        } else {
        }
        %add3A_183 = arith.constant 1 : i32
        %add3A_184 = arith.addi %add3A_144, %add3A_183 : i32
        %dma_wait3A_185 = arith.constant 0 : i32
        %dma_wait3A_186 = arith.constant 0 : i32
        %dma_wait3A_187 = tpu.memref_slice %arg3[%add3A, %add3A_184, %dma_wait3A_185, %dma_wait3A_186] : memref<32x100x2x128xi32, #tpu.memory_space<hbm>> -> memref<1x1x2x128xi32, #tpu.memory_space<hbm>>
        %dma_wait3A_188 = tpu.memref_squeeze %dma_wait3A_187 : memref<1x1x2x128xi32, #tpu.memory_space<hbm>> -> memref<2x128xi32, #tpu.memory_space<hbm>>
        %dma_wait3A_189 = arith.constant 0 : i32
        %dma_wait3A_190 = arith.constant 0 : i32
        %dma_wait3A_191 = tpu.memref_slice %arg3[%add3A, %add3A_184, %dma_wait3A_189, %dma_wait3A_190] : memref<32x100x2x128xi32, #tpu.memory_space<hbm>> -> memref<1x1x2x128xi32, #tpu.memory_space<hbm>>
        %dma_wait3A_192 = tpu.memref_squeeze %dma_wait3A_191 : memref<1x1x2x128xi32, #tpu.memory_space<hbm>> -> memref<2x128xi32, #tpu.memory_space<hbm>>
        tpu.wait_dma2 semaphore(%arg13 : memref<!tpu.dma_semaphore, #tpu.memory_space<semaphore_mem>>) src(%dma_wait3A_192 : memref<2x128xi32, #tpu.memory_space<hbm>>) dst(%arg6 : memref<2x128xi32, #tpu.memory_space<vmem>>)
        %dma_start3A_193 = arith.constant 0 : i32
        %dma_start3A_194 = arith.constant 0 : i32
        %dma_start3A_195 = tpu.memref_slice %arg6[%dma_start3A_193, %dma_start3A_194] : memref<2x128xi32, #tpu.memory_space<vmem>> -> memref<1x128xi32, #tpu.memory_space<vmem>>
        %dma_start3A_196 = tpu.memref_squeeze %dma_start3A_195 : memref<1x128xi32, #tpu.memory_space<vmem>> -> memref<128xi32, #tpu.memory_space<vmem>>
        %dma_start3A_197 = arith.constant 0 : i32
        %dma_start3A_198 = arith.constant 0 : i32
        %dma_start3A_199 = tpu.memref_slice %arg2[%dma_start3A_197, %dma_start3A_198] : memref<10112x128xf32, #tpu.memory_space<hbm>> -> memref<10112x128xf32, #tpu.memory_space<hbm>>
        tpu.enqueue_indirect_dma source(%dma_start3A_199 : memref<10112x128xf32, #tpu.memory_space<hbm>>) target(%arg10 : memref<128x128xf32, #tpu.memory_space<vmem>>) offsets(%dma_start3A_196 : memref<128xi32, #tpu.memory_space<vmem>>) semaphore(%arg15 : memref<!tpu.dma_semaphore, #tpu.memory_space<semaphore_mem>>)
        %add3A_200 = arith.constant 1 : i32
        %add3A_201 = arith.addi %add3A_144, %add3A_200 : i32
        %dma_start3A_202 = arith.constant 0 : i32
        %dma_start3A_203 = arith.constant 0 : i32
        %dma_start3A_204 = tpu.memref_slice %arg3[%add3A, %add3A_201, %dma_start3A_202, %dma_start3A_203] : memref<32x100x2x128xi32, #tpu.memory_space<hbm>> -> memref<1x1x2x128xi32, #tpu.memory_space<hbm>>
        %dma_start3A_205 = tpu.memref_squeeze %dma_start3A_204 : memref<1x1x2x128xi32, #tpu.memory_space<hbm>> -> memref<2x128xi32, #tpu.memory_space<hbm>>
        %dma_start3A_206 = arith.constant 0 : i32
        %dma_start3A_207 = arith.constant 0 : i32
        %dma_start3A_208 = tpu.memref_slice %arg3[%add3A, %add3A_201, %dma_start3A_206, %dma_start3A_207] : memref<32x100x2x128xi32, #tpu.memory_space<hbm>> -> memref<1x1x2x128xi32, #tpu.memory_space<hbm>>
        %dma_start3A_209 = tpu.memref_squeeze %dma_start3A_208 : memref<1x1x2x128xi32, #tpu.memory_space<hbm>> -> memref<2x128xi32, #tpu.memory_space<hbm>>
        tpu.enqueue_dma source(%dma_start3A_209 : memref<2x128xi32, #tpu.memory_space<hbm>>) target(%arg8 : memref<2x128xi32, #tpu.memory_space<vmem>>) target_semaphore(%arg19 : memref<!tpu.dma_semaphore, #tpu.memory_space<semaphore_mem>>)
      } else {
      }
      %dma_wait3A_164 = arith.constant 0 : i32
      %dma_wait3A_165 = arith.constant 0 : i32
      %dma_wait3A_166 = tpu.memref_slice %arg3[%add3A, %add3A_144, %dma_wait3A_164, %dma_wait3A_165] : memref<32x100x2x128xi32, #tpu.memory_space<hbm>> -> memref<1x1x2x128xi32, #tpu.memory_space<hbm>>
      %dma_wait3A_167 = tpu.memref_squeeze %dma_wait3A_166 : memref<1x1x2x128xi32, #tpu.memory_space<hbm>> -> memref<2x128xi32, #tpu.memory_space<hbm>>
      %dma_wait3A_168 = arith.constant 0 : i32
      %dma_wait3A_169 = arith.constant 0 : i32
      %dma_wait3A_170 = tpu.memref_slice %arg3[%add3A, %add3A_144, %dma_wait3A_168, %dma_wait3A_169] : memref<32x100x2x128xi32, #tpu.memory_space<hbm>> -> memref<1x1x2x128xi32, #tpu.memory_space<hbm>>
      %dma_wait3A_171 = tpu.memref_squeeze %dma_wait3A_170 : memref<1x1x2x128xi32, #tpu.memory_space<hbm>> -> memref<2x128xi32, #tpu.memory_space<hbm>>
      tpu.wait_dma2 semaphore(%arg20 : memref<!tpu.dma_semaphore, #tpu.memory_space<semaphore_mem>>) src(%dma_wait3A_171 : memref<2x128xi32, #tpu.memory_space<hbm>>) dst(%arg9 : memref<2x128xi32, #tpu.memory_space<vmem>>)
      %dma_start3A_172 = arith.constant 1 : i32
      %dma_start3A_173 = arith.constant 0 : i32
      %dma_start3A_174 = tpu.memref_slice %arg9[%dma_start3A_172, %dma_start3A_173] : memref<2x128xi32, #tpu.memory_space<vmem>> -> memref<1x128xi32, #tpu.memory_space<vmem>>
      %dma_start3A_175 = tpu.memref_squeeze %dma_start3A_174 : memref<1x128xi32, #tpu.memory_space<vmem>> -> memref<128xi32, #tpu.memory_space<vmem>>
      %dma_start3A_176 = arith.constant 0 : i32
      %dma_start3A_177 = arith.constant 0 : i32
      %dma_start3A_178 = tpu.memref_slice %arg12[%dma_start3A_176, %dma_start3A_177] : memref<10112x128xf32, #tpu.memory_space<vmem_shared>> -> memref<10112x128xf32, #tpu.memory_space<vmem_shared>>
      tpu.enqueue_indirect_dma source(%arg11 : memref<128x128xf32, #tpu.memory_space<vmem>>) target(%dma_start3A_178 : memref<10112x128xf32, #tpu.memory_space<vmem_shared>>) offsets(%dma_start3A_175 : memref<128xi32, #tpu.memory_space<vmem>>) semaphore(%arg18 : memref<!tpu.dma_semaphore, #tpu.memory_space<semaphore_mem>>) {add = true}
    }
    %jit3A_73 = arith.constant 2 : i32
    %eq3A_74 = arith.constant 0 : i32
    %eq3A_75 = arith.cmpi eq, %jit3A_73, %eq3A_74 : i32
    %jit3A_76 = arith.constant 1 : i32
    %select_n3A_77 = arith.select %eq3A_75, %jit3A_76, %jit3A_73 : i32
    %rem3A_78 = arith.remsi %select_n3A, %select_n3A_77 : i32
    %ne3A_79 = arith.constant 0 : i32
    %ne3A_80 = arith.cmpi ne, %rem3A_78, %ne3A_79 : i32
    %lt3A = arith.constant 0 : i32
    %lt3A_81 = arith.cmpi slt, %rem3A_78, %lt3A : i32
    %lt3A_82 = arith.constant 0 : i32
    %lt3A_83 = arith.cmpi slt, %select_n3A_77, %lt3A_82 : i32
    %ne3A_84 = arith.xori %lt3A_81, %lt3A_83 : i1
    %and3A_85 = arith.andi %ne3A_84, %ne3A_80 : i1
    %add3A_86 = arith.addi %rem3A_78, %select_n3A_77 : i32
    %select_n3A_87 = arith.select %and3A_85, %add3A_86, %rem3A_78 : i32
    %eq3A_88 = arith.constant 1 : i32
    %eq3A_89 = arith.cmpi eq, %select_n3A_87, %eq3A_88 : i32
    %convert_element_type3A = arith.extui %eq3A_89 : i1 to i32
    %cond3A = arith.constant 0 : i32
    %cond3A_90 = arith.cmpi ne, %convert_element_type3A, %cond3A : i32
    scf.if %cond3A_90 {
      %sub3A_106 = arith.constant 1 : i32
      %sub3A_107 = arith.subi %select_n3A, %sub3A_106 : i32
      %dma_wait3A_108 = arith.constant 0 : i32
      %dma_wait3A_109 = arith.constant 0 : i32
      %dma_wait3A_110 = tpu.memref_slice %arg6[%dma_wait3A_108, %dma_wait3A_109] : memref<2x128xi32, #tpu.memory_space<vmem>> -> memref<1x128xi32, #tpu.memory_space<vmem>>
      %dma_wait3A_111 = tpu.memref_squeeze %dma_wait3A_110 : memref<1x128xi32, #tpu.memory_space<vmem>> -> memref<128xi32, #tpu.memory_space<vmem>>
      %dma_wait3A_112 = arith.constant 0 : i32
      %dma_wait3A_113 = arith.constant 0 : i32
      %dma_wait3A_114 = tpu.memref_slice %arg2[%dma_wait3A_112, %dma_wait3A_113] : memref<10112x128xf32, #tpu.memory_space<hbm>> -> memref<10112x128xf32, #tpu.memory_space<hbm>>
      tpu.wait_indirect_dma semaphore(%arg15 : memref<!tpu.dma_semaphore, #tpu.memory_space<semaphore_mem>>) src(%dma_wait3A_114 : memref<10112x128xf32, #tpu.memory_space<hbm>>) dst(%arg10 : memref<128x128xf32, #tpu.memory_space<vmem>>)
      %add3A_115 = arith.constant 2 : i32
      %add3A_116 = arith.addi %sub3A_107, %add3A_115 : i32
      %lt3A_117 = arith.cmpi slt, %add3A_116, %select_n3A : i32
      %convert_element_type3A_118 = arith.extui %lt3A_117 : i1 to i32
      %cond3A_119 = arith.constant 0 : i32
      %cond3A_120 = arith.cmpi ne, %convert_element_type3A_118, %cond3A_119 : i32
      scf.if %cond3A_120 {
        %add3A_142 = arith.constant 2 : i32
        %add3A_143 = arith.addi %sub3A_107, %add3A_142 : i32
        %dma_start3A_144 = arith.constant 0 : i32
        %dma_start3A_145 = arith.constant 0 : i32
        %dma_start3A_146 = tpu.memref_slice %arg3[%add3A, %add3A_143, %dma_start3A_144, %dma_start3A_145] : memref<32x100x2x128xi32, #tpu.memory_space<hbm>> -> memref<1x1x2x128xi32, #tpu.memory_space<hbm>>
        %dma_start3A_147 = tpu.memref_squeeze %dma_start3A_146 : memref<1x1x2x128xi32, #tpu.memory_space<hbm>> -> memref<2x128xi32, #tpu.memory_space<hbm>>
        %dma_start3A_148 = arith.constant 0 : i32
        %dma_start3A_149 = arith.constant 0 : i32
        %dma_start3A_150 = tpu.memref_slice %arg3[%add3A, %add3A_143, %dma_start3A_148, %dma_start3A_149] : memref<32x100x2x128xi32, #tpu.memory_space<hbm>> -> memref<1x1x2x128xi32, #tpu.memory_space<hbm>>
        %dma_start3A_151 = tpu.memref_squeeze %dma_start3A_150 : memref<1x1x2x128xi32, #tpu.memory_space<hbm>> -> memref<2x128xi32, #tpu.memory_space<hbm>>
        tpu.enqueue_dma source(%dma_start3A_151 : memref<2x128xi32, #tpu.memory_space<hbm>>) target(%arg6 : memref<2x128xi32, #tpu.memory_space<vmem>>) target_semaphore(%arg13 : memref<!tpu.dma_semaphore, #tpu.memory_space<semaphore_mem>>)
      } else {
      }
      %add3A_121 = arith.constant 1 : i32
      %add3A_122 = arith.addi %sub3A_107, %add3A_121 : i32
      %lt3A_123 = arith.cmpi slt, %add3A_122, %select_n3A : i32
      %convert_element_type3A_124 = arith.extui %lt3A_123 : i1 to i32
      %cond3A_125 = arith.constant 0 : i32
      %cond3A_126 = arith.cmpi ne, %convert_element_type3A_124, %cond3A_125 : i32
      scf.if %cond3A_126 {
        %ge3A = arith.constant 1 : i32
        %ge3A_142 = arith.cmpi sge, %sub3A_107, %ge3A : i32
        %convert_element_type3A_143 = arith.extui %ge3A_142 : i1 to i32
        %cond3A_144 = arith.constant 0 : i32
        %cond3A_145 = arith.cmpi ne, %convert_element_type3A_143, %cond3A_144 : i32
        scf.if %cond3A_145 {
          %dma_wait3A_173 = arith.constant 1 : i32
          %dma_wait3A_174 = arith.constant 0 : i32
          %dma_wait3A_175 = tpu.memref_slice %arg9[%dma_wait3A_173, %dma_wait3A_174] : memref<2x128xi32, #tpu.memory_space<vmem>> -> memref<1x128xi32, #tpu.memory_space<vmem>>
          %dma_wait3A_176 = tpu.memref_squeeze %dma_wait3A_175 : memref<1x128xi32, #tpu.memory_space<vmem>> -> memref<128xi32, #tpu.memory_space<vmem>>
          %dma_wait3A_177 = arith.constant 0 : i32
          %dma_wait3A_178 = arith.constant 0 : i32
          %dma_wait3A_179 = tpu.memref_slice %arg12[%dma_wait3A_177, %dma_wait3A_178] : memref<10112x128xf32, #tpu.memory_space<vmem_shared>> -> memref<10112x128xf32, #tpu.memory_space<vmem_shared>>
          tpu.wait_indirect_dma semaphore(%arg18 : memref<!tpu.dma_semaphore, #tpu.memory_space<semaphore_mem>>) src(%arg11 : memref<128x128xf32, #tpu.memory_space<vmem>>) dst(%dma_wait3A_179 : memref<10112x128xf32, #tpu.memory_space<vmem_shared>>)
        } else {
        }
        %add3A_146 = arith.constant 1 : i32
        %add3A_147 = arith.addi %sub3A_107, %add3A_146 : i32
        %dma_wait3A_148 = arith.constant 0 : i32
        %dma_wait3A_149 = arith.constant 0 : i32
        %dma_wait3A_150 = tpu.memref_slice %arg3[%add3A, %add3A_147, %dma_wait3A_148, %dma_wait3A_149] : memref<32x100x2x128xi32, #tpu.memory_space<hbm>> -> memref<1x1x2x128xi32, #tpu.memory_space<hbm>>
        %dma_wait3A_151 = tpu.memref_squeeze %dma_wait3A_150 : memref<1x1x2x128xi32, #tpu.memory_space<hbm>> -> memref<2x128xi32, #tpu.memory_space<hbm>>
        %dma_wait3A_152 = arith.constant 0 : i32
        %dma_wait3A_153 = arith.constant 0 : i32
        %dma_wait3A_154 = tpu.memref_slice %arg3[%add3A, %add3A_147, %dma_wait3A_152, %dma_wait3A_153] : memref<32x100x2x128xi32, #tpu.memory_space<hbm>> -> memref<1x1x2x128xi32, #tpu.memory_space<hbm>>
        %dma_wait3A_155 = tpu.memref_squeeze %dma_wait3A_154 : memref<1x1x2x128xi32, #tpu.memory_space<hbm>> -> memref<2x128xi32, #tpu.memory_space<hbm>>
        tpu.wait_dma2 semaphore(%arg14 : memref<!tpu.dma_semaphore, #tpu.memory_space<semaphore_mem>>) src(%dma_wait3A_155 : memref<2x128xi32, #tpu.memory_space<hbm>>) dst(%arg7 : memref<2x128xi32, #tpu.memory_space<vmem>>)
        %dma_start3A_156 = arith.constant 0 : i32
        %dma_start3A_157 = arith.constant 0 : i32
        %dma_start3A_158 = tpu.memref_slice %arg7[%dma_start3A_156, %dma_start3A_157] : memref<2x128xi32, #tpu.memory_space<vmem>> -> memref<1x128xi32, #tpu.memory_space<vmem>>
        %dma_start3A_159 = tpu.memref_squeeze %dma_start3A_158 : memref<1x128xi32, #tpu.memory_space<vmem>> -> memref<128xi32, #tpu.memory_space<vmem>>
        %dma_start3A_160 = arith.constant 0 : i32
        %dma_start3A_161 = arith.constant 0 : i32
        %dma_start3A_162 = tpu.memref_slice %arg2[%dma_start3A_160, %dma_start3A_161] : memref<10112x128xf32, #tpu.memory_space<hbm>> -> memref<10112x128xf32, #tpu.memory_space<hbm>>
        tpu.enqueue_indirect_dma source(%dma_start3A_162 : memref<10112x128xf32, #tpu.memory_space<hbm>>) target(%arg11 : memref<128x128xf32, #tpu.memory_space<vmem>>) offsets(%dma_start3A_159 : memref<128xi32, #tpu.memory_space<vmem>>) semaphore(%arg16 : memref<!tpu.dma_semaphore, #tpu.memory_space<semaphore_mem>>)
        %add3A_163 = arith.constant 1 : i32
        %add3A_164 = arith.addi %sub3A_107, %add3A_163 : i32
        %dma_start3A_165 = arith.constant 0 : i32
        %dma_start3A_166 = arith.constant 0 : i32
        %dma_start3A_167 = tpu.memref_slice %arg3[%add3A, %add3A_164, %dma_start3A_165, %dma_start3A_166] : memref<32x100x2x128xi32, #tpu.memory_space<hbm>> -> memref<1x1x2x128xi32, #tpu.memory_space<hbm>>
        %dma_start3A_168 = tpu.memref_squeeze %dma_start3A_167 : memref<1x1x2x128xi32, #tpu.memory_space<hbm>> -> memref<2x128xi32, #tpu.memory_space<hbm>>
        %dma_start3A_169 = arith.constant 0 : i32
        %dma_start3A_170 = arith.constant 0 : i32
        %dma_start3A_171 = tpu.memref_slice %arg3[%add3A, %add3A_164, %dma_start3A_169, %dma_start3A_170] : memref<32x100x2x128xi32, #tpu.memory_space<hbm>> -> memref<1x1x2x128xi32, #tpu.memory_space<hbm>>
        %dma_start3A_172 = tpu.memref_squeeze %dma_start3A_171 : memref<1x1x2x128xi32, #tpu.memory_space<hbm>> -> memref<2x128xi32, #tpu.memory_space<hbm>>
        tpu.enqueue_dma source(%dma_start3A_172 : memref<2x128xi32, #tpu.memory_space<hbm>>) target(%arg9 : memref<2x128xi32, #tpu.memory_space<vmem>>) target_semaphore(%arg20 : memref<!tpu.dma_semaphore, #tpu.memory_space<semaphore_mem>>)
      } else {
      }
      %dma_wait3A_127 = arith.constant 0 : i32
      %dma_wait3A_128 = arith.constant 0 : i32
      %dma_wait3A_129 = tpu.memref_slice %arg3[%add3A, %sub3A_107, %dma_wait3A_127, %dma_wait3A_128] : memref<32x100x2x128xi32, #tpu.memory_space<hbm>> -> memref<1x1x2x128xi32, #tpu.memory_space<hbm>>
      %dma_wait3A_130 = tpu.memref_squeeze %dma_wait3A_129 : memref<1x1x2x128xi32, #tpu.memory_space<hbm>> -> memref<2x128xi32, #tpu.memory_space<hbm>>
      %dma_wait3A_131 = arith.constant 0 : i32
      %dma_wait3A_132 = arith.constant 0 : i32
      %dma_wait3A_133 = tpu.memref_slice %arg3[%add3A, %sub3A_107, %dma_wait3A_131, %dma_wait3A_132] : memref<32x100x2x128xi32, #tpu.memory_space<hbm>> -> memref<1x1x2x128xi32, #tpu.memory_space<hbm>>
      %dma_wait3A_134 = tpu.memref_squeeze %dma_wait3A_133 : memref<1x1x2x128xi32, #tpu.memory_space<hbm>> -> memref<2x128xi32, #tpu.memory_space<hbm>>
      tpu.wait_dma2 semaphore(%arg19 : memref<!tpu.dma_semaphore, #tpu.memory_space<semaphore_mem>>) src(%dma_wait3A_134 : memref<2x128xi32, #tpu.memory_space<hbm>>) dst(%arg8 : memref<2x128xi32, #tpu.memory_space<vmem>>)
      %dma_start3A_135 = arith.constant 1 : i32
      %dma_start3A_136 = arith.constant 0 : i32
      %dma_start3A_137 = tpu.memref_slice %arg8[%dma_start3A_135, %dma_start3A_136] : memref<2x128xi32, #tpu.memory_space<vmem>> -> memref<1x128xi32, #tpu.memory_space<vmem>>
      %dma_start3A_138 = tpu.memref_squeeze %dma_start3A_137 : memref<1x128xi32, #tpu.memory_space<vmem>> -> memref<128xi32, #tpu.memory_space<vmem>>
      %dma_start3A_139 = arith.constant 0 : i32
      %dma_start3A_140 = arith.constant 0 : i32
      %dma_start3A_141 = tpu.memref_slice %arg12[%dma_start3A_139, %dma_start3A_140] : memref<10112x128xf32, #tpu.memory_space<vmem_shared>> -> memref<10112x128xf32, #tpu.memory_space<vmem_shared>>
      tpu.enqueue_indirect_dma source(%arg10 : memref<128x128xf32, #tpu.memory_space<vmem>>) target(%dma_start3A_141 : memref<10112x128xf32, #tpu.memory_space<vmem_shared>>) offsets(%dma_start3A_138 : memref<128xi32, #tpu.memory_space<vmem>>) semaphore(%arg17 : memref<!tpu.dma_semaphore, #tpu.memory_space<semaphore_mem>>) {add = true}
    } else {
    }
    %dma_wait3A_91 = arith.constant 1 : i32
    %dma_wait3A_92 = arith.constant 0 : i32
    %dma_wait3A_93 = tpu.memref_slice %arg8[%dma_wait3A_91, %dma_wait3A_92] : memref<2x128xi32, #tpu.memory_space<vmem>> -> memref<1x128xi32, #tpu.memory_space<vmem>>
    %dma_wait3A_94 = tpu.memref_squeeze %dma_wait3A_93 : memref<1x128xi32, #tpu.memory_space<vmem>> -> memref<128xi32, #tpu.memory_space<vmem>>
    %dma_wait3A_95 = arith.constant 0 : i32
    %dma_wait3A_96 = arith.constant 0 : i32
    %dma_wait3A_97 = tpu.memref_slice %arg12[%dma_wait3A_95, %dma_wait3A_96] : memref<10112x128xf32, #tpu.memory_space<vmem_shared>> -> memref<10112x128xf32, #tpu.memory_space<vmem_shared>>
    tpu.wait_indirect_dma semaphore(%arg17 : memref<!tpu.dma_semaphore, #tpu.memory_space<semaphore_mem>>) src(%arg10 : memref<128x128xf32, #tpu.memory_space<vmem>>) dst(%dma_wait3A_97 : memref<10112x128xf32, #tpu.memory_space<vmem_shared>>)
    %dma_wait3A_98 = arith.constant 1 : i32
    %dma_wait3A_99 = arith.constant 0 : i32
    %dma_wait3A_100 = tpu.memref_slice %arg9[%dma_wait3A_98, %dma_wait3A_99] : memref<2x128xi32, #tpu.memory_space<vmem>> -> memref<1x128xi32, #tpu.memory_space<vmem>>
    %dma_wait3A_101 = tpu.memref_squeeze %dma_wait3A_100 : memref<1x128xi32, #tpu.memory_space<vmem>> -> memref<128xi32, #tpu.memory_space<vmem>>
    %dma_wait3A_102 = arith.constant 0 : i32
    %dma_wait3A_103 = arith.constant 0 : i32
    %dma_wait3A_104 = tpu.memref_slice %arg12[%dma_wait3A_102, %dma_wait3A_103] : memref<10112x128xf32, #tpu.memory_space<vmem_shared>> -> memref<10112x128xf32, #tpu.memory_space<vmem_shared>>
    tpu.wait_indirect_dma semaphore(%arg18 : memref<!tpu.dma_semaphore, #tpu.memory_space<semaphore_mem>>) src(%arg11 : memref<128x128xf32, #tpu.memory_space<vmem>>) dst(%dma_wait3A_104 : memref<10112x128xf32, #tpu.memory_space<vmem_shared>>)
    %barrier3A_105 = arith.constant 0 : index
    tpu.barrier barrier_id(%barrier3A_105)
    "tpu.region"() ({
      %run_scoped3A = tpu.sem_alloc : memref<!tpu.dma_semaphore, #tpu.memory_space<semaphore_mem>>
      %dma_start3A_106 = arith.constant 0 : i32
      %dma_start3A_107 = tpu.memref_slice %arg5[%arg0, %mul3A_4, %dma_start3A_106] : memref<2x10112x128xf32, #tpu.memory_space<hbm>> -> memref<1x632x128xf32, #tpu.memory_space<hbm>>
      %dma_start3A_108 = tpu.memref_squeeze %dma_start3A_107 : memref<1x632x128xf32, #tpu.memory_space<hbm>> -> memref<632x128xf32, #tpu.memory_space<hbm>>
      %dma_start3A_109 = arith.constant 0 : i32
      %dma_start3A_110 = tpu.memref_slice %arg12[%mul3A_4, %dma_start3A_109] : memref<10112x128xf32, #tpu.memory_space<vmem_shared>> -> memref<632x128xf32, #tpu.memory_space<vmem_shared>>
      tpu.enqueue_dma source(%dma_start3A_110 : memref<632x128xf32, #tpu.memory_space<vmem_shared>>) target(%dma_start3A_108 : memref<632x128xf32, #tpu.memory_space<hbm>>) target_semaphore(%run_scoped3A : memref<!tpu.dma_semaphore, #tpu.memory_space<semaphore_mem>>)
      %dma_wait3A_111 = arith.constant 0 : i32
      %dma_wait3A_112 = tpu.memref_slice %arg5[%arg0, %mul3A_4, %dma_wait3A_111] : memref<2x10112x128xf32, #tpu.memory_space<hbm>> -> memref<1x632x128xf32, #tpu.memory_space<hbm>>
      %dma_wait3A_113 = tpu.memref_squeeze %dma_wait3A_112 : memref<1x632x128xf32, #tpu.memory_space<hbm>> -> memref<632x128xf32, #tpu.memory_space<hbm>>
      %dma_wait3A_114 = arith.constant 0 : i32
      %dma_wait3A_115 = tpu.memref_slice %arg12[%mul3A_4, %dma_wait3A_114] : memref<10112x128xf32, #tpu.memory_space<vmem_shared>> -> memref<632x128xf32, #tpu.memory_space<vmem_shared>>
      tpu.wait_dma2 semaphore(%run_scoped3A : memref<!tpu.dma_semaphore, #tpu.memory_space<semaphore_mem>>) src(%dma_wait3A_115 : memref<632x128xf32, #tpu.memory_space<vmem_shared>>) dst(%dma_wait3A_113 : memref<632x128xf32, #tpu.memory_space<hbm>>)
      tpu.yield
    }) : () -> ()
    return
  }
}

#map = affine_map<(d0, d1) -> (0, 0)>
#map1 = affine_map<(d0, d1) -> (0, 0, 0, 0)>
module attributes {stable_mosaic.version = 14 : i64} {
  func.func @_pair_sc(%arg0: i32, %arg1: i32, %arg2: memref<10112x128xf32, #tpu.memory_space<hbm>>, %arg3: memref<32x4x2x128xi32, #tpu.memory_space<hbm>>, %arg4: memref<16384x128xf32, #tpu.memory_space<hbm>>, %arg5: memref<16384x128xf32, #tpu.memory_space<hbm>>, %arg6: memref<2x128xi32, #tpu.memory_space<vmem>>, %arg7: memref<128x128xf32, #tpu.memory_space<vmem>>, %arg8: memref<128x128xf32, #tpu.memory_space<vmem>>, %arg9: memref<!tpu.dma_semaphore, #tpu.memory_space<semaphore_mem>>, %arg10: memref<!tpu.dma_semaphore, #tpu.memory_space<semaphore_mem>>) attributes {dimension_semantics = [#tpu.dimension_semantics<core_parallel>, #tpu.dimension_semantics<subcore_parallel>], iteration_bounds = array<i64: 2, 16>, scalar_prefetch = 0 : i64, scratch_operands = 5 : i64, tpu.core_type = #tpu.core_type<sc_vector_subcore>, window_params = [{transform_indices = #map}, {transform_indices = #map1}, {transform_indices = #map}, {transform_indices = #map}]} {
    %mul3A = arith.constant 2 : i32
    %mul3A_0 = arith.muli %arg1, %mul3A : i32
    %add3A = arith.addi %mul3A_0, %arg0 : i32
    %mul3A_1 = arith.constant 512 : i32
    %mul3A_2 = arith.muli %add3A, %mul3A_1 : i32
    %run_scoped3A = arith.constant 0 : i32
    "tpu.region"() ({
      %run_scoped3A_132 = tpu.sem_alloc : memref<!tpu.dma_semaphore, #tpu.memory_space<semaphore_mem>>
      %dma_start3A_133 = arith.constant 0 : i32
      %dma_start3A_134 = arith.constant 0 : i32
      %dma_start3A_135 = tpu.memref_slice %arg3[%add3A, %run_scoped3A, %dma_start3A_133, %dma_start3A_134] : memref<32x4x2x128xi32, #tpu.memory_space<hbm>> -> memref<1x1x2x128xi32, #tpu.memory_space<hbm>>
      %dma_start3A_136 = tpu.memref_squeeze %dma_start3A_135 : memref<1x1x2x128xi32, #tpu.memory_space<hbm>> -> memref<2x128xi32, #tpu.memory_space<hbm>>
      %dma_start3A_137 = arith.constant 0 : i32
      %dma_start3A_138 = arith.constant 0 : i32
      %dma_start3A_139 = tpu.memref_slice %arg3[%add3A, %run_scoped3A, %dma_start3A_137, %dma_start3A_138] : memref<32x4x2x128xi32, #tpu.memory_space<hbm>> -> memref<1x1x2x128xi32, #tpu.memory_space<hbm>>
      %dma_start3A_140 = tpu.memref_squeeze %dma_start3A_139 : memref<1x1x2x128xi32, #tpu.memory_space<hbm>> -> memref<2x128xi32, #tpu.memory_space<hbm>>
      tpu.enqueue_dma source(%dma_start3A_140 : memref<2x128xi32, #tpu.memory_space<hbm>>) target(%arg6 : memref<2x128xi32, #tpu.memory_space<vmem>>) target_semaphore(%run_scoped3A_132 : memref<!tpu.dma_semaphore, #tpu.memory_space<semaphore_mem>>)
      %dma_wait3A_141 = arith.constant 0 : i32
      %dma_wait3A_142 = arith.constant 0 : i32
      %dma_wait3A_143 = tpu.memref_slice %arg3[%add3A, %run_scoped3A, %dma_wait3A_141, %dma_wait3A_142] : memref<32x4x2x128xi32, #tpu.memory_space<hbm>> -> memref<1x1x2x128xi32, #tpu.memory_space<hbm>>
      %dma_wait3A_144 = tpu.memref_squeeze %dma_wait3A_143 : memref<1x1x2x128xi32, #tpu.memory_space<hbm>> -> memref<2x128xi32, #tpu.memory_space<hbm>>
      %dma_wait3A_145 = arith.constant 0 : i32
      %dma_wait3A_146 = arith.constant 0 : i32
      %dma_wait3A_147 = tpu.memref_slice %arg3[%add3A, %run_scoped3A, %dma_wait3A_145, %dma_wait3A_146] : memref<32x4x2x128xi32, #tpu.memory_space<hbm>> -> memref<1x1x2x128xi32, #tpu.memory_space<hbm>>
      %dma_wait3A_148 = tpu.memref_squeeze %dma_wait3A_147 : memref<1x1x2x128xi32, #tpu.memory_space<hbm>> -> memref<2x128xi32, #tpu.memory_space<hbm>>
      tpu.wait_dma2 semaphore(%run_scoped3A_132 : memref<!tpu.dma_semaphore, #tpu.memory_space<semaphore_mem>>) src(%dma_wait3A_148 : memref<2x128xi32, #tpu.memory_space<hbm>>) dst(%arg6 : memref<2x128xi32, #tpu.memory_space<vmem>>)
      tpu.yield
    }) : () -> ()
    %dma_start3A = arith.constant 0 : i32
    %dma_start3A_3 = arith.constant 0 : i32
    %dma_start3A_4 = tpu.memref_slice %arg6[%dma_start3A, %dma_start3A_3] : memref<2x128xi32, #tpu.memory_space<vmem>> -> memref<1x128xi32, #tpu.memory_space<vmem>>
    %dma_start3A_5 = tpu.memref_squeeze %dma_start3A_4 : memref<1x128xi32, #tpu.memory_space<vmem>> -> memref<128xi32, #tpu.memory_space<vmem>>
    %dma_start3A_6 = arith.constant 0 : i32
    %dma_start3A_7 = arith.constant 0 : i32
    %dma_start3A_8 = tpu.memref_slice %arg2[%dma_start3A_6, %dma_start3A_7] : memref<10112x128xf32, #tpu.memory_space<hbm>> -> memref<10112x128xf32, #tpu.memory_space<hbm>>
    tpu.enqueue_indirect_dma source(%dma_start3A_8 : memref<10112x128xf32, #tpu.memory_space<hbm>>) target(%arg7 : memref<128x128xf32, #tpu.memory_space<vmem>>) offsets(%dma_start3A_5 : memref<128xi32, #tpu.memory_space<vmem>>) semaphore(%arg9 : memref<!tpu.dma_semaphore, #tpu.memory_space<semaphore_mem>>)
    %dma_start3A_9 = arith.constant 1 : i32
    %dma_start3A_10 = arith.constant 0 : i32
    %dma_start3A_11 = tpu.memref_slice %arg6[%dma_start3A_9, %dma_start3A_10] : memref<2x128xi32, #tpu.memory_space<vmem>> -> memref<1x128xi32, #tpu.memory_space<vmem>>
    %dma_start3A_12 = tpu.memref_squeeze %dma_start3A_11 : memref<1x128xi32, #tpu.memory_space<vmem>> -> memref<128xi32, #tpu.memory_space<vmem>>
    %dma_start3A_13 = arith.constant 0 : i32
    %dma_start3A_14 = arith.constant 0 : i32
    %dma_start3A_15 = tpu.memref_slice %arg2[%dma_start3A_13, %dma_start3A_14] : memref<10112x128xf32, #tpu.memory_space<hbm>> -> memref<10112x128xf32, #tpu.memory_space<hbm>>
    tpu.enqueue_indirect_dma source(%dma_start3A_15 : memref<10112x128xf32, #tpu.memory_space<hbm>>) target(%arg8 : memref<128x128xf32, #tpu.memory_space<vmem>>) offsets(%dma_start3A_12 : memref<128xi32, #tpu.memory_space<vmem>>) semaphore(%arg10 : memref<!tpu.dma_semaphore, #tpu.memory_space<semaphore_mem>>)
    %dma_wait3A = arith.constant 0 : i32
    %dma_wait3A_16 = arith.constant 0 : i32
    %dma_wait3A_17 = tpu.memref_slice %arg6[%dma_wait3A, %dma_wait3A_16] : memref<2x128xi32, #tpu.memory_space<vmem>> -> memref<1x128xi32, #tpu.memory_space<vmem>>
    %dma_wait3A_18 = tpu.memref_squeeze %dma_wait3A_17 : memref<1x128xi32, #tpu.memory_space<vmem>> -> memref<128xi32, #tpu.memory_space<vmem>>
    %dma_wait3A_19 = arith.constant 0 : i32
    %dma_wait3A_20 = arith.constant 0 : i32
    %dma_wait3A_21 = tpu.memref_slice %arg2[%dma_wait3A_19, %dma_wait3A_20] : memref<10112x128xf32, #tpu.memory_space<hbm>> -> memref<10112x128xf32, #tpu.memory_space<hbm>>
    tpu.wait_indirect_dma semaphore(%arg9 : memref<!tpu.dma_semaphore, #tpu.memory_space<semaphore_mem>>) src(%dma_wait3A_21 : memref<10112x128xf32, #tpu.memory_space<hbm>>) dst(%arg7 : memref<128x128xf32, #tpu.memory_space<vmem>>)
    %add3A_22 = arith.constant 0 : i32
    %add3A_23 = arith.addi %mul3A_2, %add3A_22 : i32
    "tpu.region"() ({
      %run_scoped3A_132 = tpu.sem_alloc : memref<!tpu.dma_semaphore, #tpu.memory_space<semaphore_mem>>
      %dma_start3A_133 = arith.constant 0 : i32
      %dma_start3A_134 = tpu.memref_slice %arg4[%add3A_23, %dma_start3A_133] : memref<16384x128xf32, #tpu.memory_space<hbm>> -> memref<128x128xf32, #tpu.memory_space<hbm>>
      %dma_start3A_135 = arith.constant 0 : i32
      %dma_start3A_136 = tpu.memref_slice %arg4[%add3A_23, %dma_start3A_135] : memref<16384x128xf32, #tpu.memory_space<hbm>> -> memref<128x128xf32, #tpu.memory_space<hbm>>
      tpu.enqueue_dma source(%arg7 : memref<128x128xf32, #tpu.memory_space<vmem>>) target(%dma_start3A_136 : memref<128x128xf32, #tpu.memory_space<hbm>>) target_semaphore(%run_scoped3A_132 : memref<!tpu.dma_semaphore, #tpu.memory_space<semaphore_mem>>)
      %dma_wait3A_137 = arith.constant 0 : i32
      %dma_wait3A_138 = tpu.memref_slice %arg4[%add3A_23, %dma_wait3A_137] : memref<16384x128xf32, #tpu.memory_space<hbm>> -> memref<128x128xf32, #tpu.memory_space<hbm>>
      %dma_wait3A_139 = arith.constant 0 : i32
      %dma_wait3A_140 = tpu.memref_slice %arg4[%add3A_23, %dma_wait3A_139] : memref<16384x128xf32, #tpu.memory_space<hbm>> -> memref<128x128xf32, #tpu.memory_space<hbm>>
      tpu.wait_dma2 semaphore(%run_scoped3A_132 : memref<!tpu.dma_semaphore, #tpu.memory_space<semaphore_mem>>) src(%arg7 : memref<128x128xf32, #tpu.memory_space<vmem>>) dst(%dma_wait3A_140 : memref<128x128xf32, #tpu.memory_space<hbm>>)
      tpu.yield
    }) : () -> ()
    %dma_wait3A_24 = arith.constant 1 : i32
    %dma_wait3A_25 = arith.constant 0 : i32
    %dma_wait3A_26 = tpu.memref_slice %arg6[%dma_wait3A_24, %dma_wait3A_25] : memref<2x128xi32, #tpu.memory_space<vmem>> -> memref<1x128xi32, #tpu.memory_space<vmem>>
    %dma_wait3A_27 = tpu.memref_squeeze %dma_wait3A_26 : memref<1x128xi32, #tpu.memory_space<vmem>> -> memref<128xi32, #tpu.memory_space<vmem>>
    %dma_wait3A_28 = arith.constant 0 : i32
    %dma_wait3A_29 = arith.constant 0 : i32
    %dma_wait3A_30 = tpu.memref_slice %arg2[%dma_wait3A_28, %dma_wait3A_29] : memref<10112x128xf32, #tpu.memory_space<hbm>> -> memref<10112x128xf32, #tpu.memory_space<hbm>>
    tpu.wait_indirect_dma semaphore(%arg10 : memref<!tpu.dma_semaphore, #tpu.memory_space<semaphore_mem>>) src(%dma_wait3A_30 : memref<10112x128xf32, #tpu.memory_space<hbm>>) dst(%arg8 : memref<128x128xf32, #tpu.memory_space<vmem>>)
    %add3A_31 = arith.constant 0 : i32
    %add3A_32 = arith.addi %mul3A_2, %add3A_31 : i32
    "tpu.region"() ({
      %run_scoped3A_132 = tpu.sem_alloc : memref<!tpu.dma_semaphore, #tpu.memory_space<semaphore_mem>>
      %dma_start3A_133 = arith.constant 0 : i32
      %dma_start3A_134 = tpu.memref_slice %arg5[%add3A_32, %dma_start3A_133] : memref<16384x128xf32, #tpu.memory_space<hbm>> -> memref<128x128xf32, #tpu.memory_space<hbm>>
      %dma_start3A_135 = arith.constant 0 : i32
      %dma_start3A_136 = tpu.memref_slice %arg5[%add3A_32, %dma_start3A_135] : memref<16384x128xf32, #tpu.memory_space<hbm>> -> memref<128x128xf32, #tpu.memory_space<hbm>>
      tpu.enqueue_dma source(%arg8 : memref<128x128xf32, #tpu.memory_space<vmem>>) target(%dma_start3A_136 : memref<128x128xf32, #tpu.memory_space<hbm>>) target_semaphore(%run_scoped3A_132 : memref<!tpu.dma_semaphore, #tpu.memory_space<semaphore_mem>>)
      %dma_wait3A_137 = arith.constant 0 : i32
      %dma_wait3A_138 = tpu.memref_slice %arg5[%add3A_32, %dma_wait3A_137] : memref<16384x128xf32, #tpu.memory_space<hbm>> -> memref<128x128xf32, #tpu.memory_space<hbm>>
      %dma_wait3A_139 = arith.constant 0 : i32
      %dma_wait3A_140 = tpu.memref_slice %arg5[%add3A_32, %dma_wait3A_139] : memref<16384x128xf32, #tpu.memory_space<hbm>> -> memref<128x128xf32, #tpu.memory_space<hbm>>
      tpu.wait_dma2 semaphore(%run_scoped3A_132 : memref<!tpu.dma_semaphore, #tpu.memory_space<semaphore_mem>>) src(%arg8 : memref<128x128xf32, #tpu.memory_space<vmem>>) dst(%dma_wait3A_140 : memref<128x128xf32, #tpu.memory_space<hbm>>)
      tpu.yield
    }) : () -> ()
    %run_scoped3A_33 = arith.constant 1 : i32
    "tpu.region"() ({
      %run_scoped3A_132 = tpu.sem_alloc : memref<!tpu.dma_semaphore, #tpu.memory_space<semaphore_mem>>
      %dma_start3A_133 = arith.constant 0 : i32
      %dma_start3A_134 = arith.constant 0 : i32
      %dma_start3A_135 = tpu.memref_slice %arg3[%add3A, %run_scoped3A_33, %dma_start3A_133, %dma_start3A_134] : memref<32x4x2x128xi32, #tpu.memory_space<hbm>> -> memref<1x1x2x128xi32, #tpu.memory_space<hbm>>
      %dma_start3A_136 = tpu.memref_squeeze %dma_start3A_135 : memref<1x1x2x128xi32, #tpu.memory_space<hbm>> -> memref<2x128xi32, #tpu.memory_space<hbm>>
      %dma_start3A_137 = arith.constant 0 : i32
      %dma_start3A_138 = arith.constant 0 : i32
      %dma_start3A_139 = tpu.memref_slice %arg3[%add3A, %run_scoped3A_33, %dma_start3A_137, %dma_start3A_138] : memref<32x4x2x128xi32, #tpu.memory_space<hbm>> -> memref<1x1x2x128xi32, #tpu.memory_space<hbm>>
      %dma_start3A_140 = tpu.memref_squeeze %dma_start3A_139 : memref<1x1x2x128xi32, #tpu.memory_space<hbm>> -> memref<2x128xi32, #tpu.memory_space<hbm>>
      tpu.enqueue_dma source(%dma_start3A_140 : memref<2x128xi32, #tpu.memory_space<hbm>>) target(%arg6 : memref<2x128xi32, #tpu.memory_space<vmem>>) target_semaphore(%run_scoped3A_132 : memref<!tpu.dma_semaphore, #tpu.memory_space<semaphore_mem>>)
      %dma_wait3A_141 = arith.constant 0 : i32
      %dma_wait3A_142 = arith.constant 0 : i32
      %dma_wait3A_143 = tpu.memref_slice %arg3[%add3A, %run_scoped3A_33, %dma_wait3A_141, %dma_wait3A_142] : memref<32x4x2x128xi32, #tpu.memory_space<hbm>> -> memref<1x1x2x128xi32, #tpu.memory_space<hbm>>
      %dma_wait3A_144 = tpu.memref_squeeze %dma_wait3A_143 : memref<1x1x2x128xi32, #tpu.memory_space<hbm>> -> memref<2x128xi32, #tpu.memory_space<hbm>>
      %dma_wait3A_145 = arith.constant 0 : i32
      %dma_wait3A_146 = arith.constant 0 : i32
      %dma_wait3A_147 = tpu.memref_slice %arg3[%add3A, %run_scoped3A_33, %dma_wait3A_145, %dma_wait3A_146] : memref<32x4x2x128xi32, #tpu.memory_space<hbm>> -> memref<1x1x2x128xi32, #tpu.memory_space<hbm>>
      %dma_wait3A_148 = tpu.memref_squeeze %dma_wait3A_147 : memref<1x1x2x128xi32, #tpu.memory_space<hbm>> -> memref<2x128xi32, #tpu.memory_space<hbm>>
      tpu.wait_dma2 semaphore(%run_scoped3A_132 : memref<!tpu.dma_semaphore, #tpu.memory_space<semaphore_mem>>) src(%dma_wait3A_148 : memref<2x128xi32, #tpu.memory_space<hbm>>) dst(%arg6 : memref<2x128xi32, #tpu.memory_space<vmem>>)
      tpu.yield
    }) : () -> ()
    %dma_start3A_34 = arith.constant 0 : i32
    %dma_start3A_35 = arith.constant 0 : i32
    %dma_start3A_36 = tpu.memref_slice %arg6[%dma_start3A_34, %dma_start3A_35] : memref<2x128xi32, #tpu.memory_space<vmem>> -> memref<1x128xi32, #tpu.memory_space<vmem>>
    %dma_start3A_37 = tpu.memref_squeeze %dma_start3A_36 : memref<1x128xi32, #tpu.memory_space<vmem>> -> memref<128xi32, #tpu.memory_space<vmem>>
    %dma_start3A_38 = arith.constant 0 : i32
    %dma_start3A_39 = arith.constant 0 : i32
    %dma_start3A_40 = tpu.memref_slice %arg2[%dma_start3A_38, %dma_start3A_39] : memref<10112x128xf32, #tpu.memory_space<hbm>> -> memref<10112x128xf32, #tpu.memory_space<hbm>>
    tpu.enqueue_indirect_dma source(%dma_start3A_40 : memref<10112x128xf32, #tpu.memory_space<hbm>>) target(%arg7 : memref<128x128xf32, #tpu.memory_space<vmem>>) offsets(%dma_start3A_37 : memref<128xi32, #tpu.memory_space<vmem>>) semaphore(%arg9 : memref<!tpu.dma_semaphore, #tpu.memory_space<semaphore_mem>>)
    %dma_start3A_41 = arith.constant 1 : i32
    %dma_start3A_42 = arith.constant 0 : i32
    %dma_start3A_43 = tpu.memref_slice %arg6[%dma_start3A_41, %dma_start3A_42] : memref<2x128xi32, #tpu.memory_space<vmem>> -> memref<1x128xi32, #tpu.memory_space<vmem>>
    %dma_start3A_44 = tpu.memref_squeeze %dma_start3A_43 : memref<1x128xi32, #tpu.memory_space<vmem>> -> memref<128xi32, #tpu.memory_space<vmem>>
    %dma_start3A_45 = arith.constant 0 : i32
    %dma_start3A_46 = arith.constant 0 : i32
    %dma_start3A_47 = tpu.memref_slice %arg2[%dma_start3A_45, %dma_start3A_46] : memref<10112x128xf32, #tpu.memory_space<hbm>> -> memref<10112x128xf32, #tpu.memory_space<hbm>>
    tpu.enqueue_indirect_dma source(%dma_start3A_47 : memref<10112x128xf32, #tpu.memory_space<hbm>>) target(%arg8 : memref<128x128xf32, #tpu.memory_space<vmem>>) offsets(%dma_start3A_44 : memref<128xi32, #tpu.memory_space<vmem>>) semaphore(%arg10 : memref<!tpu.dma_semaphore, #tpu.memory_space<semaphore_mem>>)
    %dma_wait3A_48 = arith.constant 0 : i32
    %dma_wait3A_49 = arith.constant 0 : i32
    %dma_wait3A_50 = tpu.memref_slice %arg6[%dma_wait3A_48, %dma_wait3A_49] : memref<2x128xi32, #tpu.memory_space<vmem>> -> memref<1x128xi32, #tpu.memory_space<vmem>>
    %dma_wait3A_51 = tpu.memref_squeeze %dma_wait3A_50 : memref<1x128xi32, #tpu.memory_space<vmem>> -> memref<128xi32, #tpu.memory_space<vmem>>
    %dma_wait3A_52 = arith.constant 0 : i32
    %dma_wait3A_53 = arith.constant 0 : i32
    %dma_wait3A_54 = tpu.memref_slice %arg2[%dma_wait3A_52, %dma_wait3A_53] : memref<10112x128xf32, #tpu.memory_space<hbm>> -> memref<10112x128xf32, #tpu.memory_space<hbm>>
    tpu.wait_indirect_dma semaphore(%arg9 : memref<!tpu.dma_semaphore, #tpu.memory_space<semaphore_mem>>) src(%dma_wait3A_54 : memref<10112x128xf32, #tpu.memory_space<hbm>>) dst(%arg7 : memref<128x128xf32, #tpu.memory_space<vmem>>)
    %add3A_55 = arith.constant 128 : i32
    %add3A_56 = arith.addi %mul3A_2, %add3A_55 : i32
    "tpu.region"() ({
      %run_scoped3A_132 = tpu.sem_alloc : memref<!tpu.dma_semaphore, #tpu.memory_space<semaphore_mem>>
      %dma_start3A_133 = arith.constant 0 : i32
      %dma_start3A_134 = tpu.memref_slice %arg4[%add3A_56, %dma_start3A_133] : memref<16384x128xf32, #tpu.memory_space<hbm>> -> memref<128x128xf32, #tpu.memory_space<hbm>>
      %dma_start3A_135 = arith.constant 0 : i32
      %dma_start3A_136 = tpu.memref_slice %arg4[%add3A_56, %dma_start3A_135] : memref<16384x128xf32, #tpu.memory_space<hbm>> -> memref<128x128xf32, #tpu.memory_space<hbm>>
      tpu.enqueue_dma source(%arg7 : memref<128x128xf32, #tpu.memory_space<vmem>>) target(%dma_start3A_136 : memref<128x128xf32, #tpu.memory_space<hbm>>) target_semaphore(%run_scoped3A_132 : memref<!tpu.dma_semaphore, #tpu.memory_space<semaphore_mem>>)
      %dma_wait3A_137 = arith.constant 0 : i32
      %dma_wait3A_138 = tpu.memref_slice %arg4[%add3A_56, %dma_wait3A_137] : memref<16384x128xf32, #tpu.memory_space<hbm>> -> memref<128x128xf32, #tpu.memory_space<hbm>>
      %dma_wait3A_139 = arith.constant 0 : i32
      %dma_wait3A_140 = tpu.memref_slice %arg4[%add3A_56, %dma_wait3A_139] : memref<16384x128xf32, #tpu.memory_space<hbm>> -> memref<128x128xf32, #tpu.memory_space<hbm>>
      tpu.wait_dma2 semaphore(%run_scoped3A_132 : memref<!tpu.dma_semaphore, #tpu.memory_space<semaphore_mem>>) src(%arg7 : memref<128x128xf32, #tpu.memory_space<vmem>>) dst(%dma_wait3A_140 : memref<128x128xf32, #tpu.memory_space<hbm>>)
      tpu.yield
    }) : () -> ()
    %dma_wait3A_57 = arith.constant 1 : i32
    %dma_wait3A_58 = arith.constant 0 : i32
    %dma_wait3A_59 = tpu.memref_slice %arg6[%dma_wait3A_57, %dma_wait3A_58] : memref<2x128xi32, #tpu.memory_space<vmem>> -> memref<1x128xi32, #tpu.memory_space<vmem>>
    %dma_wait3A_60 = tpu.memref_squeeze %dma_wait3A_59 : memref<1x128xi32, #tpu.memory_space<vmem>> -> memref<128xi32, #tpu.memory_space<vmem>>
    %dma_wait3A_61 = arith.constant 0 : i32
    %dma_wait3A_62 = arith.constant 0 : i32
    %dma_wait3A_63 = tpu.memref_slice %arg2[%dma_wait3A_61, %dma_wait3A_62] : memref<10112x128xf32, #tpu.memory_space<hbm>> -> memref<10112x128xf32, #tpu.memory_space<hbm>>
    tpu.wait_indirect_dma semaphore(%arg10 : memref<!tpu.dma_semaphore, #tpu.memory_space<semaphore_mem>>) src(%dma_wait3A_63 : memref<10112x128xf32, #tpu.memory_space<hbm>>) dst(%arg8 : memref<128x128xf32, #tpu.memory_space<vmem>>)
    %add3A_64 = arith.constant 128 : i32
    %add3A_65 = arith.addi %mul3A_2, %add3A_64 : i32
    "tpu.region"() ({
      %run_scoped3A_132 = tpu.sem_alloc : memref<!tpu.dma_semaphore, #tpu.memory_space<semaphore_mem>>
      %dma_start3A_133 = arith.constant 0 : i32
      %dma_start3A_134 = tpu.memref_slice %arg5[%add3A_65, %dma_start3A_133] : memref<16384x128xf32, #tpu.memory_space<hbm>> -> memref<128x128xf32, #tpu.memory_space<hbm>>
      %dma_start3A_135 = arith.constant 0 : i32
      %dma_start3A_136 = tpu.memref_slice %arg5[%add3A_65, %dma_start3A_135] : memref<16384x128xf32, #tpu.memory_space<hbm>> -> memref<128x128xf32, #tpu.memory_space<hbm>>
      tpu.enqueue_dma source(%arg8 : memref<128x128xf32, #tpu.memory_space<vmem>>) target(%dma_start3A_136 : memref<128x128xf32, #tpu.memory_space<hbm>>) target_semaphore(%run_scoped3A_132 : memref<!tpu.dma_semaphore, #tpu.memory_space<semaphore_mem>>)
      %dma_wait3A_137 = arith.constant 0 : i32
      %dma_wait3A_138 = tpu.memref_slice %arg5[%add3A_65, %dma_wait3A_137] : memref<16384x128xf32, #tpu.memory_space<hbm>> -> memref<128x128xf32, #tpu.memory_space<hbm>>
      %dma_wait3A_139 = arith.constant 0 : i32
      %dma_wait3A_140 = tpu.memref_slice %arg5[%add3A_65, %dma_wait3A_139] : memref<16384x128xf32, #tpu.memory_space<hbm>> -> memref<128x128xf32, #tpu.memory_space<hbm>>
      tpu.wait_dma2 semaphore(%run_scoped3A_132 : memref<!tpu.dma_semaphore, #tpu.memory_space<semaphore_mem>>) src(%arg8 : memref<128x128xf32, #tpu.memory_space<vmem>>) dst(%dma_wait3A_140 : memref<128x128xf32, #tpu.memory_space<hbm>>)
      tpu.yield
    }) : () -> ()
    %run_scoped3A_66 = arith.constant 2 : i32
    "tpu.region"() ({
      %run_scoped3A_132 = tpu.sem_alloc : memref<!tpu.dma_semaphore, #tpu.memory_space<semaphore_mem>>
      %dma_start3A_133 = arith.constant 0 : i32
      %dma_start3A_134 = arith.constant 0 : i32
      %dma_start3A_135 = tpu.memref_slice %arg3[%add3A, %run_scoped3A_66, %dma_start3A_133, %dma_start3A_134] : memref<32x4x2x128xi32, #tpu.memory_space<hbm>> -> memref<1x1x2x128xi32, #tpu.memory_space<hbm>>
      %dma_start3A_136 = tpu.memref_squeeze %dma_start3A_135 : memref<1x1x2x128xi32, #tpu.memory_space<hbm>> -> memref<2x128xi32, #tpu.memory_space<hbm>>
      %dma_start3A_137 = arith.constant 0 : i32
      %dma_start3A_138 = arith.constant 0 : i32
      %dma_start3A_139 = tpu.memref_slice %arg3[%add3A, %run_scoped3A_66, %dma_start3A_137, %dma_start3A_138] : memref<32x4x2x128xi32, #tpu.memory_space<hbm>> -> memref<1x1x2x128xi32, #tpu.memory_space<hbm>>
      %dma_start3A_140 = tpu.memref_squeeze %dma_start3A_139 : memref<1x1x2x128xi32, #tpu.memory_space<hbm>> -> memref<2x128xi32, #tpu.memory_space<hbm>>
      tpu.enqueue_dma source(%dma_start3A_140 : memref<2x128xi32, #tpu.memory_space<hbm>>) target(%arg6 : memref<2x128xi32, #tpu.memory_space<vmem>>) target_semaphore(%run_scoped3A_132 : memref<!tpu.dma_semaphore, #tpu.memory_space<semaphore_mem>>)
      %dma_wait3A_141 = arith.constant 0 : i32
      %dma_wait3A_142 = arith.constant 0 : i32
      %dma_wait3A_143 = tpu.memref_slice %arg3[%add3A, %run_scoped3A_66, %dma_wait3A_141, %dma_wait3A_142] : memref<32x4x2x128xi32, #tpu.memory_space<hbm>> -> memref<1x1x2x128xi32, #tpu.memory_space<hbm>>
      %dma_wait3A_144 = tpu.memref_squeeze %dma_wait3A_143 : memref<1x1x2x128xi32, #tpu.memory_space<hbm>> -> memref<2x128xi32, #tpu.memory_space<hbm>>
      %dma_wait3A_145 = arith.constant 0 : i32
      %dma_wait3A_146 = arith.constant 0 : i32
      %dma_wait3A_147 = tpu.memref_slice %arg3[%add3A, %run_scoped3A_66, %dma_wait3A_145, %dma_wait3A_146] : memref<32x4x2x128xi32, #tpu.memory_space<hbm>> -> memref<1x1x2x128xi32, #tpu.memory_space<hbm>>
      %dma_wait3A_148 = tpu.memref_squeeze %dma_wait3A_147 : memref<1x1x2x128xi32, #tpu.memory_space<hbm>> -> memref<2x128xi32, #tpu.memory_space<hbm>>
      tpu.wait_dma2 semaphore(%run_scoped3A_132 : memref<!tpu.dma_semaphore, #tpu.memory_space<semaphore_mem>>) src(%dma_wait3A_148 : memref<2x128xi32, #tpu.memory_space<hbm>>) dst(%arg6 : memref<2x128xi32, #tpu.memory_space<vmem>>)
      tpu.yield
    }) : () -> ()
    %dma_start3A_67 = arith.constant 0 : i32
    %dma_start3A_68 = arith.constant 0 : i32
    %dma_start3A_69 = tpu.memref_slice %arg6[%dma_start3A_67, %dma_start3A_68] : memref<2x128xi32, #tpu.memory_space<vmem>> -> memref<1x128xi32, #tpu.memory_space<vmem>>
    %dma_start3A_70 = tpu.memref_squeeze %dma_start3A_69 : memref<1x128xi32, #tpu.memory_space<vmem>> -> memref<128xi32, #tpu.memory_space<vmem>>
    %dma_start3A_71 = arith.constant 0 : i32
    %dma_start3A_72 = arith.constant 0 : i32
    %dma_start3A_73 = tpu.memref_slice %arg2[%dma_start3A_71, %dma_start3A_72] : memref<10112x128xf32, #tpu.memory_space<hbm>> -> memref<10112x128xf32, #tpu.memory_space<hbm>>
    tpu.enqueue_indirect_dma source(%dma_start3A_73 : memref<10112x128xf32, #tpu.memory_space<hbm>>) target(%arg7 : memref<128x128xf32, #tpu.memory_space<vmem>>) offsets(%dma_start3A_70 : memref<128xi32, #tpu.memory_space<vmem>>) semaphore(%arg9 : memref<!tpu.dma_semaphore, #tpu.memory_space<semaphore_mem>>)
    %dma_start3A_74 = arith.constant 1 : i32
    %dma_start3A_75 = arith.constant 0 : i32
    %dma_start3A_76 = tpu.memref_slice %arg6[%dma_start3A_74, %dma_start3A_75] : memref<2x128xi32, #tpu.memory_space<vmem>> -> memref<1x128xi32, #tpu.memory_space<vmem>>
    %dma_start3A_77 = tpu.memref_squeeze %dma_start3A_76 : memref<1x128xi32, #tpu.memory_space<vmem>> -> memref<128xi32, #tpu.memory_space<vmem>>
    %dma_start3A_78 = arith.constant 0 : i32
    %dma_start3A_79 = arith.constant 0 : i32
    %dma_start3A_80 = tpu.memref_slice %arg2[%dma_start3A_78, %dma_start3A_79] : memref<10112x128xf32, #tpu.memory_space<hbm>> -> memref<10112x128xf32, #tpu.memory_space<hbm>>
    tpu.enqueue_indirect_dma source(%dma_start3A_80 : memref<10112x128xf32, #tpu.memory_space<hbm>>) target(%arg8 : memref<128x128xf32, #tpu.memory_space<vmem>>) offsets(%dma_start3A_77 : memref<128xi32, #tpu.memory_space<vmem>>) semaphore(%arg10 : memref<!tpu.dma_semaphore, #tpu.memory_space<semaphore_mem>>)
    %dma_wait3A_81 = arith.constant 0 : i32
    %dma_wait3A_82 = arith.constant 0 : i32
    %dma_wait3A_83 = tpu.memref_slice %arg6[%dma_wait3A_81, %dma_wait3A_82] : memref<2x128xi32, #tpu.memory_space<vmem>> -> memref<1x128xi32, #tpu.memory_space<vmem>>
    %dma_wait3A_84 = tpu.memref_squeeze %dma_wait3A_83 : memref<1x128xi32, #tpu.memory_space<vmem>> -> memref<128xi32, #tpu.memory_space<vmem>>
    %dma_wait3A_85 = arith.constant 0 : i32
    %dma_wait3A_86 = arith.constant 0 : i32
    %dma_wait3A_87 = tpu.memref_slice %arg2[%dma_wait3A_85, %dma_wait3A_86] : memref<10112x128xf32, #tpu.memory_space<hbm>> -> memref<10112x128xf32, #tpu.memory_space<hbm>>
    tpu.wait_indirect_dma semaphore(%arg9 : memref<!tpu.dma_semaphore, #tpu.memory_space<semaphore_mem>>) src(%dma_wait3A_87 : memref<10112x128xf32, #tpu.memory_space<hbm>>) dst(%arg7 : memref<128x128xf32, #tpu.memory_space<vmem>>)
    %add3A_88 = arith.constant 256 : i32
    %add3A_89 = arith.addi %mul3A_2, %add3A_88 : i32
    "tpu.region"() ({
      %run_scoped3A_132 = tpu.sem_alloc : memref<!tpu.dma_semaphore, #tpu.memory_space<semaphore_mem>>
      %dma_start3A_133 = arith.constant 0 : i32
      %dma_start3A_134 = tpu.memref_slice %arg4[%add3A_89, %dma_start3A_133] : memref<16384x128xf32, #tpu.memory_space<hbm>> -> memref<128x128xf32, #tpu.memory_space<hbm>>
      %dma_start3A_135 = arith.constant 0 : i32
      %dma_start3A_136 = tpu.memref_slice %arg4[%add3A_89, %dma_start3A_135] : memref<16384x128xf32, #tpu.memory_space<hbm>> -> memref<128x128xf32, #tpu.memory_space<hbm>>
      tpu.enqueue_dma source(%arg7 : memref<128x128xf32, #tpu.memory_space<vmem>>) target(%dma_start3A_136 : memref<128x128xf32, #tpu.memory_space<hbm>>) target_semaphore(%run_scoped3A_132 : memref<!tpu.dma_semaphore, #tpu.memory_space<semaphore_mem>>)
      %dma_wait3A_137 = arith.constant 0 : i32
      %dma_wait3A_138 = tpu.memref_slice %arg4[%add3A_89, %dma_wait3A_137] : memref<16384x128xf32, #tpu.memory_space<hbm>> -> memref<128x128xf32, #tpu.memory_space<hbm>>
      %dma_wait3A_139 = arith.constant 0 : i32
      %dma_wait3A_140 = tpu.memref_slice %arg4[%add3A_89, %dma_wait3A_139] : memref<16384x128xf32, #tpu.memory_space<hbm>> -> memref<128x128xf32, #tpu.memory_space<hbm>>
      tpu.wait_dma2 semaphore(%run_scoped3A_132 : memref<!tpu.dma_semaphore, #tpu.memory_space<semaphore_mem>>) src(%arg7 : memref<128x128xf32, #tpu.memory_space<vmem>>) dst(%dma_wait3A_140 : memref<128x128xf32, #tpu.memory_space<hbm>>)
      tpu.yield
    }) : () -> ()
    %dma_wait3A_90 = arith.constant 1 : i32
    %dma_wait3A_91 = arith.constant 0 : i32
    %dma_wait3A_92 = tpu.memref_slice %arg6[%dma_wait3A_90, %dma_wait3A_91] : memref<2x128xi32, #tpu.memory_space<vmem>> -> memref<1x128xi32, #tpu.memory_space<vmem>>
    %dma_wait3A_93 = tpu.memref_squeeze %dma_wait3A_92 : memref<1x128xi32, #tpu.memory_space<vmem>> -> memref<128xi32, #tpu.memory_space<vmem>>
    %dma_wait3A_94 = arith.constant 0 : i32
    %dma_wait3A_95 = arith.constant 0 : i32
    %dma_wait3A_96 = tpu.memref_slice %arg2[%dma_wait3A_94, %dma_wait3A_95] : memref<10112x128xf32, #tpu.memory_space<hbm>> -> memref<10112x128xf32, #tpu.memory_space<hbm>>
    tpu.wait_indirect_dma semaphore(%arg10 : memref<!tpu.dma_semaphore, #tpu.memory_space<semaphore_mem>>) src(%dma_wait3A_96 : memref<10112x128xf32, #tpu.memory_space<hbm>>) dst(%arg8 : memref<128x128xf32, #tpu.memory_space<vmem>>)
    %add3A_97 = arith.constant 256 : i32
    %add3A_98 = arith.addi %mul3A_2, %add3A_97 : i32
    "tpu.region"() ({
      %run_scoped3A_132 = tpu.sem_alloc : memref<!tpu.dma_semaphore, #tpu.memory_space<semaphore_mem>>
      %dma_start3A_133 = arith.constant 0 : i32
      %dma_start3A_134 = tpu.memref_slice %arg5[%add3A_98, %dma_start3A_133] : memref<16384x128xf32, #tpu.memory_space<hbm>> -> memref<128x128xf32, #tpu.memory_space<hbm>>
      %dma_start3A_135 = arith.constant 0 : i32
      %dma_start3A_136 = tpu.memref_slice %arg5[%add3A_98, %dma_start3A_135] : memref<16384x128xf32, #tpu.memory_space<hbm>> -> memref<128x128xf32, #tpu.memory_space<hbm>>
      tpu.enqueue_dma source(%arg8 : memref<128x128xf32, #tpu.memory_space<vmem>>) target(%dma_start3A_136 : memref<128x128xf32, #tpu.memory_space<hbm>>) target_semaphore(%run_scoped3A_132 : memref<!tpu.dma_semaphore, #tpu.memory_space<semaphore_mem>>)
      %dma_wait3A_137 = arith.constant 0 : i32
      %dma_wait3A_138 = tpu.memref_slice %arg5[%add3A_98, %dma_wait3A_137] : memref<16384x128xf32, #tpu.memory_space<hbm>> -> memref<128x128xf32, #tpu.memory_space<hbm>>
      %dma_wait3A_139 = arith.constant 0 : i32
      %dma_wait3A_140 = tpu.memref_slice %arg5[%add3A_98, %dma_wait3A_139] : memref<16384x128xf32, #tpu.memory_space<hbm>> -> memref<128x128xf32, #tpu.memory_space<hbm>>
      tpu.wait_dma2 semaphore(%run_scoped3A_132 : memref<!tpu.dma_semaphore, #tpu.memory_space<semaphore_mem>>) src(%arg8 : memref<128x128xf32, #tpu.memory_space<vmem>>) dst(%dma_wait3A_140 : memref<128x128xf32, #tpu.memory_space<hbm>>)
      tpu.yield
    }) : () -> ()
    %run_scoped3A_99 = arith.constant 3 : i32
    "tpu.region"() ({
      %run_scoped3A_132 = tpu.sem_alloc : memref<!tpu.dma_semaphore, #tpu.memory_space<semaphore_mem>>
      %dma_start3A_133 = arith.constant 0 : i32
      %dma_start3A_134 = arith.constant 0 : i32
      %dma_start3A_135 = tpu.memref_slice %arg3[%add3A, %run_scoped3A_99, %dma_start3A_133, %dma_start3A_134] : memref<32x4x2x128xi32, #tpu.memory_space<hbm>> -> memref<1x1x2x128xi32, #tpu.memory_space<hbm>>
      %dma_start3A_136 = tpu.memref_squeeze %dma_start3A_135 : memref<1x1x2x128xi32, #tpu.memory_space<hbm>> -> memref<2x128xi32, #tpu.memory_space<hbm>>
      %dma_start3A_137 = arith.constant 0 : i32
      %dma_start3A_138 = arith.constant 0 : i32
      %dma_start3A_139 = tpu.memref_slice %arg3[%add3A, %run_scoped3A_99, %dma_start3A_137, %dma_start3A_138] : memref<32x4x2x128xi32, #tpu.memory_space<hbm>> -> memref<1x1x2x128xi32, #tpu.memory_space<hbm>>
      %dma_start3A_140 = tpu.memref_squeeze %dma_start3A_139 : memref<1x1x2x128xi32, #tpu.memory_space<hbm>> -> memref<2x128xi32, #tpu.memory_space<hbm>>
      tpu.enqueue_dma source(%dma_start3A_140 : memref<2x128xi32, #tpu.memory_space<hbm>>) target(%arg6 : memref<2x128xi32, #tpu.memory_space<vmem>>) target_semaphore(%run_scoped3A_132 : memref<!tpu.dma_semaphore, #tpu.memory_space<semaphore_mem>>)
      %dma_wait3A_141 = arith.constant 0 : i32
      %dma_wait3A_142 = arith.constant 0 : i32
      %dma_wait3A_143 = tpu.memref_slice %arg3[%add3A, %run_scoped3A_99, %dma_wait3A_141, %dma_wait3A_142] : memref<32x4x2x128xi32, #tpu.memory_space<hbm>> -> memref<1x1x2x128xi32, #tpu.memory_space<hbm>>
      %dma_wait3A_144 = tpu.memref_squeeze %dma_wait3A_143 : memref<1x1x2x128xi32, #tpu.memory_space<hbm>> -> memref<2x128xi32, #tpu.memory_space<hbm>>
      %dma_wait3A_145 = arith.constant 0 : i32
      %dma_wait3A_146 = arith.constant 0 : i32
      %dma_wait3A_147 = tpu.memref_slice %arg3[%add3A, %run_scoped3A_99, %dma_wait3A_145, %dma_wait3A_146] : memref<32x4x2x128xi32, #tpu.memory_space<hbm>> -> memref<1x1x2x128xi32, #tpu.memory_space<hbm>>
      %dma_wait3A_148 = tpu.memref_squeeze %dma_wait3A_147 : memref<1x1x2x128xi32, #tpu.memory_space<hbm>> -> memref<2x128xi32, #tpu.memory_space<hbm>>
      tpu.wait_dma2 semaphore(%run_scoped3A_132 : memref<!tpu.dma_semaphore, #tpu.memory_space<semaphore_mem>>) src(%dma_wait3A_148 : memref<2x128xi32, #tpu.memory_space<hbm>>) dst(%arg6 : memref<2x128xi32, #tpu.memory_space<vmem>>)
      tpu.yield
    }) : () -> ()
    %dma_start3A_100 = arith.constant 0 : i32
    %dma_start3A_101 = arith.constant 0 : i32
    %dma_start3A_102 = tpu.memref_slice %arg6[%dma_start3A_100, %dma_start3A_101] : memref<2x128xi32, #tpu.memory_space<vmem>> -> memref<1x128xi32, #tpu.memory_space<vmem>>
    %dma_start3A_103 = tpu.memref_squeeze %dma_start3A_102 : memref<1x128xi32, #tpu.memory_space<vmem>> -> memref<128xi32, #tpu.memory_space<vmem>>
    %dma_start3A_104 = arith.constant 0 : i32
    %dma_start3A_105 = arith.constant 0 : i32
    %dma_start3A_106 = tpu.memref_slice %arg2[%dma_start3A_104, %dma_start3A_105] : memref<10112x128xf32, #tpu.memory_space<hbm>> -> memref<10112x128xf32, #tpu.memory_space<hbm>>
    tpu.enqueue_indirect_dma source(%dma_start3A_106 : memref<10112x128xf32, #tpu.memory_space<hbm>>) target(%arg7 : memref<128x128xf32, #tpu.memory_space<vmem>>) offsets(%dma_start3A_103 : memref<128xi32, #tpu.memory_space<vmem>>) semaphore(%arg9 : memref<!tpu.dma_semaphore, #tpu.memory_space<semaphore_mem>>)
    %dma_start3A_107 = arith.constant 1 : i32
    %dma_start3A_108 = arith.constant 0 : i32
    %dma_start3A_109 = tpu.memref_slice %arg6[%dma_start3A_107, %dma_start3A_108] : memref<2x128xi32, #tpu.memory_space<vmem>> -> memref<1x128xi32, #tpu.memory_space<vmem>>
    %dma_start3A_110 = tpu.memref_squeeze %dma_start3A_109 : memref<1x128xi32, #tpu.memory_space<vmem>> -> memref<128xi32, #tpu.memory_space<vmem>>
    %dma_start3A_111 = arith.constant 0 : i32
    %dma_start3A_112 = arith.constant 0 : i32
    %dma_start3A_113 = tpu.memref_slice %arg2[%dma_start3A_111, %dma_start3A_112] : memref<10112x128xf32, #tpu.memory_space<hbm>> -> memref<10112x128xf32, #tpu.memory_space<hbm>>
    tpu.enqueue_indirect_dma source(%dma_start3A_113 : memref<10112x128xf32, #tpu.memory_space<hbm>>) target(%arg8 : memref<128x128xf32, #tpu.memory_space<vmem>>) offsets(%dma_start3A_110 : memref<128xi32, #tpu.memory_space<vmem>>) semaphore(%arg10 : memref<!tpu.dma_semaphore, #tpu.memory_space<semaphore_mem>>)
    %dma_wait3A_114 = arith.constant 0 : i32
    %dma_wait3A_115 = arith.constant 0 : i32
    %dma_wait3A_116 = tpu.memref_slice %arg6[%dma_wait3A_114, %dma_wait3A_115] : memref<2x128xi32, #tpu.memory_space<vmem>> -> memref<1x128xi32, #tpu.memory_space<vmem>>
    %dma_wait3A_117 = tpu.memref_squeeze %dma_wait3A_116 : memref<1x128xi32, #tpu.memory_space<vmem>> -> memref<128xi32, #tpu.memory_space<vmem>>
    %dma_wait3A_118 = arith.constant 0 : i32
    %dma_wait3A_119 = arith.constant 0 : i32
    %dma_wait3A_120 = tpu.memref_slice %arg2[%dma_wait3A_118, %dma_wait3A_119] : memref<10112x128xf32, #tpu.memory_space<hbm>> -> memref<10112x128xf32, #tpu.memory_space<hbm>>
    tpu.wait_indirect_dma semaphore(%arg9 : memref<!tpu.dma_semaphore, #tpu.memory_space<semaphore_mem>>) src(%dma_wait3A_120 : memref<10112x128xf32, #tpu.memory_space<hbm>>) dst(%arg7 : memref<128x128xf32, #tpu.memory_space<vmem>>)
    %add3A_121 = arith.constant 384 : i32
    %add3A_122 = arith.addi %mul3A_2, %add3A_121 : i32
    "tpu.region"() ({
      %run_scoped3A_132 = tpu.sem_alloc : memref<!tpu.dma_semaphore, #tpu.memory_space<semaphore_mem>>
      %dma_start3A_133 = arith.constant 0 : i32
      %dma_start3A_134 = tpu.memref_slice %arg4[%add3A_122, %dma_start3A_133] : memref<16384x128xf32, #tpu.memory_space<hbm>> -> memref<128x128xf32, #tpu.memory_space<hbm>>
      %dma_start3A_135 = arith.constant 0 : i32
      %dma_start3A_136 = tpu.memref_slice %arg4[%add3A_122, %dma_start3A_135] : memref<16384x128xf32, #tpu.memory_space<hbm>> -> memref<128x128xf32, #tpu.memory_space<hbm>>
      tpu.enqueue_dma source(%arg7 : memref<128x128xf32, #tpu.memory_space<vmem>>) target(%dma_start3A_136 : memref<128x128xf32, #tpu.memory_space<hbm>>) target_semaphore(%run_scoped3A_132 : memref<!tpu.dma_semaphore, #tpu.memory_space<semaphore_mem>>)
      %dma_wait3A_137 = arith.constant 0 : i32
      %dma_wait3A_138 = tpu.memref_slice %arg4[%add3A_122, %dma_wait3A_137] : memref<16384x128xf32, #tpu.memory_space<hbm>> -> memref<128x128xf32, #tpu.memory_space<hbm>>
      %dma_wait3A_139 = arith.constant 0 : i32
      %dma_wait3A_140 = tpu.memref_slice %arg4[%add3A_122, %dma_wait3A_139] : memref<16384x128xf32, #tpu.memory_space<hbm>> -> memref<128x128xf32, #tpu.memory_space<hbm>>
      tpu.wait_dma2 semaphore(%run_scoped3A_132 : memref<!tpu.dma_semaphore, #tpu.memory_space<semaphore_mem>>) src(%arg7 : memref<128x128xf32, #tpu.memory_space<vmem>>) dst(%dma_wait3A_140 : memref<128x128xf32, #tpu.memory_space<hbm>>)
      tpu.yield
    }) : () -> ()
    %dma_wait3A_123 = arith.constant 1 : i32
    %dma_wait3A_124 = arith.constant 0 : i32
    %dma_wait3A_125 = tpu.memref_slice %arg6[%dma_wait3A_123, %dma_wait3A_124] : memref<2x128xi32, #tpu.memory_space<vmem>> -> memref<1x128xi32, #tpu.memory_space<vmem>>
    %dma_wait3A_126 = tpu.memref_squeeze %dma_wait3A_125 : memref<1x128xi32, #tpu.memory_space<vmem>> -> memref<128xi32, #tpu.memory_space<vmem>>
    %dma_wait3A_127 = arith.constant 0 : i32
    %dma_wait3A_128 = arith.constant 0 : i32
    %dma_wait3A_129 = tpu.memref_slice %arg2[%dma_wait3A_127, %dma_wait3A_128] : memref<10112x128xf32, #tpu.memory_space<hbm>> -> memref<10112x128xf32, #tpu.memory_space<hbm>>
    tpu.wait_indirect_dma semaphore(%arg10 : memref<!tpu.dma_semaphore, #tpu.memory_space<semaphore_mem>>) src(%dma_wait3A_129 : memref<10112x128xf32, #tpu.memory_space<hbm>>) dst(%arg8 : memref<128x128xf32, #tpu.memory_space<vmem>>)
    %add3A_130 = arith.constant 384 : i32
    %add3A_131 = arith.addi %mul3A_2, %add3A_130 : i32
    "tpu.region"() ({
      %run_scoped3A_132 = tpu.sem_alloc : memref<!tpu.dma_semaphore, #tpu.memory_space<semaphore_mem>>
      %dma_start3A_133 = arith.constant 0 : i32
      %dma_start3A_134 = tpu.memref_slice %arg5[%add3A_131, %dma_start3A_133] : memref<16384x128xf32, #tpu.memory_space<hbm>> -> memref<128x128xf32, #tpu.memory_space<hbm>>
      %dma_start3A_135 = arith.constant 0 : i32
      %dma_start3A_136 = tpu.memref_slice %arg5[%add3A_131, %dma_start3A_135] : memref<16384x128xf32, #tpu.memory_space<hbm>> -> memref<128x128xf32, #tpu.memory_space<hbm>>
      tpu.enqueue_dma source(%arg8 : memref<128x128xf32, #tpu.memory_space<vmem>>) target(%dma_start3A_136 : memref<128x128xf32, #tpu.memory_space<hbm>>) target_semaphore(%run_scoped3A_132 : memref<!tpu.dma_semaphore, #tpu.memory_space<semaphore_mem>>)
      %dma_wait3A_137 = arith.constant 0 : i32
      %dma_wait3A_138 = tpu.memref_slice %arg5[%add3A_131, %dma_wait3A_137] : memref<16384x128xf32, #tpu.memory_space<hbm>> -> memref<128x128xf32, #tpu.memory_space<hbm>>
      %dma_wait3A_139 = arith.constant 0 : i32
      %dma_wait3A_140 = tpu.memref_slice %arg5[%add3A_131, %dma_wait3A_139] : memref<16384x128xf32, #tpu.memory_space<hbm>> -> memref<128x128xf32, #tpu.memory_space<hbm>>
      tpu.wait_dma2 semaphore(%run_scoped3A_132 : memref<!tpu.dma_semaphore, #tpu.memory_space<semaphore_mem>>) src(%arg8 : memref<128x128xf32, #tpu.memory_space<vmem>>) dst(%dma_wait3A_140 : memref<128x128xf32, #tpu.memory_space<hbm>>)
      tpu.yield
    }) : () -> ()
    return
  }
}

module attributes {stable_mosaic.version = 14 : i64} {
  func.func @_scale_body(%arg0: i32, %arg1: memref<2528x128xf32, #tpu.memory_space<vmem>>, %arg2: memref<2528x128xf32, #tpu.memory_space<vmem>>, %arg3: memref<2528x128xf32, #tpu.memory_space<vmem>>) attributes {dimension_semantics = [#tpu.dimension_semantics<arbitrary>], iteration_bounds = array<i64: 4>, scalar_prefetch = 0 : i64, scratch_operands = 0 : i64, tpu.core_type = #tpu.core_type<tc>, window_params = [{transform_indices = @transform_0, window_bounds = array<i64: 2528, 128>}, {transform_indices = @transform_1, window_bounds = array<i64: 2528, 128>}, {transform_indices = @transform_2, window_bounds = array<i64: 2528, 128>}]} {
    %get3A = arith.constant 0 : index
    %get3A_0 = arith.constant 0 : index
    %get3A_1 = vector.load %arg1[%get3A, %get3A_0] : memref<2528x128xf32, #tpu.memory_space<vmem>>, vector<2528x128xf32>
    %get3A_2 = arith.constant 0 : index
    %get3A_3 = arith.constant 0 : index
    %get3A_4 = vector.load %arg2[%get3A_2, %get3A_3] : memref<2528x128xf32, #tpu.memory_space<vmem>>, vector<2528x128xf32>
    %mul3A = arith.mulf %get3A_1, %get3A_4 : vector<2528x128xf32>
    %swap3A = arith.constant 0 : index
    %swap3A_5 = arith.constant 0 : index
    %swap3A_6 = vector.load %arg3[%swap3A, %swap3A_5] : memref<2528x128xf32, #tpu.memory_space<vmem>>, vector<2528x128xf32>
    tpu.vector_store %arg3[%swap3A, %swap3A_5], %mul3A {strides = array<i32>} : memref<2528x128xf32, #tpu.memory_space<vmem>>, vector<2528x128xf32>,
    return
  }
  func.func @transform_0(%arg0: i32) -> (i32, i32) {
    %c0_i32 = arith.constant 0 : i32
    %c0_i32_0 = arith.constant 0 : i32
    return %arg0, %c0_i32 : i32, i32
  }
  func.func @transform_1(%arg0: i32) -> (i32, i32) {
    %c0_i32 = arith.constant 0 : i32
    %c0_i32_0 = arith.constant 0 : i32
    return %arg0, %c0_i32 : i32, i32
  }
  func.func @transform_2(%arg0: i32) -> (i32, i32) {
    %c0_i32 = arith.constant 0 : i32
    %c0_i32_0 = arith.constant 0 : i32
    return %arg0, %c0_i32 : i32, i32
  }
}

module attributes {stable_mosaic.version = 14 : i64} {
  func.func @_layer_mid_body(%arg0: i32, %arg1: memref<2x2528x128xf32, #tpu.memory_space<vmem>>, %arg2: memref<2528x128xf32, #tpu.memory_space<vmem>>, %arg3: memref<128x128xf32, #tpu.memory_space<vmem>>, %arg4: memref<1x128xf32, #tpu.memory_space<vmem>>, %arg5: memref<2528x128xf32, #tpu.memory_space<vmem>>, %arg6: memref<2528x128xf32, #tpu.memory_space<vmem>>) attributes {dimension_semantics = [#tpu.dimension_semantics<arbitrary>], iteration_bounds = array<i64: 4>, scalar_prefetch = 0 : i64, scratch_operands = 0 : i64, tpu.core_type = #tpu.core_type<tc>, window_params = [{transform_indices = @transform_0, window_bounds = array<i64: 2, 2528, 128>}, {transform_indices = @transform_1, window_bounds = array<i64: 2528, 128>}, {pipeline_mode = #tpu.pipeline_mode<synchronous>, transform_indices = @transform_2, window_bounds = array<i64: 128, 128>}, {pipeline_mode = #tpu.pipeline_mode<synchronous>, transform_indices = @transform_3, window_bounds = array<i64: 1, 128>}, {transform_indices = @transform_4, window_bounds = array<i64: 2528, 128>}, {transform_indices = @transform_5, window_bounds = array<i64: 2528, 128>}]} {
    %get3A = arith.constant 0 : index
    %get3A_0 = arith.constant 0 : index
    %get3A_1 = arith.constant 0 : index
    %get3A_2 = vector.load %arg1[%get3A, %get3A_0, %get3A_1] : memref<2x2528x128xf32, #tpu.memory_space<vmem>>, vector<1x2528x128xf32>
    %get3A_3 = vector.shape_cast %get3A_2 : vector<1x2528x128xf32> to vector<2528x128xf32>
    %get3A_4 = arith.constant 1 : index
    %get3A_5 = arith.constant 0 : index
    %get3A_6 = arith.constant 0 : index
    %get3A_7 = vector.load %arg1[%get3A_4, %get3A_5, %get3A_6] : memref<2x2528x128xf32, #tpu.memory_space<vmem>>, vector<1x2528x128xf32>
    %get3A_8 = vector.shape_cast %get3A_7 : vector<1x2528x128xf32> to vector<2528x128xf32>
    %add3A = arith.addf %get3A_3, %get3A_8 : vector<2528x128xf32>
    %get3A_9 = arith.constant 0 : index
    %get3A_10 = arith.constant 0 : index
    %get3A_11 = vector.load %arg2[%get3A_9, %get3A_10] : memref<2528x128xf32, #tpu.memory_space<vmem>>, vector<2528x128xf32>
    %mul3A = arith.mulf %add3A, %get3A_11 : vector<2528x128xf32>
    %get3A_12 = arith.constant 0 : index
    %get3A_13 = arith.constant 0 : index
    %get3A_14 = vector.load %arg3[%get3A_12, %get3A_13] : memref<128x128xf32, #tpu.memory_space<vmem>>, vector<128x128xf32>
    %dot_general3A = arith.constant dense<0.000000e+00> : vector<2528x128xf32>
    %dot_general3A_15 = tpu.matmul %mul3A, %get3A_14, %dot_general3A {dimension_numbers = #tpu.dot_dimension_numbers<[1], [0], [0], [1], [0, 0, 1, 1], [], []>, transpose_lhs_hint = false} : vector<2528x128xf32>, vector<128x128xf32>, vector<2528x128xf32> -> vector<2528x128xf32>
    %get3A_16 = arith.constant 0 : index
    %get3A_17 = arith.constant 0 : index
    %get3A_18 = vector.load %arg4[%get3A_16, %get3A_17] : memref<1x128xf32, #tpu.memory_space<vmem>>, vector<1x128xf32>
    %add3A_19 = vector.broadcast %get3A_18 : vector<1x128xf32> to vector<2528x128xf32>
    %add3A_20 = arith.addf %dot_general3A_15, %add3A_19 : vector<2528x128xf32>
    %max3A = arith.constant 0.000000e+00 : f32
    %max3A_21 = vector.broadcast %max3A : f32 to vector<2528x128xf32>
    %max3A_22 = arith.maximumf %add3A_20, %max3A_21 : vector<2528x128xf32>
    %get3A_23 = arith.constant 0 : index
    %get3A_24 = arith.constant 0 : index
    %get3A_25 = vector.load %arg5[%get3A_23, %get3A_24] : memref<2528x128xf32, #tpu.memory_space<vmem>>, vector<2528x128xf32>
    %mul3A_26 = arith.mulf %max3A_22, %get3A_25 : vector<2528x128xf32>
    %swap3A = arith.constant 0 : index
    %swap3A_27 = arith.constant 0 : index
    %swap3A_28 = vector.load %arg6[%swap3A, %swap3A_27] : memref<2528x128xf32, #tpu.memory_space<vmem>>, vector<2528x128xf32>
    tpu.vector_store %arg6[%swap3A, %swap3A_27], %mul3A_26 {strides = array<i32>} : memref<2528x128xf32, #tpu.memory_space<vmem>>, vector<2528x128xf32>,
    return
  }
  func.func @transform_0(%arg0: i32) -> (i32, i32, i32) {
    %c0_i32 = arith.constant 0 : i32
    %c0_i32_0 = arith.constant 0 : i32
    %c0_i32_1 = arith.constant 0 : i32
    return %c0_i32, %arg0, %c0_i32_0 : i32, i32, i32
  }
  func.func @transform_1(%arg0: i32) -> (i32, i32) {
    %c0_i32 = arith.constant 0 : i32
    %c0_i32_0 = arith.constant 0 : i32
    return %arg0, %c0_i32 : i32, i32
  }
  func.func @transform_2(%arg0: i32) -> (i32, i32) {
    %c0_i32 = arith.constant 0 : i32
    %c0_i32_0 = arith.constant 0 : i32
    %c0_i32_1 = arith.constant 0 : i32
    return %c0_i32, %c0_i32_0 : i32, i32
  }
  func.func @transform_3(%arg0: i32) -> (i32, i32) {
    %c0_i32 = arith.constant 0 : i32
    %c0_i32_0 = arith.constant 0 : i32
    %c0_i32_1 = arith.constant 0 : i32
    return %c0_i32, %c0_i32_0 : i32, i32
  }
  func.func @transform_4(%arg0: i32) -> (i32, i32) {
    %c0_i32 = arith.constant 0 : i32
    %c0_i32_0 = arith.constant 0 : i32
    return %arg0, %c0_i32 : i32, i32
  }
  func.func @transform_5(%arg0: i32) -> (i32, i32) {
    %c0_i32 = arith.constant 0 : i32
    %c0_i32_0 = arith.constant 0 : i32
    return %arg0, %c0_i32 : i32, i32
  }
}

module attributes {stable_mosaic.version = 14 : i64} {
  func.func @_layer_last_body(%arg0: i32, %arg1: memref<2x2528x128xf32, #tpu.memory_space<vmem>>, %arg2: memref<2528x128xf32, #tpu.memory_space<vmem>>, %arg3: memref<128x128xf32, #tpu.memory_space<vmem>>, %arg4: memref<1x128xf32, #tpu.memory_space<vmem>>, %arg5: memref<2528x128xf32, #tpu.memory_space<vmem>>) attributes {dimension_semantics = [#tpu.dimension_semantics<arbitrary>], iteration_bounds = array<i64: 4>, scalar_prefetch = 0 : i64, scratch_operands = 0 : i64, tpu.core_type = #tpu.core_type<tc>, window_params = [{transform_indices = @transform_0, window_bounds = array<i64: 2, 2528, 128>}, {transform_indices = @transform_1, window_bounds = array<i64: 2528, 128>}, {pipeline_mode = #tpu.pipeline_mode<synchronous>, transform_indices = @transform_2, window_bounds = array<i64: 128, 128>}, {pipeline_mode = #tpu.pipeline_mode<synchronous>, transform_indices = @transform_3, window_bounds = array<i64: 1, 128>}, {transform_indices = @transform_4, window_bounds = array<i64: 2528, 128>}]} {
    %get3A = arith.constant 0 : index
    %get3A_0 = arith.constant 0 : index
    %get3A_1 = arith.constant 0 : index
    %get3A_2 = vector.load %arg1[%get3A, %get3A_0, %get3A_1] : memref<2x2528x128xf32, #tpu.memory_space<vmem>>, vector<1x2528x128xf32>
    %get3A_3 = vector.shape_cast %get3A_2 : vector<1x2528x128xf32> to vector<2528x128xf32>
    %get3A_4 = arith.constant 1 : index
    %get3A_5 = arith.constant 0 : index
    %get3A_6 = arith.constant 0 : index
    %get3A_7 = vector.load %arg1[%get3A_4, %get3A_5, %get3A_6] : memref<2x2528x128xf32, #tpu.memory_space<vmem>>, vector<1x2528x128xf32>
    %get3A_8 = vector.shape_cast %get3A_7 : vector<1x2528x128xf32> to vector<2528x128xf32>
    %add3A = arith.addf %get3A_3, %get3A_8 : vector<2528x128xf32>
    %get3A_9 = arith.constant 0 : index
    %get3A_10 = arith.constant 0 : index
    %get3A_11 = vector.load %arg2[%get3A_9, %get3A_10] : memref<2528x128xf32, #tpu.memory_space<vmem>>, vector<2528x128xf32>
    %mul3A = arith.mulf %add3A, %get3A_11 : vector<2528x128xf32>
    %get3A_12 = arith.constant 0 : index
    %get3A_13 = arith.constant 0 : index
    %get3A_14 = vector.load %arg3[%get3A_12, %get3A_13] : memref<128x128xf32, #tpu.memory_space<vmem>>, vector<128x128xf32>
    %dot_general3A = arith.constant dense<0.000000e+00> : vector<2528x128xf32>
    %dot_general3A_15 = tpu.matmul %mul3A, %get3A_14, %dot_general3A {dimension_numbers = #tpu.dot_dimension_numbers<[1], [0], [0], [1], [0, 0, 1, 1], [], []>, transpose_lhs_hint = false} : vector<2528x128xf32>, vector<128x128xf32>, vector<2528x128xf32> -> vector<2528x128xf32>
    %get3A_16 = arith.constant 0 : index
    %get3A_17 = arith.constant 0 : index
    %get3A_18 = vector.load %arg4[%get3A_16, %get3A_17] : memref<1x128xf32, #tpu.memory_space<vmem>>, vector<1x128xf32>
    %add3A_19 = vector.broadcast %get3A_18 : vector<1x128xf32> to vector<2528x128xf32>
    %add3A_20 = arith.addf %dot_general3A_15, %add3A_19 : vector<2528x128xf32>
    %logistic3A = arith.negf %add3A_20 : vector<2528x128xf32>
    %logistic3A_21 = math.exp %logistic3A : vector<2528x128xf32>
    %logistic3A_22 = arith.constant 1.000000e+00 : f32
    %logistic3A_23 = vector.broadcast %logistic3A_22 : f32 to vector<2528x128xf32>
    %logistic3A_24 = arith.addf %logistic3A_23, %logistic3A_21 : vector<2528x128xf32>
    %logistic3A_25 = arith.divf %logistic3A_23, %logistic3A_24 : vector<2528x128xf32>
    %swap3A = arith.constant 0 : index
    %swap3A_26 = arith.constant 0 : index
    %swap3A_27 = vector.load %arg5[%swap3A, %swap3A_26] : memref<2528x128xf32, #tpu.memory_space<vmem>>, vector<2528x128xf32>
    tpu.vector_store %arg5[%swap3A, %swap3A_26], %logistic3A_25 {strides = array<i32>} : memref<2528x128xf32, #tpu.memory_space<vmem>>, vector<2528x128xf32>,
    return
  }
  func.func @transform_0(%arg0: i32) -> (i32, i32, i32) {
    %c0_i32 = arith.constant 0 : i32
    %c0_i32_0 = arith.constant 0 : i32
    %c0_i32_1 = arith.constant 0 : i32
    return %c0_i32, %arg0, %c0_i32_0 : i32, i32, i32
  }
  func.func @transform_1(%arg0: i32) -> (i32, i32) {
    %c0_i32 = arith.constant 0 : i32
    %c0_i32_0 = arith.constant 0 : i32
    return %arg0, %c0_i32 : i32, i32
  }
  func.func @transform_2(%arg0: i32) -> (i32, i32) {
    %c0_i32 = arith.constant 0 : i32
    %c0_i32_0 = arith.constant 0 : i32
    %c0_i32_1 = arith.constant 0 : i32
    return %c0_i32, %c0_i32_0 : i32, i32
  }
  func.func @transform_3(%arg0: i32) -> (i32, i32) {
    %c0_i32 = arith.constant 0 : i32
    %c0_i32_0 = arith.constant 0 : i32
    %c0_i32_1 = arith.constant 0 : i32
    return %c0_i32, %c0_i32_0 : i32, i32
  }
  func.func @transform_4(%arg0: i32) -> (i32, i32) {
    %c0_i32 = arith.constant 0 : i32
    %c0_i32_0 = arith.constant 0 : i32
    return %arg0, %c0_i32 : i32, i32
  }
}

module attributes {stable_mosaic.version = 14 : i64} {
  func.func @_final_body(%arg0: i32, %arg1: memref<2048x128xf32, #tpu.memory_space<vmem>>, %arg2: memref<2048x128xf32, #tpu.memory_space<vmem>>, %arg3: memref<2048x1xf32, #tpu.memory_space<vmem>>, %arg4: memref<257x1xf32, #tpu.memory_space<vmem>>, %arg5: memref<1x1xf32, #tpu.memory_space<vmem>>, %arg6: memref<2048x1xf32, #tpu.memory_space<vmem>>) attributes {dimension_semantics = [#tpu.dimension_semantics<arbitrary>], iteration_bounds = array<i64: 8>, scalar_prefetch = 0 : i64, scratch_operands = 0 : i64, tpu.core_type = #tpu.core_type<tc>, window_params = [{transform_indices = @transform_0, window_bounds = array<i64: 2048, 128>}, {transform_indices = @transform_1, window_bounds = array<i64: 2048, 128>}, {transform_indices = @transform_2, window_bounds = array<i64: 2048, 1>}, {pipeline_mode = #tpu.pipeline_mode<synchronous>, transform_indices = @transform_3, window_bounds = array<i64: 257, 1>}, {pipeline_mode = #tpu.pipeline_mode<synchronous>, transform_indices = @transform_4, window_bounds = array<i64: 1, 1>}, {transform_indices = @transform_5, window_bounds = array<i64: 2048, 1>}]} {
    %get3A = arith.constant 0 : index
    %get3A_0 = arith.constant 0 : index
    %get3A_1 = vector.load %arg4[%get3A, %get3A_0] : memref<257x1xf32, #tpu.memory_space<vmem>>, vector<257x1xf32>
    %get3A_2 = arith.constant 0 : index
    %get3A_3 = arith.constant 0 : index
    %get3A_4 = vector.load %arg1[%get3A_2, %get3A_3] : memref<2048x128xf32, #tpu.memory_space<vmem>>, vector<2048x128xf32>
    %slice3A = vector.extract_strided_slice %get3A_1 {offsets = [0, 0], sizes = [128, 1], strides = [1, 1]} : vector<257x1xf32> to vector<128x1xf32>
    %dot_general3A = arith.constant dense<0.000000e+00> : vector<2048x1xf32>
    %dot_general3A_5 = tpu.matmul %get3A_4, %slice3A, %dot_general3A {dimension_numbers = #tpu.dot_dimension_numbers<[1], [0], [0], [1], [0, 0, 1, 1], [], []>, transpose_lhs_hint = false} : vector<2048x128xf32>, vector<128x1xf32>, vector<2048x1xf32> -> vector<2048x1xf32>
    %get3A_6 = arith.constant 0 : index
    %get3A_7 = arith.constant 0 : index
    %get3A_8 = vector.load %arg2[%get3A_6, %get3A_7] : memref<2048x128xf32, #tpu.memory_space<vmem>>, vector<2048x128xf32>
    %slice3A_9 = vector.extract_strided_slice %get3A_1 {offsets = [128, 0], sizes = [128, 1], strides = [1, 1]} : vector<257x1xf32> to vector<128x1xf32>
    %dot_general3A_10 = arith.constant dense<0.000000e+00> : vector<2048x1xf32>
    %dot_general3A_11 = tpu.matmul %get3A_8, %slice3A_9, %dot_general3A_10 {dimension_numbers = #tpu.dot_dimension_numbers<[1], [0], [0], [1], [0, 0, 1, 1], [], []>, transpose_lhs_hint = false} : vector<2048x128xf32>, vector<128x1xf32>, vector<2048x1xf32> -> vector<2048x1xf32>
    %add3A = arith.addf %dot_general3A_5, %dot_general3A_11 : vector<2048x1xf32>
    %get3A_12 = arith.constant 0 : index
    %get3A_13 = arith.constant 0 : index
    %get3A_14 = vector.load %arg3[%get3A_12, %get3A_13] : memref<2048x1xf32, #tpu.memory_space<vmem>>, vector<2048x1xf32>
    %slice3A_15 = vector.extract_strided_slice %get3A_1 {offsets = [256, 0], sizes = [1, 1], strides = [1, 1]} : vector<257x1xf32> to vector<1x1xf32>
    %mul3A = vector.broadcast %slice3A_15 : vector<1x1xf32> to vector<2048x1xf32>
    %mul3A_16 = arith.mulf %get3A_14, %mul3A : vector<2048x1xf32>
    %add3A_17 = arith.addf %add3A, %mul3A_16 : vector<2048x1xf32>
    %get3A_18 = arith.constant 0 : index
    %get3A_19 = arith.constant 0 : index
    %get3A_20 = vector.load %arg5[%get3A_18, %get3A_19] : memref<1x1xf32, #tpu.memory_space<vmem>>, vector<1x1xf32>
    %add3A_21 = vector.broadcast %get3A_20 : vector<1x1xf32> to vector<2048x1xf32>
    %add3A_22 = arith.addf %add3A_17, %add3A_21 : vector<2048x1xf32>
    %tanh3A = math.tanh %add3A_22 : vector<2048x1xf32>
    %swap3A = arith.constant 0 : index
    %swap3A_23 = arith.constant 0 : index
    %swap3A_24 = vector.load %arg6[%swap3A, %swap3A_23] : memref<2048x1xf32, #tpu.memory_space<vmem>>, vector<2048x1xf32>
    tpu.vector_store %arg6[%swap3A, %swap3A_23], %tanh3A {strides = array<i32>} : memref<2048x1xf32, #tpu.memory_space<vmem>>, vector<2048x1xf32>,
    return
  }
  func.func @transform_0(%arg0: i32) -> (i32, i32) {
    %c0_i32 = arith.constant 0 : i32
    %c0_i32_0 = arith.constant 0 : i32
    return %arg0, %c0_i32 : i32, i32
  }
  func.func @transform_1(%arg0: i32) -> (i32, i32) {
    %c0_i32 = arith.constant 0 : i32
    %c0_i32_0 = arith.constant 0 : i32
    return %arg0, %c0_i32 : i32, i32
  }
  func.func @transform_2(%arg0: i32) -> (i32, i32) {
    %c0_i32 = arith.constant 0 : i32
    %c0_i32_0 = arith.constant 0 : i32
    return %arg0, %c0_i32 : i32, i32
  }
  func.func @transform_3(%arg0: i32) -> (i32, i32) {
    %c0_i32 = arith.constant 0 : i32
    %c0_i32_0 = arith.constant 0 : i32
    %c0_i32_1 = arith.constant 0 : i32
    return %c0_i32, %c0_i32_0 : i32, i32
  }
  func.func @transform_4(%arg0: i32) -> (i32, i32) {
    %c0_i32 = arith.constant 0 : i32
    %c0_i32_0 = arith.constant 0 : i32
    %c0_i32_1 = arith.constant 0 : i32
    return %c0_i32, %c0_i32_0 : i32, i32
  }
  func.func @transform_5(%arg0: i32) -> (i32, i32) {
    %c0_i32 = arith.constant 0 : i32
    %c0_i32_0 = arith.constant 0 : i32
    return %arg0, %c0_i32 : i32, i32
  }
}

</mosaic_0001>

<sc_bundles>
// kernel: gather_offload_async_start
scs
__scs_entry_jumppad:
0x0: {  	(pc) =	sbr.rel $0x88, $3  }
0x1: {  	(tag) =	ssettag $0x0;
	lr =	simm.s32 $0x1  }
0x2: {  	[smem:$0x3F95] =	sst lr;
	_ =	strace $0xD0000000  }
0x3: {  	_ = 	snop  }
0x4: {  	_ = 	snop  }
0x5: {  	_ = 	snop  }
0x6: {  	_ = 	snop  }
0x7: {  	_ = 	snop  }
__scs_overlays_trampoline_lowered:
0x8: {  	[smem:$0x3FA4] =	sst s0  }
0x9: {  	[smem:$0x3FA5] =	sst s1  }
0xa: {  	[smem:$0x3FA6] =	sst s2  }
0xb: {  	[smem:$0x3FA7] =	sst s3  }
0xc: {  	[smem:$0x3FA8] =	sst s4  }
0xd: {  	[smem:$0x3FA9] =	sst s5  }
0xe: {  	[smem:$0x3FAA] =	sst s6  }
0xf: {  	[smem:$0x3FAB] =	sst s7  }
0x10: {  	[smem:$0x3FAC] =	sst s8  }
0x11: {  	[smem:$0x3FAD] =	sst s9;
	s0 =	simm.s32 @!p0 $0x0  }
0x12: {  	s1 =	sld [smem:$0x3F93];
	s0 =	simm.s32 @p0 $0x1  }
0x13: {  	[smem:$0x3FAE] =	sst s0;
	s0 =	simm.s32 @!p1 $0x0  }
0x14: {  	s2 =	sld [smem:$0x3F92];
	s0 =	simm.s32 @p1 $0x1  }
0x15: {  	[smem:$0x3FAF] =	sst s0;
	s0 =	simm.s32 @!p2 $0x0  }
0x16: {  	s3 =	sld [smem:$0x3FDB];
	s0 =	simm.s32 @p2 $0x1  }
0x17: {  	s4 =	simm.s32 $0x1BF5;
	[smem:$0x3FB1] =	sst s0  }
0x18: {  	s0 =	sld [smem:$0x3F94];
	_ =	swait.ge [sflag:s4], $0x0  }
0x19: {  	s7 =	sld [smem:$0x3F95]  }
0x1a: {  	s8 =	sadd.s32 $0xFFFFE003, lr  }
0x1b: {  	s9 =	sadd.s32 $0xFFFFFEF7, lr;
	s5 =	simm.s32 $0xFFFFFFFF;
	p2 =	slt.u32 s8, $0xFFFFF086  }
0x1c: {  	p1 =	slt.u32 s9, $0xF7A;
	s5 =	simm.s32 @!p2 $0x0  }
0x1d: {  	s5 =	simm.s32 @p1 $0x1;
	p0 =	seq.s32 s7, s2  }
0x1e: {  	s7 =	smul.u32 @!p0 $0xF7A, s2;
	p2 =	seq.s32 @!p0 s5, $0x0  }
0x1f: {  	s9 =	smul.u32 $0xF7A, s1;
	s8 =	simm.s32 @!p0 $0x1BF5;
	p2 =	por !p2, p0  }
0x20: {  	[sflag:s8] =	ssyncset.s32 @!p0 $0xFFFFF086;
	s6 =	sadd.s32 @!p0 s3, s7;
	s7 =	simm.s32 @!p0 $0x108  }
0x21: {  	s3 =	sadd.s32 s3, s9;
	s6 =	sadd.s32 @!p0 $0x88, s6;
	s7 =	simm.s32 @p2 $0x1082  }
0x22: {  	[simem:s7], [sflag:s8] =	dma.local @!p0 [hbm:s6], $0xF7A  }
0x23: {  	s9 =	sor.u32 $0xD0000000, s2;
	s6 =	simm.s32 $0x108;
	_ =	swait.ge @!p0 [sflag:s8], $0x0  }
0x24: {  	s3 =	sadd.s32 $0x88, s3;
	s6 =	simm.s32 @!p1 $0x1082;
	[sflag:s4] =	ssyncset.s32 $0xFFFFF086  }
0x25: {  	[simem:s6], [sflag:s4] =	dma.local [hbm:s3], $0xF7A  }
0x26: {  	[smem:$0x3F95] =	sst s1;
	(tag) =	ssettag s2;
	_ =	strace s9  }
0x27: {  	s1 =	sld [smem:$0x3FA5]  }
0x28: {  	s2 =	sld [smem:$0x3FA6]  }
0x29: {  	s4 =	sld [smem:$0x3FA8]  }
0x2a: {  	p0 =	seq.s32 s5, $0x0;
	s5 =	sld [smem:$0x3FA9]  }
0x2b: {  	s6 =	sld [smem:$0x3FAA]  }
0x2c: {  	s7 =	sld [smem:$0x3FAB]  }
0x2d: {  	s3 =	simm.s32 $0x108;
	s8 =	sld [smem:$0x3FAC]  }
0x2e: {  	s3 =	simm.s32 @!p0 $0x1082;
	s9 =	sld [smem:$0x3FAD]  }
0x2f: {  	lr =	sadd.s32 s0, s3;
	s0 =	sld [smem:$0x3FA4]  }
0x30: {  	s3 =	sld [smem:$0x3FA7]  }
0x31: {  	[smem:$0x3FB0] =	sst s10  }
0x32: {  	s10 =	sld [smem:$0x3FAE];
	_ =	sdelay $0x3  }
0x33: {  	p0 =	seq.s32 s10, $0x1;
	s10 =	sld [smem:$0x3FB0];
	_ =	sdelay $0x3  }
0x34: {  	[smem:$0x3FB0] =	sst s10  }
0x35: {  	s10 =	sld [smem:$0x3FAF];
	_ =	sdelay $0x3  }
0x36: {  	p1 =	seq.s32 s10, $0x1;
	s10 =	sld [smem:$0x3FB0];
	_ =	sdelay $0x3  }
0x37: {  	[smem:$0x3FB0] =	sst s10  }
0x38: {  	s10 =	sld [smem:$0x3FB1]  }
0x39: {  	_ = 	snop;
	(pc) =	sbr.ind lr, $3  }
0x3a: {  	_ = 	snop  }
0x3b: {  	_ = 	snop  }
0x3c: {  	p2 =	seq.s32 s10, $0x1;
	s10 =	sld [smem:$0x3FB0]  }
0x3d: {  	_ =	shalt  }
0x3e: {  	_ =	shalt  }
0x3f: {  	_ =	shalt  }
0x40: {  	_ =	shalt  }
0x41: {  	_ =	shalt  }
0x42: {  	_ =	shalt  }
0x43: {  	_ =	shalt  }
0x44: {  	_ =	shalt  }
0x45: {  	_ =	shalt  }
0x46: {  	_ =	shalt  }
0x47: {  	_ =	shalt  }
0x48: {  	_ =	shalt  }
0x49: {  	_ =	shalt  }
0x4a: {  	_ =	shalt  }
0x4b: {  	_ =	shalt  }
0x4c: {  	_ =	shalt  }
0x4d: {  	_ =	shalt  }
0x4e: {  	_ =	shalt  }
0x4f: {  	_ =	shalt  }
0x50: {  	_ =	shalt  }
0x51: {  	_ =	shalt  }
0x52: {  	_ =	shalt  }
0x53: {  	_ =	shalt  }
0x54: {  	_ =	shalt  }
0x55: {  	_ =	shalt  }
0x56: {  	_ =	shalt  }
0x57: {  	_ =	shalt  }
0x58: {  	_ =	shalt  }
0x59: {  	_ =	shalt  }
0x5a: {  	_ =	shalt  }
0x5b: {  	_ =	shalt  }
0x5c: {  	_ =	shalt  }
0x5d: {  	_ =	shalt  }
0x5e: {  	_ =	shalt  }
0x5f: {  	_ =	shalt  }
0x60: {  	_ =	shalt  }
0x61: {  	_ =	shalt  }
0x62: {  	_ =	shalt  }
0x63: {  	_ =	shalt  }
0x64: {  	_ =	shalt  }
0x65: {  	_ =	shalt  }
0x66: {  	_ =	shalt  }
0x67: {  	_ =	shalt  }
0x68: {  	_ =	shalt  }
0x69: {  	_ =	shalt  }
0x6a: {  	_ =	shalt  }
0x6b: {  	_ =	shalt  }
0x6c: {  	_ =	shalt  }
0x6d: {  	_ =	shalt  }
0x6e: {  	_ =	shalt  }
0x6f: {  	_ =	shalt  }
0x70: {  	_ =	shalt  }
0x71: {  	_ =	shalt  }
0x72: {  	_ =	shalt  }
0x73: {  	_ =	shalt  }
0x74: {  	_ =	shalt  }
0x75: {  	_ =	shalt  }
0x76: {  	_ =	shalt  }
0x77: {  	_ =	shalt  }
0x78: {  	_ =	shalt  }
0x79: {  	_ =	shalt  }
0x7a: {  	_ =	shalt  }
0x7b: {  	_ =	shalt  }
0x7c: {  	_ =	shalt  }
0x7d: {  	_ =	shalt  }
0x7e: {  	_ =	shalt  }
0x7f: {  	_ =	shalt  }
0x80: {  	_ =	shalt  }
0x81: {  	_ =	shalt  }
0x82: {  	_ =	shalt  }
0x83: {  	_ =	shalt  }
0x84: {  	_ =	shalt  }
0x85: {  	_ =	shalt  }
0x86: {  	_ =	shalt  }
0x87: {  	_ =	shalt  }
.Lfunc_end0:
.L_simem_size_0:
called_computation_lowered:
.L_overlay_start_0:
0x88: {  	s2 =	sld [smem:$0x3FD9]  }
0x89: {  	s3 =	sld [smem:$0x3FFE];
	_ =	sdelay $0x1  }
0x8a: {  	s1 =	srdreg.scid  }
0x8b: {  	s0 =	sand.u32 $0x1, s1  }
0x8c: {  	s17 =	sshll.u32 s0, $0xA;
	s2 =	sadd.s32 s3, s2  }
0x8d: {  	s2 =	sadd.s32 s2, s17  }
0x8e: {  	[smem:$0x3FBC] =	sst s2  }
0x8f: {  	_ = 	snop  }
0x90: {  	s18 =	sld [smem:$0x3FC7]  }
0x91: {  	s4 =	sld [smem:$0x3FD0];
	(tm) =	ssettm $0x1  }
0x92: {  	s19 =	sld [smem:$0x3FFB];
	_ =	sdelay $0x3  }
0x93: {  	_ =	strace s19  }
0x94: {  	s2 =	sld [smem:$0x3FFC];
	_ =	sdelay $0x3  }
0x95: {  	_ =	strace s2  }
0x96: {  	s2 =	sld [smem:$0x3FFD];
	_ =	sdelay $0x3  }
0x97: {  	_ =	strace s2  }
0x98: {  	_ =	strace $0x8FFFFFFF  }
0x99: {  	s20 =	sld [smem:$0x3FDB];
	_ =	sdelay $0x1  }
0x9a: {  	s5 =	simm.s32 $_scs_section_size  }
0x9b: {  	s6 =	simm.s32 $_size__tile_overlayer_lowered;
	s7 =	simm.s32 $_tile_overlayer_lowered  }
0x9c: {  	s8 =	simm.s32 $0x1BFF;
	s21 =	sshll.u32 s7, $0x1;
	s5 =	sadd.s32 s5, s20  }
0x9d: {  	s22 =	simm.s32 $0x0;
	s6 =	sshll.u32 s6, $0x1;
	s7 =	sadd.s32 s21, s5  }
0x9e: {  	[timem:s22], [sflag:s8] =	dma.local [hbm:s7], s6  }
0x9f: {  	_ =	swait.ge [sflag:s8], s6  }
0xa0: {  	s6 =	ssub.s32 $0x0, s6;
	[sflag:s8] =	ssyncset.done $0x0  }
0xa1: {  	[sflag:s8] =	ssyncadd.s32 s6;
	_ =	sdelay $0x1  }
0xa2: {  	s23 =	simm.s32 $0x1B8B  }
0xa3: {  	_ =	swait.ge [sflag:s23], $0x1  }
0xa4: {  	[sflag:s23] =	ssyncset.done $0x0  }
0xa5: {  	[sflag:s23] =	ssyncadd.s32 $0xFFFFFFFF  }
0xa6: {  	s6 =	sld [smem:$0x0]  }
0xa7: {  	s7 =	sand.u32 $0xFFFFFFFE, s1  }
0xa8: {  	p0 =	sne.s32 s1, s7  }
0xa9: {  	s7 =	sshll.u32 @p0 s7, $0xE  }
0xaa: {  	s7 =	sadd.s32 @p0 $0x11B8D, s7;
	s8 =	sshll.u32 @p0 s6, $0x11  }
0xab: {  	s7 =	sor.u32 @p0 s8, s7  }
0xac: {  	[sflag:s7] =	ssyncadd.remote.s32 @p0 $0x1;
	_ =	sdelay $0x1  }
0xad: {  	s7 =	simm.s32 @p0 $0x1B8D  }
0xae: {  	_ =	swait.eq @p0 [sflag:s7], $0x1  }
0xaf: {  	[sflag:s7] =	ssyncadd.s32 @p0 $0xFFFFFFFF  }
0xb0: {  	s8 =	sshll.u32 @!p0 s1, $0xE  }
0xb1: {  	s8 =	sor.u32 @!p0 $0x4000, s8;
	s7 =	simm.s32 @!p0 $0x1B8D  }
0xb2: {  	s6 =	sshll.u32 @!p0 s6, $0x11;
	s8 =	sadd.s32 @!p0 $0x11B8D, s8;
	_ =	swait.eq @!p0 [sflag:s7], $0x1  }
0xb3: {  	s6 =	sor.u32 @!p0 s6, s8;
	[sflag:s7] =	ssyncadd.s32 @!p0 $0xFFFFFFFF  }
0xb4: {  	s25 =	simm.s32 $0x1B8E;
	s24 =	sld [smem:$0x3FFE];
	[sflag:s6] =	ssyncadd.remote.s32 @!p0 $0x1  }
0xb5: {  	s26 =	simm.s32 $execute0_lowered;
	[smem:$0x3FD2] =	sst s25  }
0xb6: {  	s7 =	sshll.u32 s26, $0x1;
	_ =	strace $0x80000052;
	[dreg:$0x1] =	wrdreg $0xFFFFFFFF  }
0xb7: {  	s28 =	simm.s32 $_size_execute0_lowered;
	s5 =	sadd.s32 s5, s7;
	[dreg:$0x0] =	wrdreg $0x0  }
0xb8: {  	s7 =	sshll.u32 s28, $0x1;
	[dreg:$0x2] =	wrdreg s5  }
0xb9: {  	[dreg:$0x3] =	wrdreg s7  }
0xba: {  	[dreg:$0x4] =	wrdreg $0xC0  }
0xbb: {  	_ =	task [dreg:s22], $0x5FFFF  }
0xbc: {  	[dreg:$0x1] =	wrdreg $0xFFFFFFFF  }
0xbd: {  	[dreg:$0x0] =	wrdreg $0x60  }
0xbe: {  	[dreg:$0x2] =	wrdreg s18  }
0xbf: {  	[dreg:$0x3] =	wrdreg s4  }
0xc0: {  	[dreg:$0x4] =	wrdreg s24  }
0xc1: {  	[dreg:$0x5] =	wrdreg $0x9  }
0xc2: {  	_ =	task.clear_ibuf [dreg:s22], $0x6FFFF;
	_ =	strace $0x90000052  }
0xc3: {  	s29 =	simm.s32 $0x9;
	_ =	strace $0x80000054  }
0xc4: {  	_ =	swait.ge [sflag:s29], $0x1  }
0xc5: {  	[sflag:s29] =	ssyncadd.s32 $0xFFFFFFFF  }
0xc6: {  	_ =	strace $0x90000054  }
0xc7: {  	_ =	sfence  }
0xc8: {  	s30 =	sld [smem:$0x0];
	_ =	sdelay $0x2  }
0xc9: {  	s31 =	sshll.u32 s1, $0xD;
	s1 =	sshrl.u32 s1, $0x2  }
0xca: {  	s4 =	sand.u32 $0x4000, s31;
	s1 =	sadd.s32 s1, s30  }
0xcb: {  	s0 =	sor.u32 s4, s0;
	s1 =	sshll.u32 s1, $0x11  }
0xcc: {  	s0 =	sor.u32 s1, s0  }
0xcd: {  	s0 =	sadd.s32 $0x8F2B, s0  }
0xce: {  	[sflag:s0] =	ssyncadd.remote.s32 $0x1  }
0xcf: {  	_ =	sfence.sel $0xFFFF  }
0xd0: {  	[dreg:$0x0] =	wrdreg $0xFFFFFFFF;
	(pc) =	sbr.abs _section_cstart, $3  }
0xd1: {  	[dreg:$0x1] =	wrdreg $0xFFFFFFFF  }
0xd2: {  	_ =	task.clear_ibuf [dreg:s22], $0x2FFFF;
	_ =	strace $0x9FFFFFFF  }
0xd3: {  	(tm) =	ssettm $0x7FFFFFFF  }
tec
execute0_lowered:
.L_overlay_start_1:
0x0: {  	(tag) =	ssettag $0x1  }
0x1: {  	s2 =	rddreg [dreg:$0x0]  }
0x2: {  	s1 =	srdreg.scid;
	s3 =	rddreg [dreg:$0x1]  }
0x3: {  	s0 =	stileid.u32;
	s5 =	rddreg [dreg:$0x2]  }
0x4: {  	s9 =	simm.s32 $0x1;
	s10 =	simm.s32 $0x3;
	s1 =	sshll.u32 s1, $0x8  }
0x5: {  	s13 =	simm.s32 $0x0;
	s4 =	sshll.u32 s0, $0x9;
	s6 =	sand.u32 $0x100, s1  }
0x6: {  	s12 =	simm.s32 $0x0;
	s5 =	sadd.s32 $0xBA800, s5;
	s4 =	sor.u32 s4, s6  }
0x7: {  	s1 =	rddreg [dreg:$0x3];
	_ =	strace $0x80000053;
	s8 =	ssub.s32 $0x4000, s4  }
.Ltmp0:
0x8: {  	s6 =	simm.s32 $0x1;
	s7 =	sand.u32 $0x1F00, s8;
	(pc) =	sbr.rel .LBB2_1-.Ltmp0, $4  }
0x9: {  	[sflag:s6] =	ssyncpa.u1 $0x0;
	s11 =	smov.u32 s4;
	p0 =	sne.s32 s7, $0x0  }
0xa: {  	s8 =	sshrl.u32 s8, $0xD;
	s7 =	simm.s32 $0x2;
	s9 =	simm.s32 @!p0 $0x0  }
0xb: {  	[sflag:s7] =	ssyncpa.u1 $0x0;
	p0 =	por $0x0, $0x0;
	s8 =	sadd.s32 s9, s8  }
0xc: {  	vm0 =	vmmov $0xffff;
	[sflag:s10] =	ssyncpa.u1 $0x0;
	s10 =	simm.s32 $0x0;
	s9 =	sadd.s32 $0x1, s8  }
.LBB2_4:
0xd: {  	vm1 =	veq.s32 v4, $0x80000000;
	v56 =	vand.u32 $0x3FFF, v4;
	v6 =	vand.u32 $0x3FFF, v6  }
0xe: {  	v2 =	vor.u32 v2, v5;
	v59 =	vshrl.u32 v1, $0xE;
	v60 =	vand.u32 $0x3FFF, v1  }
0xf: {  	v4 =	vsel vm1, $0xFFFFFFFF, v56;
	v6 =	vsel vm1, $0xFFFFFFFF, v6;
	v2 =	vor.u32 v3, v2  }
0x10: {  	vm1 =	veq.s32 v1, $0x80000000;
	v5 =	vand.u32 $0x3FFF, v59;
	v7 =	vshrl.u32 v4, $0x3  }
0x11: {  	v57 =	vshll.u32 v6, $0x3;
	v4 =	vshll.u32 v4, $0x7;
	v1 =	vsel vm1, $0xFFFFFFFF, v60  }
0x12: {  	v5 =	vsel vm1, $0xFFFFFFFF, v5;
	v6 =	vand.u32 $0x7F, v6;
	v7 =	vmul.u32 $0x13C00, v7  }
0x13: {  	v58 =	vand.u32 $0xFFFFFC00, v57;
	v4 =	vand.u32 $0x380, v4;
	v61 =	vshrl.u32 v1, $0x3  }
0x14: {  	v62 =	vshll.u32 v5, $0x3;
	v3 =	vadd.s32 v7, v58;
	v7 =	vmul.u32 $0x13C00, v61  }
0x15: {  	v1 =	vshll.u32 v1, $0x7;
	v3 =	vor.u32 v4, v3;
	v4 =	vand.u32 $0xFFFFFC00, v62  }
0x16: {  	v1 =	vand.u32 $0x380, v1;
	v3 =	vor.u32 v6, v3;
	v4 =	vadd.s32 v7, v4  }
0x17: {  	[tilespmem:s16], [sflag:$0x1] =	stream.indirect_vreg.gather [hbm4b:s2+s10], $0x1, v0, vm0, $0x4038;
	v63 =	vand.u32 $0x7F, v5;
	v1 =	vor.u32 v1, v4;
	[tilespmem:$0x400] =	vst v63  }
0x18: {  	s15 =	sadd.s32 $0x10, s15;
	(ifvalue) =	ssetifvalue $0x7FFFFFFF;
	v0 =	vor.u32 v63, v1  }
0x19: {  	[tilespmem:s15], [sflag:$0x1] =	stream.indirect_vreg.gather [hbm4b:s2+s10], $0x1, v2, vm0, $0x4038;
	[tilespmem:$0x400] =	vst v63  }
0x1a: {  	s15 =	sadd.s32 $0x10, s15;
	(ifvalue) =	ssetifvalue $0x7FFFFFFF  }
0x1b: {  	[tilespmem:s15], [sflag:$0x1] =	stream.indirect_vreg.gather [hbm4b:s2+s10], $0x1, v3, vm0, $0x4038;
	[tilespmem:$0x400] =	vst v63  }
0x1c: {  	s15 =	sadd.s32 $0x10, s15;
	(ifvalue) =	ssetifvalue $0x7FFFFFFF  }
0x1d: {  	[tilespmem:s15], [sflag:$0x1] =	stream.indirect_vreg.gather [hbm4b:s2+s10], $0x1, v0, vm0, $0x4038;
	[tilespmem:$0x400] =	vst v63  }
0x1e: {  	_ =	swait.ge [sflag:s6], $0x100  }
0x1f: {  	s30 =	sshrl.u32 s13, $0x3;
	[sflag:s6] =	ssyncset.done $0x0  }
0x20: {  	s31 =	sand.u32 $0x7, s13;
	s15 =	sadd.s32 s5, s30;
	[sflag:s6] =	ssyncadd.s32 $0xFFFFFF00  }
0x21: {  	[hbm4b:s15+s31] =	stream.linear.scatter [tilespmem:s14], [sflag:$0x3], $0x100, $0x38;
	[tilespmem:$0x400] =	vst v63  }
.LBB2_5:
0x22: {  	s15 =	sadd.s32 $0x2000, s11  }
0x23: {  	p2 =	sgt.s32 s15, $0x3FFF  }
0x24: {  	s15 =	smov.u32 @p2 s4;
	p2 =	sne.s32 s12, s9  }
.Ltmp1:
0x25: {  	p1 =	slt.u32 s12, $0x2;
	(pc) =	sbr.rel @!p2 .LBB2_6-.Ltmp1, $4  }
0x26: {  	s14 =	simm.s32 @!p1 $0x3  }
0x27: {  	s16 =	sadd.s32 $0x1, s12;
	_ =	swait.ge @!p1 [sflag:s14], $0x100  }
0x28: {  	s13 =	smov.u32 s11;
	p0 =	por !p0, !p0;
	[sflag:s14] =	ssyncset.done @!p1 $0x0  }
0x29: {  	s12 =	smov.u32 s16;
	s11 =	smov.u32 s15;
	[sflag:s14] =	ssyncadd.s32 @!p1 $0xFFFFFF00  }
.LBB2_1:
0x2a: {  	p1 =	sge.u32 s12, s8  }
0x2b: {  	s14 =	sxor.u32 @!p1 $0xFFFFFFFF, s12  }
0x2c: {  	s31 =	sadd.s32 $0xFFFFFFFF, s12;
	s15 =	sshrl.u32 @!p1 s11, $0x3;
	s14 =	sshll.u32 @!p1 s14, $0x8  }
0x2d: {  	s16 =	sand.u32 @!p1 $0x7, s11;
	s15 =	sadd.s32 @!p1 s3, s15;
	s14 =	sand.u32 @!p1 $0x100, s14  }
0x2e: {  	[tilespmem:s14], [sflag:$0x2] =	stream.linear.gather @!p1 [hbm4b:s15+s16], $0x100, $0x38;
	[tilespmem:$0x400] =	vst v63  }
0x2f: {  	p1 =	sge.u32 s31, s8  }
.Ltmp2:
0x30: {  	_ = 	snop;
	(pc) =	sbr.rel @p1 .LBB2_5-.Ltmp2, $1  }
0x31: {  	_ =	sdelay $0x3  }
0x32: {  	s14 =	simm.s32 $0x1  }
0x33: {  	_ =	swait.ge [sflag:s7], $0x100;
	s14 =	simm.s32 @!p0 $0x0  }
0x34: {  	[sflag:s7] =	ssyncset.done $0x0;
	s14 =	sshll.u32 s14, $0x8  }
0x35: {  	[sflag:s7] =	ssyncadd.s32 $0xFFFFFF00;
	(ifvalue) =	ssetifvalue $0x7FFFFFFF;
	v0 =	vld.msk [tilespmem:s14+$0x0 ss:$0x1], $0xffff  }
0x36: {  	s15 =	sadd.s32 $0x10, s14  }
0x37: {  	v1 =	vld.msk [tilespmem:s15+$0x0 ss:$0x1], $0xffff;
	_ =	sdelay $0x2  }
0x38: {  	v2 =	vshrl.u32 v0, $0xE  }
0x39: {  	vm1 =	veq.s32 v0, $0x80000000;
	v0 =	vand.u32 $0x3FFF, v0;
	v2 =	vand.u32 $0x3FFF, v2  }
0x3a: {  	v0 =	vsel vm1, $0xFFFFFFFF, v0;
	v6 =	vshrl.u32 v1, $0xE;
	v2 =	vsel vm1, $0xFFFFFFFF, v2  }
0x3b: {  	v3 =	vshrl.u32 v0, $0x3;
	v0 =	vshll.u32 v0, $0x7;
	vm1 =	veq.s32 v1, $0x80000000  }
0x3c: {  	s15 =	sadd.s32 $0x10, s15;
	v1 =	vand.u32 $0x3FFF, v1;
	v4 =	vshll.u32 v2, $0x3;
	v3 =	vmul.u32 $0x13C00, v3  }
0x3d: {  	v0 =	vand.u32 $0x380, v0;
	v7 =	vand.u32 $0x7F, v2;
	v5 =	vand.u32 $0xFFFFFC00, v4;
	v4 =	vld.msk [tilespmem:s15+$0x0 ss:$0x1], $0xffff  }
0x3e: {  	v1 =	vsel vm1, $0xFFFFFFFF, v1;
	v2 =	vadd.s32 v3, v5;
	v3 =	vand.u32 $0x3FFF, v6  }
0x3f: {  	v3 =	vsel vm1, $0xFFFFFFFF, v3;
	v0 =	vor.u32 v0, v2;
	v2 =	vshrl.u32 v1, $0x3  }
0x40: {  	s16 =	sshll.u32 s12, $0x8;
	s18 =	simm.s32 $0x30;
	v1 =	vshll.u32 v1, $0x7;
	v5 =	vshll.u32 v3, $0x3;
	v8 =	vmul.u32 $0x13C00, v2  }
0x41: {  	s31 =	sand.u32 $0x100, s16;
	s17 =	sadd.s32 $0x10, s15;
	s15 =	sor.u32 $0x200, s14;
	v2 =	vand.u32 $0x380, v1;
	v0 =	vor.u32 v7, v0;
	v5 =	vand.u32 $0xFFFFFC00, v5  }
0x42: {  	s14 =	sor.u32 $0x200, s31;
	s16 =	smov.u32 s15;
	v1 =	vld.msk [tilespmem:s17+$0x0 ss:$0x1], $0xffff;
	v3 =	vand.u32 $0x7F, v3;
	(ifvalue) =	ssetifvalue $0x7FFFFFFF;
	v6 =	vshrl.u32 v4, $0xE;
	v5 =	vadd.s32 v8, v5  }
.LBB2_3:
0x43: {  	s18 =	sadd.s32 $0x10, s18  }
0x44: {  	vm1 =	veq.s32 v4, $0x80000000;
	v4 =	vand.u32 $0x3FFF, v4;
	v6 =	vand.u32 $0x3FFF, v6;
	s15 =	sadd.s32 $0x10, s15;
	p1 =	slt.u32 s18, $0xF0  }
.Ltmp3:
0x45: {  	v5 =	vor.u32 v2, v5;
	v4 =	vsel vm1, $0xFFFFFFFF, v4;
	v7 =	vsel vm1, $0xFFFFFFFF, v6;
	(pc) =	sbr.rel @p1 .LBB2_3-.Ltmp3, $4  }
0x46: {  	v2 =	vshrl.u32 v4, $0x3;
	v6 =	vshll.u32 v7, $0x3;
	v4 =	vshll.u32 v4, $0x7;
	[tilespmem:s16], [sflag:$0x1] =	stream.indirect_vreg.gather [hbm4b:s2+s10], $0x1, v0, vm0, $0x4038;
	[tilespmem:$0x400] =	vst v63  }
0x47: {  	v0 =	vor.u32 v3, v5;
	s16 =	smov.u32 s15;
	v8 =	vmul.u32 $0x13C00, v2;
	v2 =	vand.u32 $0x380, v4  }
0x48: {  	s17 =	sadd.s32 $0x10, s17;
	v9 =	vand.u32 $0xFFFFFC00, v6  }
0x49: {  	v3 =	vand.u32 $0x7F, v7;
	v6 =	vshrl.u32 v1, $0xE;
	v5 =	vadd.s32 v8, v9;
	(ifvalue) =	ssetifvalue $0x7FFFFFFF;
	v4 =	vmovc v1;
	v1 =	vld.msk [tilespmem:s17+$0x0 ss:$0x1], $0xffff  }
.Ltmp4:
0x4a: {  	_ = 	snop;
	(pc) =	sbr.rel .LBB2_4-.Ltmp4, $1  }
0x4b: {  	_ =	sdelay $0x3  }
.LBB2_6:
0x4c: {  	_ =	sfence.sel $0x180000  }
0x4d: {  	s2 =	simm.s32 $0x2;
	[bflag:$0x0] =	sbarrier.arrive $0xFFFF  }
0x4e: {  	s30 =	simm.s32 $0x3;
	[sflag:s2] =	ssyncpa.u1 $0x1  }
0x4f: {  	s31 =	simm.s32 $0x1;
	[sflag:s30] =	ssyncpa.u1 $0x1  }
0x50: {  	[sflag:s31] =	ssyncpa.u1 $0x1  }
0x51: {  	p0 =	sne.s32 s0, $0x0;
	_ =	strace $0x90000053  }
0x52: {  	s0 =	sadd.s32 @!p0 $0x100000, s1;
	[bflag:$0x2] =	sbarrier.arrive $0xFFFF  }
0x53: {  	[sflag:s0] =	ssyncadd.tile.s32 @!p0 $0x1;
	_ =	shalt  }
.Lfunc_end2:
_tile_overlayer_lowered:
.L_overlay_start_2:
0x54: {  	(tag) =	ssettag $0x2  }
0x55: {  	s0 =	rddreg [dreg:$0x0];
	s2 =	stileid.u32  }
0x56: {  	s1 =	rddreg [dreg:$0x1];
	p0 =	sne.s32 s2, $0x0  }
0x57: {  	s3 =	rddreg [dreg:$0x2];
	[bflag:$0x3] =	sbarrier.arrive $0xFFFF;
	s2 =	simm.s32 @!p0 $0x1C01  }
0x58: {  	[timem:s3], [sflag:s2] =	dma.local @!p0 [hbm:s0], s1  }
0x59: {  	s0 =	simm.s32 @!p0 $0x1  }
0x5a: {  	_ =	swait.ge @!p0 [sflag:s0], s1  }
0x5b: {  	s1 =	ssub.s32 @!p0 $0x0, s1;
	[sflag:s0] =	ssyncset.done @!p0 $0x0  }
0x5c: {  	[sflag:s0] =	ssyncadd.s32 @!p0 s1  }
0x5d: {  	[bflag:$0x3] =	sbarrier.arrive $0xFFFF  }
0x5e: {  	_ =	shalt  }

// kernel: kernel.12.cloned.1.call-start
scs
__scs_entry_jumppad:
0x0: {  	(pc) =	sbr.rel $0x88, $3  }
0x1: {  	(tag) =	ssettag $0x0;
	lr =	simm.s32 $0x1  }
0x2: {  	[smem:$0x3F95] =	sst lr;
	_ =	strace $0xD0000000  }
0x3: {  	_ = 	snop  }
0x4: {  	_ = 	snop  }
0x5: {  	_ = 	snop  }
0x6: {  	_ = 	snop  }
0x7: {  	_ = 	snop  }
__scs_overlays_trampoline_lowered:
0x8: {  	[smem:$0x3FA4] =	sst s0  }
0x9: {  	[smem:$0x3FA5] =	sst s1  }
0xa: {  	[smem:$0x3FA6] =	sst s2  }
0xb: {  	[smem:$0x3FA7] =	sst s3  }
0xc: {  	[smem:$0x3FA8] =	sst s4  }
0xd: {  	[smem:$0x3FA9] =	sst s5  }
0xe: {  	[smem:$0x3FAA] =	sst s6  }
0xf: {  	[smem:$0x3FAB] =	sst s7  }
0x10: {  	[smem:$0x3FAC] =	sst s8  }
0x11: {  	[smem:$0x3FAD] =	sst s9;
	s0 =	simm.s32 @!p0 $0x0  }
0x12: {  	s1 =	sld [smem:$0x3F93];
	s0 =	simm.s32 @p0 $0x1  }
0x13: {  	[smem:$0x3FAE] =	sst s0;
	s0 =	simm.s32 @!p1 $0x0  }
0x14: {  	s2 =	sld [smem:$0x3F92];
	s0 =	simm.s32 @p1 $0x1  }
0x15: {  	[smem:$0x3FAF] =	sst s0;
	s0 =	simm.s32 @!p2 $0x0  }
0x16: {  	s3 =	sld [smem:$0x3FDB];
	s0 =	simm.s32 @p2 $0x1  }
0x17: {  	s4 =	simm.s32 $0x1BF5;
	[smem:$0x3FB1] =	sst s0  }
0x18: {  	s0 =	sld [smem:$0x3F94];
	_ =	swait.ge [sflag:s4], $0x0  }
0x19: {  	s7 =	sld [smem:$0x3F95]  }
0x1a: {  	s8 =	sadd.s32 $0xFFFFE003, lr  }
0x1b: {  	s9 =	sadd.s32 $0xFFFFFEF7, lr;
	s5 =	simm.s32 $0xFFFFFFFF;
	p2 =	slt.u32 s8, $0xFFFFF086  }
0x1c: {  	p1 =	slt.u32 s9, $0xF7A;
	s5 =	simm.s32 @!p2 $0x0  }
0x1d: {  	s5 =	simm.s32 @p1 $0x1;
	p0 =	seq.s32 s7, s2  }
0x1e: {  	s7 =	smul.u32 @!p0 $0xF7A, s2;
	p2 =	seq.s32 @!p0 s5, $0x0  }
0x1f: {  	s9 =	smul.u32 $0xF7A, s1;
	s8 =	simm.s32 @!p0 $0x1BF5;
	p2 =	por !p2, p0  }
0x20: {  	[sflag:s8] =	ssyncset.s32 @!p0 $0xFFFFF086;
	s6 =	sadd.s32 @!p0 s3, s7;
	s7 =	simm.s32 @!p0 $0x108  }
0x21: {  	s3 =	sadd.s32 s3, s9;
	s6 =	sadd.s32 @!p0 $0x88, s6;
	s7 =	simm.s32 @p2 $0x1082  }
0x22: {  	[simem:s7], [sflag:s8] =	dma.local @!p0 [hbm:s6], $0xF7A  }
0x23: {  	s9 =	sor.u32 $0xD0000000, s2;
	s6 =	simm.s32 $0x108;
	_ =	swait.ge @!p0 [sflag:s8], $0x0  }
0x24: {  	s3 =	sadd.s32 $0x88, s3;
	s6 =	simm.s32 @!p1 $0x1082;
	[sflag:s4] =	ssyncset.s32 $0xFFFFF086  }
0x25: {  	[simem:s6], [sflag:s4] =	dma.local [hbm:s3], $0xF7A  }
0x26: {  	[smem:$0x3F95] =	sst s1;
	(tag) =	ssettag s2;
	_ =	strace s9  }
0x27: {  	s1 =	sld [smem:$0x3FA5]  }
0x28: {  	s2 =	sld [smem:$0x3FA6]  }
0x29: {  	s4 =	sld [smem:$0x3FA8]  }
0x2a: {  	p0 =	seq.s32 s5, $0x0;
	s5 =	sld [smem:$0x3FA9]  }
0x2b: {  	s6 =	sld [smem:$0x3FAA]  }
0x2c: {  	s7 =	sld [smem:$0x3FAB]  }
0x2d: {  	s3 =	simm.s32 $0x108;
	s8 =	sld [smem:$0x3FAC]  }
0x2e: {  	s3 =	simm.s32 @!p0 $0x1082;
	s9 =	sld [smem:$0x3FAD]  }
0x2f: {  	lr =	sadd.s32 s0, s3;
	s0 =	sld [smem:$0x3FA4]  }
0x30: {  	s3 =	sld [smem:$0x3FA7]  }
0x31: {  	[smem:$0x3FB0] =	sst s10  }
0x32: {  	s10 =	sld [smem:$0x3FAE];
	_ =	sdelay $0x3  }
0x33: {  	p0 =	seq.s32 s10, $0x1;
	s10 =	sld [smem:$0x3FB0];
	_ =	sdelay $0x3  }
0x34: {  	[smem:$0x3FB0] =	sst s10  }
0x35: {  	s10 =	sld [smem:$0x3FAF];
	_ =	sdelay $0x3  }
0x36: {  	p1 =	seq.s32 s10, $0x1;
	s10 =	sld [smem:$0x3FB0];
	_ =	sdelay $0x3  }
0x37: {  	[smem:$0x3FB0] =	sst s10  }
0x38: {  	s10 =	sld [smem:$0x3FB1]  }
0x39: {  	_ = 	snop;
	(pc) =	sbr.ind lr, $3  }
0x3a: {  	_ = 	snop  }
0x3b: {  	_ = 	snop  }
0x3c: {  	p2 =	seq.s32 s10, $0x1;
	s10 =	sld [smem:$0x3FB0]  }
0x3d: {  	_ =	shalt  }
0x3e: {  	_ =	shalt  }
0x3f: {  	_ =	shalt  }
0x40: {  	_ =	shalt  }
0x41: {  	_ =	shalt  }
0x42: {  	_ =	shalt  }
0x43: {  	_ =	shalt  }
0x44: {  	_ =	shalt  }
0x45: {  	_ =	shalt  }
0x46: {  	_ =	shalt  }
0x47: {  	_ =	shalt  }
0x48: {  	_ =	shalt  }
0x49: {  	_ =	shalt  }
0x4a: {  	_ =	shalt  }
0x4b: {  	_ =	shalt  }
0x4c: {  	_ =	shalt  }
0x4d: {  	_ =	shalt  }
0x4e: {  	_ =	shalt  }
0x4f: {  	_ =	shalt  }
0x50: {  	_ =	shalt  }
0x51: {  	_ =	shalt  }
0x52: {  	_ =	shalt  }
0x53: {  	_ =	shalt  }
0x54: {  	_ =	shalt  }
0x55: {  	_ =	shalt  }
0x56: {  	_ =	shalt  }
0x57: {  	_ =	shalt  }
0x58: {  	_ =	shalt  }
0x59: {  	_ =	shalt  }
0x5a: {  	_ =	shalt  }
0x5b: {  	_ =	shalt  }
0x5c: {  	_ =	shalt  }
0x5d: {  	_ =	shalt  }
0x5e: {  	_ =	shalt  }
0x5f: {  	_ =	shalt  }
0x60: {  	_ =	shalt  }
0x61: {  	_ =	shalt  }
0x62: {  	_ =	shalt  }
0x63: {  	_ =	shalt  }
0x64: {  	_ =	shalt  }
0x65: {  	_ =	shalt  }
0x66: {  	_ =	shalt  }
0x67: {  	_ =	shalt  }
0x68: {  	_ =	shalt  }
0x69: {  	_ =	shalt  }
0x6a: {  	_ =	shalt  }
0x6b: {  	_ =	shalt  }
0x6c: {  	_ =	shalt  }
0x6d: {  	_ =	shalt  }
0x6e: {  	_ =	shalt  }
0x6f: {  	_ =	shalt  }
0x70: {  	_ =	shalt  }
0x71: {  	_ =	shalt  }
0x72: {  	_ =	shalt  }
0x73: {  	_ =	shalt  }
0x74: {  	_ =	shalt  }
0x75: {  	_ =	shalt  }
0x76: {  	_ =	shalt  }
0x77: {  	_ =	shalt  }
0x78: {  	_ =	shalt  }
0x79: {  	_ =	shalt  }
0x7a: {  	_ =	shalt  }
0x7b: {  	_ =	shalt  }
0x7c: {  	_ =	shalt  }
0x7d: {  	_ =	shalt  }
0x7e: {  	_ =	shalt  }
0x7f: {  	_ =	shalt  }
0x80: {  	_ =	shalt  }
0x81: {  	_ =	shalt  }
0x82: {  	_ =	shalt  }
0x83: {  	_ =	shalt  }
0x84: {  	_ =	shalt  }
0x85: {  	_ =	shalt  }
0x86: {  	_ =	shalt  }
0x87: {  	_ =	shalt  }
.Lfunc_end0:
.L_simem_size_0:
called_computation.1_lowered:
.L_overlay_start_0:
0x88: {  	s2 =	sld [smem:$0x3FD9]  }
0x89: {  	s3 =	sld [smem:$0x3FFE];
	_ =	sdelay $0x1  }
0x8a: {  	s1 =	srdreg.scid  }
0x8b: {  	s0 =	sand.u32 $0x1, s1  }
0x8c: {  	s17 =	sshll.u32 s0, $0xA;
	s2 =	sadd.s32 s3, s2  }
0x8d: {  	s2 =	sadd.s32 s2, s17  }
0x8e: {  	[smem:$0x3FBC] =	sst s2  }
0x8f: {  	_ = 	snop  }
0x90: {  	s2 =	sld [smem:$0x3FD0];
	(tm) =	ssettm $0x1  }
0x91: {  	s18 =	sld [smem:$0x3FFB];
	_ =	sdelay $0x3  }
0x92: {  	_ =	strace s18  }
0x93: {  	s3 =	sld [smem:$0x3FFC];
	_ =	sdelay $0x3  }
0x94: {  	_ =	strace s3  }
0x95: {  	s3 =	sld [smem:$0x3FFD];
	_ =	sdelay $0x3  }
0x96: {  	_ =	strace s3  }
0x97: {  	_ =	strace $0x8FFFFFFF  }
0x98: {  	s19 =	sld [smem:$0x3FDB];
	_ =	sdelay $0x1  }
0x99: {  	s4 =	simm.s32 $_scs_section_size  }
0x9a: {  	s5 =	simm.s32 $_size__tile_overlayer_lowered;
	s6 =	simm.s32 $_tile_overlayer_lowered  }
0x9b: {  	s22 =	simm.s32 $0x1BFF;
	s21 =	sshll.u32 s6, $0x1;
	s3 =	sadd.s32 s4, s19  }
0x9c: {  	s7 =	simm.s32 $0x0;
	s20 =	sshll.u32 s5, $0x1;
	s5 =	sadd.s32 s21, s3  }
0x9d: {  	[timem:s7], [sflag:s22] =	dma.local [hbm:s5], s20  }
0x9e: {  	_ =	swait.ge [sflag:s22], s20  }
0x9f: {  	s4 =	ssub.s32 $0x0, s20;
	[sflag:s22] =	ssyncset.done $0x0  }
0xa0: {  	[sflag:s22] =	ssyncadd.s32 s4;
	_ =	sdelay $0x1  }
0xa1: {  	s23 =	simm.s32 $0x1B8B  }
0xa2: {  	_ =	swait.ge [sflag:s23], $0x1  }
0xa3: {  	[sflag:s23] =	ssyncset.done $0x0  }
0xa4: {  	s25 =	simm.s32 $0x1B8E;
	s24 =	sld [smem:$0x3FFE];
	[sflag:s23] =	ssyncadd.s32 $0xFFFFFFFF  }
0xa5: {  	s26 =	simm.s32 $execute0_lowered;
	[smem:$0x3FD2] =	sst s25  }
0xa6: {  	s5 =	sshll.u32 s26, $0x1;
	_ =	strace $0x80000046;
	[dreg:$0x1] =	wrdreg $0xFFFFFFFF  }
0xa7: {  	s28 =	simm.s32 $_size_execute0_lowered;
	s3 =	sadd.s32 s3, s5;
	[dreg:$0x0] =	wrdreg $0x0  }
0xa8: {  	s5 =	sshll.u32 s28, $0x1;
	[dreg:$0x2] =	wrdreg s3  }
0xa9: {  	[dreg:$0x3] =	wrdreg s5  }
0xaa: {  	[dreg:$0x4] =	wrdreg $0xC0  }
0xab: {  	_ =	task [dreg:s7], $0x5FFFF  }
0xac: {  	[dreg:$0x1] =	wrdreg $0xFFFFFFFF  }
0xad: {  	[dreg:$0x0] =	wrdreg $0x60  }
0xae: {  	[dreg:$0x2] =	wrdreg s24  }
0xaf: {  	[dreg:$0x3] =	wrdreg s2  }
0xb0: {  	[dreg:$0x4] =	wrdreg $0x67000  }
0xb1: {  	[dreg:$0x5] =	wrdreg $0x69780  }
0xb2: {  	[dreg:$0x6] =	wrdreg $0x9  }
0xb3: {  	_ =	task.clear_ibuf [dreg:s7], $0x7FFFF;
	_ =	strace $0x90000046  }
0xb4: {  	s29 =	simm.s32 $0x9;
	_ =	strace $0x80000048  }
0xb5: {  	_ =	swait.ge [sflag:s29], $0x1  }
0xb6: {  	[sflag:s29] =	ssyncadd.s32 $0xFFFFFFFF  }
0xb7: {  	_ =	strace $0x90000048  }
0xb8: {  	_ =	sfence  }
0xb9: {  	s30 =	sld [smem:$0x0];
	_ =	sdelay $0x2  }
0xba: {  	s31 =	sshll.u32 s1, $0xD;
	s1 =	sshrl.u32 s1, $0x2  }
0xbb: {  	s3 =	sand.u32 $0x4000, s31;
	s1 =	sadd.s32 s1, s30  }
0xbc: {  	s0 =	sor.u32 s3, s0;
	s1 =	sshll.u32 s1, $0x11  }
0xbd: {  	s0 =	sor.u32 s1, s0  }
0xbe: {  	s0 =	sadd.s32 $0x8F2B, s0  }
0xbf: {  	[sflag:s0] =	ssyncadd.remote.s32 $0x1  }
0xc0: {  	_ =	sfence.sel $0xFFFF  }
0xc1: {  	[dreg:$0x0] =	wrdreg $0xFFFFFFFF;
	(pc) =	sbr.abs _section_cstart, $3  }
0xc2: {  	[dreg:$0x1] =	wrdreg $0xFFFFFFFF  }
0xc3: {  	_ =	task.clear_ibuf [dreg:s7], $0x2FFFF;
	_ =	strace $0x9FFFFFFF  }
0xc4: {  	(tm) =	ssettm $0x7FFFFFFF  }
0xc5: {  	_ =	shalt  }
tec
execute0_lowered:
.L_overlay_start_1:
0x0: {  	(tag) =	ssettag $0x1  }
0x1: {  	s7 =	rddreg [dreg:$0x0]  }
0x2: {  	s1 =	rddreg [dreg:$0x1]  }
0x3: {  	s2 =	srdreg.scid;
	s3 =	rddreg [dreg:$0x2]  }
0x4: {  	s0 =	stileid.u32;
	s4 =	rddreg [dreg:$0x3];
	s5 =	simm.s32 $0x0  }
0x5: {  	s14 =	simm.s32 $0x6480;
	s15 =	simm.s32 $0x3;
	s16 =	simm.s32 $0x6400  }
0x6: {  	s17 =	simm.s32 $0x80;
	s18 =	simm.s32 $0x1;
	s19 =	simm.s32 $0x2  }
0x7: {  	s20 =	simm.s32 $0x0;
	s8 =	sand.u32 $0x1, s2;
	s9 =	smul.u32 $0x278, s0  }
0x8: {  	[smem:$0x7FF] =	sst s5;
	s2 =	sshll.u32 s8, $0x4;
	s10 =	smul.u32 $0x4F00, s8  }
0x9: {  	s31 =	ssub.s32 $0x2, s8;
	p0 =	seq.s32 s8, $0x0;
	s6 =	sor.u32 s0, s2  }
0xa: {  	s2 =	rddreg [dreg:$0x4];
	_ =	strace $0x80000047;
	s6 =	smul.u32 $0xC80, s6  }
0xb: {  	s13 =	sshrl.u32 s31, $0x1;
	s8 =	sadd.s32 s9, s3;
	s10 =	sadd.s32 s9, s10  }
0xc: {  	s13 =	ssub.s32 s31, s13;
	s10 =	sshrl.u32 s10, $0x3;
	s11 =	sadd.s32 s6, s7  }
0xd: {  	s6 =	sadd.s32 $0x1B800, s7;
	s12 =	sadd.s32 s10, s7;
	s7 =	simm.s32 $0x64  }
0xe: {  	s9 =	sadd.s32 s9, s4;
	s13 =	smax.u32 s13, $0x1;
	s7 =	simm.s32 @!p0 $0x39  }
0xf: {  	s10 =	sadd.s32 $0x2800, s11;
	s11 =	sadd.s32 $0x1BA00, s12;
	s12 =	sadd.s32 $0x1BEF0, s12  }
.LBB2_1:
0x10: {  	[tilespmem:s14], [sflag:$0x3] =	stream.linear.gather [hbm4b:s1+s5], $0x278, $0x38;
	[tilespmem:$0x6BF0] =	vst v63  }
0x11: {  	_ =	swait.ge [sflag:s15], $0x278  }
0x12: {  	[sflag:s15] =	ssyncset.done $0x0  }
0x13: {  	[sflag:s15] =	ssyncadd.s32 $0xFFFFFD88  }
0x14: {  	[spmem:s8] =	stream.linear.scatter [tilespmem:s14], [sflag:$0x3], $0x278, $0x38;
	[tilespmem:$0x6BF0] =	vst v63  }
0x15: {  	_ =	swait.ge [sflag:s15], $0x278  }
0x16: {  	[sflag:s15] =	ssyncset.done $0x0  }
0x17: {  	[sflag:s15] =	ssyncadd.s32 $0xFFFFFD88  }
0x18: {  	[spmem:s9] =	stream.linear.scatter [tilespmem:s14], [sflag:$0x3], $0x278, $0x38;
	[tilespmem:$0x6BF0] =	vst v63  }
0x19: {  	_ =	swait.ge [sflag:s15], $0x278  }
0x1a: {  	[sflag:s15] =	ssyncset.done $0x0  }
0x1b: {  	[sflag:s15] =	ssyncadd.s32 $0xFFFFFD88  }
0x1c: {  	[tilespmem:s5], [sflag:$0x3] =	stream.linear.gather [hbm4b:s10+s5], $0x6400, $0x38;
	[tilespmem:$0x6BF0] =	vst v63  }
0x1d: {  	_ =	swait.ge [sflag:s15], $0x6400  }
0x1e: {  	[sflag:s15] =	ssyncset.done $0x0  }
0x1f: {  	p1 =	sne.s32 s7, $0x1;
	[sflag:s15] =	ssyncadd.s32 $0xFFFF9C00  }
0x20: {  	[tilespmem:s16], [sflag:$0x3] =	stream.linear.gather [hbm4b:s6+s5], $0x80, $0x38;
	[tilespmem:$0x6BF0] =	vst v63  }
.Ltmp0:
0x21: {  	_ =	swait.ge [sflag:s15], $0x80;
	(pc) =	sbr.rel @!p1 .LBB2_4-.Ltmp0, $4  }
0x22: {  	[sflag:s15] =	ssyncset.done $0x0  }
0x23: {  	[sflag:s15] =	ssyncadd.s32 $0xFFFFFF80  }
0x24: {  	[bflag:$0x0] =	sbarrier.arrive $0xFFFF  }
0x25: {  	s22 =	sadd.s32 $0xFFFFFFFF, s7;
	p0 =	por $0x0, $0x0;
	s21 =	simm.s32 $0x80  }
0x26: {  	s21 =	simm.s32 $0x0  }
0x27: {  	[spmem:s3] =	stream.indirect.scatter.add.f32 [tilespmem:s16], [sflag:$0x1], $0x1, s21, s17, $0xb8;
	[tilespmem:$0x6BF0] =	vst v63  }
0x28: {  	p1 =	sne.s32 s22, $0x1  }
0x29: {  	[spmem:s4] =	stream.indirect.scatter.add.f32 [tilespmem:s16], [sflag:$0x2], $0x1, s17, s17, $0xb8;
	[tilespmem:$0x6BF0] =	vst v63  }
.Ltmp1:
0x2a: {  	_ =	swait.ge [sflag:s18], $0x80;
	(pc) =	sbr.rel @!p1 .LBB2_4-.Ltmp1, $4  }
0x2b: {  	[sflag:s18] =	ssyncset.done $0x0  }
0x2c: {  	[sflag:s18] =	ssyncadd.s32 $0xFFFFFF80  }
0x2d: {  	s22 =	sadd.s32 $0xFFFFFFFF, s22;
	_ =	swait.ge [sflag:s19], $0x80  }
0x2e: {  	p0 =	por $0x1, $0x1;
	s21 =	simm.s32 $0x180;
	[sflag:s19] =	ssyncset.done $0x0  }
.LBB2_3:
0x2f: {  	p1 =	sne.s32 s22, $0x1;
	s23 =	sadd.s32 $0xFFFFFF80, s21;
	[sflag:s19] =	ssyncadd.s32 $0xFFFFFF80  }
0x30: {  	[spmem:s3] =	stream.indirect.scatter.add.f32 [tilespmem:s16], [sflag:$0x1], $0x1, s23, s17, $0xb8;
	[tilespmem:$0x6BF0] =	vst v63  }
0x31: {  	s22 =	sadd.s32 $0xFFFFFFFF, s22  }
0x32: {  	[spmem:s4] =	stream.indirect.scatter.add.f32 [tilespmem:s16], [sflag:$0x2], $0x1, s21, s17, $0xb8;
	[tilespmem:$0x6BF0] =	vst v63  }
.Ltmp2:
0x33: {  	_ =	swait.ge [sflag:s18], $0x80;
	(pc) =	sbr.rel @p1 .LBB2_3-.Ltmp2, $4  }
0x34: {  	[sflag:s18] =	ssyncset.done $0x0  }
0x35: {  	[sflag:s18] =	ssyncadd.s32 $0xFFFFFF80  }
0x36: {  	_ =	swait.ge [sflag:s19], $0x80  }
0x37: {  	s21 =	sadd.s32 $0x100, s21;
	[sflag:s19] =	ssyncset.done $0x0  }
.LBB2_4:
0x38: {  	s22 =	sadd.s32 $0xFFFFFF80, s21;
	[sflag:s19] =	ssyncadd.s32 @p0 $0xFFFFFF80  }
0x39: {  	[spmem:s3] =	stream.indirect.scatter.add.f32 [tilespmem:s16], [sflag:$0x1], $0x1, s22, s17, $0xb8;
	[tilespmem:$0x6BF0] =	vst v63  }
0x3a: {  	_ = 	snop  }
0x3b: {  	[spmem:s4] =	stream.indirect.scatter.add.f32 [tilespmem:s16], [sflag:$0x2], $0x1, s21, s17, $0xb8;
	[tilespmem:$0x6BF0] =	vst v63  }
0x3c: {  	_ =	swait.ge [sflag:s18], $0x80  }
0x3d: {  	[sflag:s18] =	ssyncset.done $0x0  }
0x3e: {  	[sflag:s18] =	ssyncadd.s32 $0xFFFFFF80  }
0x3f: {  	_ =	swait.ge [sflag:s19], $0x80  }
0x40: {  	[sflag:s19] =	ssyncset.done $0x0  }
0x41: {  	[sflag:s19] =	ssyncadd.s32 $0xFFFFFF80  }
0x42: {  	[bflag:$0x0] =	sbarrier.arrive $0xFFFF  }
0x43: {  	[tilespmem:s14], [sflag:$0x3] =	stream.linear.gather [spmem:s8], $0x278, $0x38;
	[tilespmem:$0x6BF0] =	vst v63  }
0x44: {  	_ =	swait.ge [sflag:s15], $0x278  }
0x45: {  	[sflag:s15] =	ssyncset.done $0x0  }
0x46: {  	[sflag:s15] =	ssyncadd.s32 $0xFFFFFD88  }
0x47: {  	[hbm4b:s11+s5] =	stream.linear.scatter [tilespmem:s14], [sflag:$0x3], $0x278, $0x38;
	[tilespmem:$0x6BF0] =	vst v63  }
0x48: {  	_ =	swait.ge [sflag:s15], $0x278  }
0x49: {  	[sflag:s15] =	ssyncset.done $0x0  }
0x4a: {  	[sflag:s15] =	ssyncadd.s32 $0xFFFFFD88  }
0x4b: {  	[tilespmem:s14], [sflag:$0x3] =	stream.linear.gather [spmem:s9], $0x278, $0x38;
	[tilespmem:$0x6BF0] =	vst v63  }
0x4c: {  	s20 =	sadd.s32 $0x1, s20;
	_ =	swait.ge [sflag:s15], $0x278  }
0x4d: {  	p0 =	sne.s32 s20, s13;
	[sflag:s15] =	ssyncset.done $0x0  }
.Ltmp3:
0x4e: {  	[sflag:s15] =	ssyncadd.s32 $0xFFFFFD88;
	(pc) =	sbr.rel @p0 .LBB2_1-.Ltmp3, $4  }
0x4f: {  	[hbm4b:s12+s5] =	stream.linear.scatter [tilespmem:s14], [sflag:$0x3], $0x278, $0x38;
	[tilespmem:$0x6BF0] =	vst v63  }
0x50: {  	_ =	swait.ge [sflag:s15], $0x278  }
0x51: {  	[sflag:s15] =	ssyncset.done $0x0  }
0x52: {  	[sflag:s15] =	ssyncadd.s32 $0xFFFFFD88  }
0x53: {  	_ =	sfence.sel $0x180000  }
0x54: {  	[bflag:$0x0] =	sbarrier.arrive $0xFFFF  }
0x55: {  	p0 =	sne.s32 s0, $0x0;
	_ =	strace $0x90000047  }
0x56: {  	s0 =	sadd.s32 @!p0 $0x100000, s2;
	[bflag:$0x2] =	sbarrier.arrive $0xFFFF  }
0x57: {  	[sflag:s0] =	ssyncadd.tile.s32 @!p0 $0x1;
	_ =	shalt  }
.Lfunc_end2:
_tile_overlayer_lowered:
.L_overlay_start_2:
0x58: {  	(tag) =	ssettag $0x2  }
0x59: {  	s0 =	rddreg [dreg:$0x0];
	s2 =	stileid.u32  }
0x5a: {  	s1 =	rddreg [dreg:$0x1];
	p0 =	sne.s32 s2, $0x0  }
0x5b: {  	s3 =	rddreg [dreg:$0x2];
	[bflag:$0x3] =	sbarrier.arrive $0xFFFF;
	s2 =	simm.s32 @!p0 $0x1C03  }
0x5c: {  	[timem:s3], [sflag:s2] =	dma.local @!p0 [hbm:s0], s1  }
0x5d: {  	s0 =	simm.s32 @!p0 $0x3  }
0x5e: {  	_ =	swait.ge @!p0 [sflag:s0], s1  }
0x5f: {  	s1 =	ssub.s32 @!p0 $0x0, s1;
	[sflag:s0] =	ssyncset.done @!p0 $0x0  }
0x60: {  	[sflag:s0] =	ssyncadd.s32 @!p0 s1  }
0x61: {  	[bflag:$0x3] =	sbarrier.arrive $0xFFFF  }
0x62: {  	_ =	shalt  }

// kernel: kernel.15.cloned.1.call-start
scs
__scs_entry_jumppad:
0x0: {  	(pc) =	sbr.rel $0x88, $3  }
0x1: {  	(tag) =	ssettag $0x0;
	lr =	simm.s32 $0x1  }
0x2: {  	[smem:$0x3F95] =	sst lr;
	_ =	strace $0xD0000000  }
0x3: {  	_ = 	snop  }
0x4: {  	_ = 	snop  }
0x5: {  	_ = 	snop  }
0x6: {  	_ = 	snop  }
0x7: {  	_ = 	snop  }
__scs_overlays_trampoline_lowered:
0x8: {  	[smem:$0x3FA4] =	sst s0  }
0x9: {  	[smem:$0x3FA5] =	sst s1  }
0xa: {  	[smem:$0x3FA6] =	sst s2  }
0xb: {  	[smem:$0x3FA7] =	sst s3  }
0xc: {  	[smem:$0x3FA8] =	sst s4  }
0xd: {  	[smem:$0x3FA9] =	sst s5  }
0xe: {  	[smem:$0x3FAA] =	sst s6  }
0xf: {  	[smem:$0x3FAB] =	sst s7  }
0x10: {  	[smem:$0x3FAC] =	sst s8  }
0x11: {  	[smem:$0x3FAD] =	sst s9;
	s0 =	simm.s32 @!p0 $0x0  }
0x12: {  	s1 =	sld [smem:$0x3F93];
	s0 =	simm.s32 @p0 $0x1  }
0x13: {  	[smem:$0x3FAE] =	sst s0;
	s0 =	simm.s32 @!p1 $0x0  }
0x14: {  	s2 =	sld [smem:$0x3F92];
	s0 =	simm.s32 @p1 $0x1  }
0x15: {  	[smem:$0x3FAF] =	sst s0;
	s0 =	simm.s32 @!p2 $0x0  }
0x16: {  	s3 =	sld [smem:$0x3FDB];
	s0 =	simm.s32 @p2 $0x1  }
0x17: {  	s4 =	simm.s32 $0x1BF5;
	[smem:$0x3FB1] =	sst s0  }
0x18: {  	s0 =	sld [smem:$0x3F94];
	_ =	swait.ge [sflag:s4], $0x0  }
0x19: {  	s7 =	sld [smem:$0x3F95]  }
0x1a: {  	s8 =	sadd.s32 $0xFFFFE003, lr  }
0x1b: {  	s9 =	sadd.s32 $0xFFFFFEF7, lr;
	s5 =	simm.s32 $0xFFFFFFFF;
	p2 =	slt.u32 s8, $0xFFFFF086  }
0x1c: {  	p1 =	slt.u32 s9, $0xF7A;
	s5 =	simm.s32 @!p2 $0x0  }
0x1d: {  	s5 =	simm.s32 @p1 $0x1;
	p0 =	seq.s32 s7, s2  }
0x1e: {  	s7 =	smul.u32 @!p0 $0xF7A, s2;
	p2 =	seq.s32 @!p0 s5, $0x0  }
0x1f: {  	s9 =	smul.u32 $0xF7A, s1;
	s8 =	simm.s32 @!p0 $0x1BF5;
	p2 =	por !p2, p0  }
0x20: {  	[sflag:s8] =	ssyncset.s32 @!p0 $0xFFFFF086;
	s6 =	sadd.s32 @!p0 s3, s7;
	s7 =	simm.s32 @!p0 $0x108  }
0x21: {  	s3 =	sadd.s32 s3, s9;
	s6 =	sadd.s32 @!p0 $0x88, s6;
	s7 =	simm.s32 @p2 $0x1082  }
0x22: {  	[simem:s7], [sflag:s8] =	dma.local @!p0 [hbm:s6], $0xF7A  }
0x23: {  	s9 =	sor.u32 $0xD0000000, s2;
	s6 =	simm.s32 $0x108;
	_ =	swait.ge @!p0 [sflag:s8], $0x0  }
0x24: {  	s3 =	sadd.s32 $0x88, s3;
	s6 =	simm.s32 @!p1 $0x1082;
	[sflag:s4] =	ssyncset.s32 $0xFFFFF086  }
0x25: {  	[simem:s6], [sflag:s4] =	dma.local [hbm:s3], $0xF7A  }
0x26: {  	[smem:$0x3F95] =	sst s1;
	(tag) =	ssettag s2;
	_ =	strace s9  }
0x27: {  	s1 =	sld [smem:$0x3FA5]  }
0x28: {  	s2 =	sld [smem:$0x3FA6]  }
0x29: {  	s4 =	sld [smem:$0x3FA8]  }
0x2a: {  	p0 =	seq.s32 s5, $0x0;
	s5 =	sld [smem:$0x3FA9]  }
0x2b: {  	s6 =	sld [smem:$0x3FAA]  }
0x2c: {  	s7 =	sld [smem:$0x3FAB]  }
0x2d: {  	s3 =	simm.s32 $0x108;
	s8 =	sld [smem:$0x3FAC]  }
0x2e: {  	s3 =	simm.s32 @!p0 $0x1082;
	s9 =	sld [smem:$0x3FAD]  }
0x2f: {  	lr =	sadd.s32 s0, s3;
	s0 =	sld [smem:$0x3FA4]  }
0x30: {  	s3 =	sld [smem:$0x3FA7]  }
0x31: {  	[smem:$0x3FB0] =	sst s10  }
0x32: {  	s10 =	sld [smem:$0x3FAE];
	_ =	sdelay $0x3  }
0x33: {  	p0 =	seq.s32 s10, $0x1;
	s10 =	sld [smem:$0x3FB0];
	_ =	sdelay $0x3  }
0x34: {  	[smem:$0x3FB0] =	sst s10  }
0x35: {  	s10 =	sld [smem:$0x3FAF];
	_ =	sdelay $0x3  }
0x36: {  	p1 =	seq.s32 s10, $0x1;
	s10 =	sld [smem:$0x3FB0];
	_ =	sdelay $0x3  }
0x37: {  	[smem:$0x3FB0] =	sst s10  }
0x38: {  	s10 =	sld [smem:$0x3FB1]  }
0x39: {  	_ = 	snop;
	(pc) =	sbr.ind lr, $3  }
0x3a: {  	_ = 	snop  }
0x3b: {  	_ = 	snop  }
0x3c: {  	p2 =	seq.s32 s10, $0x1;
	s10 =	sld [smem:$0x3FB0]  }
0x3d: {  	_ =	shalt  }
0x3e: {  	_ =	shalt  }
0x3f: {  	_ =	shalt  }
0x40: {  	_ =	shalt  }
0x41: {  	_ =	shalt  }
0x42: {  	_ =	shalt  }
0x43: {  	_ =	shalt  }
0x44: {  	_ =	shalt  }
0x45: {  	_ =	shalt  }
0x46: {  	_ =	shalt  }
0x47: {  	_ =	shalt  }
0x48: {  	_ =	shalt  }
0x49: {  	_ =	shalt  }
0x4a: {  	_ =	shalt  }
0x4b: {  	_ =	shalt  }
0x4c: {  	_ =	shalt  }
0x4d: {  	_ =	shalt  }
0x4e: {  	_ =	shalt  }
0x4f: {  	_ =	shalt  }
0x50: {  	_ =	shalt  }
0x51: {  	_ =	shalt  }
0x52: {  	_ =	shalt  }
0x53: {  	_ =	shalt  }
0x54: {  	_ =	shalt  }
0x55: {  	_ =	shalt  }
0x56: {  	_ =	shalt  }
0x57: {  	_ =	shalt  }
0x58: {  	_ =	shalt  }
0x59: {  	_ =	shalt  }
0x5a: {  	_ =	shalt  }
0x5b: {  	_ =	shalt  }
0x5c: {  	_ =	shalt  }
0x5d: {  	_ =	shalt  }
0x5e: {  	_ =	shalt  }
0x5f: {  	_ =	shalt  }
0x60: {  	_ =	shalt  }
0x61: {  	_ =	shalt  }
0x62: {  	_ =	shalt  }
0x63: {  	_ =	shalt  }
0x64: {  	_ =	shalt  }
0x65: {  	_ =	shalt  }
0x66: {  	_ =	shalt  }
0x67: {  	_ =	shalt  }
0x68: {  	_ =	shalt  }
0x69: {  	_ =	shalt  }
0x6a: {  	_ =	shalt  }
0x6b: {  	_ =	shalt  }
0x6c: {  	_ =	shalt  }
0x6d: {  	_ =	shalt  }
0x6e: {  	_ =	shalt  }
0x6f: {  	_ =	shalt  }
0x70: {  	_ =	shalt  }
0x71: {  	_ =	shalt  }
0x72: {  	_ =	shalt  }
0x73: {  	_ =	shalt  }
0x74: {  	_ =	shalt  }
0x75: {  	_ =	shalt  }
0x76: {  	_ =	shalt  }
0x77: {  	_ =	shalt  }
0x78: {  	_ =	shalt  }
0x79: {  	_ =	shalt  }
0x7a: {  	_ =	shalt  }
0x7b: {  	_ =	shalt  }
0x7c: {  	_ =	shalt  }
0x7d: {  	_ =	shalt  }
0x7e: {  	_ =	shalt  }
0x7f: {  	_ =	shalt  }
0x80: {  	_ =	shalt  }
0x81: {  	_ =	shalt  }
0x82: {  	_ =	shalt  }
0x83: {  	_ =	shalt  }
0x84: {  	_ =	shalt  }
0x85: {  	_ =	shalt  }
0x86: {  	_ =	shalt  }
0x87: {  	_ =	shalt  }
.Lfunc_end0:
.L_simem_size_0:
called_computation.2_lowered:
.L_overlay_start_0:
0x88: {  	s2 =	sld [smem:$0x3FD9]  }
0x89: {  	s3 =	sld [smem:$0x3FFE];
	_ =	sdelay $0x1  }
0x8a: {  	s1 =	srdreg.scid  }
0x8b: {  	s0 =	sand.u32 $0x1, s1  }
0x8c: {  	s16 =	sshll.u32 s0, $0xA;
	s2 =	sadd.s32 s3, s2  }
0x8d: {  	s2 =	sadd.s32 s2, s16  }
0x8e: {  	[smem:$0x3FBC] =	sst s2  }
0x8f: {  	_ = 	snop  }
0x90: {  	(tm) =	ssettm $0x1  }
0x91: {  	s17 =	sld [smem:$0x3FFB];
	_ =	sdelay $0x3  }
0x92: {  	_ =	strace s17  }
0x93: {  	s2 =	sld [smem:$0x3FFC];
	_ =	sdelay $0x3  }
0x94: {  	_ =	strace s2  }
0x95: {  	s2 =	sld [smem:$0x3FFD];
	_ =	sdelay $0x3  }
0x96: {  	_ =	strace s2  }
0x97: {  	_ =	strace $0x8FFFFFFF  }
0x98: {  	s18 =	sld [smem:$0x3FDB];
	_ =	sdelay $0x1  }
0x99: {  	s19 =	simm.s32 $_scs_section_size  }
0x9a: {  	s4 =	simm.s32 $_size__tile_overlayer_lowered;
	s5 =	simm.s32 $_tile_overlayer_lowered  }
0x9b: {  	s22 =	simm.s32 $0x1BFF;
	s21 =	sshll.u32 s5, $0x1;
	s2 =	sadd.s32 s19, s18  }
0x9c: {  	s6 =	simm.s32 $0x0;
	s20 =	sshll.u32 s4, $0x1;
	s4 =	sadd.s32 s21, s2  }
0x9d: {  	[timem:s6], [sflag:s22] =	dma.local [hbm:s4], s20  }
0x9e: {  	_ =	swait.ge [sflag:s22], s20  }
0x9f: {  	s3 =	ssub.s32 $0x0, s20;
	[sflag:s22] =	ssyncset.done $0x0  }
0xa0: {  	[sflag:s22] =	ssyncadd.s32 s3;
	_ =	sdelay $0x1  }
0xa1: {  	s23 =	simm.s32 $0x1B8B  }
0xa2: {  	_ =	swait.ge [sflag:s23], $0x1  }
0xa3: {  	[sflag:s23] =	ssyncset.done $0x0  }
0xa4: {  	s25 =	simm.s32 $0x1B8E;
	s24 =	sld [smem:$0x3FFE];
	[sflag:s23] =	ssyncadd.s32 $0xFFFFFFFF  }
0xa5: {  	s26 =	simm.s32 $execute0_lowered;
	[smem:$0x3FD2] =	sst s25  }
0xa6: {  	s4 =	sshll.u32 s26, $0x1;
	_ =	strace $0x80000049;
	[dreg:$0x1] =	wrdreg $0xFFFFFFFF  }
0xa7: {  	s28 =	simm.s32 $_size_execute0_lowered;
	s2 =	sadd.s32 s2, s4;
	[dreg:$0x0] =	wrdreg $0x0  }
0xa8: {  	s4 =	sshll.u32 s28, $0x1;
	[dreg:$0x2] =	wrdreg s2  }
0xa9: {  	[dreg:$0x3] =	wrdreg s4  }
0xaa: {  	[dreg:$0x4] =	wrdreg $0xC0  }
0xab: {  	_ =	task [dreg:s6], $0x5FFFF  }
0xac: {  	[dreg:$0x1] =	wrdreg $0xFFFFFFFF  }
0xad: {  	[dreg:$0x0] =	wrdreg $0x60  }
0xae: {  	[dreg:$0x2] =	wrdreg s24  }
0xaf: {  	[dreg:$0x3] =	wrdreg $0x84000  }
0xb0: {  	[dreg:$0x4] =	wrdreg $0x9  }
0xb1: {  	_ =	task.clear_ibuf [dreg:s6], $0x5FFFF;
	_ =	strace $0x90000049  }
0xb2: {  	s29 =	simm.s32 $0x9;
	_ =	strace $0x8000004B  }
0xb3: {  	_ =	swait.ge [sflag:s29], $0x1  }
0xb4: {  	[sflag:s29] =	ssyncadd.s32 $0xFFFFFFFF  }
0xb5: {  	_ =	strace $0x9000004B  }
0xb6: {  	_ =	sfence  }
0xb7: {  	s30 =	sld [smem:$0x0];
	_ =	sdelay $0x2  }
0xb8: {  	s31 =	sshll.u32 s1, $0xD;
	s1 =	sshrl.u32 s1, $0x2  }
0xb9: {  	s3 =	sand.u32 $0x4000, s31;
	s1 =	sadd.s32 s1, s30  }
0xba: {  	s0 =	sor.u32 s3, s0;
	s1 =	sshll.u32 s1, $0x11  }
0xbb: {  	s0 =	sor.u32 s1, s0  }
0xbc: {  	s0 =	sadd.s32 $0x8F2B, s0  }
0xbd: {  	[sflag:s0] =	ssyncadd.remote.s32 $0x1  }
0xbe: {  	_ =	sfence.sel $0xFFFF  }
0xbf: {  	[dreg:$0x0] =	wrdreg $0xFFFFFFFF;
	(pc) =	sbr.abs _section_cstart, $3  }
0xc0: {  	[dreg:$0x1] =	wrdreg $0xFFFFFFFF  }
0xc1: {  	_ =	task.clear_ibuf [dreg:s6], $0x2FFFF;
	_ =	strace $0x9FFFFFFF  }
0xc2: {  	(tm) =	ssettm $0x7FFFFFFF  }
0xc3: {  	_ =	shalt  }
tec
execute0_lowered:
.L_overlay_start_1:
0x0: {  	(tag) =	ssettag $0x1  }
0x1: {  	s0 =	rddreg [dreg:$0x0]  }
0x2: {  	s2 =	rddreg [dreg:$0x1];
	s10 =	stileid.u32  }
0x3: {  	s1 =	srdreg.scid;
	s3 =	simm.s32 $0x0;
	s31 =	simm.s32 $0x280  }
0x4: {  	s28 =	simm.s32 $0x0;
	s5 =	smul.u32 $0x13C00, s10;
	s1 =	sand.u32 $0x1, s1  }
0x5: {  	[smem:$0x7FF] =	sst s3;
	s4 =	sadd.s32 $0x1B800, s0;
	s9 =	smul.u32 $0x4F000, s10  }
0x6: {  	s11 =	sadd.s32 $0x2800, s0;
	s18 =	smul.u32 $0x6400, s10;
	s19 =	sshll.u32 s10, $0x6  }
0x7: {  	s6 =	smul.u32 $0x13C000, s1;
	_ =	strace $0x8000004A;
	s15 =	ssub.s32 $0x2, s1  }
0x8: {  	s16 =	sshll.u32 s1, $0x4;
	p0 =	seq.s32 s1, $0x0;
	s1 =	smul.u32 $0x64000, s1  }
0x9: {  	[dreg:$0x5] =	wrdreg s31;
	s7 =	sshrl.u32 s5, $0x3;
	s8 =	sshrl.u32 s15, $0x1  }
0xa: {  	s17 =	sshrl.u32 s9, $0x2;
	s5 =	sadd.s32 s5, s6;
	s14 =	sadd.s32 s7, s0  }
0xb: {  	s7 =	sor.u32 s10, s16;
	s12 =	ssub.s32 s15, s8;
	s13 =	sadd.s32 s17, s2  }
0xc: {  	s1 =	sadd.s32 s18, s1;
	s15 =	simm.s32 $0x80;
	s16 =	simm.s32 $0x400  }
0xd: {  	s5 =	sshrl.u32 s5, $0x3;
	s7 =	smul.u32 $0x6400, s7;
	s6 =	sadd.s32 $0x43000, s14  }
0xe: {  	s14 =	sor.u32 $0x100, s1;
	s23 =	sor.u32 $0x200, s1;
	s1 =	sor.u32 $0x300, s1  }
0xf: {  	s30 =	smax.u32 s12, $0x1;
	s13 =	sshrl.u32 s13, $0x3;
	s0 =	sadd.s32 s5, s0  }
0x10: {  	s5 =	simm.s32 $0x64;
	[dreg:$0x7] =	wrdreg s6;
	s22 =	sshrl.u32 s14, $0x3  }
0x11: {  	s14 =	sshrl.u32 s23, $0x3;
	s1 =	sshrl.u32 s1, $0x3;
	[dreg:$0xa] =	wrdreg s30  }
0x12: {  	s23 =	simm.s32 $0x380;
	s5 =	simm.s32 @!p0 $0x39;
	s20 =	sshrl.u32 s7, $0x3  }
0x13: {  	s7 =	sor.u32 $0x1C09, s19;
	s0 =	sadd.s32 $0x6A800, s0;
	s24 =	sadd.s32 s14, s11  }
0x14: {  	s29 =	sadd.s32 s1, s11;
	s14 =	simm.s32 $0x9;
	s19 =	simm.s32 $0x3  }
0x15: {  	s8 =	sadd.s32 s11, s20;
	s25 =	sand.u32 $0x1, s5;
	[dreg:$0x9] =	wrdreg s0  }
0x16: {  	s0 =	sadd.s32 s22, s11;
	s26 =	sshll.u32 s5, $0x5;
	[dreg:$0x3] =	wrdreg s24  }
0x17: {  	[dreg:$0x6] =	wrdreg s29;
	s20 =	simm.s32 $0x7;
	s22 =	simm.s32 $0x8  }
0x18: {  	s24 =	simm.s32 $0x4400;
	s21 =	sadd.s32 $0x20, s8;
	[dreg:$0x4] =	wrdreg s0  }
0x19: {  	s12 =	sand.u32 $0xF80, s26;
	p0 =	seq.s32 s25, $0x0;
	s25 =	simm.s32 $0x5  }
0x1a: {  	s26 =	simm.s32 $0x6;
	[dreg:$0x8] =	wrdreg s21;
	s21 =	simm.s32 $0x4  }
.LBB2_1:
0x1b: {  	s0 =	rddreg [dreg:$0x7]  }
0x1c: {  	[spmem:s13], [sflag:s7] =	dma.local [hbm:s0], $0x2780  }
0x1d: {  	_ =	swait.ge [sflag:s14], $0x2780  }
0x1e: {  	[sflag:s14] =	ssyncset.done $0x0  }
0x1f: {  	[sflag:s14] =	ssyncadd.s32 $0xFFFFD880  }
0x20: {  	s11 =	simm.s32 $0x1;
	[bflag:$0x0] =	sbarrier.arrive $0xFFFF  }
0x21: {  	[tilespmem:s3], [sflag:$0x1] =	stream.linear.gather [hbm4b:s8+s3], $0x100, $0x38;
	[tilespmem:$0x1C000] =	vst v63  }
0x22: {  	_ =	swait.ge [sflag:s11], $0x100  }
0x23: {  	[sflag:s11] =	ssyncset.done $0x0  }
0x24: {  	[sflag:s11] =	ssyncadd.s32 $0xFFFFFF00  }
0x25: {  	[tilespmem:s16], [sflag:$0x3] =	stream.indirect.gather [hbm4b:s4+s15], $0x80, s3, s15, $0xb8;
	[tilespmem:$0x1C000] =	vst v63  }
0x26: {  	s17 =	simm.s32 $0x200;
	p2 =	sle.u32 s5, $0x1  }
0x27: {  	[tilespmem:s17], [sflag:$0x7] =	stream.linear.gather [hbm4b:s8+s3], $0x100, $0x38;
	[tilespmem:$0x1C000] =	vst v63  }
0x28: {  	s1 =	simm.s32 $0x100;
	p3 =	por @!p2 $0x1, $0x1;
	s18 =	rddreg [dreg:$0x8]  }
0x29: {  	[tilespmem:s1], [sflag:$0x2] =	stream.linear.gather [hbm4b:s18+s3], $0x100, $0x38;
	[tilespmem:$0x1C000] =	vst v63  }
0x2a: {  	p1 =	sle.u32 s5, $0x2;
	p3 =	por p3, p2;
	_ =	swait.ge [sflag:s19], $0x4000  }
0x2b: {  	s29 =	simm.s32 @!p3 $0x6;
	s0 =	rddreg [dreg:$0x3];
	[sflag:s19] =	ssyncset.done $0x0  }
0x2c: {  	s1 =	simm.s32 @!p1 $0x0;
	[sflag:s19] =	ssyncadd.s32 $0xFFFFC000;
	s0 =	sadd.s32 @!p1 $0x0, s0  }
0x2d: {  	[tilespmem:s1], [sflag:$0x1] =	stream.linear.gather @!p1 [hbm4b:s0+s1], $0x100, $0x38;
	[tilespmem:$0x1C000] =	vst v63  }
0x2e: {  	_ =	swait.ge @!p3 [sflag:s29], $0x4000  }
0x2f: {  	[sflag:s29] =	ssyncset.done @!p3 $0x0  }
0x30: {  	s30 =	simm.s32 @!p2 $0x2;
	[sflag:s29] =	ssyncadd.s32 @!p3 $0xFFFFC000  }
0x31: {  	s31 =	rddreg [dreg:$0x4];
	_ =	swait.ge @!p2 [sflag:s30], $0x100  }
0x32: {  	s17 =	simm.s32 @!p2 $0x80;
	[sflag:s30] =	ssyncset.done @!p2 $0x0  }
0x33: {  	s29 =	simm.s32 @!p2 $0x4400;
	[sflag:s30] =	ssyncadd.s32 @!p2 $0xFFFFFF00;
	s30 =	simm.s32 @!p2 $0x100  }
0x34: {  	[tilespmem:s29], [sflag:$0x4] =	stream.indirect.gather @!p2 [hbm4b:s4+s17], $0x80, s30, s17, $0xb8;
	[tilespmem:$0x1C000] =	vst v63  }
0x35: {  	s17 =	sadd.s32 @!p2 $0x0, s31;
	s29 =	simm.s32 @!p2 $0x0;
	s30 =	simm.s32 @!p2 $0x300  }
0x36: {  	[tilespmem:s30], [sflag:$0x8] =	stream.linear.gather @!p2 [hbm4b:s17+s29], $0x100, $0x38;
	[tilespmem:$0x1C000] =	vst v63  }
0x37: {  	_ =	swait.ge [sflag:s20], $0x100  }
0x38: {  	[sflag:s20] =	ssyncset.done $0x0  }
0x39: {  	s31 =	rddreg [dreg:$0x5];
	[sflag:s20] =	ssyncadd.s32 $0xFFFFFF00  }
0x3a: {  	[spmem:s2] =	stream.indirect.scatter.add.f32 [tilespmem:s16], [sflag:$0x5], $0x80, s31, s15, $0xb8;
	[tilespmem:$0x1C000] =	vst v63  }
0x3b: {  	p2 =	sle.u32 s5, $0x3;
	_ =	swait.ge [sflag:s21], $0x4000  }
0x3c: {  	s29 =	simm.s32 @!p2 $0x0;
	s17 =	rddreg [dreg:$0x6];
	[sflag:s21] =	ssyncset.done $0x0  }
0x3d: {  	s30 =	simm.s32 @!p2 $0x100;
	[sflag:s21] =	ssyncadd.s32 $0xFFFFC000;
	s17 =	sadd.s32 @!p2 $0x0, s17  }
0x3e: {  	[tilespmem:s30], [sflag:$0x2] =	stream.linear.gather @!p2 [hbm4b:s17+s29], $0x100, $0x38;
	[tilespmem:$0x1C000] =	vst v63  }
0x3f: {  	s17 =	simm.s32 @!p1 $0x5  }
0x40: {  	_ =	swait.ge @!p1 [sflag:s17], $0x4000  }
0x41: {  	[sflag:s17] =	ssyncset.done @!p1 $0x0  }
0x42: {  	s29 =	simm.s32 @!p1 $0x1;
	[sflag:s17] =	ssyncadd.s32 @!p1 $0xFFFFC000  }
0x43: {  	_ =	swait.ge @!p1 [sflag:s29], $0x100  }
0x44: {  	[sflag:s29] =	ssyncset.done @!p1 $0x0  }
0x45: {  	s17 =	simm.s32 @!p1 $0x80;
	[sflag:s29] =	ssyncadd.s32 @!p1 $0xFFFFFF00;
	s29 =	simm.s32 @!p1 $0x400  }
0x46: {  	[tilespmem:s29], [sflag:$0x3] =	stream.indirect.gather @!p1 [hbm4b:s4+s17], $0x80, s1, s17, $0xb8;
	[tilespmem:$0x1C000] =	vst v63  }
0x47: {  	s17 =	simm.s32 @!p1 $0x200  }
0x48: {  	[tilespmem:s17], [sflag:$0x7] =	stream.linear.gather @!p1 [hbm4b:s0+s1], $0x100, $0x38;
	[tilespmem:$0x1C000] =	vst v63  }
0x49: {  	p1 =	sne.s32 s12, $0x40  }
.Ltmp0:
0x4a: {  	_ = 	snop;
	(pc) =	sbr.rel @!p1 .LBB2_3-.Ltmp0, $2  }
0x4b: {  	_ =	sdelay $0x2  }
0x4c: {  	s30 =	simm.s32 $0x3;
	s29 =	simm.s32 $0x40;
	_ =	swait.ge [sflag:s22], $0x100  }
.LBB2_2:
0x4d: {  	[sflag:s22] =	ssyncset.done $0x0;
	s1 =	smov.u32 s29;
	s0 =	sadd.s32 $0x1, s30  }
0x4e: {  	p3 =	sge.u32 s30, s5;
	[sflag:s22] =	ssyncadd.s32 $0xFFFFFF00;
	p2 =	sge.u32 s0, s5  }
0x4f: {  	[spmem:s2] =	stream.indirect.scatter.add.f32 [tilespmem:s24], [sflag:$0x6], $0x80, s23, s15, $0xb8;
	[tilespmem:$0x1C000] =	vst v63  }
0x50: {  	p4 =	seq.s32 @!p3 s1, $0x0;
	s31 =	simm.s32 @!p2 $0x0;
	_ =	swait.ge [sflag:s19], $0x4000  }
0x51: {  	p4 =	por p4, p3;
	[sflag:s19] =	ssyncset.done $0x0;
	s0 =	rddreg [dreg:$0x3]  }
0x52: {  	s17 =	simm.s32 @!p4 $0x6;
	[sflag:s19] =	ssyncadd.s32 $0xFFFFC000;
	s0 =	sadd.s32 @!p2 s1, s0  }
0x53: {  	[tilespmem:s31], [sflag:$0x1] =	stream.linear.gather @!p2 [hbm4b:s0+s31], $0x100, $0x38;
	[tilespmem:$0x1C000] =	vst v63  }
0x54: {  	_ =	swait.ge @!p4 [sflag:s17], $0x4000  }
0x55: {  	[sflag:s17] =	ssyncset.done @!p4 $0x0  }
0x56: {  	s18 =	simm.s32 @!p3 $0x2;
	[sflag:s17] =	ssyncadd.s32 @!p4 $0xFFFFC000  }
0x57: {  	s6 =	rddreg [dreg:$0x4];
	_ =	swait.ge @!p3 [sflag:s18], $0x100  }
0x58: {  	s9 =	simm.s32 @!p3 $0x80;
	[sflag:s18] =	ssyncset.done @!p3 $0x0  }
0x59: {  	s10 =	simm.s32 @!p3 $0x100;
	s17 =	simm.s32 @!p3 $0x4400;
	[sflag:s18] =	ssyncadd.s32 @!p3 $0xFFFFFF00  }
0x5a: {  	[tilespmem:s17], [sflag:$0x4] =	stream.indirect.gather @!p3 [hbm4b:s4+s9], $0x80, s10, s9, $0xb8;
	[tilespmem:$0x1C000] =	vst v63  }
0x5b: {  	s11 =	simm.s32 @!p3 $0x300;
	s6 =	sadd.s32 @!p3 s1, s6;
	s18 =	simm.s32 @!p3 $0x0  }
0x5c: {  	[tilespmem:s11], [sflag:$0x8] =	stream.linear.gather @!p3 [hbm4b:s6+s18], $0x100, $0x38;
	[tilespmem:$0x1C000] =	vst v63  }
0x5d: {  	_ =	swait.ge [sflag:s20], $0x100  }
0x5e: {  	[sflag:s20] =	ssyncset.done $0x0  }
0x5f: {  	s30 =	sadd.s32 $0x2, s30;
	s18 =	rddreg [dreg:$0x5];
	[sflag:s20] =	ssyncadd.s32 $0xFFFFFF00  }
0x60: {  	[spmem:s2] =	stream.indirect.scatter.add.f32 [tilespmem:s16], [sflag:$0x5], $0x80, s18, s15, $0xb8;
	[tilespmem:$0x1C000] =	vst v63  }
0x61: {  	p3 =	sge.u32 s30, s5;
	s11 =	simm.s32 @!p2 $0x5;
	_ =	swait.ge [sflag:s21], $0x4000  }
0x62: {  	s9 =	simm.s32 @!p3 $0x0;
	[sflag:s21] =	ssyncset.done $0x0;
	s6 =	rddreg [dreg:$0x6]  }
0x63: {  	s10 =	simm.s32 @!p3 $0x100;
	[sflag:s21] =	ssyncadd.s32 $0xFFFFC000;
	s1 =	sadd.s32 @!p3 s1, s6  }
0x64: {  	[tilespmem:s10], [sflag:$0x2] =	stream.linear.gather @!p3 [hbm4b:s1+s9], $0x100, $0x38;
	[tilespmem:$0x1C000] =	vst v63  }
0x65: {  	_ =	swait.ge @!p2 [sflag:s11], $0x4000  }
0x66: {  	[sflag:s11] =	ssyncset.done @!p2 $0x0  }
0x67: {  	s1 =	simm.s32 @!p2 $0x1;
	[sflag:s11] =	ssyncadd.s32 @!p2 $0xFFFFC000  }
0x68: {  	s29 =	sadd.s32 $0x40, s29;
	_ =	swait.ge @!p2 [sflag:s1], $0x100  }
0x69: {  	p1 =	sne.s32 s12, s29;
	s6 =	simm.s32 @!p2 $0x80;
	[sflag:s1] =	ssyncset.done @!p2 $0x0  }
.Ltmp1:
0x6a: {  	s9 =	simm.s32 @!p2 $0x400;
	[sflag:s1] =	ssyncadd.s32 @!p2 $0xFFFFFF00;
	(pc) =	sbr.rel @p1 .LBB2_2-.Ltmp1, $4  }
0x6b: {  	[tilespmem:s9], [sflag:$0x3] =	stream.indirect.gather @!p2 [hbm4b:s4+s6], $0x80, s31, s6, $0xb8;
	[tilespmem:$0x1C000] =	vst v63  }
0x6c: {  	s1 =	simm.s32 @!p2 $0x200  }
0x6d: {  	[tilespmem:s1], [sflag:$0x7] =	stream.linear.gather @!p2 [hbm4b:s0+s31], $0x100, $0x38;
	[tilespmem:$0x1C000] =	vst v63  }
0x6e: {  	_ =	swait.ge [sflag:s22], $0x100  }
.LBB2_3:
0x6f: {  	[sflag:s22] =	ssyncset.done $0x0  }
0x70: {  	s0 =	simm.s32 @!p0 $0x3;
	[sflag:s22] =	ssyncadd.s32 $0xFFFFFF00  }
0x71: {  	[spmem:s2] =	stream.indirect.scatter.add.f32 [tilespmem:s24], [sflag:$0x6], $0x80, s23, s15, $0xb8;
	[tilespmem:$0x1C000] =	vst v63  }
0x72: {  	_ =	swait.ge @!p0 [sflag:s0], $0x4000  }
0x73: {  	[sflag:s0] =	ssyncset.done @!p0 $0x0  }
0x74: {  	[sflag:s0] =	ssyncadd.s32 @!p0 $0xFFFFC000;
	s0 =	simm.s32 @!p0 $0x7  }
0x75: {  	_ =	swait.ge @!p0 [sflag:s0], $0x100  }
0x76: {  	s1 =	simm.s32 @!p0 $0x280;
	[sflag:s0] =	ssyncset.done @!p0 $0x0  }
0x77: {  	s6 =	simm.s32 @!p0 $0x400;
	[sflag:s0] =	ssyncadd.s32 @!p0 $0xFFFFFF00;
	s0 =	simm.s32 @!p0 $0x80  }
0x78: {  	[spmem:s2] =	stream.indirect.scatter.add.f32 @!p0 [tilespmem:s6], [sflag:$0x5], $0x80, s1, s0, $0xb8;
	[tilespmem:$0x1C000] =	vst v63  }
0x79: {  	_ =	swait.ge [sflag:s25], $0x4000  }
0x7a: {  	[sflag:s25] =	ssyncset.done $0x0  }
0x7b: {  	[sflag:s25] =	ssyncadd.s32 $0xFFFFC000  }
0x7c: {  	_ =	swait.ge [sflag:s26], $0x4000  }
0x7d: {  	[sflag:s26] =	ssyncset.done $0x0  }
0x7e: {  	[sflag:s26] =	ssyncadd.s32 $0xFFFFC000  }
0x7f: {  	[bflag:$0x0] =	sbarrier.arrive $0xFFFF  }
0x80: {  	s30 =	rddreg [dreg:$0x9]  }
0x81: {  	[hbm:s30], [sflag:s7] =	dma.local [spmem:s13], $0x2780  }
0x82: {  	_ =	swait.ge [sflag:s14], $0x2780  }
0x83: {  	s28 =	sadd.s32 $0x1, s28;
	s31 =	rddreg [dreg:$0xa]  }
0x84: {  	p1 =	sne.s32 s28, s31  }
.Ltmp2:
0x85: {  	_ = 	snop;
	(pc) =	sbr.rel @p1 .LBB2_1-.Ltmp2, $3  }
0x86: {  	_ =	sdelay $0x1  }
0x87: {  	[sflag:s14] =	ssyncset.done $0x0  }
0x88: {  	[sflag:s14] =	ssyncadd.s32 $0xFFFFD880  }
0x89: {  	_ =	sfence.sel $0x180000  }
0x8a: {  	[bflag:$0x0] =	sbarrier.arrive $0xFFFF  }
0x8b: {  	_ =	strace $0x9000004A  }
0x8c: {  	s0 =	stileid.u32;
	[bflag:$0x2] =	sbarrier.arrive $0xFFFF  }
0x8d: {  	p0 =	sne.s32 s0, $0x0;
	s0 =	rddreg [dreg:$0x2]  }
0x8e: {  	s0 =	sadd.s32 @!p0 $0x100000, s0  }
0x8f: {  	[sflag:s0] =	ssyncadd.tile.s32 @!p0 $0x1;
	_ =	shalt  }
.Lfunc_end2:
_tile_overlayer_lowered:
.L_overlay_start_2:
0x90: {  	(tag) =	ssettag $0x2  }
0x91: {  	s0 =	rddreg [dreg:$0x0];
	s2 =	stileid.u32  }
0x92: {  	s1 =	rddreg [dreg:$0x1];
	p0 =	sne.s32 s2, $0x0  }
0x93: {  	s3 =	rddreg [dreg:$0x2];
	[bflag:$0x3] =	sbarrier.arrive $0xFFFF;
	s2 =	simm.s32 @!p0 $0x1C09  }
0x94: {  	[timem:s3], [sflag:s2] =	dma.local @!p0 [hbm:s0], s1  }
0x95: {  	s0 =	simm.s32 @!p0 $0x9  }
0x96: {  	_ =	swait.ge @!p0 [sflag:s0], s1  }
0x97: {  	s1 =	ssub.s32 @!p0 $0x0, s1;
	[sflag:s0] =	ssyncset.done @!p0 $0x0  }
0x98: {  	[sflag:s0] =	ssyncadd.s32 @!p0 s1  }
0x99: {  	[bflag:$0x3] =	sbarrier.arrive $0xFFFF  }
0x9a: {  	_ =	shalt  }

// kernel: kernel.18.cloned.1.call-start
scs
__scs_entry_jumppad:
0x0: {  	(pc) =	sbr.rel $0x88, $3  }
0x1: {  	(tag) =	ssettag $0x0;
	lr =	simm.s32 $0x1  }
0x2: {  	[smem:$0x3F95] =	sst lr;
	_ =	strace $0xD0000000  }
0x3: {  	_ = 	snop  }
0x4: {  	_ = 	snop  }
0x5: {  	_ = 	snop  }
0x6: {  	_ = 	snop  }
0x7: {  	_ = 	snop  }
__scs_overlays_trampoline_lowered:
0x8: {  	[smem:$0x3FA4] =	sst s0  }
0x9: {  	[smem:$0x3FA5] =	sst s1  }
0xa: {  	[smem:$0x3FA6] =	sst s2  }
0xb: {  	[smem:$0x3FA7] =	sst s3  }
0xc: {  	[smem:$0x3FA8] =	sst s4  }
0xd: {  	[smem:$0x3FA9] =	sst s5  }
0xe: {  	[smem:$0x3FAA] =	sst s6  }
0xf: {  	[smem:$0x3FAB] =	sst s7  }
0x10: {  	[smem:$0x3FAC] =	sst s8  }
0x11: {  	[smem:$0x3FAD] =	sst s9;
	s0 =	simm.s32 @!p0 $0x0  }
0x12: {  	s1 =	sld [smem:$0x3F93];
	s0 =	simm.s32 @p0 $0x1  }
0x13: {  	[smem:$0x3FAE] =	sst s0;
	s0 =	simm.s32 @!p1 $0x0  }
0x14: {  	s2 =	sld [smem:$0x3F92];
	s0 =	simm.s32 @p1 $0x1  }
0x15: {  	[smem:$0x3FAF] =	sst s0;
	s0 =	simm.s32 @!p2 $0x0  }
0x16: {  	s3 =	sld [smem:$0x3FDB];
	s0 =	simm.s32 @p2 $0x1  }
0x17: {  	s4 =	simm.s32 $0x1BF5;
	[smem:$0x3FB1] =	sst s0  }
0x18: {  	s0 =	sld [smem:$0x3F94];
	_ =	swait.ge [sflag:s4], $0x0  }
0x19: {  	s7 =	sld [smem:$0x3F95]  }
0x1a: {  	s8 =	sadd.s32 $0xFFFFE003, lr  }
0x1b: {  	s9 =	sadd.s32 $0xFFFFFEF7, lr;
	s5 =	simm.s32 $0xFFFFFFFF;
	p2 =	slt.u32 s8, $0xFFFFF086  }
0x1c: {  	p1 =	slt.u32 s9, $0xF7A;
	s5 =	simm.s32 @!p2 $0x0  }
0x1d: {  	s5 =	simm.s32 @p1 $0x1;
	p0 =	seq.s32 s7, s2  }
0x1e: {  	s7 =	smul.u32 @!p0 $0xF7A, s2;
	p2 =	seq.s32 @!p0 s5, $0x0  }
0x1f: {  	s9 =	smul.u32 $0xF7A, s1;
	s8 =	simm.s32 @!p0 $0x1BF5;
	p2 =	por !p2, p0  }
0x20: {  	[sflag:s8] =	ssyncset.s32 @!p0 $0xFFFFF086;
	s6 =	sadd.s32 @!p0 s3, s7;
	s7 =	simm.s32 @!p0 $0x108  }
0x21: {  	s3 =	sadd.s32 s3, s9;
	s6 =	sadd.s32 @!p0 $0x88, s6;
	s7 =	simm.s32 @p2 $0x1082  }
0x22: {  	[simem:s7], [sflag:s8] =	dma.local @!p0 [hbm:s6], $0xF7A  }
0x23: {  	s9 =	sor.u32 $0xD0000000, s2;
	s6 =	simm.s32 $0x108;
	_ =	swait.ge @!p0 [sflag:s8], $0x0  }
0x24: {  	s3 =	sadd.s32 $0x88, s3;
	s6 =	simm.s32 @!p1 $0x1082;
	[sflag:s4] =	ssyncset.s32 $0xFFFFF086  }
0x25: {  	[simem:s6], [sflag:s4] =	dma.local [hbm:s3], $0xF7A  }
0x26: {  	[smem:$0x3F95] =	sst s1;
	(tag) =	ssettag s2;
	_ =	strace s9  }
0x27: {  	s1 =	sld [smem:$0x3FA5]  }
0x28: {  	s2 =	sld [smem:$0x3FA6]  }
0x29: {  	s4 =	sld [smem:$0x3FA8]  }
0x2a: {  	p0 =	seq.s32 s5, $0x0;
	s5 =	sld [smem:$0x3FA9]  }
0x2b: {  	s6 =	sld [smem:$0x3FAA]  }
0x2c: {  	s7 =	sld [smem:$0x3FAB]  }
0x2d: {  	s3 =	simm.s32 $0x108;
	s8 =	sld [smem:$0x3FAC]  }
0x2e: {  	s3 =	simm.s32 @!p0 $0x1082;
	s9 =	sld [smem:$0x3FAD]  }
0x2f: {  	lr =	sadd.s32 s0, s3;
	s0 =	sld [smem:$0x3FA4]  }
0x30: {  	s3 =	sld [smem:$0x3FA7]  }
0x31: {  	[smem:$0x3FB0] =	sst s10  }
0x32: {  	s10 =	sld [smem:$0x3FAE];
	_ =	sdelay $0x3  }
0x33: {  	p0 =	seq.s32 s10, $0x1;
	s10 =	sld [smem:$0x3FB0];
	_ =	sdelay $0x3  }
0x34: {  	[smem:$0x3FB0] =	sst s10  }
0x35: {  	s10 =	sld [smem:$0x3FAF];
	_ =	sdelay $0x3  }
0x36: {  	p1 =	seq.s32 s10, $0x1;
	s10 =	sld [smem:$0x3FB0];
	_ =	sdelay $0x3  }
0x37: {  	[smem:$0x3FB0] =	sst s10  }
0x38: {  	s10 =	sld [smem:$0x3FB1]  }
0x39: {  	_ = 	snop;
	(pc) =	sbr.ind lr, $3  }
0x3a: {  	_ = 	snop  }
0x3b: {  	_ = 	snop  }
0x3c: {  	p2 =	seq.s32 s10, $0x1;
	s10 =	sld [smem:$0x3FB0]  }
0x3d: {  	_ =	shalt  }
0x3e: {  	_ =	shalt  }
0x3f: {  	_ =	shalt  }
0x40: {  	_ =	shalt  }
0x41: {  	_ =	shalt  }
0x42: {  	_ =	shalt  }
0x43: {  	_ =	shalt  }
0x44: {  	_ =	shalt  }
0x45: {  	_ =	shalt  }
0x46: {  	_ =	shalt  }
0x47: {  	_ =	shalt  }
0x48: {  	_ =	shalt  }
0x49: {  	_ =	shalt  }
0x4a: {  	_ =	shalt  }
0x4b: {  	_ =	shalt  }
0x4c: {  	_ =	shalt  }
0x4d: {  	_ =	shalt  }
0x4e: {  	_ =	shalt  }
0x4f: {  	_ =	shalt  }
0x50: {  	_ =	shalt  }
0x51: {  	_ =	shalt  }
0x52: {  	_ =	shalt  }
0x53: {  	_ =	shalt  }
0x54: {  	_ =	shalt  }
0x55: {  	_ =	shalt  }
0x56: {  	_ =	shalt  }
0x57: {  	_ =	shalt  }
0x58: {  	_ =	shalt  }
0x59: {  	_ =	shalt  }
0x5a: {  	_ =	shalt  }
0x5b: {  	_ =	shalt  }
0x5c: {  	_ =	shalt  }
0x5d: {  	_ =	shalt  }
0x5e: {  	_ =	shalt  }
0x5f: {  	_ =	shalt  }
0x60: {  	_ =	shalt  }
0x61: {  	_ =	shalt  }
0x62: {  	_ =	shalt  }
0x63: {  	_ =	shalt  }
0x64: {  	_ =	shalt  }
0x65: {  	_ =	shalt  }
0x66: {  	_ =	shalt  }
0x67: {  	_ =	shalt  }
0x68: {  	_ =	shalt  }
0x69: {  	_ =	shalt  }
0x6a: {  	_ =	shalt  }
0x6b: {  	_ =	shalt  }
0x6c: {  	_ =	shalt  }
0x6d: {  	_ =	shalt  }
0x6e: {  	_ =	shalt  }
0x6f: {  	_ =	shalt  }
0x70: {  	_ =	shalt  }
0x71: {  	_ =	shalt  }
0x72: {  	_ =	shalt  }
0x73: {  	_ =	shalt  }
0x74: {  	_ =	shalt  }
0x75: {  	_ =	shalt  }
0x76: {  	_ =	shalt  }
0x77: {  	_ =	shalt  }
0x78: {  	_ =	shalt  }
0x79: {  	_ =	shalt  }
0x7a: {  	_ =	shalt  }
0x7b: {  	_ =	shalt  }
0x7c: {  	_ =	shalt  }
0x7d: {  	_ =	shalt  }
0x7e: {  	_ =	shalt  }
0x7f: {  	_ =	shalt  }
0x80: {  	_ =	shalt  }
0x81: {  	_ =	shalt  }
0x82: {  	_ =	shalt  }
0x83: {  	_ =	shalt  }
0x84: {  	_ =	shalt  }
0x85: {  	_ =	shalt  }
0x86: {  	_ =	shalt  }
0x87: {  	_ =	shalt  }
.Lfunc_end0:
.L_simem_size_0:
called_computation.3_lowered:
.L_overlay_start_0:
0x88: {  	s2 =	sld [smem:$0x3FD9]  }
0x89: {  	s3 =	sld [smem:$0x3FFE];
	_ =	sdelay $0x1  }
0x8a: {  	s1 =	srdreg.scid  }
0x8b: {  	s0 =	sand.u32 $0x1, s1  }
0x8c: {  	s16 =	sshll.u32 s0, $0xA;
	s2 =	sadd.s32 s3, s2  }
0x8d: {  	s2 =	sadd.s32 s2, s16  }
0x8e: {  	[smem:$0x3FBC] =	sst s2  }
0x8f: {  	_ = 	snop  }
0x90: {  	(tm) =	ssettm $0x1  }
0x91: {  	s17 =	sld [smem:$0x3FFB];
	_ =	sdelay $0x3  }
0x92: {  	_ =	strace s17  }
0x93: {  	s2 =	sld [smem:$0x3FFC];
	_ =	sdelay $0x3  }
0x94: {  	_ =	strace s2  }
0x95: {  	s2 =	sld [smem:$0x3FFD];
	_ =	sdelay $0x3  }
0x96: {  	_ =	strace s2  }
0x97: {  	_ =	strace $0x8FFFFFFF  }
0x98: {  	s18 =	sld [smem:$0x3FDB];
	_ =	sdelay $0x1  }
0x99: {  	s19 =	simm.s32 $_scs_section_size  }
0x9a: {  	s4 =	simm.s32 $_size__tile_overlayer_lowered;
	s5 =	simm.s32 $_tile_overlayer_lowered  }
0x9b: {  	s22 =	simm.s32 $0x1BFF;
	s21 =	sshll.u32 s5, $0x1;
	s2 =	sadd.s32 s19, s18  }
0x9c: {  	s6 =	simm.s32 $0x0;
	s20 =	sshll.u32 s4, $0x1;
	s4 =	sadd.s32 s21, s2  }
0x9d: {  	[timem:s6], [sflag:s22] =	dma.local [hbm:s4], s20  }
0x9e: {  	_ =	swait.ge [sflag:s22], s20  }
0x9f: {  	s3 =	ssub.s32 $0x0, s20;
	[sflag:s22] =	ssyncset.done $0x0  }
0xa0: {  	[sflag:s22] =	ssyncadd.s32 s3;
	_ =	sdelay $0x1  }
0xa1: {  	s23 =	simm.s32 $0x1B8B  }
0xa2: {  	_ =	swait.ge [sflag:s23], $0x1  }
0xa3: {  	[sflag:s23] =	ssyncset.done $0x0  }
0xa4: {  	s25 =	simm.s32 $0x1B8E;
	s24 =	sld [smem:$0x3FFE];
	[sflag:s23] =	ssyncadd.s32 $0xFFFFFFFF  }
0xa5: {  	s26 =	simm.s32 $execute0_lowered;
	[smem:$0x3FD2] =	sst s25  }
0xa6: {  	s4 =	sshll.u32 s26, $0x1;
	_ =	strace $0x8000004C;
	[dreg:$0x1] =	wrdreg $0xFFFFFFFF  }
0xa7: {  	s28 =	simm.s32 $_size_execute0_lowered;
	s2 =	sadd.s32 s2, s4;
	[dreg:$0x0] =	wrdreg $0x0  }
0xa8: {  	s4 =	sshll.u32 s28, $0x1;
	[dreg:$0x2] =	wrdreg s2  }
0xa9: {  	[dreg:$0x3] =	wrdreg s4  }
0xaa: {  	[dreg:$0x4] =	wrdreg $0xC0  }
0xab: {  	_ =	task [dreg:s6], $0x5FFFF  }
0xac: {  	[dreg:$0x1] =	wrdreg $0xFFFFFFFF  }
0xad: {  	[dreg:$0x0] =	wrdreg $0x60  }
0xae: {  	[dreg:$0x2] =	wrdreg s24  }
0xaf: {  	[dreg:$0x3] =	wrdreg $0x84000  }
0xb0: {  	[dreg:$0x4] =	wrdreg $0x9  }
0xb1: {  	_ =	task.clear_ibuf [dreg:s6], $0x5FFFF;
	_ =	strace $0x9000004C  }
0xb2: {  	s29 =	simm.s32 $0x9;
	_ =	strace $0x8000004E  }
0xb3: {  	_ =	swait.ge [sflag:s29], $0x1  }
0xb4: {  	[sflag:s29] =	ssyncadd.s32 $0xFFFFFFFF  }
0xb5: {  	_ =	strace $0x9000004E  }
0xb6: {  	_ =	sfence  }
0xb7: {  	s30 =	sld [smem:$0x0];
	_ =	sdelay $0x2  }
0xb8: {  	s31 =	sshll.u32 s1, $0xD;
	s1 =	sshrl.u32 s1, $0x2  }
0xb9: {  	s3 =	sand.u32 $0x4000, s31;
	s1 =	sadd.s32 s1, s30  }
0xba: {  	s0 =	sor.u32 s3, s0;
	s1 =	sshll.u32 s1, $0x11  }
0xbb: {  	s0 =	sor.u32 s1, s0  }
0xbc: {  	s0 =	sadd.s32 $0x8F2B, s0  }
0xbd: {  	[sflag:s0] =	ssyncadd.remote.s32 $0x1  }
0xbe: {  	_ =	sfence.sel $0xFFFF  }
0xbf: {  	[dreg:$0x0] =	wrdreg $0xFFFFFFFF;
	(pc) =	sbr.abs _section_cstart, $3  }
0xc0: {  	[dreg:$0x1] =	wrdreg $0xFFFFFFFF  }
0xc1: {  	_ =	task.clear_ibuf [dreg:s6], $0x2FFFF;
	_ =	strace $0x9FFFFFFF  }
0xc2: {  	(tm) =	ssettm $0x7FFFFFFF  }
0xc3: {  	_ =	shalt  }
tec
execute0_lowered:
.L_overlay_start_1:
0x0: {  	(tag) =	ssettag $0x1  }
0x1: {  	s0 =	rddreg [dreg:$0x0]  }
0x2: {  	s2 =	rddreg [dreg:$0x1];
	s10 =	stileid.u32  }
0x3: {  	s1 =	srdreg.scid;
	s3 =	simm.s32 $0x0;
	s31 =	simm.s32 $0x280  }
0x4: {  	s28 =	simm.s32 $0x0;
	s5 =	smul.u32 $0x13C00, s10;
	s1 =	sand.u32 $0x1, s1  }
0x5: {  	[smem:$0x7FF] =	sst s3;
	s4 =	sadd.s32 $0x1B800, s0;
	s9 =	smul.u32 $0x4F000, s10  }
0x6: {  	s11 =	sadd.s32 $0x2800, s0;
	s18 =	smul.u32 $0x6400, s10;
	s19 =	sshll.u32 s10, $0x6  }
0x7: {  	s6 =	smul.u32 $0x13C000, s1;
	_ =	strace $0x8000004D;
	s15 =	ssub.s32 $0x2, s1  }
0x8: {  	s16 =	sshll.u32 s1, $0x4;
	p0 =	seq.s32 s1, $0x0;
	s1 =	smul.u32 $0x64000, s1  }
0x9: {  	[dreg:$0x5] =	wrdreg s31;
	s7 =	sshrl.u32 s5, $0x3;
	s8 =	sshrl.u32 s15, $0x1  }
0xa: {  	s17 =	sshrl.u32 s9, $0x2;
	s5 =	sadd.s32 s5, s6;
	s14 =	sadd.s32 s7, s0  }
0xb: {  	s7 =	sor.u32 s10, s16;
	s12 =	ssub.s32 s15, s8;
	s13 =	sadd.s32 s17, s2  }
0xc: {  	s1 =	sadd.s32 s18, s1;
	s15 =	simm.s32 $0x80;
	s16 =	simm.s32 $0x400  }
0xd: {  	s5 =	sshrl.u32 s5, $0x3;
	s7 =	smul.u32 $0x6400, s7;
	s6 =	sadd.s32 $0x43000, s14  }
0xe: {  	s14 =	sor.u32 $0x100, s1;
	s23 =	sor.u32 $0x200, s1;
	s1 =	sor.u32 $0x300, s1  }
0xf: {  	s30 =	smax.u32 s12, $0x1;
	s13 =	sshrl.u32 s13, $0x3;
	s0 =	sadd.s32 s5, s0  }
0x10: {  	s5 =	simm.s32 $0x64;
	[dreg:$0x7] =	wrdreg s6;
	s22 =	sshrl.u32 s14, $0x3  }
0x11: {  	s14 =	sshrl.u32 s23, $0x3;
	s1 =	sshrl.u32 s1, $0x3;
	[dreg:$0xa] =	wrdreg s30  }
0x12: {  	s23 =	simm.s32 $0x380;
	s5 =	simm.s32 @!p0 $0x39;
	s20 =	sshrl.u32 s7, $0x3  }
0x13: {  	s7 =	sor.u32 $0x1C09, s19;
	s0 =	sadd.s32 $0x6A800, s0;
	s24 =	sadd.s32 s14, s11  }
0x14: {  	s29 =	sadd.s32 s1, s11;
	s14 =	simm.s32 $0x9;
	s19 =	simm.s32 $0x3  }
0x15: {  	s8 =	sadd.s32 s11, s20;
	s25 =	sand.u32 $0x1, s5;
	[dreg:$0x9] =	wrdreg s0  }
0x16: {  	s0 =	sadd.s32 s22, s11;
	s26 =	sshll.u32 s5, $0x5;
	[dreg:$0x3] =	wrdreg s24  }
0x17: {  	[dreg:$0x6] =	wrdreg s29;
	s20 =	simm.s32 $0x7;
	s22 =	simm.s32 $0x8  }
0x18: {  	s24 =	simm.s32 $0x4400;
	s21 =	sadd.s32 $0x20, s8;
	[dreg:$0x4] =	wrdreg s0  }
0x19: {  	s12 =	sand.u32 $0xF80, s26;
	p0 =	seq.s32 s25, $0x0;
	s25 =	simm.s32 $0x5  }
0x1a: {  	s26 =	simm.s32 $0x6;
	[dreg:$0x8] =	wrdreg s21;
	s21 =	simm.s32 $0x4  }
.LBB2_1:
0x1b: {  	s0 =	rddreg [dreg:$0x7]  }
0x1c: {  	[spmem:s13], [sflag:s7] =	dma.local [hbm:s0], $0x2780  }
0x1d: {  	_ =	swait.ge [sflag:s14], $0x2780  }
0x1e: {  	[sflag:s14] =	ssyncset.done $0x0  }
0x1f: {  	[sflag:s14] =	ssyncadd.s32 $0xFFFFD880  }
0x20: {  	s11 =	simm.s32 $0x1;
	[bflag:$0x0] =	sbarrier.arrive $0xFFFF  }
0x21: {  	[tilespmem:s3], [sflag:$0x1] =	stream.linear.gather [hbm4b:s8+s3], $0x100, $0x38;
	[tilespmem:$0x1C000] =	vst v63  }
0x22: {  	_ =	swait.ge [sflag:s11], $0x100  }
0x23: {  	[sflag:s11] =	ssyncset.done $0x0  }
0x24: {  	[sflag:s11] =	ssyncadd.s32 $0xFFFFFF00  }
0x25: {  	[tilespmem:s16], [sflag:$0x3] =	stream.indirect.gather [hbm4b:s4+s15], $0x80, s3, s15, $0xb8;
	[tilespmem:$0x1C000] =	vst v63  }
0x26: {  	s17 =	simm.s32 $0x200;
	p2 =	sle.u32 s5, $0x1  }
0x27: {  	[tilespmem:s17], [sflag:$0x7] =	stream.linear.gather [hbm4b:s8+s3], $0x100, $0x38;
	[tilespmem:$0x1C000] =	vst v63  }
0x28: {  	s1 =	simm.s32 $0x100;
	p3 =	por @!p2 $0x1, $0x1;
	s18 =	rddreg [dreg:$0x8]  }
0x29: {  	[tilespmem:s1], [sflag:$0x2] =	stream.linear.gather [hbm4b:s18+s3], $0x100, $0x38;
	[tilespmem:$0x1C000] =	vst v63  }
0x2a: {  	p1 =	sle.u32 s5, $0x2;
	p3 =	por p3, p2;
	_ =	swait.ge [sflag:s19], $0x4000  }
0x2b: {  	s29 =	simm.s32 @!p3 $0x6;
	s0 =	rddreg [dreg:$0x3];
	[sflag:s19] =	ssyncset.done $0x0  }
0x2c: {  	s1 =	simm.s32 @!p1 $0x0;
	[sflag:s19] =	ssyncadd.s32 $0xFFFFC000;
	s0 =	sadd.s32 @!p1 $0x0, s0  }
0x2d: {  	[tilespmem:s1], [sflag:$0x1] =	stream.linear.gather @!p1 [hbm4b:s0+s1], $0x100, $0x38;
	[tilespmem:$0x1C000] =	vst v63  }
0x2e: {  	_ =	swait.ge @!p3 [sflag:s29], $0x4000  }
0x2f: {  	[sflag:s29] =	ssyncset.done @!p3 $0x0  }
0x30: {  	s30 =	simm.s32 @!p2 $0x2;
	[sflag:s29] =	ssyncadd.s32 @!p3 $0xFFFFC000  }
0x31: {  	s31 =	rddreg [dreg:$0x4];
	_ =	swait.ge @!p2 [sflag:s30], $0x100  }
0x32: {  	s17 =	simm.s32 @!p2 $0x80;
	[sflag:s30] =	ssyncset.done @!p2 $0x0  }
0x33: {  	s29 =	simm.s32 @!p2 $0x4400;
	[sflag:s30] =	ssyncadd.s32 @!p2 $0xFFFFFF00;
	s30 =	simm.s32 @!p2 $0x100  }
0x34: {  	[tilespmem:s29], [sflag:$0x4] =	stream.indirect.gather @!p2 [hbm4b:s4+s17], $0x80, s30, s17, $0xb8;
	[tilespmem:$0x1C000] =	vst v63  }
0x35: {  	s17 =	sadd.s32 @!p2 $0x0, s31;
	s29 =	simm.s32 @!p2 $0x0;
	s30 =	simm.s32 @!p2 $0x300  }
0x36: {  	[tilespmem:s30], [sflag:$0x8] =	stream.linear.gather @!p2 [hbm4b:s17+s29], $0x100, $0x38;
	[tilespmem:$0x1C000] =	vst v63  }
0x37: {  	_ =	swait.ge [sflag:s20], $0x100  }
0x38: {  	[sflag:s20] =	ssyncset.done $0x0  }
0x39: {  	s31 =	rddreg [dreg:$0x5];
	[sflag:s20] =	ssyncadd.s32 $0xFFFFFF00  }
0x3a: {  	[spmem:s2] =	stream.indirect.scatter.add.f32 [tilespmem:s16], [sflag:$0x5], $0x80, s31, s15, $0xb8;
	[tilespmem:$0x1C000] =	vst v63  }
0x3b: {  	p2 =	sle.u32 s5, $0x3;
	_ =	swait.ge [sflag:s21], $0x4000  }
0x3c: {  	s29 =	simm.s32 @!p2 $0x0;
	s17 =	rddreg [dreg:$0x6];
	[sflag:s21] =	ssyncset.done $0x0  }
0x3d: {  	s30 =	simm.s32 @!p2 $0x100;
	[sflag:s21] =	ssyncadd.s32 $0xFFFFC000;
	s17 =	sadd.s32 @!p2 $0x0, s17  }
0x3e: {  	[tilespmem:s30], [sflag:$0x2] =	stream.linear.gather @!p2 [hbm4b:s17+s29], $0x100, $0x38;
	[tilespmem:$0x1C000] =	vst v63  }
0x3f: {  	s17 =	simm.s32 @!p1 $0x5  }
0x40: {  	_ =	swait.ge @!p1 [sflag:s17], $0x4000  }
0x41: {  	[sflag:s17] =	ssyncset.done @!p1 $0x0  }
0x42: {  	s29 =	simm.s32 @!p1 $0x1;
	[sflag:s17] =	ssyncadd.s32 @!p1 $0xFFFFC000  }
0x43: {  	_ =	swait.ge @!p1 [sflag:s29], $0x100  }
0x44: {  	[sflag:s29] =	ssyncset.done @!p1 $0x0  }
0x45: {  	s17 =	simm.s32 @!p1 $0x80;
	[sflag:s29] =	ssyncadd.s32 @!p1 $0xFFFFFF00;
	s29 =	simm.s32 @!p1 $0x400  }
0x46: {  	[tilespmem:s29], [sflag:$0x3] =	stream.indirect.gather @!p1 [hbm4b:s4+s17], $0x80, s1, s17, $0xb8;
	[tilespmem:$0x1C000] =	vst v63  }
0x47: {  	s17 =	simm.s32 @!p1 $0x200  }
0x48: {  	[tilespmem:s17], [sflag:$0x7] =	stream.linear.gather @!p1 [hbm4b:s0+s1], $0x100, $0x38;
	[tilespmem:$0x1C000] =	vst v63  }
0x49: {  	p1 =	sne.s32 s12, $0x40  }
.Ltmp0:
0x4a: {  	_ = 	snop;
	(pc) =	sbr.rel @!p1 .LBB2_3-.Ltmp0, $2  }
0x4b: {  	_ =	sdelay $0x2  }
0x4c: {  	s30 =	simm.s32 $0x3;
	s29 =	simm.s32 $0x40;
	_ =	swait.ge [sflag:s22], $0x100  }
.LBB2_2:
0x4d: {  	[sflag:s22] =	ssyncset.done $0x0;
	s1 =	smov.u32 s29;
	s0 =	sadd.s32 $0x1, s30  }
0x4e: {  	p3 =	sge.u32 s30, s5;
	[sflag:s22] =	ssyncadd.s32 $0xFFFFFF00;
	p2 =	sge.u32 s0, s5  }
0x4f: {  	[spmem:s2] =	stream.indirect.scatter.add.f32 [tilespmem:s24], [sflag:$0x6], $0x80, s23, s15, $0xb8;
	[tilespmem:$0x1C000] =	vst v63  }
0x50: {  	p4 =	seq.s32 @!p3 s1, $0x0;
	s31 =	simm.s32 @!p2 $0x0;
	_ =	swait.ge [sflag:s19], $0x4000  }
0x51: {  	p4 =	por p4, p3;
	[sflag:s19] =	ssyncset.done $0x0;
	s0 =	rddreg [dreg:$0x3]  }
0x52: {  	s17 =	simm.s32 @!p4 $0x6;
	[sflag:s19] =	ssyncadd.s32 $0xFFFFC000;
	s0 =	sadd.s32 @!p2 s1, s0  }
0x53: {  	[tilespmem:s31], [sflag:$0x1] =	stream.linear.gather @!p2 [hbm4b:s0+s31], $0x100, $0x38;
	[tilespmem:$0x1C000] =	vst v63  }
0x54: {  	_ =	swait.ge @!p4 [sflag:s17], $0x4000  }
0x55: {  	[sflag:s17] =	ssyncset.done @!p4 $0x0  }
0x56: {  	s18 =	simm.s32 @!p3 $0x2;
	[sflag:s17] =	ssyncadd.s32 @!p4 $0xFFFFC000  }
0x57: {  	s6 =	rddreg [dreg:$0x4];
	_ =	swait.ge @!p3 [sflag:s18], $0x100  }
0x58: {  	s9 =	simm.s32 @!p3 $0x80;
	[sflag:s18] =	ssyncset.done @!p3 $0x0  }
0x59: {  	s10 =	simm.s32 @!p3 $0x100;
	s17 =	simm.s32 @!p3 $0x4400;
	[sflag:s18] =	ssyncadd.s32 @!p3 $0xFFFFFF00  }
0x5a: {  	[tilespmem:s17], [sflag:$0x4] =	stream.indirect.gather @!p3 [hbm4b:s4+s9], $0x80, s10, s9, $0xb8;
	[tilespmem:$0x1C000] =	vst v63  }
0x5b: {  	s11 =	simm.s32 @!p3 $0x300;
	s6 =	sadd.s32 @!p3 s1, s6;
	s18 =	simm.s32 @!p3 $0x0  }
0x5c: {  	[tilespmem:s11], [sflag:$0x8] =	stream.linear.gather @!p3 [hbm4b:s6+s18], $0x100, $0x38;
	[tilespmem:$0x1C000] =	vst v63  }
0x5d: {  	_ =	swait.ge [sflag:s20], $0x100  }
0x5e: {  	[sflag:s20] =	ssyncset.done $0x0  }
0x5f: {  	s30 =	sadd.s32 $0x2, s30;
	s18 =	rddreg [dreg:$0x5];
	[sflag:s20] =	ssyncadd.s32 $0xFFFFFF00  }
0x60: {  	[spmem:s2] =	stream.indirect.scatter.add.f32 [tilespmem:s16], [sflag:$0x5], $0x80, s18, s15, $0xb8;
	[tilespmem:$0x1C000] =	vst v63  }
0x61: {  	p3 =	sge.u32 s30, s5;
	s11 =	simm.s32 @!p2 $0x5;
	_ =	swait.ge [sflag:s21], $0x4000  }
0x62: {  	s9 =	simm.s32 @!p3 $0x0;
	[sflag:s21] =	ssyncset.done $0x0;
	s6 =	rddreg [dreg:$0x6]  }
0x63: {  	s10 =	simm.s32 @!p3 $0x100;
	[sflag:s21] =	ssyncadd.s32 $0xFFFFC000;
	s1 =	sadd.s32 @!p3 s1, s6  }
0x64: {  	[tilespmem:s10], [sflag:$0x2] =	stream.linear.gather @!p3 [hbm4b:s1+s9], $0x100, $0x38;
	[tilespmem:$0x1C000] =	vst v63  }
0x65: {  	_ =	swait.ge @!p2 [sflag:s11], $0x4000  }
0x66: {  	[sflag:s11] =	ssyncset.done @!p2 $0x0  }
0x67: {  	s1 =	simm.s32 @!p2 $0x1;
	[sflag:s11] =	ssyncadd.s32 @!p2 $0xFFFFC000  }
0x68: {  	s29 =	sadd.s32 $0x40, s29;
	_ =	swait.ge @!p2 [sflag:s1], $0x100  }
0x69: {  	p1 =	sne.s32 s12, s29;
	s6 =	simm.s32 @!p2 $0x80;
	[sflag:s1] =	ssyncset.done @!p2 $0x0  }
.Ltmp1:
0x6a: {  	s9 =	simm.s32 @!p2 $0x400;
	[sflag:s1] =	ssyncadd.s32 @!p2 $0xFFFFFF00;
	(pc) =	sbr.rel @p1 .LBB2_2-.Ltmp1, $4  }
0x6b: {  	[tilespmem:s9], [sflag:$0x3] =	stream.indirect.gather @!p2 [hbm4b:s4+s6], $0x80, s31, s6, $0xb8;
	[tilespmem:$0x1C000] =	vst v63  }
0x6c: {  	s1 =	simm.s32 @!p2 $0x200  }
0x6d: {  	[tilespmem:s1], [sflag:$0x7] =	stream.linear.gather @!p2 [hbm4b:s0+s31], $0x100, $0x38;
	[tilespmem:$0x1C000] =	vst v63  }
0x6e: {  	_ =	swait.ge [sflag:s22], $0x100  }
.LBB2_3:
0x6f: {  	[sflag:s22] =	ssyncset.done $0x0  }
0x70: {  	s0 =	simm.s32 @!p0 $0x3;
	[sflag:s22] =	ssyncadd.s32 $0xFFFFFF00  }
0x71: {  	[spmem:s2] =	stream.indirect.scatter.add.f32 [tilespmem:s24], [sflag:$0x6], $0x80, s23, s15, $0xb8;
	[tilespmem:$0x1C000] =	vst v63  }
0x72: {  	_ =	swait.ge @!p0 [sflag:s0], $0x4000  }
0x73: {  	[sflag:s0] =	ssyncset.done @!p0 $0x0  }
0x74: {  	[sflag:s0] =	ssyncadd.s32 @!p0 $0xFFFFC000;
	s0 =	simm.s32 @!p0 $0x7  }
0x75: {  	_ =	swait.ge @!p0 [sflag:s0], $0x100  }
0x76: {  	s1 =	simm.s32 @!p0 $0x280;
	[sflag:s0] =	ssyncset.done @!p0 $0x0  }
0x77: {  	s6 =	simm.s32 @!p0 $0x400;
	[sflag:s0] =	ssyncadd.s32 @!p0 $0xFFFFFF00;
	s0 =	simm.s32 @!p0 $0x80  }
0x78: {  	[spmem:s2] =	stream.indirect.scatter.add.f32 @!p0 [tilespmem:s6], [sflag:$0x5], $0x80, s1, s0, $0xb8;
	[tilespmem:$0x1C000] =	vst v63  }
0x79: {  	_ =	swait.ge [sflag:s25], $0x4000  }
0x7a: {  	[sflag:s25] =	ssyncset.done $0x0  }
0x7b: {  	[sflag:s25] =	ssyncadd.s32 $0xFFFFC000  }
0x7c: {  	_ =	swait.ge [sflag:s26], $0x4000  }
0x7d: {  	[sflag:s26] =	ssyncset.done $0x0  }
0x7e: {  	[sflag:s26] =	ssyncadd.s32 $0xFFFFC000  }
0x7f: {  	[bflag:$0x0] =	sbarrier.arrive $0xFFFF  }
0x80: {  	s30 =	rddreg [dreg:$0x9]  }
0x81: {  	[hbm:s30], [sflag:s7] =	dma.local [spmem:s13], $0x2780  }
0x82: {  	_ =	swait.ge [sflag:s14], $0x2780  }
0x83: {  	s28 =	sadd.s32 $0x1, s28;
	s31 =	rddreg [dreg:$0xa]  }
0x84: {  	p1 =	sne.s32 s28, s31  }
.Ltmp2:
0x85: {  	_ = 	snop;
	(pc) =	sbr.rel @p1 .LBB2_1-.Ltmp2, $3  }
0x86: {  	_ =	sdelay $0x1  }
0x87: {  	[sflag:s14] =	ssyncset.done $0x0  }
0x88: {  	[sflag:s14] =	ssyncadd.s32 $0xFFFFD880  }
0x89: {  	_ =	sfence.sel $0x180000  }
0x8a: {  	[bflag:$0x0] =	sbarrier.arrive $0xFFFF  }
0x8b: {  	_ =	strace $0x9000004D  }
0x8c: {  	s0 =	stileid.u32;
	[bflag:$0x2] =	sbarrier.arrive $0xFFFF  }
0x8d: {  	p0 =	sne.s32 s0, $0x0;
	s0 =	rddreg [dreg:$0x2]  }
0x8e: {  	s0 =	sadd.s32 @!p0 $0x100000, s0  }
0x8f: {  	[sflag:s0] =	ssyncadd.tile.s32 @!p0 $0x1;
	_ =	shalt  }
.Lfunc_end2:
_tile_overlayer_lowered:
.L_overlay_start_2:
0x90: {  	(tag) =	ssettag $0x2  }
0x91: {  	s0 =	rddreg [dreg:$0x0];
	s2 =	stileid.u32  }
0x92: {  	s1 =	rddreg [dreg:$0x1];
	p0 =	sne.s32 s2, $0x0  }
0x93: {  	s3 =	rddreg [dreg:$0x2];
	[bflag:$0x3] =	sbarrier.arrive $0xFFFF;
	s2 =	simm.s32 @!p0 $0x1C09  }
0x94: {  	[timem:s3], [sflag:s2] =	dma.local @!p0 [hbm:s0], s1  }
0x95: {  	s0 =	simm.s32 @!p0 $0x9  }
0x96: {  	_ =	swait.ge @!p0 [sflag:s0], s1  }
0x97: {  	s1 =	ssub.s32 @!p0 $0x0, s1;
	[sflag:s0] =	ssyncset.done @!p0 $0x0  }
0x98: {  	[sflag:s0] =	ssyncadd.s32 @!p0 s1  }
0x99: {  	[bflag:$0x3] =	sbarrier.arrive $0xFFFF  }
0x9a: {  	_ =	shalt  }

// kernel: kernel.21.cloned.1.call-start
scs
__scs_entry_jumppad:
0x0: {  	(pc) =	sbr.rel $0x88, $3  }
0x1: {  	(tag) =	ssettag $0x0;
	lr =	simm.s32 $0x1  }
0x2: {  	[smem:$0x3F95] =	sst lr;
	_ =	strace $0xD0000000  }
0x3: {  	_ = 	snop  }
0x4: {  	_ = 	snop  }
0x5: {  	_ = 	snop  }
0x6: {  	_ = 	snop  }
0x7: {  	_ = 	snop  }
__scs_overlays_trampoline_lowered:
0x8: {  	[smem:$0x3FA4] =	sst s0  }
0x9: {  	[smem:$0x3FA5] =	sst s1  }
0xa: {  	[smem:$0x3FA6] =	sst s2  }
0xb: {  	[smem:$0x3FA7] =	sst s3  }
0xc: {  	[smem:$0x3FA8] =	sst s4  }
0xd: {  	[smem:$0x3FA9] =	sst s5  }
0xe: {  	[smem:$0x3FAA] =	sst s6  }
0xf: {  	[smem:$0x3FAB] =	sst s7  }
0x10: {  	[smem:$0x3FAC] =	sst s8  }
0x11: {  	[smem:$0x3FAD] =	sst s9;
	s0 =	simm.s32 @!p0 $0x0  }
0x12: {  	s1 =	sld [smem:$0x3F93];
	s0 =	simm.s32 @p0 $0x1  }
0x13: {  	[smem:$0x3FAE] =	sst s0;
	s0 =	simm.s32 @!p1 $0x0  }
0x14: {  	s2 =	sld [smem:$0x3F92];
	s0 =	simm.s32 @p1 $0x1  }
0x15: {  	[smem:$0x3FAF] =	sst s0;
	s0 =	simm.s32 @!p2 $0x0  }
0x16: {  	s3 =	sld [smem:$0x3FDB];
	s0 =	simm.s32 @p2 $0x1  }
0x17: {  	s4 =	simm.s32 $0x1BF5;
	[smem:$0x3FB1] =	sst s0  }
0x18: {  	s0 =	sld [smem:$0x3F94];
	_ =	swait.ge [sflag:s4], $0x0  }
0x19: {  	s7 =	sld [smem:$0x3F95]  }
0x1a: {  	s8 =	sadd.s32 $0xFFFFE003, lr  }
0x1b: {  	s9 =	sadd.s32 $0xFFFFFEF7, lr;
	s5 =	simm.s32 $0xFFFFFFFF;
	p2 =	slt.u32 s8, $0xFFFFF086  }
0x1c: {  	p1 =	slt.u32 s9, $0xF7A;
	s5 =	simm.s32 @!p2 $0x0  }
0x1d: {  	s5 =	simm.s32 @p1 $0x1;
	p0 =	seq.s32 s7, s2  }
0x1e: {  	s7 =	smul.u32 @!p0 $0xF7A, s2;
	p2 =	seq.s32 @!p0 s5, $0x0  }
0x1f: {  	s9 =	smul.u32 $0xF7A, s1;
	s8 =	simm.s32 @!p0 $0x1BF5;
	p2 =	por !p2, p0  }
0x20: {  	[sflag:s8] =	ssyncset.s32 @!p0 $0xFFFFF086;
	s6 =	sadd.s32 @!p0 s3, s7;
	s7 =	simm.s32 @!p0 $0x108  }
0x21: {  	s3 =	sadd.s32 s3, s9;
	s6 =	sadd.s32 @!p0 $0x88, s6;
	s7 =	simm.s32 @p2 $0x1082  }
0x22: {  	[simem:s7], [sflag:s8] =	dma.local @!p0 [hbm:s6], $0xF7A  }
0x23: {  	s9 =	sor.u32 $0xD0000000, s2;
	s6 =	simm.s32 $0x108;
	_ =	swait.ge @!p0 [sflag:s8], $0x0  }
0x24: {  	s3 =	sadd.s32 $0x88, s3;
	s6 =	simm.s32 @!p1 $0x1082;
	[sflag:s4] =	ssyncset.s32 $0xFFFFF086  }
0x25: {  	[simem:s6], [sflag:s4] =	dma.local [hbm:s3], $0xF7A  }
0x26: {  	[smem:$0x3F95] =	sst s1;
	(tag) =	ssettag s2;
	_ =	strace s9  }
0x27: {  	s1 =	sld [smem:$0x3FA5]  }
0x28: {  	s2 =	sld [smem:$0x3FA6]  }
0x29: {  	s4 =	sld [smem:$0x3FA8]  }
0x2a: {  	p0 =	seq.s32 s5, $0x0;
	s5 =	sld [smem:$0x3FA9]  }
0x2b: {  	s6 =	sld [smem:$0x3FAA]  }
0x2c: {  	s7 =	sld [smem:$0x3FAB]  }
0x2d: {  	s3 =	simm.s32 $0x108;
	s8 =	sld [smem:$0x3FAC]  }
0x2e: {  	s3 =	simm.s32 @!p0 $0x1082;
	s9 =	sld [smem:$0x3FAD]  }
0x2f: {  	lr =	sadd.s32 s0, s3;
	s0 =	sld [smem:$0x3FA4]  }
0x30: {  	s3 =	sld [smem:$0x3FA7]  }
0x31: {  	[smem:$0x3FB0] =	sst s10  }
0x32: {  	s10 =	sld [smem:$0x3FAE];
	_ =	sdelay $0x3  }
0x33: {  	p0 =	seq.s32 s10, $0x1;
	s10 =	sld [smem:$0x3FB0];
	_ =	sdelay $0x3  }
0x34: {  	[smem:$0x3FB0] =	sst s10  }
0x35: {  	s10 =	sld [smem:$0x3FAF];
	_ =	sdelay $0x3  }
0x36: {  	p1 =	seq.s32 s10, $0x1;
	s10 =	sld [smem:$0x3FB0];
	_ =	sdelay $0x3  }
0x37: {  	[smem:$0x3FB0] =	sst s10  }
0x38: {  	s10 =	sld [smem:$0x3FB1]  }
0x39: {  	_ = 	snop;
	(pc) =	sbr.ind lr, $3  }
0x3a: {  	_ = 	snop  }
0x3b: {  	_ = 	snop  }
0x3c: {  	p2 =	seq.s32 s10, $0x1;
	s10 =	sld [smem:$0x3FB0]  }
0x3d: {  	_ =	shalt  }
0x3e: {  	_ =	shalt  }
0x3f: {  	_ =	shalt  }
0x40: {  	_ =	shalt  }
0x41: {  	_ =	shalt  }
0x42: {  	_ =	shalt  }
0x43: {  	_ =	shalt  }
0x44: {  	_ =	shalt  }
0x45: {  	_ =	shalt  }
0x46: {  	_ =	shalt  }
0x47: {  	_ =	shalt  }
0x48: {  	_ =	shalt  }
0x49: {  	_ =	shalt  }
0x4a: {  	_ =	shalt  }
0x4b: {  	_ =	shalt  }
0x4c: {  	_ =	shalt  }
0x4d: {  	_ =	shalt  }
0x4e: {  	_ =	shalt  }
0x4f: {  	_ =	shalt  }
0x50: {  	_ =	shalt  }
0x51: {  	_ =	shalt  }
0x52: {  	_ =	shalt  }
0x53: {  	_ =	shalt  }
0x54: {  	_ =	shalt  }
0x55: {  	_ =	shalt  }
0x56: {  	_ =	shalt  }
0x57: {  	_ =	shalt  }
0x58: {  	_ =	shalt  }
0x59: {  	_ =	shalt  }
0x5a: {  	_ =	shalt  }
0x5b: {  	_ =	shalt  }
0x5c: {  	_ =	shalt  }
0x5d: {  	_ =	shalt  }
0x5e: {  	_ =	shalt  }
0x5f: {  	_ =	shalt  }
0x60: {  	_ =	shalt  }
0x61: {  	_ =	shalt  }
0x62: {  	_ =	shalt  }
0x63: {  	_ =	shalt  }
0x64: {  	_ =	shalt  }
0x65: {  	_ =	shalt  }
0x66: {  	_ =	shalt  }
0x67: {  	_ =	shalt  }
0x68: {  	_ =	shalt  }
0x69: {  	_ =	shalt  }
0x6a: {  	_ =	shalt  }
0x6b: {  	_ =	shalt  }
0x6c: {  	_ =	shalt  }
0x6d: {  	_ =	shalt  }
0x6e: {  	_ =	shalt  }
0x6f: {  	_ =	shalt  }
0x70: {  	_ =	shalt  }
0x71: {  	_ =	shalt  }
0x72: {  	_ =	shalt  }
0x73: {  	_ =	shalt  }
0x74: {  	_ =	shalt  }
0x75: {  	_ =	shalt  }
0x76: {  	_ =	shalt  }
0x77: {  	_ =	shalt  }
0x78: {  	_ =	shalt  }
0x79: {  	_ =	shalt  }
0x7a: {  	_ =	shalt  }
0x7b: {  	_ =	shalt  }
0x7c: {  	_ =	shalt  }
0x7d: {  	_ =	shalt  }
0x7e: {  	_ =	shalt  }
0x7f: {  	_ =	shalt  }
0x80: {  	_ =	shalt  }
0x81: {  	_ =	shalt  }
0x82: {  	_ =	shalt  }
0x83: {  	_ =	shalt  }
0x84: {  	_ =	shalt  }
0x85: {  	_ =	shalt  }
0x86: {  	_ =	shalt  }
0x87: {  	_ =	shalt  }
.Lfunc_end0:
.L_simem_size_0:
called_computation.4_lowered:
.L_overlay_start_0:
0x88: {  	s2 =	sld [smem:$0x3FD9]  }
0x89: {  	s3 =	sld [smem:$0x3FFE];
	_ =	sdelay $0x1  }
0x8a: {  	s1 =	srdreg.scid  }
0x8b: {  	s0 =	sand.u32 $0x1, s1  }
0x8c: {  	s16 =	sshll.u32 s0, $0xA;
	s2 =	sadd.s32 s3, s2  }
0x8d: {  	s2 =	sadd.s32 s2, s16  }
0x8e: {  	[smem:$0x3FBC] =	sst s2  }
0x8f: {  	_ = 	snop  }
0x90: {  	(tm) =	ssettm $0x1  }
0x91: {  	s17 =	sld [smem:$0x3FFB];
	_ =	sdelay $0x3  }
0x92: {  	_ =	strace s17  }
0x93: {  	s2 =	sld [smem:$0x3FFC];
	_ =	sdelay $0x3  }
0x94: {  	_ =	strace s2  }
0x95: {  	s2 =	sld [smem:$0x3FFD];
	_ =	sdelay $0x3  }
0x96: {  	_ =	strace s2  }
0x97: {  	_ =	strace $0x8FFFFFFF  }
0x98: {  	s18 =	sld [smem:$0x3FDB];
	_ =	sdelay $0x1  }
0x99: {  	s19 =	simm.s32 $_scs_section_size  }
0x9a: {  	s4 =	simm.s32 $_size__tile_overlayer_lowered;
	s5 =	simm.s32 $_tile_overlayer_lowered  }
0x9b: {  	s22 =	simm.s32 $0x1BFF;
	s21 =	sshll.u32 s5, $0x1;
	s2 =	sadd.s32 s19, s18  }
0x9c: {  	s6 =	simm.s32 $0x0;
	s20 =	sshll.u32 s4, $0x1;
	s4 =	sadd.s32 s21, s2  }
0x9d: {  	[timem:s6], [sflag:s22] =	dma.local [hbm:s4], s20  }
0x9e: {  	_ =	swait.ge [sflag:s22], s20  }
0x9f: {  	s3 =	ssub.s32 $0x0, s20;
	[sflag:s22] =	ssyncset.done $0x0  }
0xa0: {  	[sflag:s22] =	ssyncadd.s32 s3;
	_ =	sdelay $0x1  }
0xa1: {  	s23 =	simm.s32 $0x1B8B  }
0xa2: {  	_ =	swait.ge [sflag:s23], $0x1  }
0xa3: {  	[sflag:s23] =	ssyncset.done $0x0  }
0xa4: {  	s25 =	simm.s32 $0x1B8E;
	s24 =	sld [smem:$0x3FFE];
	[sflag:s23] =	ssyncadd.s32 $0xFFFFFFFF  }
0xa5: {  	s26 =	simm.s32 $execute0_lowered;
	[smem:$0x3FD2] =	sst s25  }
0xa6: {  	s4 =	sshll.u32 s26, $0x1;
	_ =	strace $0x8000004F;
	[dreg:$0x1] =	wrdreg $0xFFFFFFFF  }
0xa7: {  	s28 =	simm.s32 $_size_execute0_lowered;
	s2 =	sadd.s32 s2, s4;
	[dreg:$0x0] =	wrdreg $0x0  }
0xa8: {  	s4 =	sshll.u32 s28, $0x1;
	[dreg:$0x2] =	wrdreg s2  }
0xa9: {  	[dreg:$0x3] =	wrdreg s4  }
0xaa: {  	[dreg:$0x4] =	wrdreg $0xC0  }
0xab: {  	_ =	task [dreg:s6], $0x5FFFF  }
0xac: {  	[dreg:$0x1] =	wrdreg $0xFFFFFFFF  }
0xad: {  	[dreg:$0x0] =	wrdreg $0x60  }
0xae: {  	[dreg:$0x2] =	wrdreg s24  }
0xaf: {  	[dreg:$0x3] =	wrdreg $0x84000  }
0xb0: {  	[dreg:$0x4] =	wrdreg $0xA  }
0xb1: {  	_ =	task.clear_ibuf [dreg:s6], $0x5FFFF;
	_ =	strace $0x9000004F  }
0xb2: {  	s29 =	simm.s32 $0xA;
	_ =	strace $0x80000051  }
0xb3: {  	_ =	swait.ge [sflag:s29], $0x1  }
0xb4: {  	[sflag:s29] =	ssyncadd.s32 $0xFFFFFFFF  }
0xb5: {  	_ =	strace $0x90000051  }
0xb6: {  	_ =	sfence  }
0xb7: {  	s30 =	sld [smem:$0x0];
	_ =	sdelay $0x2  }
0xb8: {  	s31 =	sshll.u32 s1, $0xD;
	s1 =	sshrl.u32 s1, $0x2  }
0xb9: {  	s3 =	sand.u32 $0x4000, s31;
	s1 =	sadd.s32 s1, s30  }
0xba: {  	s0 =	sor.u32 s3, s0;
	s1 =	sshll.u32 s1, $0x11  }
0xbb: {  	s0 =	sor.u32 s1, s0  }
0xbc: {  	s0 =	sadd.s32 $0x8F2B, s0  }
0xbd: {  	[sflag:s0] =	ssyncadd.remote.s32 $0x1  }
0xbe: {  	_ =	sfence.sel $0xFFFF  }
0xbf: {  	[dreg:$0x0] =	wrdreg $0xFFFFFFFF;
	(pc) =	sbr.abs _section_cstart, $3  }
0xc0: {  	[dreg:$0x1] =	wrdreg $0xFFFFFFFF  }
0xc1: {  	_ =	task.clear_ibuf [dreg:s6], $0x2FFFF;
	_ =	strace $0x9FFFFFFF  }
0xc2: {  	(tm) =	ssettm $0x7FFFFFFF  }
0xc3: {  	_ =	shalt  }
tec
execute0_lowered:
.L_overlay_start_1:
0x0: {  	(tag) =	ssettag $0x1  }
0x1: {  	s0 =	rddreg [dreg:$0x0]  }
0x2: {  	s2 =	rddreg [dreg:$0x1];
	s10 =	stileid.u32  }
0x3: {  	s1 =	srdreg.scid;
	s3 =	simm.s32 $0x0;
	s31 =	simm.s32 $0x280  }
0x4: {  	s28 =	simm.s32 $0x0;
	s5 =	smul.u32 $0x13C00, s10;
	s1 =	sand.u32 $0x1, s1  }
0x5: {  	[smem:$0x7FF] =	sst s3;
	s4 =	sadd.s32 $0x1B800, s0;
	s9 =	smul.u32 $0x4F000, s10  }
0x6: {  	s11 =	sadd.s32 $0x2800, s0;
	s18 =	smul.u32 $0x6400, s10;
	s19 =	sshll.u32 s10, $0x6  }
0x7: {  	s6 =	smul.u32 $0x13C000, s1;
	_ =	strace $0x80000050;
	s15 =	ssub.s32 $0x2, s1  }
0x8: {  	s16 =	sshll.u32 s1, $0x4;
	p0 =	seq.s32 s1, $0x0;
	s1 =	smul.u32 $0x64000, s1  }
0x9: {  	[dreg:$0x5] =	wrdreg s31;
	s7 =	sshrl.u32 s5, $0x3;
	s8 =	sshrl.u32 s15, $0x1  }
0xa: {  	s17 =	sshrl.u32 s9, $0x2;
	s5 =	sadd.s32 s5, s6;
	s14 =	sadd.s32 s7, s0  }
0xb: {  	s7 =	sor.u32 s10, s16;
	s12 =	ssub.s32 s15, s8;
	s13 =	sadd.s32 s17, s2  }
0xc: {  	s1 =	sadd.s32 s18, s1;
	s15 =	simm.s32 $0x80;
	s16 =	simm.s32 $0x400  }
0xd: {  	s5 =	sshrl.u32 s5, $0x3;
	s7 =	smul.u32 $0x6400, s7;
	s6 =	sadd.s32 $0x43000, s14  }
0xe: {  	s14 =	sor.u32 $0x100, s1;
	s23 =	sor.u32 $0x200, s1;
	s1 =	sor.u32 $0x300, s1  }
0xf: {  	s30 =	smax.u32 s12, $0x1;
	s13 =	sshrl.u32 s13, $0x3;
	s0 =	sadd.s32 s5, s0  }
0x10: {  	s5 =	simm.s32 $0x64;
	[dreg:$0x7] =	wrdreg s6;
	s22 =	sshrl.u32 s14, $0x3  }
0x11: {  	s14 =	sshrl.u32 s23, $0x3;
	s1 =	sshrl.u32 s1, $0x3;
	[dreg:$0xa] =	wrdreg s30  }
0x12: {  	s23 =	simm.s32 $0x380;
	s5 =	simm.s32 @!p0 $0x39;
	s20 =	sshrl.u32 s7, $0x3  }
0x13: {  	s7 =	sor.u32 $0x1C09, s19;
	s0 =	sadd.s32 $0x6A800, s0;
	s24 =	sadd.s32 s14, s11  }
0x14: {  	s29 =	sadd.s32 s1, s11;
	s14 =	simm.s32 $0x9;
	s19 =	simm.s32 $0x3  }
0x15: {  	s8 =	sadd.s32 s11, s20;
	s25 =	sand.u32 $0x1, s5;
	[dreg:$0x9] =	wrdreg s0  }
0x16: {  	s0 =	sadd.s32 s22, s11;
	s26 =	sshll.u32 s5, $0x5;
	[dreg:$0x3] =	wrdreg s24  }
0x17: {  	[dreg:$0x6] =	wrdreg s29;
	s20 =	simm.s32 $0x7;
	s22 =	simm.s32 $0x8  }
0x18: {  	s24 =	simm.s32 $0x4400;
	s21 =	sadd.s32 $0x20, s8;
	[dreg:$0x4] =	wrdreg s0  }
0x19: {  	s12 =	sand.u32 $0xF80, s26;
	p0 =	seq.s32 s25, $0x0;
	s25 =	simm.s32 $0x5  }
0x1a: {  	s26 =	simm.s32 $0x6;
	[dreg:$0x8] =	wrdreg s21;
	s21 =	simm.s32 $0x4  }
.LBB2_1:
0x1b: {  	s0 =	rddreg [dreg:$0x7]  }
0x1c: {  	[spmem:s13], [sflag:s7] =	dma.local [hbm:s0], $0x2780  }
0x1d: {  	_ =	swait.ge [sflag:s14], $0x2780  }
0x1e: {  	[sflag:s14] =	ssyncset.done $0x0  }
0x1f: {  	[sflag:s14] =	ssyncadd.s32 $0xFFFFD880  }
0x20: {  	s11 =	simm.s32 $0x1;
	[bflag:$0x0] =	sbarrier.arrive $0xFFFF  }
0x21: {  	[tilespmem:s3], [sflag:$0x1] =	stream.linear.gather [hbm4b:s8+s3], $0x100, $0x38;
	[tilespmem:$0x1C000] =	vst v63  }
0x22: {  	_ =	swait.ge [sflag:s11], $0x100  }
0x23: {  	[sflag:s11] =	ssyncset.done $0x0  }
0x24: {  	[sflag:s11] =	ssyncadd.s32 $0xFFFFFF00  }
0x25: {  	[tilespmem:s16], [sflag:$0x3] =	stream.indirect.gather [hbm4b:s4+s15], $0x80, s3, s15, $0xb8;
	[tilespmem:$0x1C000] =	vst v63  }
0x26: {  	s17 =	simm.s32 $0x200;
	p2 =	sle.u32 s5, $0x1  }
0x27: {  	[tilespmem:s17], [sflag:$0x7] =	stream.linear.gather [hbm4b:s8+s3], $0x100, $0x38;
	[tilespmem:$0x1C000] =	vst v63  }
0x28: {  	s1 =	simm.s32 $0x100;
	p3 =	por @!p2 $0x1, $0x1;
	s18 =	rddreg [dreg:$0x8]  }
0x29: {  	[tilespmem:s1], [sflag:$0x2] =	stream.linear.gather [hbm4b:s18+s3], $0x100, $0x38;
	[tilespmem:$0x1C000] =	vst v63  }
0x2a: {  	p1 =	sle.u32 s5, $0x2;
	p3 =	por p3, p2;
	_ =	swait.ge [sflag:s19], $0x4000  }
0x2b: {  	s29 =	simm.s32 @!p3 $0x6;
	s0 =	rddreg [dreg:$0x3];
	[sflag:s19] =	ssyncset.done $0x0  }
0x2c: {  	s1 =	simm.s32 @!p1 $0x0;
	[sflag:s19] =	ssyncadd.s32 $0xFFFFC000;
	s0 =	sadd.s32 @!p1 $0x0, s0  }
0x2d: {  	[tilespmem:s1], [sflag:$0x1] =	stream.linear.gather @!p1 [hbm4b:s0+s1], $0x100, $0x38;
	[tilespmem:$0x1C000] =	vst v63  }
0x2e: {  	_ =	swait.ge @!p3 [sflag:s29], $0x4000  }
0x2f: {  	[sflag:s29] =	ssyncset.done @!p3 $0x0  }
0x30: {  	s30 =	simm.s32 @!p2 $0x2;
	[sflag:s29] =	ssyncadd.s32 @!p3 $0xFFFFC000  }
0x31: {  	s31 =	rddreg [dreg:$0x4];
	_ =	swait.ge @!p2 [sflag:s30], $0x100  }
0x32: {  	s17 =	simm.s32 @!p2 $0x80;
	[sflag:s30] =	ssyncset.done @!p2 $0x0  }
0x33: {  	s29 =	simm.s32 @!p2 $0x4400;
	[sflag:s30] =	ssyncadd.s32 @!p2 $0xFFFFFF00;
	s30 =	simm.s32 @!p2 $0x100  }
0x34: {  	[tilespmem:s29], [sflag:$0x4] =	stream.indirect.gather @!p2 [hbm4b:s4+s17], $0x80, s30, s17, $0xb8;
	[tilespmem:$0x1C000] =	vst v63  }
0x35: {  	s17 =	sadd.s32 @!p2 $0x0, s31;
	s29 =	simm.s32 @!p2 $0x0;
	s30 =	simm.s32 @!p2 $0x300  }
0x36: {  	[tilespmem:s30], [sflag:$0x8] =	stream.linear.gather @!p2 [hbm4b:s17+s29], $0x100, $0x38;
	[tilespmem:$0x1C000] =	vst v63  }
0x37: {  	_ =	swait.ge [sflag:s20], $0x100  }
0x38: {  	[sflag:s20] =	ssyncset.done $0x0  }
0x39: {  	s31 =	rddreg [dreg:$0x5];
	[sflag:s20] =	ssyncadd.s32 $0xFFFFFF00  }
0x3a: {  	[spmem:s2] =	stream.indirect.scatter.add.f32 [tilespmem:s16], [sflag:$0x5], $0x80, s31, s15, $0xb8;
	[tilespmem:$0x1C000] =	vst v63  }
0x3b: {  	p2 =	sle.u32 s5, $0x3;
	_ =	swait.ge [sflag:s21], $0x4000  }
0x3c: {  	s29 =	simm.s32 @!p2 $0x0;
	s17 =	rddreg [dreg:$0x6];
	[sflag:s21] =	ssyncset.done $0x0  }
0x3d: {  	s30 =	simm.s32 @!p2 $0x100;
	[sflag:s21] =	ssyncadd.s32 $0xFFFFC000;
	s17 =	sadd.s32 @!p2 $0x0, s17  }
0x3e: {  	[tilespmem:s30], [sflag:$0x2] =	stream.linear.gather @!p2 [hbm4b:s17+s29], $0x100, $0x38;
	[tilespmem:$0x1C000] =	vst v63  }
0x3f: {  	s17 =	simm.s32 @!p1 $0x5  }
0x40: {  	_ =	swait.ge @!p1 [sflag:s17], $0x4000  }
0x41: {  	[sflag:s17] =	ssyncset.done @!p1 $0x0  }
0x42: {  	s29 =	simm.s32 @!p1 $0x1;
	[sflag:s17] =	ssyncadd.s32 @!p1 $0xFFFFC000  }
0x43: {  	_ =	swait.ge @!p1 [sflag:s29], $0x100  }
0x44: {  	[sflag:s29] =	ssyncset.done @!p1 $0x0  }
0x45: {  	s17 =	simm.s32 @!p1 $0x80;
	[sflag:s29] =	ssyncadd.s32 @!p1 $0xFFFFFF00;
	s29 =	simm.s32 @!p1 $0x400  }
0x46: {  	[tilespmem:s29], [sflag:$0x3] =	stream.indirect.gather @!p1 [hbm4b:s4+s17], $0x80, s1, s17, $0xb8;
	[tilespmem:$0x1C000] =	vst v63  }
0x47: {  	s17 =	simm.s32 @!p1 $0x200  }
0x48: {  	[tilespmem:s17], [sflag:$0x7] =	stream.linear.gather @!p1 [hbm4b:s0+s1], $0x100, $0x38;
	[tilespmem:$0x1C000] =	vst v63  }
0x49: {  	p1 =	sne.s32 s12, $0x40  }
.Ltmp0:
0x4a: {  	_ = 	snop;
	(pc) =	sbr.rel @!p1 .LBB2_3-.Ltmp0, $2  }
0x4b: {  	_ =	sdelay $0x2  }
0x4c: {  	s30 =	simm.s32 $0x3;
	s29 =	simm.s32 $0x40;
	_ =	swait.ge [sflag:s22], $0x100  }
.LBB2_2:
0x4d: {  	[sflag:s22] =	ssyncset.done $0x0;
	s1 =	smov.u32 s29;
	s0 =	sadd.s32 $0x1, s30  }
0x4e: {  	p3 =	sge.u32 s30, s5;
	[sflag:s22] =	ssyncadd.s32 $0xFFFFFF00;
	p2 =	sge.u32 s0, s5  }
0x4f: {  	[spmem:s2] =	stream.indirect.scatter.add.f32 [tilespmem:s24], [sflag:$0x6], $0x80, s23, s15, $0xb8;
	[tilespmem:$0x1C000] =	vst v63  }
0x50: {  	p4 =	seq.s32 @!p3 s1, $0x0;
	s31 =	simm.s32 @!p2 $0x0;
	_ =	swait.ge [sflag:s19], $0x4000  }
0x51: {  	p4 =	por p4, p3;
	[sflag:s19] =	ssyncset.done $0x0;
	s0 =	rddreg [dreg:$0x3]  }
0x52: {  	s17 =	simm.s32 @!p4 $0x6;
	[sflag:s19] =	ssyncadd.s32 $0xFFFFC000;
	s0 =	sadd.s32 @!p2 s1, s0  }
0x53: {  	[tilespmem:s31], [sflag:$0x1] =	stream.linear.gather @!p2 [hbm4b:s0+s31], $0x100, $0x38;
	[tilespmem:$0x1C000] =	vst v63  }
0x54: {  	_ =	swait.ge @!p4 [sflag:s17], $0x4000  }
0x55: {  	[sflag:s17] =	ssyncset.done @!p4 $0x0  }
0x56: {  	s18 =	simm.s32 @!p3 $0x2;
	[sflag:s17] =	ssyncadd.s32 @!p4 $0xFFFFC000  }
0x57: {  	s6 =	rddreg [dreg:$0x4];
	_ =	swait.ge @!p3 [sflag:s18], $0x100  }
0x58: {  	s9 =	simm.s32 @!p3 $0x80;
	[sflag:s18] =	ssyncset.done @!p3 $0x0  }
0x59: {  	s10 =	simm.s32 @!p3 $0x100;
	s17 =	simm.s32 @!p3 $0x4400;
	[sflag:s18] =	ssyncadd.s32 @!p3 $0xFFFFFF00  }
0x5a: {  	[tilespmem:s17], [sflag:$0x4] =	stream.indirect.gather @!p3 [hbm4b:s4+s9], $0x80, s10, s9, $0xb8;
	[tilespmem:$0x1C000] =	vst v63  }
0x5b: {  	s11 =	simm.s32 @!p3 $0x300;
	s6 =	sadd.s32 @!p3 s1, s6;
	s18 =	simm.s32 @!p3 $0x0  }
0x5c: {  	[tilespmem:s11], [sflag:$0x8] =	stream.linear.gather @!p3 [hbm4b:s6+s18], $0x100, $0x38;
	[tilespmem:$0x1C000] =	vst v63  }
0x5d: {  	_ =	swait.ge [sflag:s20], $0x100  }
0x5e: {  	[sflag:s20] =	ssyncset.done $0x0  }
0x5f: {  	s30 =	sadd.s32 $0x2, s30;
	s18 =	rddreg [dreg:$0x5];
	[sflag:s20] =	ssyncadd.s32 $0xFFFFFF00  }
0x60: {  	[spmem:s2] =	stream.indirect.scatter.add.f32 [tilespmem:s16], [sflag:$0x5], $0x80, s18, s15, $0xb8;
	[tilespmem:$0x1C000] =	vst v63  }
0x61: {  	p3 =	sge.u32 s30, s5;
	s11 =	simm.s32 @!p2 $0x5;
	_ =	swait.ge [sflag:s21], $0x4000  }
0x62: {  	s9 =	simm.s32 @!p3 $0x0;
	[sflag:s21] =	ssyncset.done $0x0;
	s6 =	rddreg [dreg:$0x6]  }
0x63: {  	s10 =	simm.s32 @!p3 $0x100;
	[sflag:s21] =	ssyncadd.s32 $0xFFFFC000;
	s1 =	sadd.s32 @!p3 s1, s6  }
0x64: {  	[tilespmem:s10], [sflag:$0x2] =	stream.linear.gather @!p3 [hbm4b:s1+s9], $0x100, $0x38;
	[tilespmem:$0x1C000] =	vst v63  }
0x65: {  	_ =	swait.ge @!p2 [sflag:s11], $0x4000  }
0x66: {  	[sflag:s11] =	ssyncset.done @!p2 $0x0  }
0x67: {  	s1 =	simm.s32 @!p2 $0x1;
	[sflag:s11] =	ssyncadd.s32 @!p2 $0xFFFFC000  }
0x68: {  	s29 =	sadd.s32 $0x40, s29;
	_ =	swait.ge @!p2 [sflag:s1], $0x100  }
0x69: {  	p1 =	sne.s32 s12, s29;
	s6 =	simm.s32 @!p2 $0x80;
	[sflag:s1] =	ssyncset.done @!p2 $0x0  }
.Ltmp1:
0x6a: {  	s9 =	simm.s32 @!p2 $0x400;
	[sflag:s1] =	ssyncadd.s32 @!p2 $0xFFFFFF00;
	(pc) =	sbr.rel @p1 .LBB2_2-.Ltmp1, $4  }
0x6b: {  	[tilespmem:s9], [sflag:$0x3] =	stream.indirect.gather @!p2 [hbm4b:s4+s6], $0x80, s31, s6, $0xb8;
	[tilespmem:$0x1C000] =	vst v63  }
0x6c: {  	s1 =	simm.s32 @!p2 $0x200  }
0x6d: {  	[tilespmem:s1], [sflag:$0x7] =	stream.linear.gather @!p2 [hbm4b:s0+s31], $0x100, $0x38;
	[tilespmem:$0x1C000] =	vst v63  }
0x6e: {  	_ =	swait.ge [sflag:s22], $0x100  }
.LBB2_3:
0x6f: {  	[sflag:s22] =	ssyncset.done $0x0  }
0x70: {  	s0 =	simm.s32 @!p0 $0x3;
	[sflag:s22] =	ssyncadd.s32 $0xFFFFFF00  }
0x71: {  	[spmem:s2] =	stream.indirect.scatter.add.f32 [tilespmem:s24], [sflag:$0x6], $0x80, s23, s15, $0xb8;
	[tilespmem:$0x1C000] =	vst v63  }
0x72: {  	_ =	swait.ge @!p0 [sflag:s0], $0x4000  }
0x73: {  	[sflag:s0] =	ssyncset.done @!p0 $0x0  }
0x74: {  	[sflag:s0] =	ssyncadd.s32 @!p0 $0xFFFFC000;
	s0 =	simm.s32 @!p0 $0x7  }
0x75: {  	_ =	swait.ge @!p0 [sflag:s0], $0x100  }
0x76: {  	s1 =	simm.s32 @!p0 $0x280;
	[sflag:s0] =	ssyncset.done @!p0 $0x0  }
0x77: {  	s6 =	simm.s32 @!p0 $0x400;
	[sflag:s0] =	ssyncadd.s32 @!p0 $0xFFFFFF00;
	s0 =	simm.s32 @!p0 $0x80  }
0x78: {  	[spmem:s2] =	stream.indirect.scatter.add.f32 @!p0 [tilespmem:s6], [sflag:$0x5], $0x80, s1, s0, $0xb8;
	[tilespmem:$0x1C000] =	vst v63  }
0x79: {  	_ =	swait.ge [sflag:s25], $0x4000  }
0x7a: {  	[sflag:s25] =	ssyncset.done $0x0  }
0x7b: {  	[sflag:s25] =	ssyncadd.s32 $0xFFFFC000  }
0x7c: {  	_ =	swait.ge [sflag:s26], $0x4000  }
0x7d: {  	[sflag:s26] =	ssyncset.done $0x0  }
0x7e: {  	[sflag:s26] =	ssyncadd.s32 $0xFFFFC000  }
0x7f: {  	[bflag:$0x0] =	sbarrier.arrive $0xFFFF  }
0x80: {  	s30 =	rddreg [dreg:$0x9]  }
0x81: {  	[hbm:s30], [sflag:s7] =	dma.local [spmem:s13], $0x2780  }
0x82: {  	_ =	swait.ge [sflag:s14], $0x2780  }
0x83: {  	s28 =	sadd.s32 $0x1, s28;
	s31 =	rddreg [dreg:$0xa]  }
0x84: {  	p1 =	sne.s32 s28, s31  }
.Ltmp2:
0x85: {  	_ = 	snop;
	(pc) =	sbr.rel @p1 .LBB2_1-.Ltmp2, $3  }
0x86: {  	_ =	sdelay $0x1  }
0x87: {  	[sflag:s14] =	ssyncset.done $0x0  }
0x88: {  	[sflag:s14] =	ssyncadd.s32 $0xFFFFD880  }
0x89: {  	_ =	sfence.sel $0x180000  }
0x8a: {  	[bflag:$0x0] =	sbarrier.arrive $0xFFFF  }
0x8b: {  	_ =	strace $0x90000050  }
0x8c: {  	s0 =	stileid.u32;
	[bflag:$0x2] =	sbarrier.arrive $0xFFFF  }
0x8d: {  	p0 =	sne.s32 s0, $0x0;
	s0 =	rddreg [dreg:$0x2]  }
0x8e: {  	s0 =	sadd.s32 @!p0 $0x100000, s0  }
0x8f: {  	[sflag:s0] =	ssyncadd.tile.s32 @!p0 $0x1;
	_ =	shalt  }
.Lfunc_end2:
_tile_overlayer_lowered:
.L_overlay_start_2:
0x90: {  	(tag) =	ssettag $0x2  }
0x91: {  	s0 =	rddreg [dreg:$0x0];
	s2 =	stileid.u32  }
0x92: {  	s1 =	rddreg [dreg:$0x1];
	p0 =	sne.s32 s2, $0x0  }
0x93: {  	s3 =	rddreg [dreg:$0x2];
	[bflag:$0x3] =	sbarrier.arrive $0xFFFF;
	s2 =	simm.s32 @!p0 $0x1C09  }
0x94: {  	[timem:s3], [sflag:s2] =	dma.local @!p0 [hbm:s0], s1  }
0x95: {  	s0 =	simm.s32 @!p0 $0x9  }
0x96: {  	_ =	swait.ge @!p0 [sflag:s0], s1  }
0x97: {  	s1 =	ssub.s32 @!p0 $0x0, s1;
	[sflag:s0] =	ssyncset.done @!p0 $0x0  }
0x98: {  	[sflag:s0] =	ssyncadd.s32 @!p0 s1  }
0x99: {  	[bflag:$0x3] =	sbarrier.arrive $0xFFFF  }
0x9a: {  	_ =	shalt  }

// kernel: kernel.24.cloned.1.call-start
scs
__scs_entry_jumppad:
0x0: {  	(pc) =	sbr.rel $0x88, $3  }
0x1: {  	(tag) =	ssettag $0x0;
	lr =	simm.s32 $0x1  }
0x2: {  	[smem:$0x3F95] =	sst lr;
	_ =	strace $0xD0000000  }
0x3: {  	_ = 	snop  }
0x4: {  	_ = 	snop  }
0x5: {  	_ = 	snop  }
0x6: {  	_ = 	snop  }
0x7: {  	_ = 	snop  }
__scs_overlays_trampoline_lowered:
0x8: {  	[smem:$0x3FA4] =	sst s0  }
0x9: {  	[smem:$0x3FA5] =	sst s1  }
0xa: {  	[smem:$0x3FA6] =	sst s2  }
0xb: {  	[smem:$0x3FA7] =	sst s3  }
0xc: {  	[smem:$0x3FA8] =	sst s4  }
0xd: {  	[smem:$0x3FA9] =	sst s5  }
0xe: {  	[smem:$0x3FAA] =	sst s6  }
0xf: {  	[smem:$0x3FAB] =	sst s7  }
0x10: {  	[smem:$0x3FAC] =	sst s8  }
0x11: {  	[smem:$0x3FAD] =	sst s9;
	s0 =	simm.s32 @!p0 $0x0  }
0x12: {  	s1 =	sld [smem:$0x3F93];
	s0 =	simm.s32 @p0 $0x1  }
0x13: {  	[smem:$0x3FAE] =	sst s0;
	s0 =	simm.s32 @!p1 $0x0  }
0x14: {  	s2 =	sld [smem:$0x3F92];
	s0 =	simm.s32 @p1 $0x1  }
0x15: {  	[smem:$0x3FAF] =	sst s0;
	s0 =	simm.s32 @!p2 $0x0  }
0x16: {  	s3 =	sld [smem:$0x3FDB];
	s0 =	simm.s32 @p2 $0x1  }
0x17: {  	s4 =	simm.s32 $0x1BF5;
	[smem:$0x3FB1] =	sst s0  }
0x18: {  	s0 =	sld [smem:$0x3F94];
	_ =	swait.ge [sflag:s4], $0x0  }
0x19: {  	s7 =	sld [smem:$0x3F95]  }
0x1a: {  	s8 =	sadd.s32 $0xFFFFE003, lr  }
0x1b: {  	s9 =	sadd.s32 $0xFFFFFEF7, lr;
	s5 =	simm.s32 $0xFFFFFFFF;
	p2 =	slt.u32 s8, $0xFFFFF086  }
0x1c: {  	p1 =	slt.u32 s9, $0xF7A;
	s5 =	simm.s32 @!p2 $0x0  }
0x1d: {  	s5 =	simm.s32 @p1 $0x1;
	p0 =	seq.s32 s7, s2  }
0x1e: {  	s7 =	smul.u32 @!p0 $0xF7A, s2;
	p2 =	seq.s32 @!p0 s5, $0x0  }
0x1f: {  	s9 =	smul.u32 $0xF7A, s1;
	s8 =	simm.s32 @!p0 $0x1BF5;
	p2 =	por !p2, p0  }
0x20: {  	[sflag:s8] =	ssyncset.s32 @!p0 $0xFFFFF086;
	s6 =	sadd.s32 @!p0 s3, s7;
	s7 =	simm.s32 @!p0 $0x108  }
0x21: {  	s3 =	sadd.s32 s3, s9;
	s6 =	sadd.s32 @!p0 $0x88, s6;
	s7 =	simm.s32 @p2 $0x1082  }
0x22: {  	[simem:s7], [sflag:s8] =	dma.local @!p0 [hbm:s6], $0xF7A  }
0x23: {  	s9 =	sor.u32 $0xD0000000, s2;
	s6 =	simm.s32 $0x108;
	_ =	swait.ge @!p0 [sflag:s8], $0x0  }
0x24: {  	s3 =	sadd.s32 $0x88, s3;
	s6 =	simm.s32 @!p1 $0x1082;
	[sflag:s4] =	ssyncset.s32 $0xFFFFF086  }
0x25: {  	[simem:s6], [sflag:s4] =	dma.local [hbm:s3], $0xF7A  }
0x26: {  	[smem:$0x3F95] =	sst s1;
	(tag) =	ssettag s2;
	_ =	strace s9  }
0x27: {  	s1 =	sld [smem:$0x3FA5]  }
0x28: {  	s2 =	sld [smem:$0x3FA6]  }
0x29: {  	s4 =	sld [smem:$0x3FA8]  }
0x2a: {  	p0 =	seq.s32 s5, $0x0;
	s5 =	sld [smem:$0x3FA9]  }
0x2b: {  	s6 =	sld [smem:$0x3FAA]  }
0x2c: {  	s7 =	sld [smem:$0x3FAB]  }
0x2d: {  	s3 =	simm.s32 $0x108;
	s8 =	sld [smem:$0x3FAC]  }
0x2e: {  	s3 =	simm.s32 @!p0 $0x1082;
	s9 =	sld [smem:$0x3FAD]  }
0x2f: {  	lr =	sadd.s32 s0, s3;
	s0 =	sld [smem:$0x3FA4]  }
0x30: {  	s3 =	sld [smem:$0x3FA7]  }
0x31: {  	[smem:$0x3FB0] =	sst s10  }
0x32: {  	s10 =	sld [smem:$0x3FAE];
	_ =	sdelay $0x3  }
0x33: {  	p0 =	seq.s32 s10, $0x1;
	s10 =	sld [smem:$0x3FB0];
	_ =	sdelay $0x3  }
0x34: {  	[smem:$0x3FB0] =	sst s10  }
0x35: {  	s10 =	sld [smem:$0x3FAF];
	_ =	sdelay $0x3  }
0x36: {  	p1 =	seq.s32 s10, $0x1;
	s10 =	sld [smem:$0x3FB0];
	_ =	sdelay $0x3  }
0x37: {  	[smem:$0x3FB0] =	sst s10  }
0x38: {  	s10 =	sld [smem:$0x3FB1]  }
0x39: {  	_ = 	snop;
	(pc) =	sbr.ind lr, $3  }
0x3a: {  	_ = 	snop  }
0x3b: {  	_ = 	snop  }
0x3c: {  	p2 =	seq.s32 s10, $0x1;
	s10 =	sld [smem:$0x3FB0]  }
0x3d: {  	_ =	shalt  }
0x3e: {  	_ =	shalt  }
0x3f: {  	_ =	shalt  }
0x40: {  	_ =	shalt  }
0x41: {  	_ =	shalt  }
0x42: {  	_ =	shalt  }
0x43: {  	_ =	shalt  }
0x44: {  	_ =	shalt  }
0x45: {  	_ =	shalt  }
0x46: {  	_ =	shalt  }
0x47: {  	_ =	shalt  }
0x48: {  	_ =	shalt  }
0x49: {  	_ =	shalt  }
0x4a: {  	_ =	shalt  }
0x4b: {  	_ =	shalt  }
0x4c: {  	_ =	shalt  }
0x4d: {  	_ =	shalt  }
0x4e: {  	_ =	shalt  }
0x4f: {  	_ =	shalt  }
0x50: {  	_ =	shalt  }
0x51: {  	_ =	shalt  }
0x52: {  	_ =	shalt  }
0x53: {  	_ =	shalt  }
0x54: {  	_ =	shalt  }
0x55: {  	_ =	shalt  }
0x56: {  	_ =	shalt  }
0x57: {  	_ =	shalt  }
0x58: {  	_ =	shalt  }
0x59: {  	_ =	shalt  }
0x5a: {  	_ =	shalt  }
0x5b: {  	_ =	shalt  }
0x5c: {  	_ =	shalt  }
0x5d: {  	_ =	shalt  }
0x5e: {  	_ =	shalt  }
0x5f: {  	_ =	shalt  }
0x60: {  	_ =	shalt  }
0x61: {  	_ =	shalt  }
0x62: {  	_ =	shalt  }
0x63: {  	_ =	shalt  }
0x64: {  	_ =	shalt  }
0x65: {  	_ =	shalt  }
0x66: {  	_ =	shalt  }
0x67: {  	_ =	shalt  }
0x68: {  	_ =	shalt  }
0x69: {  	_ =	shalt  }
0x6a: {  	_ =	shalt  }
0x6b: {  	_ =	shalt  }
0x6c: {  	_ =	shalt  }
0x6d: {  	_ =	shalt  }
0x6e: {  	_ =	shalt  }
0x6f: {  	_ =	shalt  }
0x70: {  	_ =	shalt  }
0x71: {  	_ =	shalt  }
0x72: {  	_ =	shalt  }
0x73: {  	_ =	shalt  }
0x74: {  	_ =	shalt  }
0x75: {  	_ =	shalt  }
0x76: {  	_ =	shalt  }
0x77: {  	_ =	shalt  }
0x78: {  	_ =	shalt  }
0x79: {  	_ =	shalt  }
0x7a: {  	_ =	shalt  }
0x7b: {  	_ =	shalt  }
0x7c: {  	_ =	shalt  }
0x7d: {  	_ =	shalt  }
0x7e: {  	_ =	shalt  }
0x7f: {  	_ =	shalt  }
0x80: {  	_ =	shalt  }
0x81: {  	_ =	shalt  }
0x82: {  	_ =	shalt  }
0x83: {  	_ =	shalt  }
0x84: {  	_ =	shalt  }
0x85: {  	_ =	shalt  }
0x86: {  	_ =	shalt  }
0x87: {  	_ =	shalt  }
.Lfunc_end0:
.L_simem_size_0:
called_computation.5_lowered:
.L_overlay_start_0:
0x88: {  	s2 =	sld [smem:$0x3FD9]  }
0x89: {  	s3 =	sld [smem:$0x3FFE];
	_ =	sdelay $0x1  }
0x8a: {  	s1 =	srdreg.scid  }
0x8b: {  	s0 =	sand.u32 $0x1, s1  }
0x8c: {  	s17 =	sshll.u32 s0, $0xA;
	s2 =	sadd.s32 s3, s2  }
0x8d: {  	s2 =	sadd.s32 s2, s17  }
0x8e: {  	[smem:$0x3FBC] =	sst s2  }
0x8f: {  	_ = 	snop  }
0x90: {  	(tm) =	ssettm $0x1  }
0x91: {  	s18 =	sld [smem:$0x3FFB];
	_ =	sdelay $0x3  }
0x92: {  	_ =	strace s18  }
0x93: {  	s2 =	sld [smem:$0x3FFC];
	_ =	sdelay $0x3  }
0x94: {  	_ =	strace s2  }
0x95: {  	s2 =	sld [smem:$0x3FFD];
	_ =	sdelay $0x3  }
0x96: {  	_ =	strace s2  }
0x97: {  	_ =	strace $0x8FFFFFFF  }
0x98: {  	s19 =	sld [smem:$0x3FDB];
	_ =	sdelay $0x1  }
0x99: {  	s20 =	simm.s32 $_scs_section_size  }
0x9a: {  	s4 =	simm.s32 $_size__tile_overlayer_lowered;
	s5 =	simm.s32 $_tile_overlayer_lowered  }
0x9b: {  	s6 =	simm.s32 $0x1BFF;
	s21 =	sshll.u32 s5, $0x1;
	s3 =	sadd.s32 s20, s19  }
0x9c: {  	s22 =	simm.s32 $0x0;
	s4 =	sshll.u32 s4, $0x1;
	s5 =	sadd.s32 s21, s3  }
0x9d: {  	[timem:s22], [sflag:s6] =	dma.local [hbm:s5], s4  }
0x9e: {  	_ =	swait.ge [sflag:s6], s4  }
0x9f: {  	s4 =	ssub.s32 $0x0, s4;
	[sflag:s6] =	ssyncset.done $0x0  }
0xa0: {  	[sflag:s6] =	ssyncadd.s32 s4;
	_ =	sdelay $0x1  }
0xa1: {  	s23 =	simm.s32 $0x1B8B  }
0xa2: {  	_ =	swait.ge [sflag:s23], $0x1  }
0xa3: {  	[sflag:s23] =	ssyncset.done $0x0  }
0xa4: {  	[sflag:s23] =	ssyncadd.s32 $0xFFFFFFFF  }
0xa5: {  	s4 =	sld [smem:$0x0]  }
0xa6: {  	s5 =	sand.u32 $0xFFFFFFFE, s1  }
0xa7: {  	p0 =	sne.s32 s1, s5  }
0xa8: {  	s5 =	sshll.u32 @p0 s5, $0xE  }
0xa9: {  	s5 =	sadd.s32 @p0 $0x11B8D, s5;
	s6 =	sshll.u32 @p0 s4, $0x11  }
0xaa: {  	s5 =	sor.u32 @p0 s6, s5  }
0xab: {  	[sflag:s5] =	ssyncadd.remote.s32 @p0 $0x1;
	_ =	sdelay $0x1  }
0xac: {  	s5 =	simm.s32 @p0 $0x1B8D  }
0xad: {  	_ =	swait.eq @p0 [sflag:s5], $0x1  }
0xae: {  	[sflag:s5] =	ssyncadd.s32 @p0 $0xFFFFFFFF  }
0xaf: {  	s6 =	sshll.u32 @!p0 s1, $0xE  }
0xb0: {  	s6 =	sor.u32 @!p0 $0x4000, s6;
	s5 =	simm.s32 @!p0 $0x1B8D  }
0xb1: {  	s4 =	sshll.u32 @!p0 s4, $0x11;
	s6 =	sadd.s32 @!p0 $0x11B8D, s6;
	_ =	swait.eq @!p0 [sflag:s5], $0x1  }
0xb2: {  	s4 =	sor.u32 @!p0 s4, s6;
	[sflag:s5] =	ssyncadd.s32 @!p0 $0xFFFFFFFF  }
0xb3: {  	s25 =	simm.s32 $0x1B8E;
	s24 =	sld [smem:$0x3FFE];
	[sflag:s4] =	ssyncadd.remote.s32 @!p0 $0x1  }
0xb4: {  	s26 =	simm.s32 $execute0_lowered;
	[smem:$0x3FD2] =	sst s25  }
0xb5: {  	s5 =	sshll.u32 s26, $0x1;
	_ =	strace $0x80000055;
	[dreg:$0x1] =	wrdreg $0xFFFFFFFF  }
0xb6: {  	s28 =	simm.s32 $_size_execute0_lowered;
	s3 =	sadd.s32 s3, s5;
	[dreg:$0x0] =	wrdreg $0x0  }
0xb7: {  	s5 =	sshll.u32 s28, $0x1;
	[dreg:$0x2] =	wrdreg s3  }
0xb8: {  	[dreg:$0x3] =	wrdreg s5  }
0xb9: {  	[dreg:$0x4] =	wrdreg $0xC0  }
0xba: {  	_ =	task [dreg:s22], $0x5FFFF  }
0xbb: {  	[dreg:$0x1] =	wrdreg $0xFFFFFFFF  }
0xbc: {  	[dreg:$0x0] =	wrdreg $0x60  }
0xbd: {  	[dreg:$0x2] =	wrdreg s24  }
0xbe: {  	[dreg:$0x3] =	wrdreg $0xA  }
0xbf: {  	_ =	task.clear_ibuf [dreg:s22], $0x4FFFF;
	_ =	strace $0x90000055  }
0xc0: {  	s29 =	simm.s32 $0xA;
	_ =	strace $0x80000057  }
0xc1: {  	_ =	swait.ge [sflag:s29], $0x1  }
0xc2: {  	[sflag:s29] =	ssyncadd.s32 $0xFFFFFFFF  }
0xc3: {  	_ =	strace $0x90000057  }
0xc4: {  	_ =	sfence  }
0xc5: {  	s30 =	sld [smem:$0x0];
	_ =	sdelay $0x2  }
0xc6: {  	s31 =	sshll.u32 s1, $0xD;
	s1 =	sshrl.u32 s1, $0x2  }
0xc7: {  	s4 =	sand.u32 $0x4000, s31;
	s1 =	sadd.s32 s1, s30  }
0xc8: {  	s0 =	sor.u32 s4, s0;
	s1 =	sshll.u32 s1, $0x11  }
0xc9: {  	s0 =	sor.u32 s1, s0  }
0xca: {  	s0 =	sadd.s32 $0x8F2B, s0  }
0xcb: {  	[sflag:s0] =	ssyncadd.remote.s32 $0x1  }
0xcc: {  	_ =	sfence.sel $0xFFFF  }
0xcd: {  	[dreg:$0x0] =	wrdreg $0xFFFFFFFF;
	(pc) =	sbr.abs _section_cstart, $3  }
0xce: {  	[dreg:$0x1] =	wrdreg $0xFFFFFFFF  }
0xcf: {  	_ =	task.clear_ibuf [dreg:s22], $0x2FFFF;
	_ =	strace $0x9FFFFFFF  }
0xd0: {  	(tm) =	ssettm $0x7FFFFFFF  }
0xd1: {  	_ =	shalt  }
tec
execute0_lowered:
.L_overlay_start_1:
0x0: {  	(tag) =	ssettag $0x1  }
0x1: {  	s1 =	srdreg.scid;
	s0 =	stileid.u32  }
0x2: {  	s21 =	sand.u32 $0x1, s1;
	s30 =	sshll.u32 s0, $0x1  }
0x3: {  	s12 =	rddreg [dreg:$0x0];
	s10 =	sor.u32 s21, s30  }
0x4: {  	s2 =	simm.s32 $0x0;
	s1 =	rddreg [dreg:$0x1];
	s3 =	sshll.u32 s10, $0x7  }
0x5: {  	[smem:$0x7FF] =	sst s2;
	s19 =	sadd.s32 s3, s12  }
0x6: {  	_ =	strace $0x80000056;
	s3 =	simm.s32 $0x3;
	s4 =	sadd.s32 $0xB9800, s19  }
0x7: {  	[tilespmem:s2], [sflag:$0x3] =	stream.linear.gather [hbm4b:s4+s2], $0x100, $0x38;
	[tilespmem:$0x8100] =	vst v63  }
0x8: {  	_ =	swait.ge [sflag:s3], $0x100  }
0x9: {  	s6 =	simm.s32 $0x80;
	[sflag:s3] =	ssyncset.done $0x0  }
0xa: {  	s7 =	simm.s32 $0x100;
	s5 =	sadd.s32 $0x2800, s12;
	[sflag:s3] =	ssyncadd.s32 $0xFFFFFF00  }
0xb: {  	[tilespmem:s7], [sflag:$0x1] =	stream.indirect.gather [hbm4b:s5+s6], $0x80, s2, s6, $0xb8;
	[tilespmem:$0x8100] =	vst v63  }
0xc: {  	s8 =	simm.s32 $0x4100;
	s9 =	simm.s32 $0x1  }
0xd: {  	[tilespmem:s8], [sflag:$0x2] =	stream.indirect.gather [hbm4b:s5+s6], $0x80, s6, s6, $0xb8;
	[tilespmem:$0x8100] =	vst v63  }
0xe: {  	_ =	swait.ge [sflag:s9], $0x4000  }
0xf: {  	s20 =	sadd.s32 $0x2A000, s12;
	s23 =	sshll.u32 s10, $0xD;
	[sflag:s9] =	ssyncset.done $0x0  }
0x10: {  	s10 =	sadd.s32 s20, s23;
	[sflag:s9] =	ssyncadd.s32 $0xFFFFC000  }
0x11: {  	[hbm4b:s10+s2] =	stream.linear.scatter [tilespmem:s7], [sflag:$0x3], $0x4000, $0x38;
	[tilespmem:$0x8100] =	vst v63  }
0x12: {  	_ =	swait.ge [sflag:s3], $0x4000  }
0x13: {  	[sflag:s3] =	ssyncset.done $0x0  }
0x14: {  	s11 =	simm.s32 $0x2;
	[sflag:s3] =	ssyncadd.s32 $0xFFFFC000  }
0x15: {  	_ =	swait.ge [sflag:s11], $0x4000  }
0x16: {  	s22 =	sadd.s32 $0x6A000, s12;
	[sflag:s11] =	ssyncset.done $0x0  }
0x17: {  	s12 =	sadd.s32 s22, s23;
	[sflag:s11] =	ssyncadd.s32 $0xFFFFC000  }
0x18: {  	[hbm4b:s12+s2] =	stream.linear.scatter [tilespmem:s8], [sflag:$0x3], $0x4000, $0x38;
	[tilespmem:$0x8100] =	vst v63  }
0x19: {  	_ =	swait.ge [sflag:s3], $0x4000  }
0x1a: {  	[sflag:s3] =	ssyncset.done $0x0  }
0x1b: {  	s13 =	sadd.s32 $0xB9820, s19;
	[sflag:s3] =	ssyncadd.s32 $0xFFFFC000  }
0x1c: {  	[tilespmem:s2], [sflag:$0x3] =	stream.linear.gather [hbm4b:s13+s2], $0x100, $0x38;
	[tilespmem:$0x8100] =	vst v63  }
0x1d: {  	_ =	swait.ge [sflag:s3], $0x100  }
0x1e: {  	[sflag:s3] =	ssyncset.done $0x0  }
0x1f: {  	[sflag:s3] =	ssyncadd.s32 $0xFFFFFF00  }
0x20: {  	[tilespmem:s7], [sflag:$0x1] =	stream.indirect.gather [hbm4b:s5+s6], $0x80, s2, s6, $0xb8;
	[tilespmem:$0x8100] =	vst v63  }
0x21: {  	_ = 	snop  }
0x22: {  	[tilespmem:s8], [sflag:$0x2] =	stream.indirect.gather [hbm4b:s5+s6], $0x80, s6, s6, $0xb8;
	[tilespmem:$0x8100] =	vst v63  }
0x23: {  	_ =	swait.ge [sflag:s9], $0x4000  }
0x24: {  	s15 =	sor.u32 $0x800, s23;
	[sflag:s9] =	ssyncset.done $0x0  }
0x25: {  	s14 =	sadd.s32 s20, s15;
	[sflag:s9] =	ssyncadd.s32 $0xFFFFC000  }
0x26: {  	[hbm4b:s14+s2] =	stream.linear.scatter [tilespmem:s7], [sflag:$0x3], $0x4000, $0x38;
	[tilespmem:$0x8100] =	vst v63  }
0x27: {  	_ =	swait.ge [sflag:s3], $0x4000  }
0x28: {  	[sflag:s3] =	ssyncset.done $0x0  }
0x29: {  	[sflag:s3] =	ssyncadd.s32 $0xFFFFC000  }
0x2a: {  	_ =	swait.ge [sflag:s11], $0x4000  }
0x2b: {  	[sflag:s11] =	ssyncset.done $0x0  }
0x2c: {  	s15 =	sadd.s32 s22, s15;
	[sflag:s11] =	ssyncadd.s32 $0xFFFFC000  }
0x2d: {  	[hbm4b:s15+s2] =	stream.linear.scatter [tilespmem:s8], [sflag:$0x3], $0x4000, $0x38;
	[tilespmem:$0x8100] =	vst v63  }
0x2e: {  	_ =	swait.ge [sflag:s3], $0x4000  }
0x2f: {  	[sflag:s3] =	ssyncset.done $0x0  }
0x30: {  	s16 =	sadd.s32 $0xB9840, s19;
	[sflag:s3] =	ssyncadd.s32 $0xFFFFC000  }
0x31: {  	[tilespmem:s2], [sflag:$0x3] =	stream.linear.gather [hbm4b:s16+s2], $0x100, $0x38;
	[tilespmem:$0x8100] =	vst v63  }
0x32: {  	_ =	swait.ge [sflag:s3], $0x100  }
0x33: {  	[sflag:s3] =	ssyncset.done $0x0  }
0x34: {  	[sflag:s3] =	ssyncadd.s32 $0xFFFFFF00  }
0x35: {  	[tilespmem:s7], [sflag:$0x1] =	stream.indirect.gather [hbm4b:s5+s6], $0x80, s2, s6, $0xb8;
	[tilespmem:$0x8100] =	vst v63  }
0x36: {  	_ = 	snop  }
0x37: {  	[tilespmem:s8], [sflag:$0x2] =	stream.indirect.gather [hbm4b:s5+s6], $0x80, s6, s6, $0xb8;
	[tilespmem:$0x8100] =	vst v63  }
0x38: {  	_ =	swait.ge [sflag:s9], $0x4000  }
0x39: {  	s18 =	sor.u32 $0x1000, s23;
	[sflag:s9] =	ssyncset.done $0x0  }
0x3a: {  	s17 =	sadd.s32 s20, s18;
	[sflag:s9] =	ssyncadd.s32 $0xFFFFC000  }
0x3b: {  	[hbm4b:s17+s2] =	stream.linear.scatter [tilespmem:s7], [sflag:$0x3], $0x4000, $0x38;
	[tilespmem:$0x8100] =	vst v63  }
0x3c: {  	_ =	swait.ge [sflag:s3], $0x4000  }
0x3d: {  	[sflag:s3] =	ssyncset.done $0x0  }
0x3e: {  	[sflag:s3] =	ssyncadd.s32 $0xFFFFC000  }
0x3f: {  	_ =	swait.ge [sflag:s11], $0x4000  }
0x40: {  	[sflag:s11] =	ssyncset.done $0x0  }
0x41: {  	s18 =	sadd.s32 s22, s18;
	[sflag:s11] =	ssyncadd.s32 $0xFFFFC000  }
0x42: {  	[hbm4b:s18+s2] =	stream.linear.scatter [tilespmem:s8], [sflag:$0x3], $0x4000, $0x38;
	[tilespmem:$0x8100] =	vst v63  }
0x43: {  	_ =	swait.ge [sflag:s3], $0x4000  }
0x44: {  	[sflag:s3] =	ssyncset.done $0x0  }
0x45: {  	s19 =	sadd.s32 $0xB9860, s19;
	[sflag:s3] =	ssyncadd.s32 $0xFFFFC000  }
0x46: {  	[tilespmem:s2], [sflag:$0x3] =	stream.linear.gather [hbm4b:s19+s2], $0x100, $0x38;
	[tilespmem:$0x8100] =	vst v63  }
0x47: {  	_ =	swait.ge [sflag:s3], $0x100  }
0x48: {  	[sflag:s3] =	ssyncset.done $0x0  }
0x49: {  	[sflag:s3] =	ssyncadd.s32 $0xFFFFFF00  }
0x4a: {  	[tilespmem:s7], [sflag:$0x1] =	stream.indirect.gather [hbm4b:s5+s6], $0x80, s2, s6, $0xb8;
	[tilespmem:$0x8100] =	vst v63  }
0x4b: {  	_ = 	snop  }
0x4c: {  	[tilespmem:s8], [sflag:$0x2] =	stream.indirect.gather [hbm4b:s5+s6], $0x80, s6, s6, $0xb8;
	[tilespmem:$0x8100] =	vst v63  }
0x4d: {  	_ =	swait.ge [sflag:s9], $0x4000  }
0x4e: {  	s23 =	sor.u32 $0x1800, s23;
	[sflag:s9] =	ssyncset.done $0x0  }
0x4f: {  	s21 =	ssub.s32 $0x2, s21;
	s20 =	sadd.s32 s20, s23;
	[sflag:s9] =	ssyncadd.s32 $0xFFFFC000  }
0x50: {  	[hbm4b:s20+s2] =	stream.linear.scatter [tilespmem:s7], [sflag:$0x3], $0x4000, $0x38;
	[tilespmem:$0x8100] =	vst v63  }
0x51: {  	s24 =	sshrl.u32 s21, $0x1;
	_ =	swait.ge [sflag:s3], $0x4000  }
0x52: {  	s24 =	ssub.s32 s21, s24;
	[sflag:s3] =	ssyncset.done $0x0  }
0x53: {  	s31 =	smax.u32 s24, $0x1;
	[sflag:s3] =	ssyncadd.s32 $0xFFFFC000  }
0x54: {  	p0 =	sne.s32 s31, $0x1;
	_ =	swait.ge [sflag:s11], $0x4000  }
.Ltmp0:
0x55: {  	[sflag:s11] =	ssyncset.done $0x0;
	(pc) =	sbr.rel @!p0 .LBB2_2-.Ltmp0, $4  }
0x56: {  	s21 =	sadd.s32 s22, s23;
	[sflag:s11] =	ssyncadd.s32 $0xFFFFC000  }
0x57: {  	[hbm4b:s21+s2] =	stream.linear.scatter [tilespmem:s8], [sflag:$0x3], $0x4000, $0x38;
	[tilespmem:$0x8100] =	vst v63  }
0x58: {  	_ =	swait.ge [sflag:s3], $0x4000  }
0x59: {  	s22 =	sadd.s32 $0xFFFFFFFF, s31;
	[sflag:s3] =	ssyncset.done $0x0  }
.LBB2_1:
0x5a: {  	p0 =	sne.s32 s22, $0x1;
	s22 =	sadd.s32 $0xFFFFFFFF, s22;
	[sflag:s3] =	ssyncadd.s32 $0xFFFFC000  }
0x5b: {  	[tilespmem:s2], [sflag:$0x3] =	stream.linear.gather [hbm4b:s4+s2], $0x100, $0x38;
	[tilespmem:$0x8100] =	vst v63  }
0x5c: {  	_ =	swait.ge [sflag:s3], $0x100  }
0x5d: {  	[sflag:s3] =	ssyncset.done $0x0  }
0x5e: {  	[sflag:s3] =	ssyncadd.s32 $0xFFFFFF00  }
0x5f: {  	[tilespmem:s7], [sflag:$0x1] =	stream.indirect.gather [hbm4b:s5+s6], $0x80, s2, s6, $0xb8;
	[tilespmem:$0x8100] =	vst v63  }
0x60: {  	_ = 	snop  }
0x61: {  	[tilespmem:s8], [sflag:$0x2] =	stream.indirect.gather [hbm4b:s5+s6], $0x80, s6, s6, $0xb8;
	[tilespmem:$0x8100] =	vst v63  }
0x62: {  	_ =	swait.ge [sflag:s9], $0x4000  }
0x63: {  	[sflag:s9] =	ssyncset.done $0x0  }
0x64: {  	[sflag:s9] =	ssyncadd.s32 $0xFFFFC000  }
0x65: {  	[hbm4b:s10+s2] =	stream.linear.scatter [tilespmem:s7], [sflag:$0x3], $0x4000, $0x38;
	[tilespmem:$0x8100] =	vst v63  }
0x66: {  	_ =	swait.ge [sflag:s3], $0x4000  }
0x67: {  	[sflag:s3] =	ssyncset.done $0x0  }
0x68: {  	[sflag:s3] =	ssyncadd.s32 $0xFFFFC000  }
0x69: {  	_ =	swait.ge [sflag:s11], $0x4000  }
0x6a: {  	[sflag:s11] =	ssyncset.done $0x0  }
0x6b: {  	[sflag:s11] =	ssyncadd.s32 $0xFFFFC000  }
0x6c: {  	[hbm4b:s12+s2] =	stream.linear.scatter [tilespmem:s8], [sflag:$0x3], $0x4000, $0x38;
	[tilespmem:$0x8100] =	vst v63  }
0x6d: {  	_ =	swait.ge [sflag:s3], $0x4000  }
0x6e: {  	[sflag:s3] =	ssyncset.done $0x0  }
0x6f: {  	[sflag:s3] =	ssyncadd.s32 $0xFFFFC000  }
0x70: {  	[tilespmem:s2], [sflag:$0x3] =	stream.linear.gather [hbm4b:s13+s2], $0x100, $0x38;
	[tilespmem:$0x8100] =	vst v63  }
0x71: {  	_ =	swait.ge [sflag:s3], $0x100  }
0x72: {  	[sflag:s3] =	ssyncset.done $0x0  }
0x73: {  	[sflag:s3] =	ssyncadd.s32 $0xFFFFFF00  }
0x74: {  	[tilespmem:s7], [sflag:$0x1] =	stream.indirect.gather [hbm4b:s5+s6], $0x80, s2, s6, $0xb8;
	[tilespmem:$0x8100] =	vst v63  }
0x75: {  	_ = 	snop  }
0x76: {  	[tilespmem:s8], [sflag:$0x2] =	stream.indirect.gather [hbm4b:s5+s6], $0x80, s6, s6, $0xb8;
	[tilespmem:$0x8100] =	vst v63  }
0x77: {  	_ =	swait.ge [sflag:s9], $0x4000  }
0x78: {  	[sflag:s9] =	ssyncset.done $0x0  }
0x79: {  	[sflag:s9] =	ssyncadd.s32 $0xFFFFC000  }
0x7a: {  	[hbm4b:s14+s2] =	stream.linear.scatter [tilespmem:s7], [sflag:$0x3], $0x4000, $0x38;
	[tilespmem:$0x8100] =	vst v63  }
0x7b: {  	_ =	swait.ge [sflag:s3], $0x4000  }
0x7c: {  	[sflag:s3] =	ssyncset.done $0x0  }
0x7d: {  	[sflag:s3] =	ssyncadd.s32 $0xFFFFC000  }
0x7e: {  	_ =	swait.ge [sflag:s11], $0x4000  }
0x7f: {  	[sflag:s11] =	ssyncset.done $0x0  }
0x80: {  	[sflag:s11] =	ssyncadd.s32 $0xFFFFC000  }
0x81: {  	[hbm4b:s15+s2] =	stream.linear.scatter [tilespmem:s8], [sflag:$0x3], $0x4000, $0x38;
	[tilespmem:$0x8100] =	vst v63  }
0x82: {  	_ =	swait.ge [sflag:s3], $0x4000  }
0x83: {  	[sflag:s3] =	ssyncset.done $0x0  }
0x84: {  	[sflag:s3] =	ssyncadd.s32 $0xFFFFC000  }
0x85: {  	[tilespmem:s2], [sflag:$0x3] =	stream.linear.gather [hbm4b:s16+s2], $0x100, $0x38;
	[tilespmem:$0x8100] =	vst v63  }
0x86: {  	_ =	swait.ge [sflag:s3], $0x100  }
0x87: {  	[sflag:s3] =	ssyncset.done $0x0  }
0x88: {  	[sflag:s3] =	ssyncadd.s32 $0xFFFFFF00  }
0x89: {  	[tilespmem:s7], [sflag:$0x1] =	stream.indirect.gather [hbm4b:s5+s6], $0x80, s2, s6, $0xb8;
	[tilespmem:$0x8100] =	vst v63  }
0x8a: {  	_ = 	snop  }
0x8b: {  	[tilespmem:s8], [sflag:$0x2] =	stream.indirect.gather [hbm4b:s5+s6], $0x80, s6, s6, $0xb8;
	[tilespmem:$0x8100] =	vst v63  }
0x8c: {  	_ =	swait.ge [sflag:s9], $0x4000  }
0x8d: {  	[sflag:s9] =	ssyncset.done $0x0  }
0x8e: {  	[sflag:s9] =	ssyncadd.s32 $0xFFFFC000  }
0x8f: {  	[hbm4b:s17+s2] =	stream.linear.scatter [tilespmem:s7], [sflag:$0x3], $0x4000, $0x38;
	[tilespmem:$0x8100] =	vst v63  }
0x90: {  	_ =	swait.ge [sflag:s3], $0x4000  }
0x91: {  	[sflag:s3] =	ssyncset.done $0x0  }
0x92: {  	[sflag:s3] =	ssyncadd.s32 $0xFFFFC000  }
0x93: {  	_ =	swait.ge [sflag:s11], $0x4000  }
0x94: {  	[sflag:s11] =	ssyncset.done $0x0  }
0x95: {  	[sflag:s11] =	ssyncadd.s32 $0xFFFFC000  }
0x96: {  	[hbm4b:s18+s2] =	stream.linear.scatter [tilespmem:s8], [sflag:$0x3], $0x4000, $0x38;
	[tilespmem:$0x8100] =	vst v63  }
0x97: {  	_ =	swait.ge [sflag:s3], $0x4000  }
0x98: {  	[sflag:s3] =	ssyncset.done $0x0  }
0x99: {  	[sflag:s3] =	ssyncadd.s32 $0xFFFFC000  }
0x9a: {  	[tilespmem:s2], [sflag:$0x3] =	stream.linear.gather [hbm4b:s19+s2], $0x100, $0x38;
	[tilespmem:$0x8100] =	vst v63  }
0x9b: {  	_ =	swait.ge [sflag:s3], $0x100  }
0x9c: {  	[sflag:s3] =	ssyncset.done $0x0  }
0x9d: {  	[sflag:s3] =	ssyncadd.s32 $0xFFFFFF00  }
0x9e: {  	[tilespmem:s7], [sflag:$0x1] =	stream.indirect.gather [hbm4b:s5+s6], $0x80, s2, s6, $0xb8;
	[tilespmem:$0x8100] =	vst v63  }
0x9f: {  	_ = 	snop  }
0xa0: {  	[tilespmem:s8], [sflag:$0x2] =	stream.indirect.gather [hbm4b:s5+s6], $0x80, s6, s6, $0xb8;
	[tilespmem:$0x8100] =	vst v63  }
0xa1: {  	_ =	swait.ge [sflag:s9], $0x4000  }
0xa2: {  	[sflag:s9] =	ssyncset.done $0x0  }
0xa3: {  	[sflag:s9] =	ssyncadd.s32 $0xFFFFC000  }
0xa4: {  	[hbm4b:s20+s2] =	stream.linear.scatter [tilespmem:s7], [sflag:$0x3], $0x4000, $0x38;
	[tilespmem:$0x8100] =	vst v63  }
0xa5: {  	_ =	swait.ge [sflag:s3], $0x4000  }
0xa6: {  	[sflag:s3] =	ssyncset.done $0x0  }
0xa7: {  	[sflag:s3] =	ssyncadd.s32 $0xFFFFC000  }
0xa8: {  	_ =	swait.ge [sflag:s11], $0x4000  }
.Ltmp1:
0xa9: {  	[sflag:s11] =	ssyncset.done $0x0;
	(pc) =	sbr.rel @p0 .LBB2_1-.Ltmp1, $4  }
0xaa: {  	[sflag:s11] =	ssyncadd.s32 $0xFFFFC000  }
0xab: {  	[hbm4b:s21+s2] =	stream.linear.scatter [tilespmem:s8], [sflag:$0x3], $0x4000, $0x38;
	[tilespmem:$0x8100] =	vst v63  }
0xac: {  	_ =	swait.ge [sflag:s3], $0x4000  }
0xad: {  	[sflag:s3] =	ssyncset.done $0x0  }
.LBB2_2:
0xae: {  	[sflag:s3] =	ssyncadd.s32 $0xFFFFC000  }
0xaf: {  	_ =	sfence.sel $0x180000  }
0xb0: {  	[bflag:$0x0] =	sbarrier.arrive $0xFFFF  }
0xb1: {  	p0 =	sne.s32 s0, $0x0;
	_ =	strace $0x90000056  }
0xb2: {  	s0 =	sadd.s32 @!p0 $0x100000, s1;
	[bflag:$0x2] =	sbarrier.arrive $0xFFFF  }
0xb3: {  	[sflag:s0] =	ssyncadd.tile.s32 @!p0 $0x1;
	_ =	shalt  }
.Lfunc_end2:
_tile_overlayer_lowered:
.L_overlay_start_2:
0xb4: {  	(tag) =	ssettag $0x2  }
0xb5: {  	s0 =	rddreg [dreg:$0x0];
	s2 =	stileid.u32  }
0xb6: {  	s1 =	rddreg [dreg:$0x1];
	p0 =	sne.s32 s2, $0x0  }
0xb7: {  	s3 =	rddreg [dreg:$0x2];
	[bflag:$0x3] =	sbarrier.arrive $0xFFFF;
	s2 =	simm.s32 @!p0 $0x1C03  }
0xb8: {  	[timem:s3], [sflag:s2] =	dma.local @!p0 [hbm:s0], s1  }
0xb9: {  	s0 =	simm.s32 @!p0 $0x3  }
0xba: {  	_ =	swait.ge @!p0 [sflag:s0], s1  }
0xbb: {  	s1 =	ssub.s32 @!p0 $0x0, s1;
	[sflag:s0] =	ssyncset.done @!p0 $0x0  }
0xbc: {  	[sflag:s0] =	ssyncadd.s32 @!p0 s1  }
0xbd: {  	[bflag:$0x3] =	sbarrier.arrive $0xFFFF  }
0xbe: {  	_ =	shalt  }

</sc_bundles>
